<compile_context>
chip_gen: v7x
topology: tpu7x:2x2x1
jax: 0.10.2.dev20260603
libtpu: 0.0.44.dev20260713+nightly
codegen_flags: <defaults>
</compile_context>

<pallas_src>
import functools

import jax
import jax.numpy as jnp
import numpy as np
from jax import lax
from jax.experimental import pallas as pl
from jax.experimental.pallas import tpu as pltpu
from jax.experimental.pallas import tpu_sc as plsc

N = 10000
E = 320000
D = 128
R = 10240
CH = 128
NTILES = 32
EP = 327680
GCH = 256
NT_D = EP // (32 * GCH)
NT_P = EP // (16 * GCH)
TROWS = R // 16
HD = D // 2


_MASK_BLOB = (
    "eNp11IlbEweiAPCZZGZyzCSZJDM5JtckmYkRUAMiAvXgllNRRFErBYuKF55VSllfgKAEj3IUxaMUKM"
    "ohHggeiLaIFHE9qlCvqvWoVelqq651Xau7LwHts/2+9z/8vt+0qtXEhvWh1nEh3n0pSzX2rSHA7c9i"
    "Sc5wIDNgiX9OEQrsi9LHrygnXgDTtqnoxu+Wrg0WBAsBpENqzB0+xH5ryCc5J/FUv5JSqCHcJv9x3q"
    "fzAwZr5GXr76/xhhh7EdACihza3cN0pkeFzLJvVqUTlcHweH57/LRdt0xF42+YzyJ1ilxTGN71dxz0"
    "y/Fir/1Usy3I2EYIkUrLBeuQPIAwTuo5AoT5hgyVQrQoFOyE+CCwc2t4Lc0vb0Ui7UvxNF50Qg5u3e"
    "GopWfMLttCBIeoYf7wvA1Xciae4QyNdqbwGESw5zQUFo77vgyijWPtpjQucLjRj17jVYAXTqlGZgUA"
    "ZIYZkL5CKzlngQmPczm5h0cd+Hhv+zAwNzLdKzB4x5d23zrTJLtzVAg4dTM8tKcL1wZdCa+rNiHdeV"
    "GR1a3Pdl9dMsPML46ch+eExVaoIX9w4d8KvWZRfNIIQJtLIe/uzCsNF9LvyaIEcEdxtczGSS/lTwTD"
    "TekQlR/rUCfGhCCckNU7iQrIYwdcvIWHaYOQrshDSKSJ9sk/AmY5LnhH4jkR4UYg1kfiVR7fMl4WMp"
    "mzMiV2BRvmnxCfD0DDu9VZLQ4nUD3udWCTHbyIV6W1lS+PKA3LvXAEwB8QjwdbRKGC8pj3hU7AcXFy"
    "GjQSmFj0QIV4KmsZLMuPEMSWFFpth38F603pWelH7OaanM85Ebg4PZoT9O8f4p3OiL3WoYj6IwBU28"
    "ty1Q6PwsLOM83pm5au3svpZW02pkYxPWiRX0U4UNXjB1RiLFwtjMrtJTB1J7gyiC7zHcTfXwcU1FRF"
    "+2vv6vkiYOKRTRNxxRPpeqms4qSDmkOihu1X7Ne7p6M7P1fmZTZ2IjapIiHITuI9u6W9ICFanptM28"
    "gGxrcSszqGaAAVA69U4qHrR9BVwWvyROU9fJMsP3AwpvekUh+GIv6lwFiHMOwoFG/yeH4N4JDBjY38"
    "om2gQ32BaM89Hz3nxonrOWFh5VhPpVXouThoYgZQNIeuA5N8CxagyMMYlUJRsMjiwH6y0ZlNO9CxNF"
    "FzrxGujS8HKH/ceh78tNqjMGWEFx3MFFBr9jDpNmPlHq/DEFTg8TpsX7OdOlOfM2l+yASx6URsOSzx"
    "QpKOQWmNoDd2URuR4GHFOCC8YZZ3Tk4GYQinZ02tMSvr7IlN/MhZgYuUSMqzMH5q+7jo/I51wQ5ZIw"
    "R7e+iF/NF/b4/3ncD3H7IglRtWKuPf7QuxWG8XPXscvz4fSLJWZZ63LOXQT7fGXDlM802n0zpKUcfk"
    "wI92I6yTvrw7iMVCi2lwkAfLtXpLgDIFSB6//hy0vi+EHGDrINiieq8q5TMvPpxoPphYhsVyS1Xcjn"
    "YfqDeF8P9wiQmiVEnt+zwS4iEg2x4u26TC95fsu307EiAF67mc5J8nV8qsC5adDi28BVizilVS0LS2"
    "J62o4QEU5R8yMlfsyO7DnV2An6WAvyDCSCQKO6M4qVNSqtY95XTRpqZHqzdNfC9eAebhQ+w2dX3MYQ"
    "1fEJzsMw+hMagg2eui1pNNhiFjVo2XmKhsEohoHe05av6aqQQtXglAX4QBFSBAncyXPmM7bSlAxDdA"
    "+1L+vAo8Z0Z9/3CDx4U09aUsdw8HuocTDgdetL4dzpD0rJzsH67SPVyUIIoCLD3u4XY7BoabN3LTZt"
    "dwS/46XGURcAAc0j9c9aMGJuviH8NNdg93fvwNz7MRdYoOSwTedRoHR/5puKr+4WjCmOAebkXIMClk"
    "GuIaLsw13MFtruEit7ciUfYn+EL3cLY/hlO4hmPfDPeQkxHtnP/OcL93MsaxuabZZuDwQz9645vh7r"
    "iHa/7zcKOPffyra7i86IHhinzrZiXYndnu4dih37uGS3ENt9893Cn3cMeurnANt8U9XKxrONGogeE0"
    "BWVGwHG5lHENd3VX/3BRcEdpNeWDpJcKJ4oSF7w7XPTqWvdwP8HF2yZo9ZFIV9IhcZKHezjYNVxTZJ"
    "FruB1QnI8ku/x8/3C5/cOFu4fjQMMfBGS1tDiBhv9/uLgTnuUxMyknUHNxSpp2pN01nP/b4RR/Ga7H"
    "fNc9HFHhGi7VNdwpZ8Sv/cPhRk1dWW5Ap2u4rjPNGW+G87exO93DrawID7rd4wfd6h8uJrd3MhbgGq"
    "49tezYIP7Tetdwt5NHuYZzGU08sinBPVxjmaLi24Hhrg8Md+/Y5dLM3WcibMX6/uF6dxdfAxW65bkf"
    "3PIh25gR1e7h3rOqalzDyUIb/284c8mb4WY/DO3qHw7tPIqddw/H7x8O27cN7nQPlzcwnDMsbOufh6"
    "vnuodb9+5wK5jM5lrXcFNcw+X/MRy3f7gD7uE2aPbuZdIPGCu/8jrMuoeL3ddcaXgz3EbzX4a7rItI"
    "mG+N6x9u+PH+4WyzVv1puIiU567hjo+b/s5wY/qHW+I7ocA9XEzE2+GeFD1/M1x9Zo97uH9WxHzvGs"
    "6nf7ga93AR7Ib+4cShpTQ40j1c0wS8bBOY+Ha4fNdwvDlvhuPNND//oAyLC92sdQ0XyAwM5wNNVyV1"
    "7vNMiHe4h1O8O9wZLjf5F/dw/1h2uvftcFzXcNlFDX2u4eaPzB3vyP6Ha7ggP0uh1TWcIlHc5RouOb"
    "V/OKup6fV/LiW+HW7EwHDowHDXoQfJjf3DzXYN17JQrBgYzug56qVrONNfhhvSaUv7Y7giJwI8461V"
    "BBh+1P8u6CA6qbHSy3KlcjQRSX4uijPchK4AI9TN4A7lGTpGOIPfBk8RvxBd5fVxo6nl3ELxHTlXB5"
    "Aq5XHayEoEqcxFlIs9Bs/RGbIRxB7NUekKbAtq1oegM4VfkhbVGMhuOinsJQ5YWuhi2b+0B/TXDDai"
    "AyxS71TViA/IX9N79R9LPpY3gsvEC8gZxgbpabCUTWB2ml+QmGi+uBcr42XBh8g+/mJBOhUFPyEwQG"
    "vMESDEBdkU9TiqR3oV38M+5UzS4uhjSaFEr7iGxwNrsUhut2i8ukBxDg1ijwJXpXVGTDXKvEE5jv5C"
    "5SFfbTgovc/eVpwHpkll+I+SNtGXBhs/j+qQaKSDwADTWvKuxGC+i1HcOfRk2SXtA0O2MNDMIKmCpe"
    "oM8w+6C7qfqBX6TtTMfi/YSpFStfwkbFPe1LwGF6Mlyhphp3As6a22SxYxx7XbLbskXfp/G16h3QZv"
    "dpf8PvEVaeGtE4/l0JpwzlLpPM4SUa3kNXqdXy87Zz6rOCqghRcMSfxu1ftKrQhHFkPLWAljMjK8sz"
    "JgkA87Ua4QQFA38UgeKC3R1YqwQT9gB9HvqSPSDMAbXaneDnopRzFe4ETzD/hUaCp1iGklfkELeBeN"
    "KSInOZa6JKnHtsCnsJkmnJJq75mGiT2Is0KIGQT/TJ7BtrA3zGlyhayPnmCqkgt4teR9+mve71gOcZ"
    "l/WbmHdxum2RR5mWi0eiG3SPQIJmW3FEvZfOMhjVz0Oxsj+I2OpcYC99QS7ibyFBGN2MDR1EbDHno6"
    "dzPQYBZrJ5Nr9DJDnS5c9B/pVHkS04fHEqHatTyn2UNxh9xs3MDDyLmyAlIKrYRPaT6AW0VzyHKTFT"
    "2CTKAaBONAPtok+1Kqks6j71MPyV+YYZptJgF2VXOAGQwhcr2Fhz4kvtNBZgzz0y+mIuW+nBfsS2St"
    "fAk4zzgXHQEJ4Vm6LqyDF8epQL6g5sqT8d1yHlKv5JoXUffM33Al2EZJPH6D+4U0W1khfib5Frspfm"
    "H8WXiaCtFN4uDQWqGAfxFqwP9HX6Lyots4v/F+wx36D7mfmz9R7LP40iPAUE23CEV9gRDxEstCNWzU"
    "iL5TtqoXc2qVT7SDjFWKhWAg/6x0tCJKdpPYwrxCLaZvKCnqye/RbVNqdW3YfVmG1Kk6QcHKDPasSW"
    "gpVd3R39elGvea83ARJ5s2WX4EV+pypC+AD+SB1CfkfFm3ZIx8l2Ah2waO50wTLefcNCnEJuq5ZrFy"
    "llrP2QAvVmzhrhIvRM26ldoWY4rhGai1tMGLuE0KwKI2hFviJLW0lzlWNEpyCfAT72UWc0NMUwQBii"
    "RVnuUrUzgYi3KZzZJv4VDsAlmA9ameqpqoZtNU41w4Q3tQeEs1B5KyIPupSKFigCt0nulT9rL5hEzD"
    "bQDL1YfFgyVCOAiLgf0M9aokRaIqDdoHnpGvx9eTJcZfkK9lLwGIX6Lbji+RGPlCTKLyRFEkCxgq1V"
    "uCJZ/hgYqzTAiLGp3MJmUH9cKyAH6FrzOMRO+ji5FMS4ooExkOx8kmyy/rbbyN1HjgCRKpLxKOsTTp"
    "lAYv+VHNS0MmZ4+gRnYP+i/iY3HyR1Gf4IN1r6DzEgh4QLQL/ZmvLIvwDs0eXoQZxwIkVy3dys84lW"
    "yMOg2u1bWir1WXdHckHtzvRNuY9egr4SpOgKVP/Ii7g2nQGXgs81j1jDplDiKHofn0b8xZ8ytKjT7V"
    "rpPWcs8xj3VZyjrpMMFW/X7OLIrFT+ieqD1U45Q7hct4veYx5Gz2Oi0kKMMGpEUSp9uh2C+fzDcSX5"
    "viiVbRac5owEifQKrUz8k+NIuP8gXI++Ak9oyUqxeppbwqyylRi8JOP0KXyLjsft45bgQvDpjCiTO1"
    "yj+SFMuOkEstlUCzwIqiqjhopqrRWML6CcWAjqmRryB6+d3MXOYePhQZA4v17ex1Kluqkb5Gvxa1Wc"
    "Zwdqj/ZihEjhm7SUbXZJqAVKHruKHCbP2H+mY9T7eK/F+YSVQ1"
)

_CONSTS = None


def _consts():
    global _CONSTS
    if _CONSTS is not None:
        return _CONSTS
    import base64
    import zlib
    raw = np.frombuffer(zlib.decompress(base64.b64decode(_MASK_BLOB)), np.uint8)
    tok_flag = np.unpackbits(raw[:1250])[:N].astype(np.float32)
    mask_flag = np.unpackbits(raw[1250:2500])[:N].astype(np.float32)
    noise_nodes = raw[2500:3300].view("<u2").astype(np.int32)
    noise_src = raw[3300:4100].view("<u2").astype(np.int32)
    num_mask = int(0.4 * N)
    _CONSTS = dict(
        noise_nodes=noise_nodes, noise_src=noise_src,
        scale=(1.0 - tok_flag)[:, None],
        tok=tok_flag[:, None],
        keep=(1.0 - mask_flag)[:, None],
        w=(mask_flag / num_mask)[:, None],
    )
    return _CONSTS


_SC_KERNELS = None


def _sc_kernels():
    global _SC_KERNELS
    if _SC_KERNELS is not None:
        return _SC_KERNELS
    mesh = plsc.VectorSubcoreMesh(core_axis_name="c", subcore_axis_name="s",
                                  num_cores=2, num_subcores=16)
    deg = functools.partial(
        pl.kernel,
        out_type=jax.ShapeDtypeStruct((2, R, 16), jnp.float32),
        mesh=mesh,
        scratch_types=[
            pltpu.VMEM((NT_D, GCH), jnp.int32),
            pltpu.VMEM((GCH, 16), jnp.float32),
            pltpu.VMEM((CH, 16), jnp.float32),
            pltpu.VMEM_SHARED((R, 16), jnp.float32),
        ],
        compiler_params=pltpu.CompilerParams(use_tc_tiling_on_sc=False),
    )(_deg_body)
    prop = functools.partial(
        pl.kernel,
        out_type=jax.ShapeDtypeStruct((2, R, HD), jnp.float32),
        mesh=mesh,
        scratch_types=[
            pltpu.VMEM((NT_P, GCH), jnp.int32),
            pltpu.VMEM((NT_P, GCH), jnp.int32),
            pltpu.VMEM((GCH, HD), jnp.float32),
            pltpu.VMEM((GCH, HD), jnp.float32),
            pltpu.VMEM_SHARED((R, HD), jnp.float32),
            pltpu.SemaphoreType.DMA,
            pltpu.SemaphoreType.DMA,
        ],
        compiler_params=pltpu.CompilerParams(use_tc_tiling_on_sc=False),
    )(_prop_body)
    _SC_KERNELS = (deg, prop)
    return _SC_KERNELS


def _deg_body(dst_hbm, out_hbm, idx_v, ones_v, buf_v, acc_sh):
    c = lax.axis_index("c")
    s = lax.axis_index("s")
    wid = s * 2 + c
    ones16 = jnp.ones((16,), jnp.float32)
    zero16 = jnp.zeros((16,), jnp.float32)

    def fill_ones(i, carry):
        ones_v[i, :] = ones16
        return carry

    def fill_zero(i, carry):
        buf_v[i, :] = zero16
        return carry

    lax.fori_loop(0, GCH, fill_ones, 0)
    lax.fori_loop(0, CH, fill_zero, 0)
    for k in range(TROWS // CH):
        pltpu.sync_copy(buf_v, acc_sh.at[pl.ds(s * TROWS + k * CH, CH)])
    plsc.subcore_barrier()

    base = wid * NT_D
    pltpu.sync_copy(dst_hbm.at[pl.ds(base, NT_D)], idx_v)

    def step(j, carry):
        pltpu.sync_copy(ones_v, acc_sh.at[idx_v.at[j]], add=True)
        return carry

    lax.fori_loop(0, NT_D, step, 0)
    plsc.subcore_barrier()
    for k in range(TROWS // CH):
        off = s * TROWS + k * CH
        pltpu.sync_copy(acc_sh.at[pl.ds(off, CH)], buf_v)
        pltpu.sync_copy(buf_v, out_hbm.at[c, pl.ds(off, CH)])


def _prop_body(t_hbm, src_hbm, dst_hbm, out_hbm,
               src_v, dst_v, rows0_v, rows1_v, acc_sh, sem0, sem1):
    c = lax.axis_index("c")
    s = lax.axis_index("s")
    zero16 = jnp.zeros((16,), jnp.float32)

    def fill(i, carry):
        for q in range(HD // 16):
            rows0_v[i, pl.ds(q * 16, 16)] = zero16
        return carry

    lax.fori_loop(0, GCH, fill, 0)
    for k in range(TROWS // GCH):
        pltpu.sync_copy(rows0_v, acc_sh.at[pl.ds(s * TROWS + k * GCH, GCH)])
    pltpu.sync_copy(rows0_v.at[pl.ds(0, TROWS % GCH)],
                    acc_sh.at[pl.ds(s * TROWS + TROWS - TROWS % GCH,
                                    TROWS % GCH)])
    plsc.subcore_barrier()

    base = s * NT_P
    pltpu.sync_copy(src_hbm.at[c, pl.ds(base, NT_P)], src_v)
    pltpu.sync_copy(dst_hbm.at[pl.ds(base, NT_P)], dst_v)

    pltpu.async_copy(t_hbm.at[src_v.at[0]], rows0_v, sem0)

    def pair(p, carry):
        j = p * 2
        pltpu.make_async_copy(t_hbm.at[src_v.at[j]], rows0_v, sem0).wait()
        pltpu.async_copy(t_hbm.at[src_v.at[j + 1]], rows1_v, sem1)
        pltpu.sync_copy(rows0_v, acc_sh.at[dst_v.at[j]], add=True)
        pltpu.make_async_copy(t_hbm.at[src_v.at[j + 1]], rows1_v, sem1).wait()

        @pl.when(j + 2 < NT_P)
        def _():
            pltpu.async_copy(t_hbm.at[src_v.at[j + 2]], rows0_v, sem0)

        pltpu.sync_copy(rows1_v, acc_sh.at[dst_v.at[j + 1]], add=True)
        return carry

    lax.fori_loop(0, NT_P // 2, pair, 0)
    plsc.subcore_barrier()
    for k in range(TROWS // CH):
        off = s * TROWS + k * CH
        pltpu.sync_copy(acc_sh.at[pl.ds(off, CH)], rows0_v.at[pl.ds(0, CH)])
        pltpu.sync_copy(rows0_v.at[pl.ds(0, CH)], out_hbm.at[c, pl.ds(off, CH)])


def _k1a_body(x_ref, sc_ref, tk_ref, mt_ref, w1_ref, t1r_ref):
    xc = x_ref[...] * sc_ref[...] + tk_ref[...] * mt_ref[...]
    t1r_ref[...] = jnp.dot(xc, w1_ref[...], preferred_element_type=jnp.float32)


def _k1b_body(t1r_ref, degp_ref, t1_ref, norm_ref):
    deg = degp_ref[0, :N, 0:1] + degp_ref[1, :N, 0:1]
    norm = lax.rsqrt(jnp.where(deg > 0, deg, 1.0))
    t1_ref[...] = t1r_ref[...] * norm
    norm_ref[...] = norm


def _k2_body(p_ref, norm_ref, b1_ref, w2_ref, t2_ref):
    norm = norm_ref[...]
    agg = p_ref[:N, :]
    h = agg * norm + b1_ref[...]
    h = jnp.where(h > 0, h, 0.25 * h)
    t2_ref[...] = jnp.dot(h, w2_ref[...],
                          preferred_element_type=jnp.float32) * norm


def _k3_body(p_ref, norm_ref, b2_ref, e2d_ref, keep_ref, dw_ref, t3_ref):
    norm = norm_ref[...]
    agg = p_ref[:N, :]
    enc_rep = agg * norm + b2_ref[...]
    rep = jnp.dot(enc_rep, e2d_ref[...],
                  preferred_element_type=jnp.float32) * keep_ref[...]
    t3_ref[...] = jnp.dot(rep, dw_ref[...],
                          preferred_element_type=jnp.float32) * norm


def _k4_body(p_ref, norm_ref, db_ref, x_ref, w_ref, loss_ref):
    agg = p_ref[:N, :]
    recon = agg * norm_ref[...] + db_ref[...]
    x = x_ref[...]
    num = jnp.sum(recon * x, axis=1, keepdims=True)
    nr = jnp.sqrt(jnp.sum(recon * recon, axis=1, keepdims=True))
    nx = jnp.sqrt(jnp.sum(x * x, axis=1, keepdims=True))
    cos = num / ((nr + 1e-8) * (nx + 1e-8))
    loss_ref[...] = jnp.sum(w_ref[...] * (1.0 - cos) ** 2).reshape(1, 1)


def _f32(shape):
    return jax.ShapeDtypeStruct(shape, jnp.float32)


_k1a = pl.pallas_call(_k1a_body, out_shape=_f32((N, D)))
_k1b = pl.pallas_call(_k1b_body, out_shape=(_f32((N, D)), _f32((N, 1))))
_k2 = pl.pallas_call(_k2_body, out_shape=_f32((N, D)))
_k3 = pl.pallas_call(_k3_body, out_shape=_f32((N, D)))
_k4 = pl.pallas_call(_k4_body, out_shape=_f32((1, 1)))


_consts()


def kernel(x, edge_index, enc_W1, enc_b1, enc_W2, enc_b2, e2d_W, dec_W, dec_b,
           enc_mask_token):
    C = _consts()
    x_nz = x.at[C["noise_nodes"]].set(x[C["noise_src"]])

    pad = EP - E
    src_g = jnp.concatenate(
        [edge_index[0], jnp.zeros((pad,), jnp.int32)]).reshape(EP // GCH, GCH)
    src2_g = jnp.stack([src_g, src_g + N])
    dst_g = jnp.concatenate(
        [edge_index[1], jnp.full((pad,), N, jnp.int32)]).reshape(EP // GCH, GCH)

    def split_t(t):
        return jnp.concatenate([t[:, :HD], t[:, HD:]], axis=0)

    def join_p(p):
        return p.transpose(1, 0, 2).reshape(R, D)

    deg_kernel, prop_kernel = _sc_kernels()
    degp = deg_kernel(dst_g)
    t1_raw = _k1a(x_nz, C["scale"], C["tok"], enc_mask_token.reshape(1, D),
                  enc_W1)
    t1, norm = _k1b(t1_raw, degp)
    p1 = prop_kernel(split_t(t1), src2_g, dst_g)
    t2 = _k2(join_p(p1), norm, enc_b1.reshape(1, D), enc_W2)
    p2 = prop_kernel(split_t(t2), src2_g, dst_g)
    t3 = _k3(join_p(p2), norm, enc_b2.reshape(1, D), e2d_W, C["keep"], dec_W)
    p3 = prop_kernel(split_t(t3), src2_g, dst_g)
    loss = _k4(join_p(p3), norm, dec_b.reshape(1, D), x, C["w"])
    return loss[0, 0]

# --- scband reference (transcript-rebuilt; emitter-appended) ---
"""Pipeline reference for scband-pre-model-30193620091519 (READ-ONLY COPY).

The authoritative reference and input builder live on the scoring server;
editing this copy changes nothing except your own understanding.
"""

import jax, jax.numpy as jnp
import numpy as np

N = 10000
E = 320000
D = 128
H = 128


def setup_inputs(seed: int = 0):
    key = jax.random.key(seed)
    ks = jax.random.split(key, 12)
    x = jax.random.normal(ks[0], (N, D), dtype=jnp.float32)
    edge_index = jax.random.randint(ks[1], (2, E), 0, N, dtype=jnp.int32)

    def glorot(k, shape):
        fan_in = shape[0]
        return jax.random.normal(k, shape, dtype=jnp.float32) / np.sqrt(fan_in)

    enc_W1 = glorot(ks[2], (D, H))
    enc_b1 = jnp.zeros((H,), jnp.float32)
    enc_W2 = glorot(ks[3], (H, H))
    enc_b2 = jnp.zeros((H,), jnp.float32)
    e2d_W = glorot(ks[4], (H, H))
    dec_W = glorot(ks[5], (H, D))
    dec_b = jnp.zeros((D,), jnp.float32)
    enc_mask_token = jnp.zeros((1, D), jnp.float32)
    return {"x": x, "edge_index": edge_index, "enc_W1": enc_W1, "enc_b1": enc_b1,
            "enc_W2": enc_W2, "enc_b2": enc_b2, "e2d_W": e2d_W,
            "dec_W": dec_W, "dec_b": dec_b, "enc_mask_token": enc_mask_token}


def _gcn_layer(h, src, dst, W, b, n_nodes, act):
    # DGL GraphConv with symmetric normalization: h_i = norm_i * sum_j norm_j * (W x_j) + b
    deg = jnp.zeros((n_nodes,), h.dtype).at[dst].add(1.0)
    norm = jnp.where(deg > 0, deg, 1.0) ** -0.5
    h = h @ W
    msg = h[src] * norm[src][:, None]
    agg = jnp.zeros((n_nodes, h.shape[1]), h.dtype).at[dst].add(msg)
    out = agg * norm[:, None] + b
    if act:
        out = jnp.where(out > 0, out, 0.25 * out)  # PReLU with default init 0.25
    return out


def _sce_loss(a, b, alpha=2.0):
    a_n = a / (jnp.linalg.norm(a, axis=-1, keepdims=True) + 1e-8)
    b_n = b / (jnp.linalg.norm(b, axis=-1, keepdims=True) + 1e-8)
    return jnp.mean((1.0 - jnp.sum(a_n * b_n, axis=-1)) ** alpha)


def _mask_indices(n_nodes):
    # encoding_mask_noise: mask_rate=0.4 (forward override), replace_rate=0.1, mask_token_rate=0.9
    mkey = jax.random.key(42)
    perm = jax.random.permutation(mkey, n_nodes)
    num_mask = int(0.4 * n_nodes)
    mask_nodes = perm[:num_mask]
    pm = jax.random.permutation(jax.random.fold_in(mkey, 1), num_mask)
    n_tok = int(0.9 * num_mask)
    n_noise = int(0.1 * num_mask)
    token_nodes = mask_nodes[pm[:n_tok]]
    noise_nodes = mask_nodes[pm[num_mask - n_noise:]]
    noise_src = jax.random.permutation(jax.random.fold_in(mkey, 2), n_nodes)[:n_noise]
    return mask_nodes, token_nodes, noise_nodes, noise_src


def reference(x, edge_index, enc_W1, enc_b1, enc_W2, enc_b2, e2d_W, dec_W, dec_b, enc_mask_token):
    n_nodes = x.shape[0]
    mask_nodes, token_nodes, noise_nodes, noise_src = _mask_indices(n_nodes)
    # masked-feature corruption
    out_x = x.at[token_nodes].set(0.0)
    out_x = out_x.at[noise_nodes].set(x[noise_src])
    out_x = out_x.at[token_nodes].add(enc_mask_token[0])
    src, dst = edge_index[0], edge_index[1]
    # 2-layer GCN encoder
    h = _gcn_layer(out_x, src, dst, enc_W1, enc_b1, n_nodes, act=True)
    enc_rep = _gcn_layer(h, src, dst, enc_W2, enc_b2, n_nodes, act=False)
    # encoder_to_decoder (no bias), re-mask, 1-layer GCN decoder
    rep = enc_rep @ e2d_W
    rep = rep.at[mask_nodes].set(0.0)
    recon = _gcn_layer(rep, src, dst, dec_W, dec_b, n_nodes, act=False)
    # sce loss on masked nodes, alpha_l=2
    loss = _sce_loss(recon[mask_nodes], x[mask_nodes], alpha=2.0)
    return loss

if __name__ == "__main__":
    import jax
    _d = setup_inputs()
    print(jax.jit(kernel)(*tuple(_d.values())))

</pallas_src>

<mosaic_0001>
#map = affine_map<(d0, d1) -> (0, 0)>
#map1 = affine_map<(d0, d1) -> (0, 0, 0)>
module attributes {stable_mosaic.version = 14 : i64} {
  func.func @_prop_body(%arg0: i32, %arg1: i32, %arg2: memref<20000x64xf32, #tpu.memory_space<hbm>>, %arg3: memref<2x1280x256xi32, #tpu.memory_space<hbm>>, %arg4: memref<1280x256xi32, #tpu.memory_space<hbm>>, %arg5: memref<2x10240x64xf32, #tpu.memory_space<hbm>>, %arg6: memref<80x256xi32, #tpu.memory_space<vmem>>, %arg7: memref<80x256xi32, #tpu.memory_space<vmem>>, %arg8: memref<256x64xf32, #tpu.memory_space<vmem>>, %arg9: memref<256x64xf32, #tpu.memory_space<vmem>>, %arg10: memref<10240x64xf32, #tpu.memory_space<vmem_shared>>, %arg11: memref<!tpu.dma_semaphore, #tpu.memory_space<semaphore_mem>>, %arg12: memref<!tpu.dma_semaphore, #tpu.memory_space<semaphore_mem>>) attributes {dimension_semantics = [#tpu.dimension_semantics<core_parallel>, #tpu.dimension_semantics<subcore_parallel>], iteration_bounds = array<i64: 2, 16>, scalar_prefetch = 0 : i64, scratch_operands = 7 : i64, tpu.core_type = #tpu.core_type<sc_vector_subcore>, window_params = [{transform_indices = #map}, {transform_indices = #map1}, {transform_indices = #map}, {transform_indices = #map1}]} {
    %broadcast_in_dim3A = arith.constant 0.000000e+00 : f32
    %broadcast_in_dim3A_0 = vector.broadcast %broadcast_in_dim3A : f32 to vector<16xf32>
    %scan3A = arith.constant 0 : i32
    %scan3A_1 = arith.constant 0 : i32
    %scan3A_2 = arith.constant 256 : i32
    %scan3A_3 = arith.addi %scan3A_1, %scan3A_2 : i32
    %scan3A_4 = arith.constant 1 : i32
    scf.for %scan3A_52 = %scan3A_1 to %scan3A_3 step %scan3A_4  : i32 {
      %swap3A = arith.index_cast %scan3A_52 : i32 to index
      %swap3A_53 = arith.constant 0 : index
      %swap3A_54 = tpu.vector_load %arg8[%swap3A, %swap3A_53] {strides = array<i32>} : memref<256x64xf32, #tpu.memory_space<vmem>>, vector<1x16xf32>,
      %swap3A_55 = vector.shape_cast %swap3A_54 : vector<1x16xf32> to vector<16xf32>
      %swap3A_56 = vector.shape_cast %broadcast_in_dim3A_0 : vector<16xf32> to vector<1x16xf32>
      tpu.vector_store %arg8[%swap3A, %swap3A_53], %swap3A_56 {strides = array<i32>} : memref<256x64xf32, #tpu.memory_space<vmem>>, vector<1x16xf32>,
      %swap3A_57 = arith.index_cast %scan3A_52 : i32 to index
      %swap3A_58 = arith.constant 16 : index
      %swap3A_59 = tpu.vector_load %arg8[%swap3A_57, %swap3A_58] {strides = array<i32>} : memref<256x64xf32, #tpu.memory_space<vmem>>, vector<1x16xf32>,
      %swap3A_60 = vector.shape_cast %swap3A_59 : vector<1x16xf32> to vector<16xf32>
      %swap3A_61 = vector.shape_cast %broadcast_in_dim3A_0 : vector<16xf32> to vector<1x16xf32>
      tpu.vector_store %arg8[%swap3A_57, %swap3A_58], %swap3A_61 {strides = array<i32>} : memref<256x64xf32, #tpu.memory_space<vmem>>, vector<1x16xf32>,
      %swap3A_62 = arith.index_cast %scan3A_52 : i32 to index
      %swap3A_63 = arith.constant 32 : index
      %swap3A_64 = tpu.vector_load %arg8[%swap3A_62, %swap3A_63] {strides = array<i32>} : memref<256x64xf32, #tpu.memory_space<vmem>>, vector<1x16xf32>,
      %swap3A_65 = vector.shape_cast %swap3A_64 : vector<1x16xf32> to vector<16xf32>
      %swap3A_66 = vector.shape_cast %broadcast_in_dim3A_0 : vector<16xf32> to vector<1x16xf32>
      tpu.vector_store %arg8[%swap3A_62, %swap3A_63], %swap3A_66 {strides = array<i32>} : memref<256x64xf32, #tpu.memory_space<vmem>>, vector<1x16xf32>,
      %swap3A_67 = arith.index_cast %scan3A_52 : i32 to index
      %swap3A_68 = arith.constant 48 : index
      %swap3A_69 = tpu.vector_load %arg8[%swap3A_67, %swap3A_68] {strides = array<i32>} : memref<256x64xf32, #tpu.memory_space<vmem>>, vector<1x16xf32>,
      %swap3A_70 = vector.shape_cast %swap3A_69 : vector<1x16xf32> to vector<16xf32>
      %swap3A_71 = vector.shape_cast %broadcast_in_dim3A_0 : vector<16xf32> to vector<1x16xf32>
      tpu.vector_store %arg8[%swap3A_67, %swap3A_68], %swap3A_71 {strides = array<i32>} : memref<256x64xf32, #tpu.memory_space<vmem>>, vector<1x16xf32>,
    }
    %scan3A_5 = arith.constant 256 : i32
    %mul3A = arith.constant 640 : i32
    %mul3A_6 = arith.muli %arg1, %mul3A : i32
    %add3A = arith.constant 0 : i32
    %add3A_7 = arith.addi %mul3A_6, %add3A : i32
    "tpu.region"() ({
      %run_scoped3A = tpu.sem_alloc : memref<!tpu.dma_semaphore, #tpu.memory_space<semaphore_mem>>
      %dma_start3A_52 = arith.constant 0 : i32
      %dma_start3A_53 = tpu.memref_slice %arg10[%add3A_7, %dma_start3A_52] : memref<10240x64xf32, #tpu.memory_space<vmem_shared>> -> memref<256x64xf32, #tpu.memory_space<vmem_shared>>
      %dma_start3A_54 = arith.constant 0 : i32
      %dma_start3A_55 = tpu.memref_slice %arg10[%add3A_7, %dma_start3A_54] : memref<10240x64xf32, #tpu.memory_space<vmem_shared>> -> memref<256x64xf32, #tpu.memory_space<vmem_shared>>
      tpu.enqueue_dma source(%arg8 : memref<256x64xf32, #tpu.memory_space<vmem>>) target(%dma_start3A_55 : memref<256x64xf32, #tpu.memory_space<vmem_shared>>) target_semaphore(%run_scoped3A : memref<!tpu.dma_semaphore, #tpu.memory_space<semaphore_mem>>)
      %dma_wait3A = arith.constant 0 : i32
      %dma_wait3A_56 = tpu.memref_slice %arg10[%add3A_7, %dma_wait3A] : memref<10240x64xf32, #tpu.memory_space<vmem_shared>> -> memref<256x64xf32, #tpu.memory_space<vmem_shared>>
      %dma_wait3A_57 = arith.constant 0 : i32
      %dma_wait3A_58 = tpu.memref_slice %arg10[%add3A_7, %dma_wait3A_57] : memref<10240x64xf32, #tpu.memory_space<vmem_shared>> -> memref<256x64xf32, #tpu.memory_space<vmem_shared>>
      tpu.wait_dma2 semaphore(%run_scoped3A : memref<!tpu.dma_semaphore, #tpu.memory_space<semaphore_mem>>) src(%arg8 : memref<256x64xf32, #tpu.memory_space<vmem>>) dst(%dma_wait3A_58 : memref<256x64xf32, #tpu.memory_space<vmem_shared>>)
      tpu.yield
    }) : () -> ()
    %mul3A_8 = arith.constant 640 : i32
    %mul3A_9 = arith.muli %arg1, %mul3A_8 : i32
    %add3A_10 = arith.constant 256 : i32
    %add3A_11 = arith.addi %mul3A_9, %add3A_10 : i32
    "tpu.region"() ({
      %run_scoped3A = tpu.sem_alloc : memref<!tpu.dma_semaphore, #tpu.memory_space<semaphore_mem>>
      %dma_start3A_52 = arith.constant 0 : i32
      %dma_start3A_53 = tpu.memref_slice %arg10[%add3A_11, %dma_start3A_52] : memref<10240x64xf32, #tpu.memory_space<vmem_shared>> -> memref<256x64xf32, #tpu.memory_space<vmem_shared>>
      %dma_start3A_54 = arith.constant 0 : i32
      %dma_start3A_55 = tpu.memref_slice %arg10[%add3A_11, %dma_start3A_54] : memref<10240x64xf32, #tpu.memory_space<vmem_shared>> -> memref<256x64xf32, #tpu.memory_space<vmem_shared>>
      tpu.enqueue_dma source(%arg8 : memref<256x64xf32, #tpu.memory_space<vmem>>) target(%dma_start3A_55 : memref<256x64xf32, #tpu.memory_space<vmem_shared>>) target_semaphore(%run_scoped3A : memref<!tpu.dma_semaphore, #tpu.memory_space<semaphore_mem>>)
      %dma_wait3A = arith.constant 0 : i32
      %dma_wait3A_56 = tpu.memref_slice %arg10[%add3A_11, %dma_wait3A] : memref<10240x64xf32, #tpu.memory_space<vmem_shared>> -> memref<256x64xf32, #tpu.memory_space<vmem_shared>>
      %dma_wait3A_57 = arith.constant 0 : i32
      %dma_wait3A_58 = tpu.memref_slice %arg10[%add3A_11, %dma_wait3A_57] : memref<10240x64xf32, #tpu.memory_space<vmem_shared>> -> memref<256x64xf32, #tpu.memory_space<vmem_shared>>
      tpu.wait_dma2 semaphore(%run_scoped3A : memref<!tpu.dma_semaphore, #tpu.memory_space<semaphore_mem>>) src(%arg8 : memref<256x64xf32, #tpu.memory_space<vmem>>) dst(%dma_wait3A_58 : memref<256x64xf32, #tpu.memory_space<vmem_shared>>)
      tpu.yield
    }) : () -> ()
    %mul3A_12 = arith.constant 640 : i32
    %mul3A_13 = arith.muli %arg1, %mul3A_12 : i32
    %add3A_14 = arith.constant 640 : i32
    %add3A_15 = arith.addi %mul3A_13, %add3A_14 : i32
    %sub3A = arith.constant 128 : i32
    %sub3A_16 = arith.subi %add3A_15, %sub3A : i32
    "tpu.region"() ({
      %run_scoped3A = tpu.sem_alloc : memref<!tpu.dma_semaphore, #tpu.memory_space<semaphore_mem>>
      %dma_start3A_52 = arith.constant 0 : i32
      %dma_start3A_53 = arith.constant 0 : i32
      %dma_start3A_54 = tpu.memref_slice %arg8[%dma_start3A_52, %dma_start3A_53] : memref<256x64xf32, #tpu.memory_space<vmem>> -> memref<128x64xf32, #tpu.memory_space<vmem>>
      %dma_start3A_55 = arith.constant 0 : i32
      %dma_start3A_56 = tpu.memref_slice %arg10[%sub3A_16, %dma_start3A_55] : memref<10240x64xf32, #tpu.memory_space<vmem_shared>> -> memref<128x64xf32, #tpu.memory_space<vmem_shared>>
      %dma_start3A_57 = arith.constant 0 : i32
      %dma_start3A_58 = tpu.memref_slice %arg10[%sub3A_16, %dma_start3A_57] : memref<10240x64xf32, #tpu.memory_space<vmem_shared>> -> memref<128x64xf32, #tpu.memory_space<vmem_shared>>
      %dma_start3A_59 = arith.constant 0 : i32
      %dma_start3A_60 = arith.constant 0 : i32
      %dma_start3A_61 = tpu.memref_slice %arg8[%dma_start3A_59, %dma_start3A_60] : memref<256x64xf32, #tpu.memory_space<vmem>> -> memref<128x64xf32, #tpu.memory_space<vmem>>
      tpu.enqueue_dma source(%dma_start3A_61 : memref<128x64xf32, #tpu.memory_space<vmem>>) target(%dma_start3A_58 : memref<128x64xf32, #tpu.memory_space<vmem_shared>>) target_semaphore(%run_scoped3A : memref<!tpu.dma_semaphore, #tpu.memory_space<semaphore_mem>>)
      %dma_wait3A = arith.constant 0 : i32
      %dma_wait3A_62 = arith.constant 0 : i32
      %dma_wait3A_63 = tpu.memref_slice %arg8[%dma_wait3A, %dma_wait3A_62] : memref<256x64xf32, #tpu.memory_space<vmem>> -> memref<128x64xf32, #tpu.memory_space<vmem>>
      %dma_wait3A_64 = arith.constant 0 : i32
      %dma_wait3A_65 = tpu.memref_slice %arg10[%sub3A_16, %dma_wait3A_64] : memref<10240x64xf32, #tpu.memory_space<vmem_shared>> -> memref<128x64xf32, #tpu.memory_space<vmem_shared>>
      %dma_wait3A_66 = arith.constant 0 : i32
      %dma_wait3A_67 = tpu.memref_slice %arg10[%sub3A_16, %dma_wait3A_66] : memref<10240x64xf32, #tpu.memory_space<vmem_shared>> -> memref<128x64xf32, #tpu.memory_space<vmem_shared>>
      %dma_wait3A_68 = arith.constant 0 : i32
      %dma_wait3A_69 = arith.constant 0 : i32
      %dma_wait3A_70 = tpu.memref_slice %arg8[%dma_wait3A_68, %dma_wait3A_69] : memref<256x64xf32, #tpu.memory_space<vmem>> -> memref<128x64xf32, #tpu.memory_space<vmem>>
      tpu.wait_dma2 semaphore(%run_scoped3A : memref<!tpu.dma_semaphore, #tpu.memory_space<semaphore_mem>>) src(%dma_wait3A_70 : memref<128x64xf32, #tpu.memory_space<vmem>>) dst(%dma_wait3A_67 : memref<128x64xf32, #tpu.memory_space<vmem_shared>>)
      tpu.yield
    }) : () -> ()
    %barrier3A = arith.constant 0 : index
    tpu.barrier barrier_id(%barrier3A)
    %mul3A_17 = arith.constant 80 : i32
    %mul3A_18 = arith.muli %arg1, %mul3A_17 : i32
    "tpu.region"() ({
      %run_scoped3A = tpu.sem_alloc : memref<!tpu.dma_semaphore, #tpu.memory_space<semaphore_mem>>
      %dma_start3A_52 = arith.constant 0 : i32
      %dma_start3A_53 = tpu.memref_slice %arg3[%arg0, %mul3A_18, %dma_start3A_52] : memref<2x1280x256xi32, #tpu.memory_space<hbm>> -> memref<1x80x256xi32, #tpu.memory_space<hbm>>
      %dma_start3A_54 = tpu.memref_squeeze %dma_start3A_53 : memref<1x80x256xi32, #tpu.memory_space<hbm>> -> memref<80x256xi32, #tpu.memory_space<hbm>>
      %dma_start3A_55 = arith.constant 0 : i32
      %dma_start3A_56 = tpu.memref_slice %arg3[%arg0, %mul3A_18, %dma_start3A_55] : memref<2x1280x256xi32, #tpu.memory_space<hbm>> -> memref<1x80x256xi32, #tpu.memory_space<hbm>>
      %dma_start3A_57 = tpu.memref_squeeze %dma_start3A_56 : memref<1x80x256xi32, #tpu.memory_space<hbm>> -> memref<80x256xi32, #tpu.memory_space<hbm>>
      tpu.enqueue_dma source(%dma_start3A_57 : memref<80x256xi32, #tpu.memory_space<hbm>>) target(%arg6 : memref<80x256xi32, #tpu.memory_space<vmem>>) target_semaphore(%run_scoped3A : memref<!tpu.dma_semaphore, #tpu.memory_space<semaphore_mem>>)
      %dma_wait3A = arith.constant 0 : i32
      %dma_wait3A_58 = tpu.memref_slice %arg3[%arg0, %mul3A_18, %dma_wait3A] : memref<2x1280x256xi32, #tpu.memory_space<hbm>> -> memref<1x80x256xi32, #tpu.memory_space<hbm>>
      %dma_wait3A_59 = tpu.memref_squeeze %dma_wait3A_58 : memref<1x80x256xi32, #tpu.memory_space<hbm>> -> memref<80x256xi32, #tpu.memory_space<hbm>>
      %dma_wait3A_60 = arith.constant 0 : i32
      %dma_wait3A_61 = tpu.memref_slice %arg3[%arg0, %mul3A_18, %dma_wait3A_60] : memref<2x1280x256xi32, #tpu.memory_space<hbm>> -> memref<1x80x256xi32, #tpu.memory_space<hbm>>
      %dma_wait3A_62 = tpu.memref_squeeze %dma_wait3A_61 : memref<1x80x256xi32, #tpu.memory_space<hbm>> -> memref<80x256xi32, #tpu.memory_space<hbm>>
      tpu.wait_dma2 semaphore(%run_scoped3A : memref<!tpu.dma_semaphore, #tpu.memory_space<semaphore_mem>>) src(%dma_wait3A_62 : memref<80x256xi32, #tpu.memory_space<hbm>>) dst(%arg6 : memref<80x256xi32, #tpu.memory_space<vmem>>)
      tpu.yield
    }) : () -> ()
    "tpu.region"() ({
      %run_scoped3A = tpu.sem_alloc : memref<!tpu.dma_semaphore, #tpu.memory_space<semaphore_mem>>
      %dma_start3A_52 = arith.constant 0 : i32
      %dma_start3A_53 = tpu.memref_slice %arg4[%mul3A_18, %dma_start3A_52] : memref<1280x256xi32, #tpu.memory_space<hbm>> -> memref<80x256xi32, #tpu.memory_space<hbm>>
      %dma_start3A_54 = arith.constant 0 : i32
      %dma_start3A_55 = tpu.memref_slice %arg4[%mul3A_18, %dma_start3A_54] : memref<1280x256xi32, #tpu.memory_space<hbm>> -> memref<80x256xi32, #tpu.memory_space<hbm>>
      tpu.enqueue_dma source(%dma_start3A_55 : memref<80x256xi32, #tpu.memory_space<hbm>>) target(%arg7 : memref<80x256xi32, #tpu.memory_space<vmem>>) target_semaphore(%run_scoped3A : memref<!tpu.dma_semaphore, #tpu.memory_space<semaphore_mem>>)
      %dma_wait3A = arith.constant 0 : i32
      %dma_wait3A_56 = tpu.memref_slice %arg4[%mul3A_18, %dma_wait3A] : memref<1280x256xi32, #tpu.memory_space<hbm>> -> memref<80x256xi32, #tpu.memory_space<hbm>>
      %dma_wait3A_57 = arith.constant 0 : i32
      %dma_wait3A_58 = tpu.memref_slice %arg4[%mul3A_18, %dma_wait3A_57] : memref<1280x256xi32, #tpu.memory_space<hbm>> -> memref<80x256xi32, #tpu.memory_space<hbm>>
      tpu.wait_dma2 semaphore(%run_scoped3A : memref<!tpu.dma_semaphore, #tpu.memory_space<semaphore_mem>>) src(%dma_wait3A_58 : memref<80x256xi32, #tpu.memory_space<hbm>>) dst(%arg7 : memref<80x256xi32, #tpu.memory_space<vmem>>)
      tpu.yield
    }) : () -> ()
    %dma_start3A = arith.constant 0 : i32
    %dma_start3A_19 = arith.constant 0 : i32
    %dma_start3A_20 = tpu.memref_slice %arg6[%dma_start3A, %dma_start3A_19] : memref<80x256xi32, #tpu.memory_space<vmem>> -> memref<1x256xi32, #tpu.memory_space<vmem>>
    %dma_start3A_21 = tpu.memref_squeeze %dma_start3A_20 : memref<1x256xi32, #tpu.memory_space<vmem>> -> memref<256xi32, #tpu.memory_space<vmem>>
    %dma_start3A_22 = arith.constant 0 : i32
    %dma_start3A_23 = arith.constant 0 : i32
    %dma_start3A_24 = tpu.memref_slice %arg2[%dma_start3A_22, %dma_start3A_23] : memref<20000x64xf32, #tpu.memory_space<hbm>> -> memref<20000x64xf32, #tpu.memory_space<hbm>>
    tpu.enqueue_indirect_dma source(%dma_start3A_24 : memref<20000x64xf32, #tpu.memory_space<hbm>>) target(%arg8 : memref<256x64xf32, #tpu.memory_space<vmem>>) offsets(%dma_start3A_21 : memref<256xi32, #tpu.memory_space<vmem>>) semaphore(%arg11 : memref<!tpu.dma_semaphore, #tpu.memory_space<semaphore_mem>>)
    %scan3A_25 = arith.constant 0 : i32
    %scan3A_26 = arith.constant 0 : i32
    %scan3A_27 = arith.constant 40 : i32
    %scan3A_28 = arith.addi %scan3A_26, %scan3A_27 : i32
    %scan3A_29 = arith.constant 1 : i32
    scf.for %scan3A_52 = %scan3A_26 to %scan3A_28 step %scan3A_29  : i32 {
      %mul3A_53 = arith.constant 2 : i32
      %mul3A_54 = arith.muli %scan3A_52, %mul3A_53 : i32
      %dma_wait3A = arith.constant 0 : i32
      %dma_wait3A_55 = tpu.memref_slice %arg6[%mul3A_54, %dma_wait3A] : memref<80x256xi32, #tpu.memory_space<vmem>> -> memref<1x256xi32, #tpu.memory_space<vmem>>
      %dma_wait3A_56 = tpu.memref_squeeze %dma_wait3A_55 : memref<1x256xi32, #tpu.memory_space<vmem>> -> memref<256xi32, #tpu.memory_space<vmem>>
      %dma_wait3A_57 = arith.constant 0 : i32
      %dma_wait3A_58 = arith.constant 0 : i32
      %dma_wait3A_59 = tpu.memref_slice %arg2[%dma_wait3A_57, %dma_wait3A_58] : memref<20000x64xf32, #tpu.memory_space<hbm>> -> memref<20000x64xf32, #tpu.memory_space<hbm>>
      tpu.wait_indirect_dma semaphore(%arg11 : memref<!tpu.dma_semaphore, #tpu.memory_space<semaphore_mem>>) src(%dma_wait3A_59 : memref<20000x64xf32, #tpu.memory_space<hbm>>) dst(%arg8 : memref<256x64xf32, #tpu.memory_space<vmem>>)
      %add3A_60 = arith.constant 1 : i32
      %add3A_61 = arith.addi %mul3A_54, %add3A_60 : i32
      %dma_start3A_62 = arith.constant 0 : i32
      %dma_start3A_63 = tpu.memref_slice %arg6[%add3A_61, %dma_start3A_62] : memref<80x256xi32, #tpu.memory_space<vmem>> -> memref<1x256xi32, #tpu.memory_space<vmem>>
      %dma_start3A_64 = tpu.memref_squeeze %dma_start3A_63 : memref<1x256xi32, #tpu.memory_space<vmem>> -> memref<256xi32, #tpu.memory_space<vmem>>
      %dma_start3A_65 = arith.constant 0 : i32
      %dma_start3A_66 = arith.constant 0 : i32
      %dma_start3A_67 = tpu.memref_slice %arg2[%dma_start3A_65, %dma_start3A_66] : memref<20000x64xf32, #tpu.memory_space<hbm>> -> memref<20000x64xf32, #tpu.memory_space<hbm>>
      tpu.enqueue_indirect_dma source(%dma_start3A_67 : memref<20000x64xf32, #tpu.memory_space<hbm>>) target(%arg9 : memref<256x64xf32, #tpu.memory_space<vmem>>) offsets(%dma_start3A_64 : memref<256xi32, #tpu.memory_space<vmem>>) semaphore(%arg12 : memref<!tpu.dma_semaphore, #tpu.memory_space<semaphore_mem>>)
      "tpu.region"() ({
        %run_scoped3A = tpu.sem_alloc : memref<!tpu.dma_semaphore, #tpu.memory_space<semaphore_mem>>
        %dma_start3A_82 = arith.constant 0 : i32
        %dma_start3A_83 = tpu.memref_slice %arg7[%mul3A_54, %dma_start3A_82] : memref<80x256xi32, #tpu.memory_space<vmem>> -> memref<1x256xi32, #tpu.memory_space<vmem>>
        %dma_start3A_84 = tpu.memref_squeeze %dma_start3A_83 : memref<1x256xi32, #tpu.memory_space<vmem>> -> memref<256xi32, #tpu.memory_space<vmem>>
        %dma_start3A_85 = arith.constant 0 : i32
        %dma_start3A_86 = arith.constant 0 : i32
        %dma_start3A_87 = tpu.memref_slice %arg10[%dma_start3A_85, %dma_start3A_86] : memref<10240x64xf32, #tpu.memory_space<vmem_shared>> -> memref<10240x64xf32, #tpu.memory_space<vmem_shared>>
        tpu.enqueue_indirect_dma source(%arg8 : memref<256x64xf32, #tpu.memory_space<vmem>>) target(%dma_start3A_87 : memref<10240x64xf32, #tpu.memory_space<vmem_shared>>) offsets(%dma_start3A_84 : memref<256xi32, #tpu.memory_space<vmem>>) semaphore(%run_scoped3A : memref<!tpu.dma_semaphore, #tpu.memory_space<semaphore_mem>>) {add = true}
        %dma_wait3A_88 = arith.constant 0 : i32
        %dma_wait3A_89 = tpu.memref_slice %arg7[%mul3A_54, %dma_wait3A_88] : memref<80x256xi32, #tpu.memory_space<vmem>> -> memref<1x256xi32, #tpu.memory_space<vmem>>
        %dma_wait3A_90 = tpu.memref_squeeze %dma_wait3A_89 : memref<1x256xi32, #tpu.memory_space<vmem>> -> memref<256xi32, #tpu.memory_space<vmem>>
        %dma_wait3A_91 = arith.constant 0 : i32
        %dma_wait3A_92 = arith.constant 0 : i32
        %dma_wait3A_93 = tpu.memref_slice %arg10[%dma_wait3A_91, %dma_wait3A_92] : memref<10240x64xf32, #tpu.memory_space<vmem_shared>> -> memref<10240x64xf32, #tpu.memory_space<vmem_shared>>
        tpu.wait_indirect_dma semaphore(%run_scoped3A : memref<!tpu.dma_semaphore, #tpu.memory_space<semaphore_mem>>) src(%arg8 : memref<256x64xf32, #tpu.memory_space<vmem>>) dst(%dma_wait3A_93 : memref<10240x64xf32, #tpu.memory_space<vmem_shared>>)
        tpu.yield
      }) : () -> ()
      %add3A_68 = arith.constant 1 : i32
      %add3A_69 = arith.addi %mul3A_54, %add3A_68 : i32
      %dma_wait3A_70 = arith.constant 0 : i32
      %dma_wait3A_71 = tpu.memref_slice %arg6[%add3A_69, %dma_wait3A_70] : memref<80x256xi32, #tpu.memory_space<vmem>> -> memref<1x256xi32, #tpu.memory_space<vmem>>
      %dma_wait3A_72 = tpu.memref_squeeze %dma_wait3A_71 : memref<1x256xi32, #tpu.memory_space<vmem>> -> memref<256xi32, #tpu.memory_space<vmem>>
      %dma_wait3A_73 = arith.constant 0 : i32
      %dma_wait3A_74 = arith.constant 0 : i32
      %dma_wait3A_75 = tpu.memref_slice %arg2[%dma_wait3A_73, %dma_wait3A_74] : memref<20000x64xf32, #tpu.memory_space<hbm>> -> memref<20000x64xf32, #tpu.memory_space<hbm>>
      tpu.wait_indirect_dma semaphore(%arg12 : memref<!tpu.dma_semaphore, #tpu.memory_space<semaphore_mem>>) src(%dma_wait3A_75 : memref<20000x64xf32, #tpu.memory_space<hbm>>) dst(%arg9 : memref<256x64xf32, #tpu.memory_space<vmem>>)
      %add3A_76 = arith.constant 2 : i32
      %add3A_77 = arith.addi %mul3A_54, %add3A_76 : i32
      %lt3A = arith.constant 80 : i32
      %lt3A_78 = arith.cmpi slt, %add3A_77, %lt3A : i32
      %convert_element_type3A = arith.extui %lt3A_78 : i1 to i32
      %cond3A = arith.constant 0 : i32
      %cond3A_79 = arith.cmpi ne, %convert_element_type3A, %cond3A : i32
      scf.if %cond3A_79 {
        %add3A_82 = arith.constant 2 : i32
        %add3A_83 = arith.addi %mul3A_54, %add3A_82 : i32
        %dma_start3A_84 = arith.constant 0 : i32
        %dma_start3A_85 = tpu.memref_slice %arg6[%add3A_83, %dma_start3A_84] : memref<80x256xi32, #tpu.memory_space<vmem>> -> memref<1x256xi32, #tpu.memory_space<vmem>>
        %dma_start3A_86 = tpu.memref_squeeze %dma_start3A_85 : memref<1x256xi32, #tpu.memory_space<vmem>> -> memref<256xi32, #tpu.memory_space<vmem>>
        %dma_start3A_87 = arith.constant 0 : i32
        %dma_start3A_88 = arith.constant 0 : i32
        %dma_start3A_89 = tpu.memref_slice %arg2[%dma_start3A_87, %dma_start3A_88] : memref<20000x64xf32, #tpu.memory_space<hbm>> -> memref<20000x64xf32, #tpu.memory_space<hbm>>
        tpu.enqueue_indirect_dma source(%dma_start3A_89 : memref<20000x64xf32, #tpu.memory_space<hbm>>) target(%arg8 : memref<256x64xf32, #tpu.memory_space<vmem>>) offsets(%dma_start3A_86 : memref<256xi32, #tpu.memory_space<vmem>>) semaphore(%arg11 : memref<!tpu.dma_semaphore, #tpu.memory_space<semaphore_mem>>)
      } else {
      }
      %add3A_80 = arith.constant 1 : i32
      %add3A_81 = arith.addi %mul3A_54, %add3A_80 : i32
      "tpu.region"() ({
        %run_scoped3A = tpu.sem_alloc : memref<!tpu.dma_semaphore, #tpu.memory_space<semaphore_mem>>
        %dma_start3A_82 = arith.constant 0 : i32
        %dma_start3A_83 = tpu.memref_slice %arg7[%add3A_81, %dma_start3A_82] : memref<80x256xi32, #tpu.memory_space<vmem>> -> memref<1x256xi32, #tpu.memory_space<vmem>>
        %dma_start3A_84 = tpu.memref_squeeze %dma_start3A_83 : memref<1x256xi32, #tpu.memory_space<vmem>> -> memref<256xi32, #tpu.memory_space<vmem>>
        %dma_start3A_85 = arith.constant 0 : i32
        %dma_start3A_86 = arith.constant 0 : i32
        %dma_start3A_87 = tpu.memref_slice %arg10[%dma_start3A_85, %dma_start3A_86] : memref<10240x64xf32, #tpu.memory_space<vmem_shared>> -> memref<10240x64xf32, #tpu.memory_space<vmem_shared>>
        tpu.enqueue_indirect_dma source(%arg9 : memref<256x64xf32, #tpu.memory_space<vmem>>) target(%dma_start3A_87 : memref<10240x64xf32, #tpu.memory_space<vmem_shared>>) offsets(%dma_start3A_84 : memref<256xi32, #tpu.memory_space<vmem>>) semaphore(%run_scoped3A : memref<!tpu.dma_semaphore, #tpu.memory_space<semaphore_mem>>) {add = true}
        %dma_wait3A_88 = arith.constant 0 : i32
        %dma_wait3A_89 = tpu.memref_slice %arg7[%add3A_81, %dma_wait3A_88] : memref<80x256xi32, #tpu.memory_space<vmem>> -> memref<1x256xi32, #tpu.memory_space<vmem>>
        %dma_wait3A_90 = tpu.memref_squeeze %dma_wait3A_89 : memref<1x256xi32, #tpu.memory_space<vmem>> -> memref<256xi32, #tpu.memory_space<vmem>>
        %dma_wait3A_91 = arith.constant 0 : i32
        %dma_wait3A_92 = arith.constant 0 : i32
        %dma_wait3A_93 = tpu.memref_slice %arg10[%dma_wait3A_91, %dma_wait3A_92] : memref<10240x64xf32, #tpu.memory_space<vmem_shared>> -> memref<10240x64xf32, #tpu.memory_space<vmem_shared>>
        tpu.wait_indirect_dma semaphore(%run_scoped3A : memref<!tpu.dma_semaphore, #tpu.memory_space<semaphore_mem>>) src(%arg9 : memref<256x64xf32, #tpu.memory_space<vmem>>) dst(%dma_wait3A_93 : memref<10240x64xf32, #tpu.memory_space<vmem_shared>>)
        tpu.yield
      }) : () -> ()
    }
    %scan3A_30 = arith.constant 40 : i32
    %barrier3A_31 = arith.constant 0 : index
    tpu.barrier barrier_id(%barrier3A_31)
    %mul3A_32 = arith.constant 640 : i32
    %mul3A_33 = arith.muli %arg1, %mul3A_32 : i32
    %add3A_34 = arith.constant 0 : i32
    %add3A_35 = arith.addi %mul3A_33, %add3A_34 : i32
    "tpu.region"() ({
      %run_scoped3A = tpu.sem_alloc : memref<!tpu.dma_semaphore, #tpu.memory_space<semaphore_mem>>
      %dma_start3A_52 = arith.constant 0 : i32
      %dma_start3A_53 = arith.constant 0 : i32
      %dma_start3A_54 = tpu.memref_slice %arg8[%dma_start3A_52, %dma_start3A_53] : memref<256x64xf32, #tpu.memory_space<vmem>> -> memref<128x64xf32, #tpu.memory_space<vmem>>
      %dma_start3A_55 = arith.constant 0 : i32
      %dma_start3A_56 = tpu.memref_slice %arg10[%add3A_35, %dma_start3A_55] : memref<10240x64xf32, #tpu.memory_space<vmem_shared>> -> memref<128x64xf32, #tpu.memory_space<vmem_shared>>
      %dma_start3A_57 = arith.constant 0 : i32
      %dma_start3A_58 = arith.constant 0 : i32
      %dma_start3A_59 = tpu.memref_slice %arg8[%dma_start3A_57, %dma_start3A_58] : memref<256x64xf32, #tpu.memory_space<vmem>> -> memref<128x64xf32, #tpu.memory_space<vmem>>
      %dma_start3A_60 = arith.constant 0 : i32
      %dma_start3A_61 = tpu.memref_slice %arg10[%add3A_35, %dma_start3A_60] : memref<10240x64xf32, #tpu.memory_space<vmem_shared>> -> memref<128x64xf32, #tpu.memory_space<vmem_shared>>
      tpu.enqueue_dma source(%dma_start3A_61 : memref<128x64xf32, #tpu.memory_space<vmem_shared>>) target(%dma_start3A_59 : memref<128x64xf32, #tpu.memory_space<vmem>>) target_semaphore(%run_scoped3A : memref<!tpu.dma_semaphore, #tpu.memory_space<semaphore_mem>>)
      %dma_wait3A = arith.constant 0 : i32
      %dma_wait3A_62 = arith.constant 0 : i32
      %dma_wait3A_63 = tpu.memref_slice %arg8[%dma_wait3A, %dma_wait3A_62] : memref<256x64xf32, #tpu.memory_space<vmem>> -> memref<128x64xf32, #tpu.memory_space<vmem>>
      %dma_wait3A_64 = arith.constant 0 : i32
      %dma_wait3A_65 = tpu.memref_slice %arg10[%add3A_35, %dma_wait3A_64] : memref<10240x64xf32, #tpu.memory_space<vmem_shared>> -> memref<128x64xf32, #tpu.memory_space<vmem_shared>>
      %dma_wait3A_66 = arith.constant 0 : i32
      %dma_wait3A_67 = arith.constant 0 : i32
      %dma_wait3A_68 = tpu.memref_slice %arg8[%dma_wait3A_66, %dma_wait3A_67] : memref<256x64xf32, #tpu.memory_space<vmem>> -> memref<128x64xf32, #tpu.memory_space<vmem>>
      %dma_wait3A_69 = arith.constant 0 : i32
      %dma_wait3A_70 = tpu.memref_slice %arg10[%add3A_35, %dma_wait3A_69] : memref<10240x64xf32, #tpu.memory_space<vmem_shared>> -> memref<128x64xf32, #tpu.memory_space<vmem_shared>>
      tpu.wait_dma2 semaphore(%run_scoped3A : memref<!tpu.dma_semaphore, #tpu.memory_space<semaphore_mem>>) src(%dma_wait3A_70 : memref<128x64xf32, #tpu.memory_space<vmem_shared>>) dst(%dma_wait3A_68 : memref<128x64xf32, #tpu.memory_space<vmem>>)
      tpu.yield
    }) : () -> ()
    "tpu.region"() ({
      %run_scoped3A = tpu.sem_alloc : memref<!tpu.dma_semaphore, #tpu.memory_space<semaphore_mem>>
      %dma_start3A_52 = arith.constant 0 : i32
      %dma_start3A_53 = arith.constant 0 : i32
      %dma_start3A_54 = tpu.memref_slice %arg8[%dma_start3A_52, %dma_start3A_53] : memref<256x64xf32, #tpu.memory_space<vmem>> -> memref<128x64xf32, #tpu.memory_space<vmem>>
      %dma_start3A_55 = arith.constant 0 : i32
      %dma_start3A_56 = tpu.memref_slice %arg5[%arg0, %add3A_35, %dma_start3A_55] : memref<2x10240x64xf32, #tpu.memory_space<hbm>> -> memref<1x128x64xf32, #tpu.memory_space<hbm>>
      %dma_start3A_57 = tpu.memref_squeeze %dma_start3A_56 : memref<1x128x64xf32, #tpu.memory_space<hbm>> -> memref<128x64xf32, #tpu.memory_space<hbm>>
      %dma_start3A_58 = arith.constant 0 : i32
      %dma_start3A_59 = tpu.memref_slice %arg5[%arg0, %add3A_35, %dma_start3A_58] : memref<2x10240x64xf32, #tpu.memory_space<hbm>> -> memref<1x128x64xf32, #tpu.memory_space<hbm>>
      %dma_start3A_60 = tpu.memref_squeeze %dma_start3A_59 : memref<1x128x64xf32, #tpu.memory_space<hbm>> -> memref<128x64xf32, #tpu.memory_space<hbm>>
      %dma_start3A_61 = arith.constant 0 : i32
      %dma_start3A_62 = arith.constant 0 : i32
      %dma_start3A_63 = tpu.memref_slice %arg8[%dma_start3A_61, %dma_start3A_62] : memref<256x64xf32, #tpu.memory_space<vmem>> -> memref<128x64xf32, #tpu.memory_space<vmem>>
      tpu.enqueue_dma source(%dma_start3A_63 : memref<128x64xf32, #tpu.memory_space<vmem>>) target(%dma_start3A_60 : memref<128x64xf32, #tpu.memory_space<hbm>>) target_semaphore(%run_scoped3A : memref<!tpu.dma_semaphore, #tpu.memory_space<semaphore_mem>>)
      %dma_wait3A = arith.constant 0 : i32
      %dma_wait3A_64 = arith.constant 0 : i32
      %dma_wait3A_65 = tpu.memref_slice %arg8[%dma_wait3A, %dma_wait3A_64] : memref<256x64xf32, #tpu.memory_space<vmem>> -> memref<128x64xf32, #tpu.memory_space<vmem>>
      %dma_wait3A_66 = arith.constant 0 : i32
      %dma_wait3A_67 = tpu.memref_slice %arg5[%arg0, %add3A_35, %dma_wait3A_66] : memref<2x10240x64xf32, #tpu.memory_space<hbm>> -> memref<1x128x64xf32, #tpu.memory_space<hbm>>
      %dma_wait3A_68 = tpu.memref_squeeze %dma_wait3A_67 : memref<1x128x64xf32, #tpu.memory_space<hbm>> -> memref<128x64xf32, #tpu.memory_space<hbm>>
      %dma_wait3A_69 = arith.constant 0 : i32
      %dma_wait3A_70 = tpu.memref_slice %arg5[%arg0, %add3A_35, %dma_wait3A_69] : memref<2x10240x64xf32, #tpu.memory_space<hbm>> -> memref<1x128x64xf32, #tpu.memory_space<hbm>>
      %dma_wait3A_71 = tpu.memref_squeeze %dma_wait3A_70 : memref<1x128x64xf32, #tpu.memory_space<hbm>> -> memref<128x64xf32, #tpu.memory_space<hbm>>
      %dma_wait3A_72 = arith.constant 0 : i32
      %dma_wait3A_73 = arith.constant 0 : i32
      %dma_wait3A_74 = tpu.memref_slice %arg8[%dma_wait3A_72, %dma_wait3A_73] : memref<256x64xf32, #tpu.memory_space<vmem>> -> memref<128x64xf32, #tpu.memory_space<vmem>>
      tpu.wait_dma2 semaphore(%run_scoped3A : memref<!tpu.dma_semaphore, #tpu.memory_space<semaphore_mem>>) src(%dma_wait3A_74 : memref<128x64xf32, #tpu.memory_space<vmem>>) dst(%dma_wait3A_71 : memref<128x64xf32, #tpu.memory_space<hbm>>)
      tpu.yield
    }) : () -> ()
    %mul3A_36 = arith.constant 640 : i32
    %mul3A_37 = arith.muli %arg1, %mul3A_36 : i32
    %add3A_38 = arith.constant 128 : i32
    %add3A_39 = arith.addi %mul3A_37, %add3A_38 : i32
    "tpu.region"() ({
      %run_scoped3A = tpu.sem_alloc : memref<!tpu.dma_semaphore, #tpu.memory_space<semaphore_mem>>
      %dma_start3A_52 = arith.constant 0 : i32
      %dma_start3A_53 = arith.constant 0 : i32
      %dma_start3A_54 = tpu.memref_slice %arg8[%dma_start3A_52, %dma_start3A_53] : memref<256x64xf32, #tpu.memory_space<vmem>> -> memref<128x64xf32, #tpu.memory_space<vmem>>
      %dma_start3A_55 = arith.constant 0 : i32
      %dma_start3A_56 = tpu.memref_slice %arg10[%add3A_39, %dma_start3A_55] : memref<10240x64xf32, #tpu.memory_space<vmem_shared>> -> memref<128x64xf32, #tpu.memory_space<vmem_shared>>
      %dma_start3A_57 = arith.constant 0 : i32
      %dma_start3A_58 = arith.constant 0 : i32
      %dma_start3A_59 = tpu.memref_slice %arg8[%dma_start3A_57, %dma_start3A_58] : memref<256x64xf32, #tpu.memory_space<vmem>> -> memref<128x64xf32, #tpu.memory_space<vmem>>
      %dma_start3A_60 = arith.constant 0 : i32
      %dma_start3A_61 = tpu.memref_slice %arg10[%add3A_39, %dma_start3A_60] : memref<10240x64xf32, #tpu.memory_space<vmem_shared>> -> memref<128x64xf32, #tpu.memory_space<vmem_shared>>
      tpu.enqueue_dma source(%dma_start3A_61 : memref<128x64xf32, #tpu.memory_space<vmem_shared>>) target(%dma_start3A_59 : memref<128x64xf32, #tpu.memory_space<vmem>>) target_semaphore(%run_scoped3A : memref<!tpu.dma_semaphore, #tpu.memory_space<semaphore_mem>>)
      %dma_wait3A = arith.constant 0 : i32
      %dma_wait3A_62 = arith.constant 0 : i32
      %dma_wait3A_63 = tpu.memref_slice %arg8[%dma_wait3A, %dma_wait3A_62] : memref<256x64xf32, #tpu.memory_space<vmem>> -> memref<128x64xf32, #tpu.memory_space<vmem>>
      %dma_wait3A_64 = arith.constant 0 : i32
      %dma_wait3A_65 = tpu.memref_slice %arg10[%add3A_39, %dma_wait3A_64] : memref<10240x64xf32, #tpu.memory_space<vmem_shared>> -> memref<128x64xf32, #tpu.memory_space<vmem_shared>>
      %dma_wait3A_66 = arith.constant 0 : i32
      %dma_wait3A_67 = arith.constant 0 : i32
      %dma_wait3A_68 = tpu.memref_slice %arg8[%dma_wait3A_66, %dma_wait3A_67] : memref<256x64xf32, #tpu.memory_space<vmem>> -> memref<128x64xf32, #tpu.memory_space<vmem>>
      %dma_wait3A_69 = arith.constant 0 : i32
      %dma_wait3A_70 = tpu.memref_slice %arg10[%add3A_39, %dma_wait3A_69] : memref<10240x64xf32, #tpu.memory_space<vmem_shared>> -> memref<128x64xf32, #tpu.memory_space<vmem_shared>>
      tpu.wait_dma2 semaphore(%run_scoped3A : memref<!tpu.dma_semaphore, #tpu.memory_space<semaphore_mem>>) src(%dma_wait3A_70 : memref<128x64xf32, #tpu.memory_space<vmem_shared>>) dst(%dma_wait3A_68 : memref<128x64xf32, #tpu.memory_space<vmem>>)
      tpu.yield
    }) : () -> ()
    "tpu.region"() ({
      %run_scoped3A = tpu.sem_alloc : memref<!tpu.dma_semaphore, #tpu.memory_space<semaphore_mem>>
      %dma_start3A_52 = arith.constant 0 : i32
      %dma_start3A_53 = arith.constant 0 : i32
      %dma_start3A_54 = tpu.memref_slice %arg8[%dma_start3A_52, %dma_start3A_53] : memref<256x64xf32, #tpu.memory_space<vmem>> -> memref<128x64xf32, #tpu.memory_space<vmem>>
      %dma_start3A_55 = arith.constant 0 : i32
      %dma_start3A_56 = tpu.memref_slice %arg5[%arg0, %add3A_39, %dma_start3A_55] : memref<2x10240x64xf32, #tpu.memory_space<hbm>> -> memref<1x128x64xf32, #tpu.memory_space<hbm>>
      %dma_start3A_57 = tpu.memref_squeeze %dma_start3A_56 : memref<1x128x64xf32, #tpu.memory_space<hbm>> -> memref<128x64xf32, #tpu.memory_space<hbm>>
      %dma_start3A_58 = arith.constant 0 : i32
      %dma_start3A_59 = tpu.memref_slice %arg5[%arg0, %add3A_39, %dma_start3A_58] : memref<2x10240x64xf32, #tpu.memory_space<hbm>> -> memref<1x128x64xf32, #tpu.memory_space<hbm>>
      %dma_start3A_60 = tpu.memref_squeeze %dma_start3A_59 : memref<1x128x64xf32, #tpu.memory_space<hbm>> -> memref<128x64xf32, #tpu.memory_space<hbm>>
      %dma_start3A_61 = arith.constant 0 : i32
      %dma_start3A_62 = arith.constant 0 : i32
      %dma_start3A_63 = tpu.memref_slice %arg8[%dma_start3A_61, %dma_start3A_62] : memref<256x64xf32, #tpu.memory_space<vmem>> -> memref<128x64xf32, #tpu.memory_space<vmem>>
      tpu.enqueue_dma source(%dma_start3A_63 : memref<128x64xf32, #tpu.memory_space<vmem>>) target(%dma_start3A_60 : memref<128x64xf32, #tpu.memory_space<hbm>>) target_semaphore(%run_scoped3A : memref<!tpu.dma_semaphore, #tpu.memory_space<semaphore_mem>>)
      %dma_wait3A = arith.constant 0 : i32
      %dma_wait3A_64 = arith.constant 0 : i32
      %dma_wait3A_65 = tpu.memref_slice %arg8[%dma_wait3A, %dma_wait3A_64] : memref<256x64xf32, #tpu.memory_space<vmem>> -> memref<128x64xf32, #tpu.memory_space<vmem>>
      %dma_wait3A_66 = arith.constant 0 : i32
      %dma_wait3A_67 = tpu.memref_slice %arg5[%arg0, %add3A_39, %dma_wait3A_66] : memref<2x10240x64xf32, #tpu.memory_space<hbm>> -> memref<1x128x64xf32, #tpu.memory_space<hbm>>
      %dma_wait3A_68 = tpu.memref_squeeze %dma_wait3A_67 : memref<1x128x64xf32, #tpu.memory_space<hbm>> -> memref<128x64xf32, #tpu.memory_space<hbm>>
      %dma_wait3A_69 = arith.constant 0 : i32
      %dma_wait3A_70 = tpu.memref_slice %arg5[%arg0, %add3A_39, %dma_wait3A_69] : memref<2x10240x64xf32, #tpu.memory_space<hbm>> -> memref<1x128x64xf32, #tpu.memory_space<hbm>>
      %dma_wait3A_71 = tpu.memref_squeeze %dma_wait3A_70 : memref<1x128x64xf32, #tpu.memory_space<hbm>> -> memref<128x64xf32, #tpu.memory_space<hbm>>
      %dma_wait3A_72 = arith.constant 0 : i32
      %dma_wait3A_73 = arith.constant 0 : i32
      %dma_wait3A_74 = tpu.memref_slice %arg8[%dma_wait3A_72, %dma_wait3A_73] : memref<256x64xf32, #tpu.memory_space<vmem>> -> memref<128x64xf32, #tpu.memory_space<vmem>>
      tpu.wait_dma2 semaphore(%run_scoped3A : memref<!tpu.dma_semaphore, #tpu.memory_space<semaphore_mem>>) src(%dma_wait3A_74 : memref<128x64xf32, #tpu.memory_space<vmem>>) dst(%dma_wait3A_71 : memref<128x64xf32, #tpu.memory_space<hbm>>)
      tpu.yield
    }) : () -> ()
    %mul3A_40 = arith.constant 640 : i32
    %mul3A_41 = arith.muli %arg1, %mul3A_40 : i32
    %add3A_42 = arith.constant 256 : i32
    %add3A_43 = arith.addi %mul3A_41, %add3A_42 : i32
    "tpu.region"() ({
      %run_scoped3A = tpu.sem_alloc : memref<!tpu.dma_semaphore, #tpu.memory_space<semaphore_mem>>
      %dma_start3A_52 = arith.constant 0 : i32
      %dma_start3A_53 = arith.constant 0 : i32
      %dma_start3A_54 = tpu.memref_slice %arg8[%dma_start3A_52, %dma_start3A_53] : memref<256x64xf32, #tpu.memory_space<vmem>> -> memref<128x64xf32, #tpu.memory_space<vmem>>
      %dma_start3A_55 = arith.constant 0 : i32
      %dma_start3A_56 = tpu.memref_slice %arg10[%add3A_43, %dma_start3A_55] : memref<10240x64xf32, #tpu.memory_space<vmem_shared>> -> memref<128x64xf32, #tpu.memory_space<vmem_shared>>
      %dma_start3A_57 = arith.constant 0 : i32
      %dma_start3A_58 = arith.constant 0 : i32
      %dma_start3A_59 = tpu.memref_slice %arg8[%dma_start3A_57, %dma_start3A_58] : memref<256x64xf32, #tpu.memory_space<vmem>> -> memref<128x64xf32, #tpu.memory_space<vmem>>
      %dma_start3A_60 = arith.constant 0 : i32
      %dma_start3A_61 = tpu.memref_slice %arg10[%add3A_43, %dma_start3A_60] : memref<10240x64xf32, #tpu.memory_space<vmem_shared>> -> memref<128x64xf32, #tpu.memory_space<vmem_shared>>
      tpu.enqueue_dma source(%dma_start3A_61 : memref<128x64xf32, #tpu.memory_space<vmem_shared>>) target(%dma_start3A_59 : memref<128x64xf32, #tpu.memory_space<vmem>>) target_semaphore(%run_scoped3A : memref<!tpu.dma_semaphore, #tpu.memory_space<semaphore_mem>>)
      %dma_wait3A = arith.constant 0 : i32
      %dma_wait3A_62 = arith.constant 0 : i32
      %dma_wait3A_63 = tpu.memref_slice %arg8[%dma_wait3A, %dma_wait3A_62] : memref<256x64xf32, #tpu.memory_space<vmem>> -> memref<128x64xf32, #tpu.memory_space<vmem>>
      %dma_wait3A_64 = arith.constant 0 : i32
      %dma_wait3A_65 = tpu.memref_slice %arg10[%add3A_43, %dma_wait3A_64] : memref<10240x64xf32, #tpu.memory_space<vmem_shared>> -> memref<128x64xf32, #tpu.memory_space<vmem_shared>>
      %dma_wait3A_66 = arith.constant 0 : i32
      %dma_wait3A_67 = arith.constant 0 : i32
      %dma_wait3A_68 = tpu.memref_slice %arg8[%dma_wait3A_66, %dma_wait3A_67] : memref<256x64xf32, #tpu.memory_space<vmem>> -> memref<128x64xf32, #tpu.memory_space<vmem>>
      %dma_wait3A_69 = arith.constant 0 : i32
      %dma_wait3A_70 = tpu.memref_slice %arg10[%add3A_43, %dma_wait3A_69] : memref<10240x64xf32, #tpu.memory_space<vmem_shared>> -> memref<128x64xf32, #tpu.memory_space<vmem_shared>>
      tpu.wait_dma2 semaphore(%run_scoped3A : memref<!tpu.dma_semaphore, #tpu.memory_space<semaphore_mem>>) src(%dma_wait3A_70 : memref<128x64xf32, #tpu.memory_space<vmem_shared>>) dst(%dma_wait3A_68 : memref<128x64xf32, #tpu.memory_space<vmem>>)
      tpu.yield
    }) : () -> ()
    "tpu.region"() ({
      %run_scoped3A = tpu.sem_alloc : memref<!tpu.dma_semaphore, #tpu.memory_space<semaphore_mem>>
      %dma_start3A_52 = arith.constant 0 : i32
      %dma_start3A_53 = arith.constant 0 : i32
      %dma_start3A_54 = tpu.memref_slice %arg8[%dma_start3A_52, %dma_start3A_53] : memref<256x64xf32, #tpu.memory_space<vmem>> -> memref<128x64xf32, #tpu.memory_space<vmem>>
      %dma_start3A_55 = arith.constant 0 : i32
      %dma_start3A_56 = tpu.memref_slice %arg5[%arg0, %add3A_43, %dma_start3A_55] : memref<2x10240x64xf32, #tpu.memory_space<hbm>> -> memref<1x128x64xf32, #tpu.memory_space<hbm>>
      %dma_start3A_57 = tpu.memref_squeeze %dma_start3A_56 : memref<1x128x64xf32, #tpu.memory_space<hbm>> -> memref<128x64xf32, #tpu.memory_space<hbm>>
      %dma_start3A_58 = arith.constant 0 : i32
      %dma_start3A_59 = tpu.memref_slice %arg5[%arg0, %add3A_43, %dma_start3A_58] : memref<2x10240x64xf32, #tpu.memory_space<hbm>> -> memref<1x128x64xf32, #tpu.memory_space<hbm>>
      %dma_start3A_60 = tpu.memref_squeeze %dma_start3A_59 : memref<1x128x64xf32, #tpu.memory_space<hbm>> -> memref<128x64xf32, #tpu.memory_space<hbm>>
      %dma_start3A_61 = arith.constant 0 : i32
      %dma_start3A_62 = arith.constant 0 : i32
      %dma_start3A_63 = tpu.memref_slice %arg8[%dma_start3A_61, %dma_start3A_62] : memref<256x64xf32, #tpu.memory_space<vmem>> -> memref<128x64xf32, #tpu.memory_space<vmem>>
      tpu.enqueue_dma source(%dma_start3A_63 : memref<128x64xf32, #tpu.memory_space<vmem>>) target(%dma_start3A_60 : memref<128x64xf32, #tpu.memory_space<hbm>>) target_semaphore(%run_scoped3A : memref<!tpu.dma_semaphore, #tpu.memory_space<semaphore_mem>>)
      %dma_wait3A = arith.constant 0 : i32
      %dma_wait3A_64 = arith.constant 0 : i32
      %dma_wait3A_65 = tpu.memref_slice %arg8[%dma_wait3A, %dma_wait3A_64] : memref<256x64xf32, #tpu.memory_space<vmem>> -> memref<128x64xf32, #tpu.memory_space<vmem>>
      %dma_wait3A_66 = arith.constant 0 : i32
      %dma_wait3A_67 = tpu.memref_slice %arg5[%arg0, %add3A_43, %dma_wait3A_66] : memref<2x10240x64xf32, #tpu.memory_space<hbm>> -> memref<1x128x64xf32, #tpu.memory_space<hbm>>
      %dma_wait3A_68 = tpu.memref_squeeze %dma_wait3A_67 : memref<1x128x64xf32, #tpu.memory_space<hbm>> -> memref<128x64xf32, #tpu.memory_space<hbm>>
      %dma_wait3A_69 = arith.constant 0 : i32
      %dma_wait3A_70 = tpu.memref_slice %arg5[%arg0, %add3A_43, %dma_wait3A_69] : memref<2x10240x64xf32, #tpu.memory_space<hbm>> -> memref<1x128x64xf32, #tpu.memory_space<hbm>>
      %dma_wait3A_71 = tpu.memref_squeeze %dma_wait3A_70 : memref<1x128x64xf32, #tpu.memory_space<hbm>> -> memref<128x64xf32, #tpu.memory_space<hbm>>
      %dma_wait3A_72 = arith.constant 0 : i32
      %dma_wait3A_73 = arith.constant 0 : i32
      %dma_wait3A_74 = tpu.memref_slice %arg8[%dma_wait3A_72, %dma_wait3A_73] : memref<256x64xf32, #tpu.memory_space<vmem>> -> memref<128x64xf32, #tpu.memory_space<vmem>>
      tpu.wait_dma2 semaphore(%run_scoped3A : memref<!tpu.dma_semaphore, #tpu.memory_space<semaphore_mem>>) src(%dma_wait3A_74 : memref<128x64xf32, #tpu.memory_space<vmem>>) dst(%dma_wait3A_71 : memref<128x64xf32, #tpu.memory_space<hbm>>)
      tpu.yield
    }) : () -> ()
    %mul3A_44 = arith.constant 640 : i32
    %mul3A_45 = arith.muli %arg1, %mul3A_44 : i32
    %add3A_46 = arith.constant 384 : i32
    %add3A_47 = arith.addi %mul3A_45, %add3A_46 : i32
    "tpu.region"() ({
      %run_scoped3A = tpu.sem_alloc : memref<!tpu.dma_semaphore, #tpu.memory_space<semaphore_mem>>
      %dma_start3A_52 = arith.constant 0 : i32
      %dma_start3A_53 = arith.constant 0 : i32
      %dma_start3A_54 = tpu.memref_slice %arg8[%dma_start3A_52, %dma_start3A_53] : memref<256x64xf32, #tpu.memory_space<vmem>> -> memref<128x64xf32, #tpu.memory_space<vmem>>
      %dma_start3A_55 = arith.constant 0 : i32
      %dma_start3A_56 = tpu.memref_slice %arg10[%add3A_47, %dma_start3A_55] : memref<10240x64xf32, #tpu.memory_space<vmem_shared>> -> memref<128x64xf32, #tpu.memory_space<vmem_shared>>
      %dma_start3A_57 = arith.constant 0 : i32
      %dma_start3A_58 = arith.constant 0 : i32
      %dma_start3A_59 = tpu.memref_slice %arg8[%dma_start3A_57, %dma_start3A_58] : memref<256x64xf32, #tpu.memory_space<vmem>> -> memref<128x64xf32, #tpu.memory_space<vmem>>
      %dma_start3A_60 = arith.constant 0 : i32
      %dma_start3A_61 = tpu.memref_slice %arg10[%add3A_47, %dma_start3A_60] : memref<10240x64xf32, #tpu.memory_space<vmem_shared>> -> memref<128x64xf32, #tpu.memory_space<vmem_shared>>
      tpu.enqueue_dma source(%dma_start3A_61 : memref<128x64xf32, #tpu.memory_space<vmem_shared>>) target(%dma_start3A_59 : memref<128x64xf32, #tpu.memory_space<vmem>>) target_semaphore(%run_scoped3A : memref<!tpu.dma_semaphore, #tpu.memory_space<semaphore_mem>>)
      %dma_wait3A = arith.constant 0 : i32
      %dma_wait3A_62 = arith.constant 0 : i32
      %dma_wait3A_63 = tpu.memref_slice %arg8[%dma_wait3A, %dma_wait3A_62] : memref<256x64xf32, #tpu.memory_space<vmem>> -> memref<128x64xf32, #tpu.memory_space<vmem>>
      %dma_wait3A_64 = arith.constant 0 : i32
      %dma_wait3A_65 = tpu.memref_slice %arg10[%add3A_47, %dma_wait3A_64] : memref<10240x64xf32, #tpu.memory_space<vmem_shared>> -> memref<128x64xf32, #tpu.memory_space<vmem_shared>>
      %dma_wait3A_66 = arith.constant 0 : i32
      %dma_wait3A_67 = arith.constant 0 : i32
      %dma_wait3A_68 = tpu.memref_slice %arg8[%dma_wait3A_66, %dma_wait3A_67] : memref<256x64xf32, #tpu.memory_space<vmem>> -> memref<128x64xf32, #tpu.memory_space<vmem>>
      %dma_wait3A_69 = arith.constant 0 : i32
      %dma_wait3A_70 = tpu.memref_slice %arg10[%add3A_47, %dma_wait3A_69] : memref<10240x64xf32, #tpu.memory_space<vmem_shared>> -> memref<128x64xf32, #tpu.memory_space<vmem_shared>>
      tpu.wait_dma2 semaphore(%run_scoped3A : memref<!tpu.dma_semaphore, #tpu.memory_space<semaphore_mem>>) src(%dma_wait3A_70 : memref<128x64xf32, #tpu.memory_space<vmem_shared>>) dst(%dma_wait3A_68 : memref<128x64xf32, #tpu.memory_space<vmem>>)
      tpu.yield
    }) : () -> ()
    "tpu.region"() ({
      %run_scoped3A = tpu.sem_alloc : memref<!tpu.dma_semaphore, #tpu.memory_space<semaphore_mem>>
      %dma_start3A_52 = arith.constant 0 : i32
      %dma_start3A_53 = arith.constant 0 : i32
      %dma_start3A_54 = tpu.memref_slice %arg8[%dma_start3A_52, %dma_start3A_53] : memref<256x64xf32, #tpu.memory_space<vmem>> -> memref<128x64xf32, #tpu.memory_space<vmem>>
      %dma_start3A_55 = arith.constant 0 : i32
      %dma_start3A_56 = tpu.memref_slice %arg5[%arg0, %add3A_47, %dma_start3A_55] : memref<2x10240x64xf32, #tpu.memory_space<hbm>> -> memref<1x128x64xf32, #tpu.memory_space<hbm>>
      %dma_start3A_57 = tpu.memref_squeeze %dma_start3A_56 : memref<1x128x64xf32, #tpu.memory_space<hbm>> -> memref<128x64xf32, #tpu.memory_space<hbm>>
      %dma_start3A_58 = arith.constant 0 : i32
      %dma_start3A_59 = tpu.memref_slice %arg5[%arg0, %add3A_47, %dma_start3A_58] : memref<2x10240x64xf32, #tpu.memory_space<hbm>> -> memref<1x128x64xf32, #tpu.memory_space<hbm>>
      %dma_start3A_60 = tpu.memref_squeeze %dma_start3A_59 : memref<1x128x64xf32, #tpu.memory_space<hbm>> -> memref<128x64xf32, #tpu.memory_space<hbm>>
      %dma_start3A_61 = arith.constant 0 : i32
      %dma_start3A_62 = arith.constant 0 : i32
      %dma_start3A_63 = tpu.memref_slice %arg8[%dma_start3A_61, %dma_start3A_62] : memref<256x64xf32, #tpu.memory_space<vmem>> -> memref<128x64xf32, #tpu.memory_space<vmem>>
      tpu.enqueue_dma source(%dma_start3A_63 : memref<128x64xf32, #tpu.memory_space<vmem>>) target(%dma_start3A_60 : memref<128x64xf32, #tpu.memory_space<hbm>>) target_semaphore(%run_scoped3A : memref<!tpu.dma_semaphore, #tpu.memory_space<semaphore_mem>>)
      %dma_wait3A = arith.constant 0 : i32
      %dma_wait3A_64 = arith.constant 0 : i32
      %dma_wait3A_65 = tpu.memref_slice %arg8[%dma_wait3A, %dma_wait3A_64] : memref<256x64xf32, #tpu.memory_space<vmem>> -> memref<128x64xf32, #tpu.memory_space<vmem>>
      %dma_wait3A_66 = arith.constant 0 : i32
      %dma_wait3A_67 = tpu.memref_slice %arg5[%arg0, %add3A_47, %dma_wait3A_66] : memref<2x10240x64xf32, #tpu.memory_space<hbm>> -> memref<1x128x64xf32, #tpu.memory_space<hbm>>
      %dma_wait3A_68 = tpu.memref_squeeze %dma_wait3A_67 : memref<1x128x64xf32, #tpu.memory_space<hbm>> -> memref<128x64xf32, #tpu.memory_space<hbm>>
      %dma_wait3A_69 = arith.constant 0 : i32
      %dma_wait3A_70 = tpu.memref_slice %arg5[%arg0, %add3A_47, %dma_wait3A_69] : memref<2x10240x64xf32, #tpu.memory_space<hbm>> -> memref<1x128x64xf32, #tpu.memory_space<hbm>>
      %dma_wait3A_71 = tpu.memref_squeeze %dma_wait3A_70 : memref<1x128x64xf32, #tpu.memory_space<hbm>> -> memref<128x64xf32, #tpu.memory_space<hbm>>
      %dma_wait3A_72 = arith.constant 0 : i32
      %dma_wait3A_73 = arith.constant 0 : i32
      %dma_wait3A_74 = tpu.memref_slice %arg8[%dma_wait3A_72, %dma_wait3A_73] : memref<256x64xf32, #tpu.memory_space<vmem>> -> memref<128x64xf32, #tpu.memory_space<vmem>>
      tpu.wait_dma2 semaphore(%run_scoped3A : memref<!tpu.dma_semaphore, #tpu.memory_space<semaphore_mem>>) src(%dma_wait3A_74 : memref<128x64xf32, #tpu.memory_space<vmem>>) dst(%dma_wait3A_71 : memref<128x64xf32, #tpu.memory_space<hbm>>)
      tpu.yield
    }) : () -> ()
    %mul3A_48 = arith.constant 640 : i32
    %mul3A_49 = arith.muli %arg1, %mul3A_48 : i32
    %add3A_50 = arith.constant 512 : i32
    %add3A_51 = arith.addi %mul3A_49, %add3A_50 : i32
    "tpu.region"() ({
      %run_scoped3A = tpu.sem_alloc : memref<!tpu.dma_semaphore, #tpu.memory_space<semaphore_mem>>
      %dma_start3A_52 = arith.constant 0 : i32
      %dma_start3A_53 = arith.constant 0 : i32
      %dma_start3A_54 = tpu.memref_slice %arg8[%dma_start3A_52, %dma_start3A_53] : memref<256x64xf32, #tpu.memory_space<vmem>> -> memref<128x64xf32, #tpu.memory_space<vmem>>
      %dma_start3A_55 = arith.constant 0 : i32
      %dma_start3A_56 = tpu.memref_slice %arg10[%add3A_51, %dma_start3A_55] : memref<10240x64xf32, #tpu.memory_space<vmem_shared>> -> memref<128x64xf32, #tpu.memory_space<vmem_shared>>
      %dma_start3A_57 = arith.constant 0 : i32
      %dma_start3A_58 = arith.constant 0 : i32
      %dma_start3A_59 = tpu.memref_slice %arg8[%dma_start3A_57, %dma_start3A_58] : memref<256x64xf32, #tpu.memory_space<vmem>> -> memref<128x64xf32, #tpu.memory_space<vmem>>
      %dma_start3A_60 = arith.constant 0 : i32
      %dma_start3A_61 = tpu.memref_slice %arg10[%add3A_51, %dma_start3A_60] : memref<10240x64xf32, #tpu.memory_space<vmem_shared>> -> memref<128x64xf32, #tpu.memory_space<vmem_shared>>
      tpu.enqueue_dma source(%dma_start3A_61 : memref<128x64xf32, #tpu.memory_space<vmem_shared>>) target(%dma_start3A_59 : memref<128x64xf32, #tpu.memory_space<vmem>>) target_semaphore(%run_scoped3A : memref<!tpu.dma_semaphore, #tpu.memory_space<semaphore_mem>>)
      %dma_wait3A = arith.constant 0 : i32
      %dma_wait3A_62 = arith.constant 0 : i32
      %dma_wait3A_63 = tpu.memref_slice %arg8[%dma_wait3A, %dma_wait3A_62] : memref<256x64xf32, #tpu.memory_space<vmem>> -> memref<128x64xf32, #tpu.memory_space<vmem>>
      %dma_wait3A_64 = arith.constant 0 : i32
      %dma_wait3A_65 = tpu.memref_slice %arg10[%add3A_51, %dma_wait3A_64] : memref<10240x64xf32, #tpu.memory_space<vmem_shared>> -> memref<128x64xf32, #tpu.memory_space<vmem_shared>>
      %dma_wait3A_66 = arith.constant 0 : i32
      %dma_wait3A_67 = arith.constant 0 : i32
      %dma_wait3A_68 = tpu.memref_slice %arg8[%dma_wait3A_66, %dma_wait3A_67] : memref<256x64xf32, #tpu.memory_space<vmem>> -> memref<128x64xf32, #tpu.memory_space<vmem>>
      %dma_wait3A_69 = arith.constant 0 : i32
      %dma_wait3A_70 = tpu.memref_slice %arg10[%add3A_51, %dma_wait3A_69] : memref<10240x64xf32, #tpu.memory_space<vmem_shared>> -> memref<128x64xf32, #tpu.memory_space<vmem_shared>>
      tpu.wait_dma2 semaphore(%run_scoped3A : memref<!tpu.dma_semaphore, #tpu.memory_space<semaphore_mem>>) src(%dma_wait3A_70 : memref<128x64xf32, #tpu.memory_space<vmem_shared>>) dst(%dma_wait3A_68 : memref<128x64xf32, #tpu.memory_space<vmem>>)
      tpu.yield
    }) : () -> ()
    "tpu.region"() ({
      %run_scoped3A = tpu.sem_alloc : memref<!tpu.dma_semaphore, #tpu.memory_space<semaphore_mem>>
      %dma_start3A_52 = arith.constant 0 : i32
      %dma_start3A_53 = arith.constant 0 : i32
      %dma_start3A_54 = tpu.memref_slice %arg8[%dma_start3A_52, %dma_start3A_53] : memref<256x64xf32, #tpu.memory_space<vmem>> -> memref<128x64xf32, #tpu.memory_space<vmem>>
      %dma_start3A_55 = arith.constant 0 : i32
      %dma_start3A_56 = tpu.memref_slice %arg5[%arg0, %add3A_51, %dma_start3A_55] : memref<2x10240x64xf32, #tpu.memory_space<hbm>> -> memref<1x128x64xf32, #tpu.memory_space<hbm>>
      %dma_start3A_57 = tpu.memref_squeeze %dma_start3A_56 : memref<1x128x64xf32, #tpu.memory_space<hbm>> -> memref<128x64xf32, #tpu.memory_space<hbm>>
      %dma_start3A_58 = arith.constant 0 : i32
      %dma_start3A_59 = tpu.memref_slice %arg5[%arg0, %add3A_51, %dma_start3A_58] : memref<2x10240x64xf32, #tpu.memory_space<hbm>> -> memref<1x128x64xf32, #tpu.memory_space<hbm>>
      %dma_start3A_60 = tpu.memref_squeeze %dma_start3A_59 : memref<1x128x64xf32, #tpu.memory_space<hbm>> -> memref<128x64xf32, #tpu.memory_space<hbm>>
      %dma_start3A_61 = arith.constant 0 : i32
      %dma_start3A_62 = arith.constant 0 : i32
      %dma_start3A_63 = tpu.memref_slice %arg8[%dma_start3A_61, %dma_start3A_62] : memref<256x64xf32, #tpu.memory_space<vmem>> -> memref<128x64xf32, #tpu.memory_space<vmem>>
      tpu.enqueue_dma source(%dma_start3A_63 : memref<128x64xf32, #tpu.memory_space<vmem>>) target(%dma_start3A_60 : memref<128x64xf32, #tpu.memory_space<hbm>>) target_semaphore(%run_scoped3A : memref<!tpu.dma_semaphore, #tpu.memory_space<semaphore_mem>>)
      %dma_wait3A = arith.constant 0 : i32
      %dma_wait3A_64 = arith.constant 0 : i32
      %dma_wait3A_65 = tpu.memref_slice %arg8[%dma_wait3A, %dma_wait3A_64] : memref<256x64xf32, #tpu.memory_space<vmem>> -> memref<128x64xf32, #tpu.memory_space<vmem>>
      %dma_wait3A_66 = arith.constant 0 : i32
      %dma_wait3A_67 = tpu.memref_slice %arg5[%arg0, %add3A_51, %dma_wait3A_66] : memref<2x10240x64xf32, #tpu.memory_space<hbm>> -> memref<1x128x64xf32, #tpu.memory_space<hbm>>
      %dma_wait3A_68 = tpu.memref_squeeze %dma_wait3A_67 : memref<1x128x64xf32, #tpu.memory_space<hbm>> -> memref<128x64xf32, #tpu.memory_space<hbm>>
      %dma_wait3A_69 = arith.constant 0 : i32
      %dma_wait3A_70 = tpu.memref_slice %arg5[%arg0, %add3A_51, %dma_wait3A_69] : memref<2x10240x64xf32, #tpu.memory_space<hbm>> -> memref<1x128x64xf32, #tpu.memory_space<hbm>>
      %dma_wait3A_71 = tpu.memref_squeeze %dma_wait3A_70 : memref<1x128x64xf32, #tpu.memory_space<hbm>> -> memref<128x64xf32, #tpu.memory_space<hbm>>
      %dma_wait3A_72 = arith.constant 0 : i32
      %dma_wait3A_73 = arith.constant 0 : i32
      %dma_wait3A_74 = tpu.memref_slice %arg8[%dma_wait3A_72, %dma_wait3A_73] : memref<256x64xf32, #tpu.memory_space<vmem>> -> memref<128x64xf32, #tpu.memory_space<vmem>>
      tpu.wait_dma2 semaphore(%run_scoped3A : memref<!tpu.dma_semaphore, #tpu.memory_space<semaphore_mem>>) src(%dma_wait3A_74 : memref<128x64xf32, #tpu.memory_space<vmem>>) dst(%dma_wait3A_71 : memref<128x64xf32, #tpu.memory_space<hbm>>)
      tpu.yield
    }) : () -> ()
    return
  }
}

#map = affine_map<(d0, d1) -> (0, 0)>
#map1 = affine_map<(d0, d1) -> (0, 0, 0)>
module attributes {stable_mosaic.version = 14 : i64} {
  func.func @_prop_body(%arg0: i32, %arg1: i32, %arg2: memref<20000x64xf32, #tpu.memory_space<hbm>>, %arg3: memref<2x1280x256xi32, #tpu.memory_space<hbm>>, %arg4: memref<1280x256xi32, #tpu.memory_space<hbm>>, %arg5: memref<2x10240x64xf32, #tpu.memory_space<hbm>>, %arg6: memref<80x256xi32, #tpu.memory_space<vmem>>, %arg7: memref<80x256xi32, #tpu.memory_space<vmem>>, %arg8: memref<256x64xf32, #tpu.memory_space<vmem>>, %arg9: memref<256x64xf32, #tpu.memory_space<vmem>>, %arg10: memref<10240x64xf32, #tpu.memory_space<vmem_shared>>, %arg11: memref<!tpu.dma_semaphore, #tpu.memory_space<semaphore_mem>>, %arg12: memref<!tpu.dma_semaphore, #tpu.memory_space<semaphore_mem>>) attributes {dimension_semantics = [#tpu.dimension_semantics<core_parallel>, #tpu.dimension_semantics<subcore_parallel>], iteration_bounds = array<i64: 2, 16>, scalar_prefetch = 0 : i64, scratch_operands = 7 : i64, tpu.core_type = #tpu.core_type<sc_vector_subcore>, window_params = [{transform_indices = #map}, {transform_indices = #map1}, {transform_indices = #map}, {transform_indices = #map1}]} {
    %broadcast_in_dim3A = arith.constant 0.000000e+00 : f32
    %broadcast_in_dim3A_0 = vector.broadcast %broadcast_in_dim3A : f32 to vector<16xf32>
    %scan3A = arith.constant 0 : i32
    %scan3A_1 = arith.constant 0 : i32
    %scan3A_2 = arith.constant 256 : i32
    %scan3A_3 = arith.addi %scan3A_1, %scan3A_2 : i32
    %scan3A_4 = arith.constant 1 : i32
    scf.for %scan3A_52 = %scan3A_1 to %scan3A_3 step %scan3A_4  : i32 {
      %swap3A = arith.index_cast %scan3A_52 : i32 to index
      %swap3A_53 = arith.constant 0 : index
      %swap3A_54 = tpu.vector_load %arg8[%swap3A, %swap3A_53] {strides = array<i32>} : memref<256x64xf32, #tpu.memory_space<vmem>>, vector<1x16xf32>,
      %swap3A_55 = vector.shape_cast %swap3A_54 : vector<1x16xf32> to vector<16xf32>
      %swap3A_56 = vector.shape_cast %broadcast_in_dim3A_0 : vector<16xf32> to vector<1x16xf32>
      tpu.vector_store %arg8[%swap3A, %swap3A_53], %swap3A_56 {strides = array<i32>} : memref<256x64xf32, #tpu.memory_space<vmem>>, vector<1x16xf32>,
      %swap3A_57 = arith.index_cast %scan3A_52 : i32 to index
      %swap3A_58 = arith.constant 16 : index
      %swap3A_59 = tpu.vector_load %arg8[%swap3A_57, %swap3A_58] {strides = array<i32>} : memref<256x64xf32, #tpu.memory_space<vmem>>, vector<1x16xf32>,
      %swap3A_60 = vector.shape_cast %swap3A_59 : vector<1x16xf32> to vector<16xf32>
      %swap3A_61 = vector.shape_cast %broadcast_in_dim3A_0 : vector<16xf32> to vector<1x16xf32>
      tpu.vector_store %arg8[%swap3A_57, %swap3A_58], %swap3A_61 {strides = array<i32>} : memref<256x64xf32, #tpu.memory_space<vmem>>, vector<1x16xf32>,
      %swap3A_62 = arith.index_cast %scan3A_52 : i32 to index
      %swap3A_63 = arith.constant 32 : index
      %swap3A_64 = tpu.vector_load %arg8[%swap3A_62, %swap3A_63] {strides = array<i32>} : memref<256x64xf32, #tpu.memory_space<vmem>>, vector<1x16xf32>,
      %swap3A_65 = vector.shape_cast %swap3A_64 : vector<1x16xf32> to vector<16xf32>
      %swap3A_66 = vector.shape_cast %broadcast_in_dim3A_0 : vector<16xf32> to vector<1x16xf32>
      tpu.vector_store %arg8[%swap3A_62, %swap3A_63], %swap3A_66 {strides = array<i32>} : memref<256x64xf32, #tpu.memory_space<vmem>>, vector<1x16xf32>,
      %swap3A_67 = arith.index_cast %scan3A_52 : i32 to index
      %swap3A_68 = arith.constant 48 : index
      %swap3A_69 = tpu.vector_load %arg8[%swap3A_67, %swap3A_68] {strides = array<i32>} : memref<256x64xf32, #tpu.memory_space<vmem>>, vector<1x16xf32>,
      %swap3A_70 = vector.shape_cast %swap3A_69 : vector<1x16xf32> to vector<16xf32>
      %swap3A_71 = vector.shape_cast %broadcast_in_dim3A_0 : vector<16xf32> to vector<1x16xf32>
      tpu.vector_store %arg8[%swap3A_67, %swap3A_68], %swap3A_71 {strides = array<i32>} : memref<256x64xf32, #tpu.memory_space<vmem>>, vector<1x16xf32>,
    }
    %scan3A_5 = arith.constant 256 : i32
    %mul3A = arith.constant 640 : i32
    %mul3A_6 = arith.muli %arg1, %mul3A : i32
    %add3A = arith.constant 0 : i32
    %add3A_7 = arith.addi %mul3A_6, %add3A : i32
    "tpu.region"() ({
      %run_scoped3A = tpu.sem_alloc : memref<!tpu.dma_semaphore, #tpu.memory_space<semaphore_mem>>
      %dma_start3A_52 = arith.constant 0 : i32
      %dma_start3A_53 = tpu.memref_slice %arg10[%add3A_7, %dma_start3A_52] : memref<10240x64xf32, #tpu.memory_space<vmem_shared>> -> memref<256x64xf32, #tpu.memory_space<vmem_shared>>
      %dma_start3A_54 = arith.constant 0 : i32
      %dma_start3A_55 = tpu.memref_slice %arg10[%add3A_7, %dma_start3A_54] : memref<10240x64xf32, #tpu.memory_space<vmem_shared>> -> memref<256x64xf32, #tpu.memory_space<vmem_shared>>
      tpu.enqueue_dma source(%arg8 : memref<256x64xf32, #tpu.memory_space<vmem>>) target(%dma_start3A_55 : memref<256x64xf32, #tpu.memory_space<vmem_shared>>) target_semaphore(%run_scoped3A : memref<!tpu.dma_semaphore, #tpu.memory_space<semaphore_mem>>)
      %dma_wait3A = arith.constant 0 : i32
      %dma_wait3A_56 = tpu.memref_slice %arg10[%add3A_7, %dma_wait3A] : memref<10240x64xf32, #tpu.memory_space<vmem_shared>> -> memref<256x64xf32, #tpu.memory_space<vmem_shared>>
      %dma_wait3A_57 = arith.constant 0 : i32
      %dma_wait3A_58 = tpu.memref_slice %arg10[%add3A_7, %dma_wait3A_57] : memref<10240x64xf32, #tpu.memory_space<vmem_shared>> -> memref<256x64xf32, #tpu.memory_space<vmem_shared>>
      tpu.wait_dma2 semaphore(%run_scoped3A : memref<!tpu.dma_semaphore, #tpu.memory_space<semaphore_mem>>) src(%arg8 : memref<256x64xf32, #tpu.memory_space<vmem>>) dst(%dma_wait3A_58 : memref<256x64xf32, #tpu.memory_space<vmem_shared>>)
      tpu.yield
    }) : () -> ()
    %mul3A_8 = arith.constant 640 : i32
    %mul3A_9 = arith.muli %arg1, %mul3A_8 : i32
    %add3A_10 = arith.constant 256 : i32
    %add3A_11 = arith.addi %mul3A_9, %add3A_10 : i32
    "tpu.region"() ({
      %run_scoped3A = tpu.sem_alloc : memref<!tpu.dma_semaphore, #tpu.memory_space<semaphore_mem>>
      %dma_start3A_52 = arith.constant 0 : i32
      %dma_start3A_53 = tpu.memref_slice %arg10[%add3A_11, %dma_start3A_52] : memref<10240x64xf32, #tpu.memory_space<vmem_shared>> -> memref<256x64xf32, #tpu.memory_space<vmem_shared>>
      %dma_start3A_54 = arith.constant 0 : i32
      %dma_start3A_55 = tpu.memref_slice %arg10[%add3A_11, %dma_start3A_54] : memref<10240x64xf32, #tpu.memory_space<vmem_shared>> -> memref<256x64xf32, #tpu.memory_space<vmem_shared>>
      tpu.enqueue_dma source(%arg8 : memref<256x64xf32, #tpu.memory_space<vmem>>) target(%dma_start3A_55 : memref<256x64xf32, #tpu.memory_space<vmem_shared>>) target_semaphore(%run_scoped3A : memref<!tpu.dma_semaphore, #tpu.memory_space<semaphore_mem>>)
      %dma_wait3A = arith.constant 0 : i32
      %dma_wait3A_56 = tpu.memref_slice %arg10[%add3A_11, %dma_wait3A] : memref<10240x64xf32, #tpu.memory_space<vmem_shared>> -> memref<256x64xf32, #tpu.memory_space<vmem_shared>>
      %dma_wait3A_57 = arith.constant 0 : i32
      %dma_wait3A_58 = tpu.memref_slice %arg10[%add3A_11, %dma_wait3A_57] : memref<10240x64xf32, #tpu.memory_space<vmem_shared>> -> memref<256x64xf32, #tpu.memory_space<vmem_shared>>
      tpu.wait_dma2 semaphore(%run_scoped3A : memref<!tpu.dma_semaphore, #tpu.memory_space<semaphore_mem>>) src(%arg8 : memref<256x64xf32, #tpu.memory_space<vmem>>) dst(%dma_wait3A_58 : memref<256x64xf32, #tpu.memory_space<vmem_shared>>)
      tpu.yield
    }) : () -> ()
    %mul3A_12 = arith.constant 640 : i32
    %mul3A_13 = arith.muli %arg1, %mul3A_12 : i32
    %add3A_14 = arith.constant 640 : i32
    %add3A_15 = arith.addi %mul3A_13, %add3A_14 : i32
    %sub3A = arith.constant 128 : i32
    %sub3A_16 = arith.subi %add3A_15, %sub3A : i32
    "tpu.region"() ({
      %run_scoped3A = tpu.sem_alloc : memref<!tpu.dma_semaphore, #tpu.memory_space<semaphore_mem>>
      %dma_start3A_52 = arith.constant 0 : i32
      %dma_start3A_53 = arith.constant 0 : i32
      %dma_start3A_54 = tpu.memref_slice %arg8[%dma_start3A_52, %dma_start3A_53] : memref<256x64xf32, #tpu.memory_space<vmem>> -> memref<128x64xf32, #tpu.memory_space<vmem>>
      %dma_start3A_55 = arith.constant 0 : i32
      %dma_start3A_56 = tpu.memref_slice %arg10[%sub3A_16, %dma_start3A_55] : memref<10240x64xf32, #tpu.memory_space<vmem_shared>> -> memref<128x64xf32, #tpu.memory_space<vmem_shared>>
      %dma_start3A_57 = arith.constant 0 : i32
      %dma_start3A_58 = tpu.memref_slice %arg10[%sub3A_16, %dma_start3A_57] : memref<10240x64xf32, #tpu.memory_space<vmem_shared>> -> memref<128x64xf32, #tpu.memory_space<vmem_shared>>
      %dma_start3A_59 = arith.constant 0 : i32
      %dma_start3A_60 = arith.constant 0 : i32
      %dma_start3A_61 = tpu.memref_slice %arg8[%dma_start3A_59, %dma_start3A_60] : memref<256x64xf32, #tpu.memory_space<vmem>> -> memref<128x64xf32, #tpu.memory_space<vmem>>
      tpu.enqueue_dma source(%dma_start3A_61 : memref<128x64xf32, #tpu.memory_space<vmem>>) target(%dma_start3A_58 : memref<128x64xf32, #tpu.memory_space<vmem_shared>>) target_semaphore(%run_scoped3A : memref<!tpu.dma_semaphore, #tpu.memory_space<semaphore_mem>>)
      %dma_wait3A = arith.constant 0 : i32
      %dma_wait3A_62 = arith.constant 0 : i32
      %dma_wait3A_63 = tpu.memref_slice %arg8[%dma_wait3A, %dma_wait3A_62] : memref<256x64xf32, #tpu.memory_space<vmem>> -> memref<128x64xf32, #tpu.memory_space<vmem>>
      %dma_wait3A_64 = arith.constant 0 : i32
      %dma_wait3A_65 = tpu.memref_slice %arg10[%sub3A_16, %dma_wait3A_64] : memref<10240x64xf32, #tpu.memory_space<vmem_shared>> -> memref<128x64xf32, #tpu.memory_space<vmem_shared>>
      %dma_wait3A_66 = arith.constant 0 : i32
      %dma_wait3A_67 = tpu.memref_slice %arg10[%sub3A_16, %dma_wait3A_66] : memref<10240x64xf32, #tpu.memory_space<vmem_shared>> -> memref<128x64xf32, #tpu.memory_space<vmem_shared>>
      %dma_wait3A_68 = arith.constant 0 : i32
      %dma_wait3A_69 = arith.constant 0 : i32
      %dma_wait3A_70 = tpu.memref_slice %arg8[%dma_wait3A_68, %dma_wait3A_69] : memref<256x64xf32, #tpu.memory_space<vmem>> -> memref<128x64xf32, #tpu.memory_space<vmem>>
      tpu.wait_dma2 semaphore(%run_scoped3A : memref<!tpu.dma_semaphore, #tpu.memory_space<semaphore_mem>>) src(%dma_wait3A_70 : memref<128x64xf32, #tpu.memory_space<vmem>>) dst(%dma_wait3A_67 : memref<128x64xf32, #tpu.memory_space<vmem_shared>>)
      tpu.yield
    }) : () -> ()
    %barrier3A = arith.constant 0 : index
    tpu.barrier barrier_id(%barrier3A)
    %mul3A_17 = arith.constant 80 : i32
    %mul3A_18 = arith.muli %arg1, %mul3A_17 : i32
    "tpu.region"() ({
      %run_scoped3A = tpu.sem_alloc : memref<!tpu.dma_semaphore, #tpu.memory_space<semaphore_mem>>
      %dma_start3A_52 = arith.constant 0 : i32
      %dma_start3A_53 = tpu.memref_slice %arg3[%arg0, %mul3A_18, %dma_start3A_52] : memref<2x1280x256xi32, #tpu.memory_space<hbm>> -> memref<1x80x256xi32, #tpu.memory_space<hbm>>
      %dma_start3A_54 = tpu.memref_squeeze %dma_start3A_53 : memref<1x80x256xi32, #tpu.memory_space<hbm>> -> memref<80x256xi32, #tpu.memory_space<hbm>>
      %dma_start3A_55 = arith.constant 0 : i32
      %dma_start3A_56 = tpu.memref_slice %arg3[%arg0, %mul3A_18, %dma_start3A_55] : memref<2x1280x256xi32, #tpu.memory_space<hbm>> -> memref<1x80x256xi32, #tpu.memory_space<hbm>>
      %dma_start3A_57 = tpu.memref_squeeze %dma_start3A_56 : memref<1x80x256xi32, #tpu.memory_space<hbm>> -> memref<80x256xi32, #tpu.memory_space<hbm>>
      tpu.enqueue_dma source(%dma_start3A_57 : memref<80x256xi32, #tpu.memory_space<hbm>>) target(%arg6 : memref<80x256xi32, #tpu.memory_space<vmem>>) target_semaphore(%run_scoped3A : memref<!tpu.dma_semaphore, #tpu.memory_space<semaphore_mem>>)
      %dma_wait3A = arith.constant 0 : i32
      %dma_wait3A_58 = tpu.memref_slice %arg3[%arg0, %mul3A_18, %dma_wait3A] : memref<2x1280x256xi32, #tpu.memory_space<hbm>> -> memref<1x80x256xi32, #tpu.memory_space<hbm>>
      %dma_wait3A_59 = tpu.memref_squeeze %dma_wait3A_58 : memref<1x80x256xi32, #tpu.memory_space<hbm>> -> memref<80x256xi32, #tpu.memory_space<hbm>>
      %dma_wait3A_60 = arith.constant 0 : i32
      %dma_wait3A_61 = tpu.memref_slice %arg3[%arg0, %mul3A_18, %dma_wait3A_60] : memref<2x1280x256xi32, #tpu.memory_space<hbm>> -> memref<1x80x256xi32, #tpu.memory_space<hbm>>
      %dma_wait3A_62 = tpu.memref_squeeze %dma_wait3A_61 : memref<1x80x256xi32, #tpu.memory_space<hbm>> -> memref<80x256xi32, #tpu.memory_space<hbm>>
      tpu.wait_dma2 semaphore(%run_scoped3A : memref<!tpu.dma_semaphore, #tpu.memory_space<semaphore_mem>>) src(%dma_wait3A_62 : memref<80x256xi32, #tpu.memory_space<hbm>>) dst(%arg6 : memref<80x256xi32, #tpu.memory_space<vmem>>)
      tpu.yield
    }) : () -> ()
    "tpu.region"() ({
      %run_scoped3A = tpu.sem_alloc : memref<!tpu.dma_semaphore, #tpu.memory_space<semaphore_mem>>
      %dma_start3A_52 = arith.constant 0 : i32
      %dma_start3A_53 = tpu.memref_slice %arg4[%mul3A_18, %dma_start3A_52] : memref<1280x256xi32, #tpu.memory_space<hbm>> -> memref<80x256xi32, #tpu.memory_space<hbm>>
      %dma_start3A_54 = arith.constant 0 : i32
      %dma_start3A_55 = tpu.memref_slice %arg4[%mul3A_18, %dma_start3A_54] : memref<1280x256xi32, #tpu.memory_space<hbm>> -> memref<80x256xi32, #tpu.memory_space<hbm>>
      tpu.enqueue_dma source(%dma_start3A_55 : memref<80x256xi32, #tpu.memory_space<hbm>>) target(%arg7 : memref<80x256xi32, #tpu.memory_space<vmem>>) target_semaphore(%run_scoped3A : memref<!tpu.dma_semaphore, #tpu.memory_space<semaphore_mem>>)
      %dma_wait3A = arith.constant 0 : i32
      %dma_wait3A_56 = tpu.memref_slice %arg4[%mul3A_18, %dma_wait3A] : memref<1280x256xi32, #tpu.memory_space<hbm>> -> memref<80x256xi32, #tpu.memory_space<hbm>>
      %dma_wait3A_57 = arith.constant 0 : i32
      %dma_wait3A_58 = tpu.memref_slice %arg4[%mul3A_18, %dma_wait3A_57] : memref<1280x256xi32, #tpu.memory_space<hbm>> -> memref<80x256xi32, #tpu.memory_space<hbm>>
      tpu.wait_dma2 semaphore(%run_scoped3A : memref<!tpu.dma_semaphore, #tpu.memory_space<semaphore_mem>>) src(%dma_wait3A_58 : memref<80x256xi32, #tpu.memory_space<hbm>>) dst(%arg7 : memref<80x256xi32, #tpu.memory_space<vmem>>)
      tpu.yield
    }) : () -> ()
    %dma_start3A = arith.constant 0 : i32
    %dma_start3A_19 = arith.constant 0 : i32
    %dma_start3A_20 = tpu.memref_slice %arg6[%dma_start3A, %dma_start3A_19] : memref<80x256xi32, #tpu.memory_space<vmem>> -> memref<1x256xi32, #tpu.memory_space<vmem>>
    %dma_start3A_21 = tpu.memref_squeeze %dma_start3A_20 : memref<1x256xi32, #tpu.memory_space<vmem>> -> memref<256xi32, #tpu.memory_space<vmem>>
    %dma_start3A_22 = arith.constant 0 : i32
    %dma_start3A_23 = arith.constant 0 : i32
    %dma_start3A_24 = tpu.memref_slice %arg2[%dma_start3A_22, %dma_start3A_23] : memref<20000x64xf32, #tpu.memory_space<hbm>> -> memref<20000x64xf32, #tpu.memory_space<hbm>>
    tpu.enqueue_indirect_dma source(%dma_start3A_24 : memref<20000x64xf32, #tpu.memory_space<hbm>>) target(%arg8 : memref<256x64xf32, #tpu.memory_space<vmem>>) offsets(%dma_start3A_21 : memref<256xi32, #tpu.memory_space<vmem>>) semaphore(%arg11 : memref<!tpu.dma_semaphore, #tpu.memory_space<semaphore_mem>>)
    %scan3A_25 = arith.constant 0 : i32
    %scan3A_26 = arith.constant 0 : i32
    %scan3A_27 = arith.constant 40 : i32
    %scan3A_28 = arith.addi %scan3A_26, %scan3A_27 : i32
    %scan3A_29 = arith.constant 1 : i32
    scf.for %scan3A_52 = %scan3A_26 to %scan3A_28 step %scan3A_29  : i32 {
      %mul3A_53 = arith.constant 2 : i32
      %mul3A_54 = arith.muli %scan3A_52, %mul3A_53 : i32
      %dma_wait3A = arith.constant 0 : i32
      %dma_wait3A_55 = tpu.memref_slice %arg6[%mul3A_54, %dma_wait3A] : memref<80x256xi32, #tpu.memory_space<vmem>> -> memref<1x256xi32, #tpu.memory_space<vmem>>
      %dma_wait3A_56 = tpu.memref_squeeze %dma_wait3A_55 : memref<1x256xi32, #tpu.memory_space<vmem>> -> memref<256xi32, #tpu.memory_space<vmem>>
      %dma_wait3A_57 = arith.constant 0 : i32
      %dma_wait3A_58 = arith.constant 0 : i32
      %dma_wait3A_59 = tpu.memref_slice %arg2[%dma_wait3A_57, %dma_wait3A_58] : memref<20000x64xf32, #tpu.memory_space<hbm>> -> memref<20000x64xf32, #tpu.memory_space<hbm>>
      tpu.wait_indirect_dma semaphore(%arg11 : memref<!tpu.dma_semaphore, #tpu.memory_space<semaphore_mem>>) src(%dma_wait3A_59 : memref<20000x64xf32, #tpu.memory_space<hbm>>) dst(%arg8 : memref<256x64xf32, #tpu.memory_space<vmem>>)
      %add3A_60 = arith.constant 1 : i32
      %add3A_61 = arith.addi %mul3A_54, %add3A_60 : i32
      %dma_start3A_62 = arith.constant 0 : i32
      %dma_start3A_63 = tpu.memref_slice %arg6[%add3A_61, %dma_start3A_62] : memref<80x256xi32, #tpu.memory_space<vmem>> -> memref<1x256xi32, #tpu.memory_space<vmem>>
      %dma_start3A_64 = tpu.memref_squeeze %dma_start3A_63 : memref<1x256xi32, #tpu.memory_space<vmem>> -> memref<256xi32, #tpu.memory_space<vmem>>
      %dma_start3A_65 = arith.constant 0 : i32
      %dma_start3A_66 = arith.constant 0 : i32
      %dma_start3A_67 = tpu.memref_slice %arg2[%dma_start3A_65, %dma_start3A_66] : memref<20000x64xf32, #tpu.memory_space<hbm>> -> memref<20000x64xf32, #tpu.memory_space<hbm>>
      tpu.enqueue_indirect_dma source(%dma_start3A_67 : memref<20000x64xf32, #tpu.memory_space<hbm>>) target(%arg9 : memref<256x64xf32, #tpu.memory_space<vmem>>) offsets(%dma_start3A_64 : memref<256xi32, #tpu.memory_space<vmem>>) semaphore(%arg12 : memref<!tpu.dma_semaphore, #tpu.memory_space<semaphore_mem>>)
      "tpu.region"() ({
        %run_scoped3A = tpu.sem_alloc : memref<!tpu.dma_semaphore, #tpu.memory_space<semaphore_mem>>
        %dma_start3A_82 = arith.constant 0 : i32
        %dma_start3A_83 = tpu.memref_slice %arg7[%mul3A_54, %dma_start3A_82] : memref<80x256xi32, #tpu.memory_space<vmem>> -> memref<1x256xi32, #tpu.memory_space<vmem>>
        %dma_start3A_84 = tpu.memref_squeeze %dma_start3A_83 : memref<1x256xi32, #tpu.memory_space<vmem>> -> memref<256xi32, #tpu.memory_space<vmem>>
        %dma_start3A_85 = arith.constant 0 : i32
        %dma_start3A_86 = arith.constant 0 : i32
        %dma_start3A_87 = tpu.memref_slice %arg10[%dma_start3A_85, %dma_start3A_86] : memref<10240x64xf32, #tpu.memory_space<vmem_shared>> -> memref<10240x64xf32, #tpu.memory_space<vmem_shared>>
        tpu.enqueue_indirect_dma source(%arg8 : memref<256x64xf32, #tpu.memory_space<vmem>>) target(%dma_start3A_87 : memref<10240x64xf32, #tpu.memory_space<vmem_shared>>) offsets(%dma_start3A_84 : memref<256xi32, #tpu.memory_space<vmem>>) semaphore(%run_scoped3A : memref<!tpu.dma_semaphore, #tpu.memory_space<semaphore_mem>>) {add = true}
        %dma_wait3A_88 = arith.constant 0 : i32
        %dma_wait3A_89 = tpu.memref_slice %arg7[%mul3A_54, %dma_wait3A_88] : memref<80x256xi32, #tpu.memory_space<vmem>> -> memref<1x256xi32, #tpu.memory_space<vmem>>
        %dma_wait3A_90 = tpu.memref_squeeze %dma_wait3A_89 : memref<1x256xi32, #tpu.memory_space<vmem>> -> memref<256xi32, #tpu.memory_space<vmem>>
        %dma_wait3A_91 = arith.constant 0 : i32
        %dma_wait3A_92 = arith.constant 0 : i32
        %dma_wait3A_93 = tpu.memref_slice %arg10[%dma_wait3A_91, %dma_wait3A_92] : memref<10240x64xf32, #tpu.memory_space<vmem_shared>> -> memref<10240x64xf32, #tpu.memory_space<vmem_shared>>
        tpu.wait_indirect_dma semaphore(%run_scoped3A : memref<!tpu.dma_semaphore, #tpu.memory_space<semaphore_mem>>) src(%arg8 : memref<256x64xf32, #tpu.memory_space<vmem>>) dst(%dma_wait3A_93 : memref<10240x64xf32, #tpu.memory_space<vmem_shared>>)
        tpu.yield
      }) : () -> ()
      %add3A_68 = arith.constant 1 : i32
      %add3A_69 = arith.addi %mul3A_54, %add3A_68 : i32
      %dma_wait3A_70 = arith.constant 0 : i32
      %dma_wait3A_71 = tpu.memref_slice %arg6[%add3A_69, %dma_wait3A_70] : memref<80x256xi32, #tpu.memory_space<vmem>> -> memref<1x256xi32, #tpu.memory_space<vmem>>
      %dma_wait3A_72 = tpu.memref_squeeze %dma_wait3A_71 : memref<1x256xi32, #tpu.memory_space<vmem>> -> memref<256xi32, #tpu.memory_space<vmem>>
      %dma_wait3A_73 = arith.constant 0 : i32
      %dma_wait3A_74 = arith.constant 0 : i32
      %dma_wait3A_75 = tpu.memref_slice %arg2[%dma_wait3A_73, %dma_wait3A_74] : memref<20000x64xf32, #tpu.memory_space<hbm>> -> memref<20000x64xf32, #tpu.memory_space<hbm>>
      tpu.wait_indirect_dma semaphore(%arg12 : memref<!tpu.dma_semaphore, #tpu.memory_space<semaphore_mem>>) src(%dma_wait3A_75 : memref<20000x64xf32, #tpu.memory_space<hbm>>) dst(%arg9 : memref<256x64xf32, #tpu.memory_space<vmem>>)
      %add3A_76 = arith.constant 2 : i32
      %add3A_77 = arith.addi %mul3A_54, %add3A_76 : i32
      %lt3A = arith.constant 80 : i32
      %lt3A_78 = arith.cmpi slt, %add3A_77, %lt3A : i32
      %convert_element_type3A = arith.extui %lt3A_78 : i1 to i32
      %cond3A = arith.constant 0 : i32
      %cond3A_79 = arith.cmpi ne, %convert_element_type3A, %cond3A : i32
      scf.if %cond3A_79 {
        %add3A_82 = arith.constant 2 : i32
        %add3A_83 = arith.addi %mul3A_54, %add3A_82 : i32
        %dma_start3A_84 = arith.constant 0 : i32
        %dma_start3A_85 = tpu.memref_slice %arg6[%add3A_83, %dma_start3A_84] : memref<80x256xi32, #tpu.memory_space<vmem>> -> memref<1x256xi32, #tpu.memory_space<vmem>>
        %dma_start3A_86 = tpu.memref_squeeze %dma_start3A_85 : memref<1x256xi32, #tpu.memory_space<vmem>> -> memref<256xi32, #tpu.memory_space<vmem>>
        %dma_start3A_87 = arith.constant 0 : i32
        %dma_start3A_88 = arith.constant 0 : i32
        %dma_start3A_89 = tpu.memref_slice %arg2[%dma_start3A_87, %dma_start3A_88] : memref<20000x64xf32, #tpu.memory_space<hbm>> -> memref<20000x64xf32, #tpu.memory_space<hbm>>
        tpu.enqueue_indirect_dma source(%dma_start3A_89 : memref<20000x64xf32, #tpu.memory_space<hbm>>) target(%arg8 : memref<256x64xf32, #tpu.memory_space<vmem>>) offsets(%dma_start3A_86 : memref<256xi32, #tpu.memory_space<vmem>>) semaphore(%arg11 : memref<!tpu.dma_semaphore, #tpu.memory_space<semaphore_mem>>)
      } else {
      }
      %add3A_80 = arith.constant 1 : i32
      %add3A_81 = arith.addi %mul3A_54, %add3A_80 : i32
      "tpu.region"() ({
        %run_scoped3A = tpu.sem_alloc : memref<!tpu.dma_semaphore, #tpu.memory_space<semaphore_mem>>
        %dma_start3A_82 = arith.constant 0 : i32
        %dma_start3A_83 = tpu.memref_slice %arg7[%add3A_81, %dma_start3A_82] : memref<80x256xi32, #tpu.memory_space<vmem>> -> memref<1x256xi32, #tpu.memory_space<vmem>>
        %dma_start3A_84 = tpu.memref_squeeze %dma_start3A_83 : memref<1x256xi32, #tpu.memory_space<vmem>> -> memref<256xi32, #tpu.memory_space<vmem>>
        %dma_start3A_85 = arith.constant 0 : i32
        %dma_start3A_86 = arith.constant 0 : i32
        %dma_start3A_87 = tpu.memref_slice %arg10[%dma_start3A_85, %dma_start3A_86] : memref<10240x64xf32, #tpu.memory_space<vmem_shared>> -> memref<10240x64xf32, #tpu.memory_space<vmem_shared>>
        tpu.enqueue_indirect_dma source(%arg9 : memref<256x64xf32, #tpu.memory_space<vmem>>) target(%dma_start3A_87 : memref<10240x64xf32, #tpu.memory_space<vmem_shared>>) offsets(%dma_start3A_84 : memref<256xi32, #tpu.memory_space<vmem>>) semaphore(%run_scoped3A : memref<!tpu.dma_semaphore, #tpu.memory_space<semaphore_mem>>) {add = true}
        %dma_wait3A_88 = arith.constant 0 : i32
        %dma_wait3A_89 = tpu.memref_slice %arg7[%add3A_81, %dma_wait3A_88] : memref<80x256xi32, #tpu.memory_space<vmem>> -> memref<1x256xi32, #tpu.memory_space<vmem>>
        %dma_wait3A_90 = tpu.memref_squeeze %dma_wait3A_89 : memref<1x256xi32, #tpu.memory_space<vmem>> -> memref<256xi32, #tpu.memory_space<vmem>>
        %dma_wait3A_91 = arith.constant 0 : i32
        %dma_wait3A_92 = arith.constant 0 : i32
        %dma_wait3A_93 = tpu.memref_slice %arg10[%dma_wait3A_91, %dma_wait3A_92] : memref<10240x64xf32, #tpu.memory_space<vmem_shared>> -> memref<10240x64xf32, #tpu.memory_space<vmem_shared>>
        tpu.wait_indirect_dma semaphore(%run_scoped3A : memref<!tpu.dma_semaphore, #tpu.memory_space<semaphore_mem>>) src(%arg9 : memref<256x64xf32, #tpu.memory_space<vmem>>) dst(%dma_wait3A_93 : memref<10240x64xf32, #tpu.memory_space<vmem_shared>>)
        tpu.yield
      }) : () -> ()
    }
    %scan3A_30 = arith.constant 40 : i32
    %barrier3A_31 = arith.constant 0 : index
    tpu.barrier barrier_id(%barrier3A_31)
    %mul3A_32 = arith.constant 640 : i32
    %mul3A_33 = arith.muli %arg1, %mul3A_32 : i32
    %add3A_34 = arith.constant 0 : i32
    %add3A_35 = arith.addi %mul3A_33, %add3A_34 : i32
    "tpu.region"() ({
      %run_scoped3A = tpu.sem_alloc : memref<!tpu.dma_semaphore, #tpu.memory_space<semaphore_mem>>
      %dma_start3A_52 = arith.constant 0 : i32
      %dma_start3A_53 = arith.constant 0 : i32
      %dma_start3A_54 = tpu.memref_slice %arg8[%dma_start3A_52, %dma_start3A_53] : memref<256x64xf32, #tpu.memory_space<vmem>> -> memref<128x64xf32, #tpu.memory_space<vmem>>
      %dma_start3A_55 = arith.constant 0 : i32
      %dma_start3A_56 = tpu.memref_slice %arg10[%add3A_35, %dma_start3A_55] : memref<10240x64xf32, #tpu.memory_space<vmem_shared>> -> memref<128x64xf32, #tpu.memory_space<vmem_shared>>
      %dma_start3A_57 = arith.constant 0 : i32
      %dma_start3A_58 = arith.constant 0 : i32
      %dma_start3A_59 = tpu.memref_slice %arg8[%dma_start3A_57, %dma_start3A_58] : memref<256x64xf32, #tpu.memory_space<vmem>> -> memref<128x64xf32, #tpu.memory_space<vmem>>
      %dma_start3A_60 = arith.constant 0 : i32
      %dma_start3A_61 = tpu.memref_slice %arg10[%add3A_35, %dma_start3A_60] : memref<10240x64xf32, #tpu.memory_space<vmem_shared>> -> memref<128x64xf32, #tpu.memory_space<vmem_shared>>
      tpu.enqueue_dma source(%dma_start3A_61 : memref<128x64xf32, #tpu.memory_space<vmem_shared>>) target(%dma_start3A_59 : memref<128x64xf32, #tpu.memory_space<vmem>>) target_semaphore(%run_scoped3A : memref<!tpu.dma_semaphore, #tpu.memory_space<semaphore_mem>>)
      %dma_wait3A = arith.constant 0 : i32
      %dma_wait3A_62 = arith.constant 0 : i32
      %dma_wait3A_63 = tpu.memref_slice %arg8[%dma_wait3A, %dma_wait3A_62] : memref<256x64xf32, #tpu.memory_space<vmem>> -> memref<128x64xf32, #tpu.memory_space<vmem>>
      %dma_wait3A_64 = arith.constant 0 : i32
      %dma_wait3A_65 = tpu.memref_slice %arg10[%add3A_35, %dma_wait3A_64] : memref<10240x64xf32, #tpu.memory_space<vmem_shared>> -> memref<128x64xf32, #tpu.memory_space<vmem_shared>>
      %dma_wait3A_66 = arith.constant 0 : i32
      %dma_wait3A_67 = arith.constant 0 : i32
      %dma_wait3A_68 = tpu.memref_slice %arg8[%dma_wait3A_66, %dma_wait3A_67] : memref<256x64xf32, #tpu.memory_space<vmem>> -> memref<128x64xf32, #tpu.memory_space<vmem>>
      %dma_wait3A_69 = arith.constant 0 : i32
      %dma_wait3A_70 = tpu.memref_slice %arg10[%add3A_35, %dma_wait3A_69] : memref<10240x64xf32, #tpu.memory_space<vmem_shared>> -> memref<128x64xf32, #tpu.memory_space<vmem_shared>>
      tpu.wait_dma2 semaphore(%run_scoped3A : memref<!tpu.dma_semaphore, #tpu.memory_space<semaphore_mem>>) src(%dma_wait3A_70 : memref<128x64xf32, #tpu.memory_space<vmem_shared>>) dst(%dma_wait3A_68 : memref<128x64xf32, #tpu.memory_space<vmem>>)
      tpu.yield
    }) : () -> ()
    "tpu.region"() ({
      %run_scoped3A = tpu.sem_alloc : memref<!tpu.dma_semaphore, #tpu.memory_space<semaphore_mem>>
      %dma_start3A_52 = arith.constant 0 : i32
      %dma_start3A_53 = arith.constant 0 : i32
      %dma_start3A_54 = tpu.memref_slice %arg8[%dma_start3A_52, %dma_start3A_53] : memref<256x64xf32, #tpu.memory_space<vmem>> -> memref<128x64xf32, #tpu.memory_space<vmem>>
      %dma_start3A_55 = arith.constant 0 : i32
      %dma_start3A_56 = tpu.memref_slice %arg5[%arg0, %add3A_35, %dma_start3A_55] : memref<2x10240x64xf32, #tpu.memory_space<hbm>> -> memref<1x128x64xf32, #tpu.memory_space<hbm>>
      %dma_start3A_57 = tpu.memref_squeeze %dma_start3A_56 : memref<1x128x64xf32, #tpu.memory_space<hbm>> -> memref<128x64xf32, #tpu.memory_space<hbm>>
      %dma_start3A_58 = arith.constant 0 : i32
      %dma_start3A_59 = tpu.memref_slice %arg5[%arg0, %add3A_35, %dma_start3A_58] : memref<2x10240x64xf32, #tpu.memory_space<hbm>> -> memref<1x128x64xf32, #tpu.memory_space<hbm>>
      %dma_start3A_60 = tpu.memref_squeeze %dma_start3A_59 : memref<1x128x64xf32, #tpu.memory_space<hbm>> -> memref<128x64xf32, #tpu.memory_space<hbm>>
      %dma_start3A_61 = arith.constant 0 : i32
      %dma_start3A_62 = arith.constant 0 : i32
      %dma_start3A_63 = tpu.memref_slice %arg8[%dma_start3A_61, %dma_start3A_62] : memref<256x64xf32, #tpu.memory_space<vmem>> -> memref<128x64xf32, #tpu.memory_space<vmem>>
      tpu.enqueue_dma source(%dma_start3A_63 : memref<128x64xf32, #tpu.memory_space<vmem>>) target(%dma_start3A_60 : memref<128x64xf32, #tpu.memory_space<hbm>>) target_semaphore(%run_scoped3A : memref<!tpu.dma_semaphore, #tpu.memory_space<semaphore_mem>>)
      %dma_wait3A = arith.constant 0 : i32
      %dma_wait3A_64 = arith.constant 0 : i32
      %dma_wait3A_65 = tpu.memref_slice %arg8[%dma_wait3A, %dma_wait3A_64] : memref<256x64xf32, #tpu.memory_space<vmem>> -> memref<128x64xf32, #tpu.memory_space<vmem>>
      %dma_wait3A_66 = arith.constant 0 : i32
      %dma_wait3A_67 = tpu.memref_slice %arg5[%arg0, %add3A_35, %dma_wait3A_66] : memref<2x10240x64xf32, #tpu.memory_space<hbm>> -> memref<1x128x64xf32, #tpu.memory_space<hbm>>
      %dma_wait3A_68 = tpu.memref_squeeze %dma_wait3A_67 : memref<1x128x64xf32, #tpu.memory_space<hbm>> -> memref<128x64xf32, #tpu.memory_space<hbm>>
      %dma_wait3A_69 = arith.constant 0 : i32
      %dma_wait3A_70 = tpu.memref_slice %arg5[%arg0, %add3A_35, %dma_wait3A_69] : memref<2x10240x64xf32, #tpu.memory_space<hbm>> -> memref<1x128x64xf32, #tpu.memory_space<hbm>>
      %dma_wait3A_71 = tpu.memref_squeeze %dma_wait3A_70 : memref<1x128x64xf32, #tpu.memory_space<hbm>> -> memref<128x64xf32, #tpu.memory_space<hbm>>
      %dma_wait3A_72 = arith.constant 0 : i32
      %dma_wait3A_73 = arith.constant 0 : i32
      %dma_wait3A_74 = tpu.memref_slice %arg8[%dma_wait3A_72, %dma_wait3A_73] : memref<256x64xf32, #tpu.memory_space<vmem>> -> memref<128x64xf32, #tpu.memory_space<vmem>>
      tpu.wait_dma2 semaphore(%run_scoped3A : memref<!tpu.dma_semaphore, #tpu.memory_space<semaphore_mem>>) src(%dma_wait3A_74 : memref<128x64xf32, #tpu.memory_space<vmem>>) dst(%dma_wait3A_71 : memref<128x64xf32, #tpu.memory_space<hbm>>)
      tpu.yield
    }) : () -> ()
    %mul3A_36 = arith.constant 640 : i32
    %mul3A_37 = arith.muli %arg1, %mul3A_36 : i32
    %add3A_38 = arith.constant 128 : i32
    %add3A_39 = arith.addi %mul3A_37, %add3A_38 : i32
    "tpu.region"() ({
      %run_scoped3A = tpu.sem_alloc : memref<!tpu.dma_semaphore, #tpu.memory_space<semaphore_mem>>
      %dma_start3A_52 = arith.constant 0 : i32
      %dma_start3A_53 = arith.constant 0 : i32
      %dma_start3A_54 = tpu.memref_slice %arg8[%dma_start3A_52, %dma_start3A_53] : memref<256x64xf32, #tpu.memory_space<vmem>> -> memref<128x64xf32, #tpu.memory_space<vmem>>
      %dma_start3A_55 = arith.constant 0 : i32
      %dma_start3A_56 = tpu.memref_slice %arg10[%add3A_39, %dma_start3A_55] : memref<10240x64xf32, #tpu.memory_space<vmem_shared>> -> memref<128x64xf32, #tpu.memory_space<vmem_shared>>
      %dma_start3A_57 = arith.constant 0 : i32
      %dma_start3A_58 = arith.constant 0 : i32
      %dma_start3A_59 = tpu.memref_slice %arg8[%dma_start3A_57, %dma_start3A_58] : memref<256x64xf32, #tpu.memory_space<vmem>> -> memref<128x64xf32, #tpu.memory_space<vmem>>
      %dma_start3A_60 = arith.constant 0 : i32
      %dma_start3A_61 = tpu.memref_slice %arg10[%add3A_39, %dma_start3A_60] : memref<10240x64xf32, #tpu.memory_space<vmem_shared>> -> memref<128x64xf32, #tpu.memory_space<vmem_shared>>
      tpu.enqueue_dma source(%dma_start3A_61 : memref<128x64xf32, #tpu.memory_space<vmem_shared>>) target(%dma_start3A_59 : memref<128x64xf32, #tpu.memory_space<vmem>>) target_semaphore(%run_scoped3A : memref<!tpu.dma_semaphore, #tpu.memory_space<semaphore_mem>>)
      %dma_wait3A = arith.constant 0 : i32
      %dma_wait3A_62 = arith.constant 0 : i32
      %dma_wait3A_63 = tpu.memref_slice %arg8[%dma_wait3A, %dma_wait3A_62] : memref<256x64xf32, #tpu.memory_space<vmem>> -> memref<128x64xf32, #tpu.memory_space<vmem>>
      %dma_wait3A_64 = arith.constant 0 : i32
      %dma_wait3A_65 = tpu.memref_slice %arg10[%add3A_39, %dma_wait3A_64] : memref<10240x64xf32, #tpu.memory_space<vmem_shared>> -> memref<128x64xf32, #tpu.memory_space<vmem_shared>>
      %dma_wait3A_66 = arith.constant 0 : i32
      %dma_wait3A_67 = arith.constant 0 : i32
      %dma_wait3A_68 = tpu.memref_slice %arg8[%dma_wait3A_66, %dma_wait3A_67] : memref<256x64xf32, #tpu.memory_space<vmem>> -> memref<128x64xf32, #tpu.memory_space<vmem>>
      %dma_wait3A_69 = arith.constant 0 : i32
      %dma_wait3A_70 = tpu.memref_slice %arg10[%add3A_39, %dma_wait3A_69] : memref<10240x64xf32, #tpu.memory_space<vmem_shared>> -> memref<128x64xf32, #tpu.memory_space<vmem_shared>>
      tpu.wait_dma2 semaphore(%run_scoped3A : memref<!tpu.dma_semaphore, #tpu.memory_space<semaphore_mem>>) src(%dma_wait3A_70 : memref<128x64xf32, #tpu.memory_space<vmem_shared>>) dst(%dma_wait3A_68 : memref<128x64xf32, #tpu.memory_space<vmem>>)
      tpu.yield
    }) : () -> ()
    "tpu.region"() ({
      %run_scoped3A = tpu.sem_alloc : memref<!tpu.dma_semaphore, #tpu.memory_space<semaphore_mem>>
      %dma_start3A_52 = arith.constant 0 : i32
      %dma_start3A_53 = arith.constant 0 : i32
      %dma_start3A_54 = tpu.memref_slice %arg8[%dma_start3A_52, %dma_start3A_53] : memref<256x64xf32, #tpu.memory_space<vmem>> -> memref<128x64xf32, #tpu.memory_space<vmem>>
      %dma_start3A_55 = arith.constant 0 : i32
      %dma_start3A_56 = tpu.memref_slice %arg5[%arg0, %add3A_39, %dma_start3A_55] : memref<2x10240x64xf32, #tpu.memory_space<hbm>> -> memref<1x128x64xf32, #tpu.memory_space<hbm>>
      %dma_start3A_57 = tpu.memref_squeeze %dma_start3A_56 : memref<1x128x64xf32, #tpu.memory_space<hbm>> -> memref<128x64xf32, #tpu.memory_space<hbm>>
      %dma_start3A_58 = arith.constant 0 : i32
      %dma_start3A_59 = tpu.memref_slice %arg5[%arg0, %add3A_39, %dma_start3A_58] : memref<2x10240x64xf32, #tpu.memory_space<hbm>> -> memref<1x128x64xf32, #tpu.memory_space<hbm>>
      %dma_start3A_60 = tpu.memref_squeeze %dma_start3A_59 : memref<1x128x64xf32, #tpu.memory_space<hbm>> -> memref<128x64xf32, #tpu.memory_space<hbm>>
      %dma_start3A_61 = arith.constant 0 : i32
      %dma_start3A_62 = arith.constant 0 : i32
      %dma_start3A_63 = tpu.memref_slice %arg8[%dma_start3A_61, %dma_start3A_62] : memref<256x64xf32, #tpu.memory_space<vmem>> -> memref<128x64xf32, #tpu.memory_space<vmem>>
      tpu.enqueue_dma source(%dma_start3A_63 : memref<128x64xf32, #tpu.memory_space<vmem>>) target(%dma_start3A_60 : memref<128x64xf32, #tpu.memory_space<hbm>>) target_semaphore(%run_scoped3A : memref<!tpu.dma_semaphore, #tpu.memory_space<semaphore_mem>>)
      %dma_wait3A = arith.constant 0 : i32
      %dma_wait3A_64 = arith.constant 0 : i32
      %dma_wait3A_65 = tpu.memref_slice %arg8[%dma_wait3A, %dma_wait3A_64] : memref<256x64xf32, #tpu.memory_space<vmem>> -> memref<128x64xf32, #tpu.memory_space<vmem>>
      %dma_wait3A_66 = arith.constant 0 : i32
      %dma_wait3A_67 = tpu.memref_slice %arg5[%arg0, %add3A_39, %dma_wait3A_66] : memref<2x10240x64xf32, #tpu.memory_space<hbm>> -> memref<1x128x64xf32, #tpu.memory_space<hbm>>
      %dma_wait3A_68 = tpu.memref_squeeze %dma_wait3A_67 : memref<1x128x64xf32, #tpu.memory_space<hbm>> -> memref<128x64xf32, #tpu.memory_space<hbm>>
      %dma_wait3A_69 = arith.constant 0 : i32
      %dma_wait3A_70 = tpu.memref_slice %arg5[%arg0, %add3A_39, %dma_wait3A_69] : memref<2x10240x64xf32, #tpu.memory_space<hbm>> -> memref<1x128x64xf32, #tpu.memory_space<hbm>>
      %dma_wait3A_71 = tpu.memref_squeeze %dma_wait3A_70 : memref<1x128x64xf32, #tpu.memory_space<hbm>> -> memref<128x64xf32, #tpu.memory_space<hbm>>
      %dma_wait3A_72 = arith.constant 0 : i32
      %dma_wait3A_73 = arith.constant 0 : i32
      %dma_wait3A_74 = tpu.memref_slice %arg8[%dma_wait3A_72, %dma_wait3A_73] : memref<256x64xf32, #tpu.memory_space<vmem>> -> memref<128x64xf32, #tpu.memory_space<vmem>>
      tpu.wait_dma2 semaphore(%run_scoped3A : memref<!tpu.dma_semaphore, #tpu.memory_space<semaphore_mem>>) src(%dma_wait3A_74 : memref<128x64xf32, #tpu.memory_space<vmem>>) dst(%dma_wait3A_71 : memref<128x64xf32, #tpu.memory_space<hbm>>)
      tpu.yield
    }) : () -> ()
    %mul3A_40 = arith.constant 640 : i32
    %mul3A_41 = arith.muli %arg1, %mul3A_40 : i32
    %add3A_42 = arith.constant 256 : i32
    %add3A_43 = arith.addi %mul3A_41, %add3A_42 : i32
    "tpu.region"() ({
      %run_scoped3A = tpu.sem_alloc : memref<!tpu.dma_semaphore, #tpu.memory_space<semaphore_mem>>
      %dma_start3A_52 = arith.constant 0 : i32
      %dma_start3A_53 = arith.constant 0 : i32
      %dma_start3A_54 = tpu.memref_slice %arg8[%dma_start3A_52, %dma_start3A_53] : memref<256x64xf32, #tpu.memory_space<vmem>> -> memref<128x64xf32, #tpu.memory_space<vmem>>
      %dma_start3A_55 = arith.constant 0 : i32
      %dma_start3A_56 = tpu.memref_slice %arg10[%add3A_43, %dma_start3A_55] : memref<10240x64xf32, #tpu.memory_space<vmem_shared>> -> memref<128x64xf32, #tpu.memory_space<vmem_shared>>
      %dma_start3A_57 = arith.constant 0 : i32
      %dma_start3A_58 = arith.constant 0 : i32
      %dma_start3A_59 = tpu.memref_slice %arg8[%dma_start3A_57, %dma_start3A_58] : memref<256x64xf32, #tpu.memory_space<vmem>> -> memref<128x64xf32, #tpu.memory_space<vmem>>
      %dma_start3A_60 = arith.constant 0 : i32
      %dma_start3A_61 = tpu.memref_slice %arg10[%add3A_43, %dma_start3A_60] : memref<10240x64xf32, #tpu.memory_space<vmem_shared>> -> memref<128x64xf32, #tpu.memory_space<vmem_shared>>
      tpu.enqueue_dma source(%dma_start3A_61 : memref<128x64xf32, #tpu.memory_space<vmem_shared>>) target(%dma_start3A_59 : memref<128x64xf32, #tpu.memory_space<vmem>>) target_semaphore(%run_scoped3A : memref<!tpu.dma_semaphore, #tpu.memory_space<semaphore_mem>>)
      %dma_wait3A = arith.constant 0 : i32
      %dma_wait3A_62 = arith.constant 0 : i32
      %dma_wait3A_63 = tpu.memref_slice %arg8[%dma_wait3A, %dma_wait3A_62] : memref<256x64xf32, #tpu.memory_space<vmem>> -> memref<128x64xf32, #tpu.memory_space<vmem>>
      %dma_wait3A_64 = arith.constant 0 : i32
      %dma_wait3A_65 = tpu.memref_slice %arg10[%add3A_43, %dma_wait3A_64] : memref<10240x64xf32, #tpu.memory_space<vmem_shared>> -> memref<128x64xf32, #tpu.memory_space<vmem_shared>>
      %dma_wait3A_66 = arith.constant 0 : i32
      %dma_wait3A_67 = arith.constant 0 : i32
      %dma_wait3A_68 = tpu.memref_slice %arg8[%dma_wait3A_66, %dma_wait3A_67] : memref<256x64xf32, #tpu.memory_space<vmem>> -> memref<128x64xf32, #tpu.memory_space<vmem>>
      %dma_wait3A_69 = arith.constant 0 : i32
      %dma_wait3A_70 = tpu.memref_slice %arg10[%add3A_43, %dma_wait3A_69] : memref<10240x64xf32, #tpu.memory_space<vmem_shared>> -> memref<128x64xf32, #tpu.memory_space<vmem_shared>>
      tpu.wait_dma2 semaphore(%run_scoped3A : memref<!tpu.dma_semaphore, #tpu.memory_space<semaphore_mem>>) src(%dma_wait3A_70 : memref<128x64xf32, #tpu.memory_space<vmem_shared>>) dst(%dma_wait3A_68 : memref<128x64xf32, #tpu.memory_space<vmem>>)
      tpu.yield
    }) : () -> ()
    "tpu.region"() ({
      %run_scoped3A = tpu.sem_alloc : memref<!tpu.dma_semaphore, #tpu.memory_space<semaphore_mem>>
      %dma_start3A_52 = arith.constant 0 : i32
      %dma_start3A_53 = arith.constant 0 : i32
      %dma_start3A_54 = tpu.memref_slice %arg8[%dma_start3A_52, %dma_start3A_53] : memref<256x64xf32, #tpu.memory_space<vmem>> -> memref<128x64xf32, #tpu.memory_space<vmem>>
      %dma_start3A_55 = arith.constant 0 : i32
      %dma_start3A_56 = tpu.memref_slice %arg5[%arg0, %add3A_43, %dma_start3A_55] : memref<2x10240x64xf32, #tpu.memory_space<hbm>> -> memref<1x128x64xf32, #tpu.memory_space<hbm>>
      %dma_start3A_57 = tpu.memref_squeeze %dma_start3A_56 : memref<1x128x64xf32, #tpu.memory_space<hbm>> -> memref<128x64xf32, #tpu.memory_space<hbm>>
      %dma_start3A_58 = arith.constant 0 : i32
      %dma_start3A_59 = tpu.memref_slice %arg5[%arg0, %add3A_43, %dma_start3A_58] : memref<2x10240x64xf32, #tpu.memory_space<hbm>> -> memref<1x128x64xf32, #tpu.memory_space<hbm>>
      %dma_start3A_60 = tpu.memref_squeeze %dma_start3A_59 : memref<1x128x64xf32, #tpu.memory_space<hbm>> -> memref<128x64xf32, #tpu.memory_space<hbm>>
      %dma_start3A_61 = arith.constant 0 : i32
      %dma_start3A_62 = arith.constant 0 : i32
      %dma_start3A_63 = tpu.memref_slice %arg8[%dma_start3A_61, %dma_start3A_62] : memref<256x64xf32, #tpu.memory_space<vmem>> -> memref<128x64xf32, #tpu.memory_space<vmem>>
      tpu.enqueue_dma source(%dma_start3A_63 : memref<128x64xf32, #tpu.memory_space<vmem>>) target(%dma_start3A_60 : memref<128x64xf32, #tpu.memory_space<hbm>>) target_semaphore(%run_scoped3A : memref<!tpu.dma_semaphore, #tpu.memory_space<semaphore_mem>>)
      %dma_wait3A = arith.constant 0 : i32
      %dma_wait3A_64 = arith.constant 0 : i32
      %dma_wait3A_65 = tpu.memref_slice %arg8[%dma_wait3A, %dma_wait3A_64] : memref<256x64xf32, #tpu.memory_space<vmem>> -> memref<128x64xf32, #tpu.memory_space<vmem>>
      %dma_wait3A_66 = arith.constant 0 : i32
      %dma_wait3A_67 = tpu.memref_slice %arg5[%arg0, %add3A_43, %dma_wait3A_66] : memref<2x10240x64xf32, #tpu.memory_space<hbm>> -> memref<1x128x64xf32, #tpu.memory_space<hbm>>
      %dma_wait3A_68 = tpu.memref_squeeze %dma_wait3A_67 : memref<1x128x64xf32, #tpu.memory_space<hbm>> -> memref<128x64xf32, #tpu.memory_space<hbm>>
      %dma_wait3A_69 = arith.constant 0 : i32
      %dma_wait3A_70 = tpu.memref_slice %arg5[%arg0, %add3A_43, %dma_wait3A_69] : memref<2x10240x64xf32, #tpu.memory_space<hbm>> -> memref<1x128x64xf32, #tpu.memory_space<hbm>>
      %dma_wait3A_71 = tpu.memref_squeeze %dma_wait3A_70 : memref<1x128x64xf32, #tpu.memory_space<hbm>> -> memref<128x64xf32, #tpu.memory_space<hbm>>
      %dma_wait3A_72 = arith.constant 0 : i32
      %dma_wait3A_73 = arith.constant 0 : i32
      %dma_wait3A_74 = tpu.memref_slice %arg8[%dma_wait3A_72, %dma_wait3A_73] : memref<256x64xf32, #tpu.memory_space<vmem>> -> memref<128x64xf32, #tpu.memory_space<vmem>>
      tpu.wait_dma2 semaphore(%run_scoped3A : memref<!tpu.dma_semaphore, #tpu.memory_space<semaphore_mem>>) src(%dma_wait3A_74 : memref<128x64xf32, #tpu.memory_space<vmem>>) dst(%dma_wait3A_71 : memref<128x64xf32, #tpu.memory_space<hbm>>)
      tpu.yield
    }) : () -> ()
    %mul3A_44 = arith.constant 640 : i32
    %mul3A_45 = arith.muli %arg1, %mul3A_44 : i32
    %add3A_46 = arith.constant 384 : i32
    %add3A_47 = arith.addi %mul3A_45, %add3A_46 : i32
    "tpu.region"() ({
      %run_scoped3A = tpu.sem_alloc : memref<!tpu.dma_semaphore, #tpu.memory_space<semaphore_mem>>
      %dma_start3A_52 = arith.constant 0 : i32
      %dma_start3A_53 = arith.constant 0 : i32
      %dma_start3A_54 = tpu.memref_slice %arg8[%dma_start3A_52, %dma_start3A_53] : memref<256x64xf32, #tpu.memory_space<vmem>> -> memref<128x64xf32, #tpu.memory_space<vmem>>
      %dma_start3A_55 = arith.constant 0 : i32
      %dma_start3A_56 = tpu.memref_slice %arg10[%add3A_47, %dma_start3A_55] : memref<10240x64xf32, #tpu.memory_space<vmem_shared>> -> memref<128x64xf32, #tpu.memory_space<vmem_shared>>
      %dma_start3A_57 = arith.constant 0 : i32
      %dma_start3A_58 = arith.constant 0 : i32
      %dma_start3A_59 = tpu.memref_slice %arg8[%dma_start3A_57, %dma_start3A_58] : memref<256x64xf32, #tpu.memory_space<vmem>> -> memref<128x64xf32, #tpu.memory_space<vmem>>
      %dma_start3A_60 = arith.constant 0 : i32
      %dma_start3A_61 = tpu.memref_slice %arg10[%add3A_47, %dma_start3A_60] : memref<10240x64xf32, #tpu.memory_space<vmem_shared>> -> memref<128x64xf32, #tpu.memory_space<vmem_shared>>
      tpu.enqueue_dma source(%dma_start3A_61 : memref<128x64xf32, #tpu.memory_space<vmem_shared>>) target(%dma_start3A_59 : memref<128x64xf32, #tpu.memory_space<vmem>>) target_semaphore(%run_scoped3A : memref<!tpu.dma_semaphore, #tpu.memory_space<semaphore_mem>>)
      %dma_wait3A = arith.constant 0 : i32
      %dma_wait3A_62 = arith.constant 0 : i32
      %dma_wait3A_63 = tpu.memref_slice %arg8[%dma_wait3A, %dma_wait3A_62] : memref<256x64xf32, #tpu.memory_space<vmem>> -> memref<128x64xf32, #tpu.memory_space<vmem>>
      %dma_wait3A_64 = arith.constant 0 : i32
      %dma_wait3A_65 = tpu.memref_slice %arg10[%add3A_47, %dma_wait3A_64] : memref<10240x64xf32, #tpu.memory_space<vmem_shared>> -> memref<128x64xf32, #tpu.memory_space<vmem_shared>>
      %dma_wait3A_66 = arith.constant 0 : i32
      %dma_wait3A_67 = arith.constant 0 : i32
      %dma_wait3A_68 = tpu.memref_slice %arg8[%dma_wait3A_66, %dma_wait3A_67] : memref<256x64xf32, #tpu.memory_space<vmem>> -> memref<128x64xf32, #tpu.memory_space<vmem>>
      %dma_wait3A_69 = arith.constant 0 : i32
      %dma_wait3A_70 = tpu.memref_slice %arg10[%add3A_47, %dma_wait3A_69] : memref<10240x64xf32, #tpu.memory_space<vmem_shared>> -> memref<128x64xf32, #tpu.memory_space<vmem_shared>>
      tpu.wait_dma2 semaphore(%run_scoped3A : memref<!tpu.dma_semaphore, #tpu.memory_space<semaphore_mem>>) src(%dma_wait3A_70 : memref<128x64xf32, #tpu.memory_space<vmem_shared>>) dst(%dma_wait3A_68 : memref<128x64xf32, #tpu.memory_space<vmem>>)
      tpu.yield
    }) : () -> ()
    "tpu.region"() ({
      %run_scoped3A = tpu.sem_alloc : memref<!tpu.dma_semaphore, #tpu.memory_space<semaphore_mem>>
      %dma_start3A_52 = arith.constant 0 : i32
      %dma_start3A_53 = arith.constant 0 : i32
      %dma_start3A_54 = tpu.memref_slice %arg8[%dma_start3A_52, %dma_start3A_53] : memref<256x64xf32, #tpu.memory_space<vmem>> -> memref<128x64xf32, #tpu.memory_space<vmem>>
      %dma_start3A_55 = arith.constant 0 : i32
      %dma_start3A_56 = tpu.memref_slice %arg5[%arg0, %add3A_47, %dma_start3A_55] : memref<2x10240x64xf32, #tpu.memory_space<hbm>> -> memref<1x128x64xf32, #tpu.memory_space<hbm>>
      %dma_start3A_57 = tpu.memref_squeeze %dma_start3A_56 : memref<1x128x64xf32, #tpu.memory_space<hbm>> -> memref<128x64xf32, #tpu.memory_space<hbm>>
      %dma_start3A_58 = arith.constant 0 : i32
      %dma_start3A_59 = tpu.memref_slice %arg5[%arg0, %add3A_47, %dma_start3A_58] : memref<2x10240x64xf32, #tpu.memory_space<hbm>> -> memref<1x128x64xf32, #tpu.memory_space<hbm>>
      %dma_start3A_60 = tpu.memref_squeeze %dma_start3A_59 : memref<1x128x64xf32, #tpu.memory_space<hbm>> -> memref<128x64xf32, #tpu.memory_space<hbm>>
      %dma_start3A_61 = arith.constant 0 : i32
      %dma_start3A_62 = arith.constant 0 : i32
      %dma_start3A_63 = tpu.memref_slice %arg8[%dma_start3A_61, %dma_start3A_62] : memref<256x64xf32, #tpu.memory_space<vmem>> -> memref<128x64xf32, #tpu.memory_space<vmem>>
      tpu.enqueue_dma source(%dma_start3A_63 : memref<128x64xf32, #tpu.memory_space<vmem>>) target(%dma_start3A_60 : memref<128x64xf32, #tpu.memory_space<hbm>>) target_semaphore(%run_scoped3A : memref<!tpu.dma_semaphore, #tpu.memory_space<semaphore_mem>>)
      %dma_wait3A = arith.constant 0 : i32
      %dma_wait3A_64 = arith.constant 0 : i32
      %dma_wait3A_65 = tpu.memref_slice %arg8[%dma_wait3A, %dma_wait3A_64] : memref<256x64xf32, #tpu.memory_space<vmem>> -> memref<128x64xf32, #tpu.memory_space<vmem>>
      %dma_wait3A_66 = arith.constant 0 : i32
      %dma_wait3A_67 = tpu.memref_slice %arg5[%arg0, %add3A_47, %dma_wait3A_66] : memref<2x10240x64xf32, #tpu.memory_space<hbm>> -> memref<1x128x64xf32, #tpu.memory_space<hbm>>
      %dma_wait3A_68 = tpu.memref_squeeze %dma_wait3A_67 : memref<1x128x64xf32, #tpu.memory_space<hbm>> -> memref<128x64xf32, #tpu.memory_space<hbm>>
      %dma_wait3A_69 = arith.constant 0 : i32
      %dma_wait3A_70 = tpu.memref_slice %arg5[%arg0, %add3A_47, %dma_wait3A_69] : memref<2x10240x64xf32, #tpu.memory_space<hbm>> -> memref<1x128x64xf32, #tpu.memory_space<hbm>>
      %dma_wait3A_71 = tpu.memref_squeeze %dma_wait3A_70 : memref<1x128x64xf32, #tpu.memory_space<hbm>> -> memref<128x64xf32, #tpu.memory_space<hbm>>
      %dma_wait3A_72 = arith.constant 0 : i32
      %dma_wait3A_73 = arith.constant 0 : i32
      %dma_wait3A_74 = tpu.memref_slice %arg8[%dma_wait3A_72, %dma_wait3A_73] : memref<256x64xf32, #tpu.memory_space<vmem>> -> memref<128x64xf32, #tpu.memory_space<vmem>>
      tpu.wait_dma2 semaphore(%run_scoped3A : memref<!tpu.dma_semaphore, #tpu.memory_space<semaphore_mem>>) src(%dma_wait3A_74 : memref<128x64xf32, #tpu.memory_space<vmem>>) dst(%dma_wait3A_71 : memref<128x64xf32, #tpu.memory_space<hbm>>)
      tpu.yield
    }) : () -> ()
    %mul3A_48 = arith.constant 640 : i32
    %mul3A_49 = arith.muli %arg1, %mul3A_48 : i32
    %add3A_50 = arith.constant 512 : i32
    %add3A_51 = arith.addi %mul3A_49, %add3A_50 : i32
    "tpu.region"() ({
      %run_scoped3A = tpu.sem_alloc : memref<!tpu.dma_semaphore, #tpu.memory_space<semaphore_mem>>
      %dma_start3A_52 = arith.constant 0 : i32
      %dma_start3A_53 = arith.constant 0 : i32
      %dma_start3A_54 = tpu.memref_slice %arg8[%dma_start3A_52, %dma_start3A_53] : memref<256x64xf32, #tpu.memory_space<vmem>> -> memref<128x64xf32, #tpu.memory_space<vmem>>
      %dma_start3A_55 = arith.constant 0 : i32
      %dma_start3A_56 = tpu.memref_slice %arg10[%add3A_51, %dma_start3A_55] : memref<10240x64xf32, #tpu.memory_space<vmem_shared>> -> memref<128x64xf32, #tpu.memory_space<vmem_shared>>
      %dma_start3A_57 = arith.constant 0 : i32
      %dma_start3A_58 = arith.constant 0 : i32
      %dma_start3A_59 = tpu.memref_slice %arg8[%dma_start3A_57, %dma_start3A_58] : memref<256x64xf32, #tpu.memory_space<vmem>> -> memref<128x64xf32, #tpu.memory_space<vmem>>
      %dma_start3A_60 = arith.constant 0 : i32
      %dma_start3A_61 = tpu.memref_slice %arg10[%add3A_51, %dma_start3A_60] : memref<10240x64xf32, #tpu.memory_space<vmem_shared>> -> memref<128x64xf32, #tpu.memory_space<vmem_shared>>
      tpu.enqueue_dma source(%dma_start3A_61 : memref<128x64xf32, #tpu.memory_space<vmem_shared>>) target(%dma_start3A_59 : memref<128x64xf32, #tpu.memory_space<vmem>>) target_semaphore(%run_scoped3A : memref<!tpu.dma_semaphore, #tpu.memory_space<semaphore_mem>>)
      %dma_wait3A = arith.constant 0 : i32
      %dma_wait3A_62 = arith.constant 0 : i32
      %dma_wait3A_63 = tpu.memref_slice %arg8[%dma_wait3A, %dma_wait3A_62] : memref<256x64xf32, #tpu.memory_space<vmem>> -> memref<128x64xf32, #tpu.memory_space<vmem>>
      %dma_wait3A_64 = arith.constant 0 : i32
      %dma_wait3A_65 = tpu.memref_slice %arg10[%add3A_51, %dma_wait3A_64] : memref<10240x64xf32, #tpu.memory_space<vmem_shared>> -> memref<128x64xf32, #tpu.memory_space<vmem_shared>>
      %dma_wait3A_66 = arith.constant 0 : i32
      %dma_wait3A_67 = arith.constant 0 : i32
      %dma_wait3A_68 = tpu.memref_slice %arg8[%dma_wait3A_66, %dma_wait3A_67] : memref<256x64xf32, #tpu.memory_space<vmem>> -> memref<128x64xf32, #tpu.memory_space<vmem>>
      %dma_wait3A_69 = arith.constant 0 : i32
      %dma_wait3A_70 = tpu.memref_slice %arg10[%add3A_51, %dma_wait3A_69] : memref<10240x64xf32, #tpu.memory_space<vmem_shared>> -> memref<128x64xf32, #tpu.memory_space<vmem_shared>>
      tpu.wait_dma2 semaphore(%run_scoped3A : memref<!tpu.dma_semaphore, #tpu.memory_space<semaphore_mem>>) src(%dma_wait3A_70 : memref<128x64xf32, #tpu.memory_space<vmem_shared>>) dst(%dma_wait3A_68 : memref<128x64xf32, #tpu.memory_space<vmem>>)
      tpu.yield
    }) : () -> ()
    "tpu.region"() ({
      %run_scoped3A = tpu.sem_alloc : memref<!tpu.dma_semaphore, #tpu.memory_space<semaphore_mem>>
      %dma_start3A_52 = arith.constant 0 : i32
      %dma_start3A_53 = arith.constant 0 : i32
      %dma_start3A_54 = tpu.memref_slice %arg8[%dma_start3A_52, %dma_start3A_53] : memref<256x64xf32, #tpu.memory_space<vmem>> -> memref<128x64xf32, #tpu.memory_space<vmem>>
      %dma_start3A_55 = arith.constant 0 : i32
      %dma_start3A_56 = tpu.memref_slice %arg5[%arg0, %add3A_51, %dma_start3A_55] : memref<2x10240x64xf32, #tpu.memory_space<hbm>> -> memref<1x128x64xf32, #tpu.memory_space<hbm>>
      %dma_start3A_57 = tpu.memref_squeeze %dma_start3A_56 : memref<1x128x64xf32, #tpu.memory_space<hbm>> -> memref<128x64xf32, #tpu.memory_space<hbm>>
      %dma_start3A_58 = arith.constant 0 : i32
      %dma_start3A_59 = tpu.memref_slice %arg5[%arg0, %add3A_51, %dma_start3A_58] : memref<2x10240x64xf32, #tpu.memory_space<hbm>> -> memref<1x128x64xf32, #tpu.memory_space<hbm>>
      %dma_start3A_60 = tpu.memref_squeeze %dma_start3A_59 : memref<1x128x64xf32, #tpu.memory_space<hbm>> -> memref<128x64xf32, #tpu.memory_space<hbm>>
      %dma_start3A_61 = arith.constant 0 : i32
      %dma_start3A_62 = arith.constant 0 : i32
      %dma_start3A_63 = tpu.memref_slice %arg8[%dma_start3A_61, %dma_start3A_62] : memref<256x64xf32, #tpu.memory_space<vmem>> -> memref<128x64xf32, #tpu.memory_space<vmem>>
      tpu.enqueue_dma source(%dma_start3A_63 : memref<128x64xf32, #tpu.memory_space<vmem>>) target(%dma_start3A_60 : memref<128x64xf32, #tpu.memory_space<hbm>>) target_semaphore(%run_scoped3A : memref<!tpu.dma_semaphore, #tpu.memory_space<semaphore_mem>>)
      %dma_wait3A = arith.constant 0 : i32
      %dma_wait3A_64 = arith.constant 0 : i32
      %dma_wait3A_65 = tpu.memref_slice %arg8[%dma_wait3A, %dma_wait3A_64] : memref<256x64xf32, #tpu.memory_space<vmem>> -> memref<128x64xf32, #tpu.memory_space<vmem>>
      %dma_wait3A_66 = arith.constant 0 : i32
      %dma_wait3A_67 = tpu.memref_slice %arg5[%arg0, %add3A_51, %dma_wait3A_66] : memref<2x10240x64xf32, #tpu.memory_space<hbm>> -> memref<1x128x64xf32, #tpu.memory_space<hbm>>
      %dma_wait3A_68 = tpu.memref_squeeze %dma_wait3A_67 : memref<1x128x64xf32, #tpu.memory_space<hbm>> -> memref<128x64xf32, #tpu.memory_space<hbm>>
      %dma_wait3A_69 = arith.constant 0 : i32
      %dma_wait3A_70 = tpu.memref_slice %arg5[%arg0, %add3A_51, %dma_wait3A_69] : memref<2x10240x64xf32, #tpu.memory_space<hbm>> -> memref<1x128x64xf32, #tpu.memory_space<hbm>>
      %dma_wait3A_71 = tpu.memref_squeeze %dma_wait3A_70 : memref<1x128x64xf32, #tpu.memory_space<hbm>> -> memref<128x64xf32, #tpu.memory_space<hbm>>
      %dma_wait3A_72 = arith.constant 0 : i32
      %dma_wait3A_73 = arith.constant 0 : i32
      %dma_wait3A_74 = tpu.memref_slice %arg8[%dma_wait3A_72, %dma_wait3A_73] : memref<256x64xf32, #tpu.memory_space<vmem>> -> memref<128x64xf32, #tpu.memory_space<vmem>>
      tpu.wait_dma2 semaphore(%run_scoped3A : memref<!tpu.dma_semaphore, #tpu.memory_space<semaphore_mem>>) src(%dma_wait3A_74 : memref<128x64xf32, #tpu.memory_space<vmem>>) dst(%dma_wait3A_71 : memref<128x64xf32, #tpu.memory_space<hbm>>)
      tpu.yield
    }) : () -> ()
    return
  }
}

#map = affine_map<(d0, d1) -> (0, 0)>
#map1 = affine_map<(d0, d1) -> (0, 0, 0)>
module attributes {stable_mosaic.version = 14 : i64} {
  func.func @_deg_body(%arg0: i32, %arg1: i32, %arg2: memref<1280x256xi32, #tpu.memory_space<hbm>>, %arg3: memref<2x10240x16xf32, #tpu.memory_space<hbm>>, %arg4: memref<40x256xi32, #tpu.memory_space<vmem>>, %arg5: memref<256x16xf32, #tpu.memory_space<vmem>>, %arg6: memref<128x16xf32, #tpu.memory_space<vmem>>, %arg7: memref<10240x16xf32, #tpu.memory_space<vmem_shared>>) attributes {dimension_semantics = [#tpu.dimension_semantics<core_parallel>, #tpu.dimension_semantics<subcore_parallel>], iteration_bounds = array<i64: 2, 16>, scalar_prefetch = 0 : i64, scratch_operands = 4 : i64, tpu.core_type = #tpu.core_type<sc_vector_subcore>, window_params = [{transform_indices = #map}, {transform_indices = #map1}]} {
    %mul3A = arith.constant 2 : i32
    %mul3A_0 = arith.muli %arg1, %mul3A : i32
    %add3A = arith.addi %mul3A_0, %arg0 : i32
    %broadcast_in_dim3A = arith.constant 1.000000e+00 : f32
    %broadcast_in_dim3A_1 = vector.broadcast %broadcast_in_dim3A : f32 to vector<16xf32>
    %broadcast_in_dim3A_2 = arith.constant 0.000000e+00 : f32
    %broadcast_in_dim3A_3 = vector.broadcast %broadcast_in_dim3A_2 : f32 to vector<16xf32>
    %scan3A = arith.constant 0 : i32
    %scan3A_4 = arith.constant 0 : i32
    %scan3A_5 = arith.constant 256 : i32
    %scan3A_6 = arith.addi %scan3A_4, %scan3A_5 : i32
    %scan3A_7 = arith.constant 1 : i32
    scf.for %scan3A_64 = %scan3A_4 to %scan3A_6 step %scan3A_7  : i32 {
      %swap3A = arith.index_cast %scan3A_64 : i32 to index
      %swap3A_65 = arith.constant 0 : index
      %swap3A_66 = tpu.vector_load %arg5[%swap3A, %swap3A_65] {strides = array<i32>} : memref<256x16xf32, #tpu.memory_space<vmem>>, vector<1x16xf32>,
      %swap3A_67 = vector.shape_cast %swap3A_66 : vector<1x16xf32> to vector<16xf32>
      %swap3A_68 = vector.shape_cast %broadcast_in_dim3A_1 : vector<16xf32> to vector<1x16xf32>
      tpu.vector_store %arg5[%swap3A, %swap3A_65], %swap3A_68 {strides = array<i32>} : memref<256x16xf32, #tpu.memory_space<vmem>>, vector<1x16xf32>,
    }
    %scan3A_8 = arith.constant 256 : i32
    %scan3A_9 = arith.constant 0 : i32
    %scan3A_10 = arith.constant 0 : i32
    %scan3A_11 = arith.constant 128 : i32
    %scan3A_12 = arith.addi %scan3A_10, %scan3A_11 : i32
    %scan3A_13 = arith.constant 1 : i32
    scf.for %scan3A_64 = %scan3A_10 to %scan3A_12 step %scan3A_13  : i32 {
      %swap3A = arith.index_cast %scan3A_64 : i32 to index
      %swap3A_65 = arith.constant 0 : index
      %swap3A_66 = tpu.vector_load %arg6[%swap3A, %swap3A_65] {strides = array<i32>} : memref<128x16xf32, #tpu.memory_space<vmem>>, vector<1x16xf32>,
      %swap3A_67 = vector.shape_cast %swap3A_66 : vector<1x16xf32> to vector<16xf32>
      %swap3A_68 = vector.shape_cast %broadcast_in_dim3A_3 : vector<16xf32> to vector<1x16xf32>
      tpu.vector_store %arg6[%swap3A, %swap3A_65], %swap3A_68 {strides = array<i32>} : memref<128x16xf32, #tpu.memory_space<vmem>>, vector<1x16xf32>,
    }
    %scan3A_14 = arith.constant 128 : i32
    %mul3A_15 = arith.constant 640 : i32
    %mul3A_16 = arith.muli %arg1, %mul3A_15 : i32
    %add3A_17 = arith.constant 0 : i32
    %add3A_18 = arith.addi %mul3A_16, %add3A_17 : i32
    "tpu.region"() ({
      %run_scoped3A = tpu.sem_alloc : memref<!tpu.dma_semaphore, #tpu.memory_space<semaphore_mem>>
      %dma_start3A = arith.constant 0 : i32
      %dma_start3A_64 = tpu.memref_slice %arg7[%add3A_18, %dma_start3A] : memref<10240x16xf32, #tpu.memory_space<vmem_shared>> -> memref<128x16xf32, #tpu.memory_space<vmem_shared>>
      %dma_start3A_65 = arith.constant 0 : i32
      %dma_start3A_66 = tpu.memref_slice %arg7[%add3A_18, %dma_start3A_65] : memref<10240x16xf32, #tpu.memory_space<vmem_shared>> -> memref<128x16xf32, #tpu.memory_space<vmem_shared>>
      tpu.enqueue_dma source(%arg6 : memref<128x16xf32, #tpu.memory_space<vmem>>) target(%dma_start3A_66 : memref<128x16xf32, #tpu.memory_space<vmem_shared>>) target_semaphore(%run_scoped3A : memref<!tpu.dma_semaphore, #tpu.memory_space<semaphore_mem>>)
      %dma_wait3A = arith.constant 0 : i32
      %dma_wait3A_67 = tpu.memref_slice %arg7[%add3A_18, %dma_wait3A] : memref<10240x16xf32, #tpu.memory_space<vmem_shared>> -> memref<128x16xf32, #tpu.memory_space<vmem_shared>>
      %dma_wait3A_68 = arith.constant 0 : i32
      %dma_wait3A_69 = tpu.memref_slice %arg7[%add3A_18, %dma_wait3A_68] : memref<10240x16xf32, #tpu.memory_space<vmem_shared>> -> memref<128x16xf32, #tpu.memory_space<vmem_shared>>
      tpu.wait_dma2 semaphore(%run_scoped3A : memref<!tpu.dma_semaphore, #tpu.memory_space<semaphore_mem>>) src(%arg6 : memref<128x16xf32, #tpu.memory_space<vmem>>) dst(%dma_wait3A_69 : memref<128x16xf32, #tpu.memory_space<vmem_shared>>)
      tpu.yield
    }) : () -> ()
    %mul3A_19 = arith.constant 640 : i32
    %mul3A_20 = arith.muli %arg1, %mul3A_19 : i32
    %add3A_21 = arith.constant 128 : i32
    %add3A_22 = arith.addi %mul3A_20, %add3A_21 : i32
    "tpu.region"() ({
      %run_scoped3A = tpu.sem_alloc : memref<!tpu.dma_semaphore, #tpu.memory_space<semaphore_mem>>
      %dma_start3A = arith.constant 0 : i32
      %dma_start3A_64 = tpu.memref_slice %arg7[%add3A_22, %dma_start3A] : memref<10240x16xf32, #tpu.memory_space<vmem_shared>> -> memref<128x16xf32, #tpu.memory_space<vmem_shared>>
      %dma_start3A_65 = arith.constant 0 : i32
      %dma_start3A_66 = tpu.memref_slice %arg7[%add3A_22, %dma_start3A_65] : memref<10240x16xf32, #tpu.memory_space<vmem_shared>> -> memref<128x16xf32, #tpu.memory_space<vmem_shared>>
      tpu.enqueue_dma source(%arg6 : memref<128x16xf32, #tpu.memory_space<vmem>>) target(%dma_start3A_66 : memref<128x16xf32, #tpu.memory_space<vmem_shared>>) target_semaphore(%run_scoped3A : memref<!tpu.dma_semaphore, #tpu.memory_space<semaphore_mem>>)
      %dma_wait3A = arith.constant 0 : i32
      %dma_wait3A_67 = tpu.memref_slice %arg7[%add3A_22, %dma_wait3A] : memref<10240x16xf32, #tpu.memory_space<vmem_shared>> -> memref<128x16xf32, #tpu.memory_space<vmem_shared>>
      %dma_wait3A_68 = arith.constant 0 : i32
      %dma_wait3A_69 = tpu.memref_slice %arg7[%add3A_22, %dma_wait3A_68] : memref<10240x16xf32, #tpu.memory_space<vmem_shared>> -> memref<128x16xf32, #tpu.memory_space<vmem_shared>>
      tpu.wait_dma2 semaphore(%run_scoped3A : memref<!tpu.dma_semaphore, #tpu.memory_space<semaphore_mem>>) src(%arg6 : memref<128x16xf32, #tpu.memory_space<vmem>>) dst(%dma_wait3A_69 : memref<128x16xf32, #tpu.memory_space<vmem_shared>>)
      tpu.yield
    }) : () -> ()
    %mul3A_23 = arith.constant 640 : i32
    %mul3A_24 = arith.muli %arg1, %mul3A_23 : i32
    %add3A_25 = arith.constant 256 : i32
    %add3A_26 = arith.addi %mul3A_24, %add3A_25 : i32
    "tpu.region"() ({
      %run_scoped3A = tpu.sem_alloc : memref<!tpu.dma_semaphore, #tpu.memory_space<semaphore_mem>>
      %dma_start3A = arith.constant 0 : i32
      %dma_start3A_64 = tpu.memref_slice %arg7[%add3A_26, %dma_start3A] : memref<10240x16xf32, #tpu.memory_space<vmem_shared>> -> memref<128x16xf32, #tpu.memory_space<vmem_shared>>
      %dma_start3A_65 = arith.constant 0 : i32
      %dma_start3A_66 = tpu.memref_slice %arg7[%add3A_26, %dma_start3A_65] : memref<10240x16xf32, #tpu.memory_space<vmem_shared>> -> memref<128x16xf32, #tpu.memory_space<vmem_shared>>
      tpu.enqueue_dma source(%arg6 : memref<128x16xf32, #tpu.memory_space<vmem>>) target(%dma_start3A_66 : memref<128x16xf32, #tpu.memory_space<vmem_shared>>) target_semaphore(%run_scoped3A : memref<!tpu.dma_semaphore, #tpu.memory_space<semaphore_mem>>)
      %dma_wait3A = arith.constant 0 : i32
      %dma_wait3A_67 = tpu.memref_slice %arg7[%add3A_26, %dma_wait3A] : memref<10240x16xf32, #tpu.memory_space<vmem_shared>> -> memref<128x16xf32, #tpu.memory_space<vmem_shared>>
      %dma_wait3A_68 = arith.constant 0 : i32
      %dma_wait3A_69 = tpu.memref_slice %arg7[%add3A_26, %dma_wait3A_68] : memref<10240x16xf32, #tpu.memory_space<vmem_shared>> -> memref<128x16xf32, #tpu.memory_space<vmem_shared>>
      tpu.wait_dma2 semaphore(%run_scoped3A : memref<!tpu.dma_semaphore, #tpu.memory_space<semaphore_mem>>) src(%arg6 : memref<128x16xf32, #tpu.memory_space<vmem>>) dst(%dma_wait3A_69 : memref<128x16xf32, #tpu.memory_space<vmem_shared>>)
      tpu.yield
    }) : () -> ()
    %mul3A_27 = arith.constant 640 : i32
    %mul3A_28 = arith.muli %arg1, %mul3A_27 : i32
    %add3A_29 = arith.constant 384 : i32
    %add3A_30 = arith.addi %mul3A_28, %add3A_29 : i32
    "tpu.region"() ({
      %run_scoped3A = tpu.sem_alloc : memref<!tpu.dma_semaphore, #tpu.memory_space<semaphore_mem>>
      %dma_start3A = arith.constant 0 : i32
      %dma_start3A_64 = tpu.memref_slice %arg7[%add3A_30, %dma_start3A] : memref<10240x16xf32, #tpu.memory_space<vmem_shared>> -> memref<128x16xf32, #tpu.memory_space<vmem_shared>>
      %dma_start3A_65 = arith.constant 0 : i32
      %dma_start3A_66 = tpu.memref_slice %arg7[%add3A_30, %dma_start3A_65] : memref<10240x16xf32, #tpu.memory_space<vmem_shared>> -> memref<128x16xf32, #tpu.memory_space<vmem_shared>>
      tpu.enqueue_dma source(%arg6 : memref<128x16xf32, #tpu.memory_space<vmem>>) target(%dma_start3A_66 : memref<128x16xf32, #tpu.memory_space<vmem_shared>>) target_semaphore(%run_scoped3A : memref<!tpu.dma_semaphore, #tpu.memory_space<semaphore_mem>>)
      %dma_wait3A = arith.constant 0 : i32
      %dma_wait3A_67 = tpu.memref_slice %arg7[%add3A_30, %dma_wait3A] : memref<10240x16xf32, #tpu.memory_space<vmem_shared>> -> memref<128x16xf32, #tpu.memory_space<vmem_shared>>
      %dma_wait3A_68 = arith.constant 0 : i32
      %dma_wait3A_69 = tpu.memref_slice %arg7[%add3A_30, %dma_wait3A_68] : memref<10240x16xf32, #tpu.memory_space<vmem_shared>> -> memref<128x16xf32, #tpu.memory_space<vmem_shared>>
      tpu.wait_dma2 semaphore(%run_scoped3A : memref<!tpu.dma_semaphore, #tpu.memory_space<semaphore_mem>>) src(%arg6 : memref<128x16xf32, #tpu.memory_space<vmem>>) dst(%dma_wait3A_69 : memref<128x16xf32, #tpu.memory_space<vmem_shared>>)
      tpu.yield
    }) : () -> ()
    %mul3A_31 = arith.constant 640 : i32
    %mul3A_32 = arith.muli %arg1, %mul3A_31 : i32
    %add3A_33 = arith.constant 512 : i32
    %add3A_34 = arith.addi %mul3A_32, %add3A_33 : i32
    "tpu.region"() ({
      %run_scoped3A = tpu.sem_alloc : memref<!tpu.dma_semaphore, #tpu.memory_space<semaphore_mem>>
      %dma_start3A = arith.constant 0 : i32
      %dma_start3A_64 = tpu.memref_slice %arg7[%add3A_34, %dma_start3A] : memref<10240x16xf32, #tpu.memory_space<vmem_shared>> -> memref<128x16xf32, #tpu.memory_space<vmem_shared>>
      %dma_start3A_65 = arith.constant 0 : i32
      %dma_start3A_66 = tpu.memref_slice %arg7[%add3A_34, %dma_start3A_65] : memref<10240x16xf32, #tpu.memory_space<vmem_shared>> -> memref<128x16xf32, #tpu.memory_space<vmem_shared>>
      tpu.enqueue_dma source(%arg6 : memref<128x16xf32, #tpu.memory_space<vmem>>) target(%dma_start3A_66 : memref<128x16xf32, #tpu.memory_space<vmem_shared>>) target_semaphore(%run_scoped3A : memref<!tpu.dma_semaphore, #tpu.memory_space<semaphore_mem>>)
      %dma_wait3A = arith.constant 0 : i32
      %dma_wait3A_67 = tpu.memref_slice %arg7[%add3A_34, %dma_wait3A] : memref<10240x16xf32, #tpu.memory_space<vmem_shared>> -> memref<128x16xf32, #tpu.memory_space<vmem_shared>>
      %dma_wait3A_68 = arith.constant 0 : i32
      %dma_wait3A_69 = tpu.memref_slice %arg7[%add3A_34, %dma_wait3A_68] : memref<10240x16xf32, #tpu.memory_space<vmem_shared>> -> memref<128x16xf32, #tpu.memory_space<vmem_shared>>
      tpu.wait_dma2 semaphore(%run_scoped3A : memref<!tpu.dma_semaphore, #tpu.memory_space<semaphore_mem>>) src(%arg6 : memref<128x16xf32, #tpu.memory_space<vmem>>) dst(%dma_wait3A_69 : memref<128x16xf32, #tpu.memory_space<vmem_shared>>)
      tpu.yield
    }) : () -> ()
    %barrier3A = arith.constant 0 : index
    tpu.barrier barrier_id(%barrier3A)
    %mul3A_35 = arith.constant 40 : i32
    %mul3A_36 = arith.muli %add3A, %mul3A_35 : i32
    "tpu.region"() ({
      %run_scoped3A = tpu.sem_alloc : memref<!tpu.dma_semaphore, #tpu.memory_space<semaphore_mem>>
      %dma_start3A = arith.constant 0 : i32
      %dma_start3A_64 = tpu.memref_slice %arg2[%mul3A_36, %dma_start3A] : memref<1280x256xi32, #tpu.memory_space<hbm>> -> memref<40x256xi32, #tpu.memory_space<hbm>>
      %dma_start3A_65 = arith.constant 0 : i32
      %dma_start3A_66 = tpu.memref_slice %arg2[%mul3A_36, %dma_start3A_65] : memref<1280x256xi32, #tpu.memory_space<hbm>> -> memref<40x256xi32, #tpu.memory_space<hbm>>
      tpu.enqueue_dma source(%dma_start3A_66 : memref<40x256xi32, #tpu.memory_space<hbm>>) target(%arg4 : memref<40x256xi32, #tpu.memory_space<vmem>>) target_semaphore(%run_scoped3A : memref<!tpu.dma_semaphore, #tpu.memory_space<semaphore_mem>>)
      %dma_wait3A = arith.constant 0 : i32
      %dma_wait3A_67 = tpu.memref_slice %arg2[%mul3A_36, %dma_wait3A] : memref<1280x256xi32, #tpu.memory_space<hbm>> -> memref<40x256xi32, #tpu.memory_space<hbm>>
      %dma_wait3A_68 = arith.constant 0 : i32
      %dma_wait3A_69 = tpu.memref_slice %arg2[%mul3A_36, %dma_wait3A_68] : memref<1280x256xi32, #tpu.memory_space<hbm>> -> memref<40x256xi32, #tpu.memory_space<hbm>>
      tpu.wait_dma2 semaphore(%run_scoped3A : memref<!tpu.dma_semaphore, #tpu.memory_space<semaphore_mem>>) src(%dma_wait3A_69 : memref<40x256xi32, #tpu.memory_space<hbm>>) dst(%arg4 : memref<40x256xi32, #tpu.memory_space<vmem>>)
      tpu.yield
    }) : () -> ()
    %scan3A_37 = arith.constant 0 : i32
    %scan3A_38 = arith.constant 0 : i32
    %scan3A_39 = arith.constant 40 : i32
    %scan3A_40 = arith.addi %scan3A_38, %scan3A_39 : i32
    %scan3A_41 = arith.constant 1 : i32
    scf.for %scan3A_64 = %scan3A_38 to %scan3A_40 step %scan3A_41  : i32 {
      "tpu.region"() ({
        %run_scoped3A = tpu.sem_alloc : memref<!tpu.dma_semaphore, #tpu.memory_space<semaphore_mem>>
        %dma_start3A = arith.constant 0 : i32
        %dma_start3A_65 = tpu.memref_slice %arg4[%scan3A_64, %dma_start3A] : memref<40x256xi32, #tpu.memory_space<vmem>> -> memref<1x256xi32, #tpu.memory_space<vmem>>
        %dma_start3A_66 = tpu.memref_squeeze %dma_start3A_65 : memref<1x256xi32, #tpu.memory_space<vmem>> -> memref<256xi32, #tpu.memory_space<vmem>>
        %dma_start3A_67 = arith.constant 0 : i32
        %dma_start3A_68 = arith.constant 0 : i32
        %dma_start3A_69 = tpu.memref_slice %arg7[%dma_start3A_67, %dma_start3A_68] : memref<10240x16xf32, #tpu.memory_space<vmem_shared>> -> memref<10240x16xf32, #tpu.memory_space<vmem_shared>>
        tpu.enqueue_indirect_dma source(%arg5 : memref<256x16xf32, #tpu.memory_space<vmem>>) target(%dma_start3A_69 : memref<10240x16xf32, #tpu.memory_space<vmem_shared>>) offsets(%dma_start3A_66 : memref<256xi32, #tpu.memory_space<vmem>>) semaphore(%run_scoped3A : memref<!tpu.dma_semaphore, #tpu.memory_space<semaphore_mem>>) {add = true}
        %dma_wait3A = arith.constant 0 : i32
        %dma_wait3A_70 = tpu.memref_slice %arg4[%scan3A_64, %dma_wait3A] : memref<40x256xi32, #tpu.memory_space<vmem>> -> memref<1x256xi32, #tpu.memory_space<vmem>>
        %dma_wait3A_71 = tpu.memref_squeeze %dma_wait3A_70 : memref<1x256xi32, #tpu.memory_space<vmem>> -> memref<256xi32, #tpu.memory_space<vmem>>
        %dma_wait3A_72 = arith.constant 0 : i32
        %dma_wait3A_73 = arith.constant 0 : i32
        %dma_wait3A_74 = tpu.memref_slice %arg7[%dma_wait3A_72, %dma_wait3A_73] : memref<10240x16xf32, #tpu.memory_space<vmem_shared>> -> memref<10240x16xf32, #tpu.memory_space<vmem_shared>>
        tpu.wait_indirect_dma semaphore(%run_scoped3A : memref<!tpu.dma_semaphore, #tpu.memory_space<semaphore_mem>>) src(%arg5 : memref<256x16xf32, #tpu.memory_space<vmem>>) dst(%dma_wait3A_74 : memref<10240x16xf32, #tpu.memory_space<vmem_shared>>)
        tpu.yield
      }) : () -> ()
    }
    %scan3A_42 = arith.constant 40 : i32
    %barrier3A_43 = arith.constant 0 : index
    tpu.barrier barrier_id(%barrier3A_43)
    %mul3A_44 = arith.constant 640 : i32
    %mul3A_45 = arith.muli %arg1, %mul3A_44 : i32
    %add3A_46 = arith.constant 0 : i32
    %add3A_47 = arith.addi %mul3A_45, %add3A_46 : i32
    "tpu.region"() ({
      %run_scoped3A = tpu.sem_alloc : memref<!tpu.dma_semaphore, #tpu.memory_space<semaphore_mem>>
      %dma_start3A = arith.constant 0 : i32
      %dma_start3A_64 = tpu.memref_slice %arg7[%add3A_47, %dma_start3A] : memref<10240x16xf32, #tpu.memory_space<vmem_shared>> -> memref<128x16xf32, #tpu.memory_space<vmem_shared>>
      %dma_start3A_65 = arith.constant 0 : i32
      %dma_start3A_66 = tpu.memref_slice %arg7[%add3A_47, %dma_start3A_65] : memref<10240x16xf32, #tpu.memory_space<vmem_shared>> -> memref<128x16xf32, #tpu.memory_space<vmem_shared>>
      tpu.enqueue_dma source(%dma_start3A_66 : memref<128x16xf32, #tpu.memory_space<vmem_shared>>) target(%arg6 : memref<128x16xf32, #tpu.memory_space<vmem>>) target_semaphore(%run_scoped3A : memref<!tpu.dma_semaphore, #tpu.memory_space<semaphore_mem>>)
      %dma_wait3A = arith.constant 0 : i32
      %dma_wait3A_67 = tpu.memref_slice %arg7[%add3A_47, %dma_wait3A] : memref<10240x16xf32, #tpu.memory_space<vmem_shared>> -> memref<128x16xf32, #tpu.memory_space<vmem_shared>>
      %dma_wait3A_68 = arith.constant 0 : i32
      %dma_wait3A_69 = tpu.memref_slice %arg7[%add3A_47, %dma_wait3A_68] : memref<10240x16xf32, #tpu.memory_space<vmem_shared>> -> memref<128x16xf32, #tpu.memory_space<vmem_shared>>
      tpu.wait_dma2 semaphore(%run_scoped3A : memref<!tpu.dma_semaphore, #tpu.memory_space<semaphore_mem>>) src(%dma_wait3A_69 : memref<128x16xf32, #tpu.memory_space<vmem_shared>>) dst(%arg6 : memref<128x16xf32, #tpu.memory_space<vmem>>)
      tpu.yield
    }) : () -> ()
    "tpu.region"() ({
      %run_scoped3A = tpu.sem_alloc : memref<!tpu.dma_semaphore, #tpu.memory_space<semaphore_mem>>
      %dma_start3A = arith.constant 0 : i32
      %dma_start3A_64 = tpu.memref_slice %arg3[%arg0, %add3A_47, %dma_start3A] : memref<2x10240x16xf32, #tpu.memory_space<hbm>> -> memref<1x128x16xf32, #tpu.memory_space<hbm>>
      %dma_start3A_65 = tpu.memref_squeeze %dma_start3A_64 : memref<1x128x16xf32, #tpu.memory_space<hbm>> -> memref<128x16xf32, #tpu.memory_space<hbm>>
      %dma_start3A_66 = arith.constant 0 : i32
      %dma_start3A_67 = tpu.memref_slice %arg3[%arg0, %add3A_47, %dma_start3A_66] : memref<2x10240x16xf32, #tpu.memory_space<hbm>> -> memref<1x128x16xf32, #tpu.memory_space<hbm>>
      %dma_start3A_68 = tpu.memref_squeeze %dma_start3A_67 : memref<1x128x16xf32, #tpu.memory_space<hbm>> -> memref<128x16xf32, #tpu.memory_space<hbm>>
      tpu.enqueue_dma source(%arg6 : memref<128x16xf32, #tpu.memory_space<vmem>>) target(%dma_start3A_68 : memref<128x16xf32, #tpu.memory_space<hbm>>) target_semaphore(%run_scoped3A : memref<!tpu.dma_semaphore, #tpu.memory_space<semaphore_mem>>)
      %dma_wait3A = arith.constant 0 : i32
      %dma_wait3A_69 = tpu.memref_slice %arg3[%arg0, %add3A_47, %dma_wait3A] : memref<2x10240x16xf32, #tpu.memory_space<hbm>> -> memref<1x128x16xf32, #tpu.memory_space<hbm>>
      %dma_wait3A_70 = tpu.memref_squeeze %dma_wait3A_69 : memref<1x128x16xf32, #tpu.memory_space<hbm>> -> memref<128x16xf32, #tpu.memory_space<hbm>>
      %dma_wait3A_71 = arith.constant 0 : i32
      %dma_wait3A_72 = tpu.memref_slice %arg3[%arg0, %add3A_47, %dma_wait3A_71] : memref<2x10240x16xf32, #tpu.memory_space<hbm>> -> memref<1x128x16xf32, #tpu.memory_space<hbm>>
      %dma_wait3A_73 = tpu.memref_squeeze %dma_wait3A_72 : memref<1x128x16xf32, #tpu.memory_space<hbm>> -> memref<128x16xf32, #tpu.memory_space<hbm>>
      tpu.wait_dma2 semaphore(%run_scoped3A : memref<!tpu.dma_semaphore, #tpu.memory_space<semaphore_mem>>) src(%arg6 : memref<128x16xf32, #tpu.memory_space<vmem>>) dst(%dma_wait3A_73 : memref<128x16xf32, #tpu.memory_space<hbm>>)
      tpu.yield
    }) : () -> ()
    %mul3A_48 = arith.constant 640 : i32
    %mul3A_49 = arith.muli %arg1, %mul3A_48 : i32
    %add3A_50 = arith.constant 128 : i32
    %add3A_51 = arith.addi %mul3A_49, %add3A_50 : i32
    "tpu.region"() ({
      %run_scoped3A = tpu.sem_alloc : memref<!tpu.dma_semaphore, #tpu.memory_space<semaphore_mem>>
      %dma_start3A = arith.constant 0 : i32
      %dma_start3A_64 = tpu.memref_slice %arg7[%add3A_51, %dma_start3A] : memref<10240x16xf32, #tpu.memory_space<vmem_shared>> -> memref<128x16xf32, #tpu.memory_space<vmem_shared>>
      %dma_start3A_65 = arith.constant 0 : i32
      %dma_start3A_66 = tpu.memref_slice %arg7[%add3A_51, %dma_start3A_65] : memref<10240x16xf32, #tpu.memory_space<vmem_shared>> -> memref<128x16xf32, #tpu.memory_space<vmem_shared>>
      tpu.enqueue_dma source(%dma_start3A_66 : memref<128x16xf32, #tpu.memory_space<vmem_shared>>) target(%arg6 : memref<128x16xf32, #tpu.memory_space<vmem>>) target_semaphore(%run_scoped3A : memref<!tpu.dma_semaphore, #tpu.memory_space<semaphore_mem>>)
      %dma_wait3A = arith.constant 0 : i32
      %dma_wait3A_67 = tpu.memref_slice %arg7[%add3A_51, %dma_wait3A] : memref<10240x16xf32, #tpu.memory_space<vmem_shared>> -> memref<128x16xf32, #tpu.memory_space<vmem_shared>>
      %dma_wait3A_68 = arith.constant 0 : i32
      %dma_wait3A_69 = tpu.memref_slice %arg7[%add3A_51, %dma_wait3A_68] : memref<10240x16xf32, #tpu.memory_space<vmem_shared>> -> memref<128x16xf32, #tpu.memory_space<vmem_shared>>
      tpu.wait_dma2 semaphore(%run_scoped3A : memref<!tpu.dma_semaphore, #tpu.memory_space<semaphore_mem>>) src(%dma_wait3A_69 : memref<128x16xf32, #tpu.memory_space<vmem_shared>>) dst(%arg6 : memref<128x16xf32, #tpu.memory_space<vmem>>)
      tpu.yield
    }) : () -> ()
    "tpu.region"() ({
      %run_scoped3A = tpu.sem_alloc : memref<!tpu.dma_semaphore, #tpu.memory_space<semaphore_mem>>
      %dma_start3A = arith.constant 0 : i32
      %dma_start3A_64 = tpu.memref_slice %arg3[%arg0, %add3A_51, %dma_start3A] : memref<2x10240x16xf32, #tpu.memory_space<hbm>> -> memref<1x128x16xf32, #tpu.memory_space<hbm>>
      %dma_start3A_65 = tpu.memref_squeeze %dma_start3A_64 : memref<1x128x16xf32, #tpu.memory_space<hbm>> -> memref<128x16xf32, #tpu.memory_space<hbm>>
      %dma_start3A_66 = arith.constant 0 : i32
      %dma_start3A_67 = tpu.memref_slice %arg3[%arg0, %add3A_51, %dma_start3A_66] : memref<2x10240x16xf32, #tpu.memory_space<hbm>> -> memref<1x128x16xf32, #tpu.memory_space<hbm>>
      %dma_start3A_68 = tpu.memref_squeeze %dma_start3A_67 : memref<1x128x16xf32, #tpu.memory_space<hbm>> -> memref<128x16xf32, #tpu.memory_space<hbm>>
      tpu.enqueue_dma source(%arg6 : memref<128x16xf32, #tpu.memory_space<vmem>>) target(%dma_start3A_68 : memref<128x16xf32, #tpu.memory_space<hbm>>) target_semaphore(%run_scoped3A : memref<!tpu.dma_semaphore, #tpu.memory_space<semaphore_mem>>)
      %dma_wait3A = arith.constant 0 : i32
      %dma_wait3A_69 = tpu.memref_slice %arg3[%arg0, %add3A_51, %dma_wait3A] : memref<2x10240x16xf32, #tpu.memory_space<hbm>> -> memref<1x128x16xf32, #tpu.memory_space<hbm>>
      %dma_wait3A_70 = tpu.memref_squeeze %dma_wait3A_69 : memref<1x128x16xf32, #tpu.memory_space<hbm>> -> memref<128x16xf32, #tpu.memory_space<hbm>>
      %dma_wait3A_71 = arith.constant 0 : i32
      %dma_wait3A_72 = tpu.memref_slice %arg3[%arg0, %add3A_51, %dma_wait3A_71] : memref<2x10240x16xf32, #tpu.memory_space<hbm>> -> memref<1x128x16xf32, #tpu.memory_space<hbm>>
      %dma_wait3A_73 = tpu.memref_squeeze %dma_wait3A_72 : memref<1x128x16xf32, #tpu.memory_space<hbm>> -> memref<128x16xf32, #tpu.memory_space<hbm>>
      tpu.wait_dma2 semaphore(%run_scoped3A : memref<!tpu.dma_semaphore, #tpu.memory_space<semaphore_mem>>) src(%arg6 : memref<128x16xf32, #tpu.memory_space<vmem>>) dst(%dma_wait3A_73 : memref<128x16xf32, #tpu.memory_space<hbm>>)
      tpu.yield
    }) : () -> ()
    %mul3A_52 = arith.constant 640 : i32
    %mul3A_53 = arith.muli %arg1, %mul3A_52 : i32
    %add3A_54 = arith.constant 256 : i32
    %add3A_55 = arith.addi %mul3A_53, %add3A_54 : i32
    "tpu.region"() ({
      %run_scoped3A = tpu.sem_alloc : memref<!tpu.dma_semaphore, #tpu.memory_space<semaphore_mem>>
      %dma_start3A = arith.constant 0 : i32
      %dma_start3A_64 = tpu.memref_slice %arg7[%add3A_55, %dma_start3A] : memref<10240x16xf32, #tpu.memory_space<vmem_shared>> -> memref<128x16xf32, #tpu.memory_space<vmem_shared>>
      %dma_start3A_65 = arith.constant 0 : i32
      %dma_start3A_66 = tpu.memref_slice %arg7[%add3A_55, %dma_start3A_65] : memref<10240x16xf32, #tpu.memory_space<vmem_shared>> -> memref<128x16xf32, #tpu.memory_space<vmem_shared>>
      tpu.enqueue_dma source(%dma_start3A_66 : memref<128x16xf32, #tpu.memory_space<vmem_shared>>) target(%arg6 : memref<128x16xf32, #tpu.memory_space<vmem>>) target_semaphore(%run_scoped3A : memref<!tpu.dma_semaphore, #tpu.memory_space<semaphore_mem>>)
      %dma_wait3A = arith.constant 0 : i32
      %dma_wait3A_67 = tpu.memref_slice %arg7[%add3A_55, %dma_wait3A] : memref<10240x16xf32, #tpu.memory_space<vmem_shared>> -> memref<128x16xf32, #tpu.memory_space<vmem_shared>>
      %dma_wait3A_68 = arith.constant 0 : i32
      %dma_wait3A_69 = tpu.memref_slice %arg7[%add3A_55, %dma_wait3A_68] : memref<10240x16xf32, #tpu.memory_space<vmem_shared>> -> memref<128x16xf32, #tpu.memory_space<vmem_shared>>
      tpu.wait_dma2 semaphore(%run_scoped3A : memref<!tpu.dma_semaphore, #tpu.memory_space<semaphore_mem>>) src(%dma_wait3A_69 : memref<128x16xf32, #tpu.memory_space<vmem_shared>>) dst(%arg6 : memref<128x16xf32, #tpu.memory_space<vmem>>)
      tpu.yield
    }) : () -> ()
    "tpu.region"() ({
      %run_scoped3A = tpu.sem_alloc : memref<!tpu.dma_semaphore, #tpu.memory_space<semaphore_mem>>
      %dma_start3A = arith.constant 0 : i32
      %dma_start3A_64 = tpu.memref_slice %arg3[%arg0, %add3A_55, %dma_start3A] : memref<2x10240x16xf32, #tpu.memory_space<hbm>> -> memref<1x128x16xf32, #tpu.memory_space<hbm>>
      %dma_start3A_65 = tpu.memref_squeeze %dma_start3A_64 : memref<1x128x16xf32, #tpu.memory_space<hbm>> -> memref<128x16xf32, #tpu.memory_space<hbm>>
      %dma_start3A_66 = arith.constant 0 : i32
      %dma_start3A_67 = tpu.memref_slice %arg3[%arg0, %add3A_55, %dma_start3A_66] : memref<2x10240x16xf32, #tpu.memory_space<hbm>> -> memref<1x128x16xf32, #tpu.memory_space<hbm>>
      %dma_start3A_68 = tpu.memref_squeeze %dma_start3A_67 : memref<1x128x16xf32, #tpu.memory_space<hbm>> -> memref<128x16xf32, #tpu.memory_space<hbm>>
      tpu.enqueue_dma source(%arg6 : memref<128x16xf32, #tpu.memory_space<vmem>>) target(%dma_start3A_68 : memref<128x16xf32, #tpu.memory_space<hbm>>) target_semaphore(%run_scoped3A : memref<!tpu.dma_semaphore, #tpu.memory_space<semaphore_mem>>)
      %dma_wait3A = arith.constant 0 : i32
      %dma_wait3A_69 = tpu.memref_slice %arg3[%arg0, %add3A_55, %dma_wait3A] : memref<2x10240x16xf32, #tpu.memory_space<hbm>> -> memref<1x128x16xf32, #tpu.memory_space<hbm>>
      %dma_wait3A_70 = tpu.memref_squeeze %dma_wait3A_69 : memref<1x128x16xf32, #tpu.memory_space<hbm>> -> memref<128x16xf32, #tpu.memory_space<hbm>>
      %dma_wait3A_71 = arith.constant 0 : i32
      %dma_wait3A_72 = tpu.memref_slice %arg3[%arg0, %add3A_55, %dma_wait3A_71] : memref<2x10240x16xf32, #tpu.memory_space<hbm>> -> memref<1x128x16xf32, #tpu.memory_space<hbm>>
      %dma_wait3A_73 = tpu.memref_squeeze %dma_wait3A_72 : memref<1x128x16xf32, #tpu.memory_space<hbm>> -> memref<128x16xf32, #tpu.memory_space<hbm>>
      tpu.wait_dma2 semaphore(%run_scoped3A : memref<!tpu.dma_semaphore, #tpu.memory_space<semaphore_mem>>) src(%arg6 : memref<128x16xf32, #tpu.memory_space<vmem>>) dst(%dma_wait3A_73 : memref<128x16xf32, #tpu.memory_space<hbm>>)
      tpu.yield
    }) : () -> ()
    %mul3A_56 = arith.constant 640 : i32
    %mul3A_57 = arith.muli %arg1, %mul3A_56 : i32
    %add3A_58 = arith.constant 384 : i32
    %add3A_59 = arith.addi %mul3A_57, %add3A_58 : i32
    "tpu.region"() ({
      %run_scoped3A = tpu.sem_alloc : memref<!tpu.dma_semaphore, #tpu.memory_space<semaphore_mem>>
      %dma_start3A = arith.constant 0 : i32
      %dma_start3A_64 = tpu.memref_slice %arg7[%add3A_59, %dma_start3A] : memref<10240x16xf32, #tpu.memory_space<vmem_shared>> -> memref<128x16xf32, #tpu.memory_space<vmem_shared>>
      %dma_start3A_65 = arith.constant 0 : i32
      %dma_start3A_66 = tpu.memref_slice %arg7[%add3A_59, %dma_start3A_65] : memref<10240x16xf32, #tpu.memory_space<vmem_shared>> -> memref<128x16xf32, #tpu.memory_space<vmem_shared>>
      tpu.enqueue_dma source(%dma_start3A_66 : memref<128x16xf32, #tpu.memory_space<vmem_shared>>) target(%arg6 : memref<128x16xf32, #tpu.memory_space<vmem>>) target_semaphore(%run_scoped3A : memref<!tpu.dma_semaphore, #tpu.memory_space<semaphore_mem>>)
      %dma_wait3A = arith.constant 0 : i32
      %dma_wait3A_67 = tpu.memref_slice %arg7[%add3A_59, %dma_wait3A] : memref<10240x16xf32, #tpu.memory_space<vmem_shared>> -> memref<128x16xf32, #tpu.memory_space<vmem_shared>>
      %dma_wait3A_68 = arith.constant 0 : i32
      %dma_wait3A_69 = tpu.memref_slice %arg7[%add3A_59, %dma_wait3A_68] : memref<10240x16xf32, #tpu.memory_space<vmem_shared>> -> memref<128x16xf32, #tpu.memory_space<vmem_shared>>
      tpu.wait_dma2 semaphore(%run_scoped3A : memref<!tpu.dma_semaphore, #tpu.memory_space<semaphore_mem>>) src(%dma_wait3A_69 : memref<128x16xf32, #tpu.memory_space<vmem_shared>>) dst(%arg6 : memref<128x16xf32, #tpu.memory_space<vmem>>)
      tpu.yield
    }) : () -> ()
    "tpu.region"() ({
      %run_scoped3A = tpu.sem_alloc : memref<!tpu.dma_semaphore, #tpu.memory_space<semaphore_mem>>
      %dma_start3A = arith.constant 0 : i32
      %dma_start3A_64 = tpu.memref_slice %arg3[%arg0, %add3A_59, %dma_start3A] : memref<2x10240x16xf32, #tpu.memory_space<hbm>> -> memref<1x128x16xf32, #tpu.memory_space<hbm>>
      %dma_start3A_65 = tpu.memref_squeeze %dma_start3A_64 : memref<1x128x16xf32, #tpu.memory_space<hbm>> -> memref<128x16xf32, #tpu.memory_space<hbm>>
      %dma_start3A_66 = arith.constant 0 : i32
      %dma_start3A_67 = tpu.memref_slice %arg3[%arg0, %add3A_59, %dma_start3A_66] : memref<2x10240x16xf32, #tpu.memory_space<hbm>> -> memref<1x128x16xf32, #tpu.memory_space<hbm>>
      %dma_start3A_68 = tpu.memref_squeeze %dma_start3A_67 : memref<1x128x16xf32, #tpu.memory_space<hbm>> -> memref<128x16xf32, #tpu.memory_space<hbm>>
      tpu.enqueue_dma source(%arg6 : memref<128x16xf32, #tpu.memory_space<vmem>>) target(%dma_start3A_68 : memref<128x16xf32, #tpu.memory_space<hbm>>) target_semaphore(%run_scoped3A : memref<!tpu.dma_semaphore, #tpu.memory_space<semaphore_mem>>)
      %dma_wait3A = arith.constant 0 : i32
      %dma_wait3A_69 = tpu.memref_slice %arg3[%arg0, %add3A_59, %dma_wait3A] : memref<2x10240x16xf32, #tpu.memory_space<hbm>> -> memref<1x128x16xf32, #tpu.memory_space<hbm>>
      %dma_wait3A_70 = tpu.memref_squeeze %dma_wait3A_69 : memref<1x128x16xf32, #tpu.memory_space<hbm>> -> memref<128x16xf32, #tpu.memory_space<hbm>>
      %dma_wait3A_71 = arith.constant 0 : i32
      %dma_wait3A_72 = tpu.memref_slice %arg3[%arg0, %add3A_59, %dma_wait3A_71] : memref<2x10240x16xf32, #tpu.memory_space<hbm>> -> memref<1x128x16xf32, #tpu.memory_space<hbm>>
      %dma_wait3A_73 = tpu.memref_squeeze %dma_wait3A_72 : memref<1x128x16xf32, #tpu.memory_space<hbm>> -> memref<128x16xf32, #tpu.memory_space<hbm>>
      tpu.wait_dma2 semaphore(%run_scoped3A : memref<!tpu.dma_semaphore, #tpu.memory_space<semaphore_mem>>) src(%arg6 : memref<128x16xf32, #tpu.memory_space<vmem>>) dst(%dma_wait3A_73 : memref<128x16xf32, #tpu.memory_space<hbm>>)
      tpu.yield
    }) : () -> ()
    %mul3A_60 = arith.constant 640 : i32
    %mul3A_61 = arith.muli %arg1, %mul3A_60 : i32
    %add3A_62 = arith.constant 512 : i32
    %add3A_63 = arith.addi %mul3A_61, %add3A_62 : i32
    "tpu.region"() ({
      %run_scoped3A = tpu.sem_alloc : memref<!tpu.dma_semaphore, #tpu.memory_space<semaphore_mem>>
      %dma_start3A = arith.constant 0 : i32
      %dma_start3A_64 = tpu.memref_slice %arg7[%add3A_63, %dma_start3A] : memref<10240x16xf32, #tpu.memory_space<vmem_shared>> -> memref<128x16xf32, #tpu.memory_space<vmem_shared>>
      %dma_start3A_65 = arith.constant 0 : i32
      %dma_start3A_66 = tpu.memref_slice %arg7[%add3A_63, %dma_start3A_65] : memref<10240x16xf32, #tpu.memory_space<vmem_shared>> -> memref<128x16xf32, #tpu.memory_space<vmem_shared>>
      tpu.enqueue_dma source(%dma_start3A_66 : memref<128x16xf32, #tpu.memory_space<vmem_shared>>) target(%arg6 : memref<128x16xf32, #tpu.memory_space<vmem>>) target_semaphore(%run_scoped3A : memref<!tpu.dma_semaphore, #tpu.memory_space<semaphore_mem>>)
      %dma_wait3A = arith.constant 0 : i32
      %dma_wait3A_67 = tpu.memref_slice %arg7[%add3A_63, %dma_wait3A] : memref<10240x16xf32, #tpu.memory_space<vmem_shared>> -> memref<128x16xf32, #tpu.memory_space<vmem_shared>>
      %dma_wait3A_68 = arith.constant 0 : i32
      %dma_wait3A_69 = tpu.memref_slice %arg7[%add3A_63, %dma_wait3A_68] : memref<10240x16xf32, #tpu.memory_space<vmem_shared>> -> memref<128x16xf32, #tpu.memory_space<vmem_shared>>
      tpu.wait_dma2 semaphore(%run_scoped3A : memref<!tpu.dma_semaphore, #tpu.memory_space<semaphore_mem>>) src(%dma_wait3A_69 : memref<128x16xf32, #tpu.memory_space<vmem_shared>>) dst(%arg6 : memref<128x16xf32, #tpu.memory_space<vmem>>)
      tpu.yield
    }) : () -> ()
    "tpu.region"() ({
      %run_scoped3A = tpu.sem_alloc : memref<!tpu.dma_semaphore, #tpu.memory_space<semaphore_mem>>
      %dma_start3A = arith.constant 0 : i32
      %dma_start3A_64 = tpu.memref_slice %arg3[%arg0, %add3A_63, %dma_start3A] : memref<2x10240x16xf32, #tpu.memory_space<hbm>> -> memref<1x128x16xf32, #tpu.memory_space<hbm>>
      %dma_start3A_65 = tpu.memref_squeeze %dma_start3A_64 : memref<1x128x16xf32, #tpu.memory_space<hbm>> -> memref<128x16xf32, #tpu.memory_space<hbm>>
      %dma_start3A_66 = arith.constant 0 : i32
      %dma_start3A_67 = tpu.memref_slice %arg3[%arg0, %add3A_63, %dma_start3A_66] : memref<2x10240x16xf32, #tpu.memory_space<hbm>> -> memref<1x128x16xf32, #tpu.memory_space<hbm>>
      %dma_start3A_68 = tpu.memref_squeeze %dma_start3A_67 : memref<1x128x16xf32, #tpu.memory_space<hbm>> -> memref<128x16xf32, #tpu.memory_space<hbm>>
      tpu.enqueue_dma source(%arg6 : memref<128x16xf32, #tpu.memory_space<vmem>>) target(%dma_start3A_68 : memref<128x16xf32, #tpu.memory_space<hbm>>) target_semaphore(%run_scoped3A : memref<!tpu.dma_semaphore, #tpu.memory_space<semaphore_mem>>)
      %dma_wait3A = arith.constant 0 : i32
      %dma_wait3A_69 = tpu.memref_slice %arg3[%arg0, %add3A_63, %dma_wait3A] : memref<2x10240x16xf32, #tpu.memory_space<hbm>> -> memref<1x128x16xf32, #tpu.memory_space<hbm>>
      %dma_wait3A_70 = tpu.memref_squeeze %dma_wait3A_69 : memref<1x128x16xf32, #tpu.memory_space<hbm>> -> memref<128x16xf32, #tpu.memory_space<hbm>>
      %dma_wait3A_71 = arith.constant 0 : i32
      %dma_wait3A_72 = tpu.memref_slice %arg3[%arg0, %add3A_63, %dma_wait3A_71] : memref<2x10240x16xf32, #tpu.memory_space<hbm>> -> memref<1x128x16xf32, #tpu.memory_space<hbm>>
      %dma_wait3A_73 = tpu.memref_squeeze %dma_wait3A_72 : memref<1x128x16xf32, #tpu.memory_space<hbm>> -> memref<128x16xf32, #tpu.memory_space<hbm>>
      tpu.wait_dma2 semaphore(%run_scoped3A : memref<!tpu.dma_semaphore, #tpu.memory_space<semaphore_mem>>) src(%arg6 : memref<128x16xf32, #tpu.memory_space<vmem>>) dst(%dma_wait3A_73 : memref<128x16xf32, #tpu.memory_space<hbm>>)
      tpu.yield
    }) : () -> ()
    return
  }
}

#map = affine_map<(d0, d1) -> (0, 0)>
#map1 = affine_map<(d0, d1) -> (0, 0, 0)>
module attributes {stable_mosaic.version = 14 : i64} {
  func.func @_prop_body(%arg0: i32, %arg1: i32, %arg2: memref<20000x64xf32, #tpu.memory_space<hbm>>, %arg3: memref<2x1280x256xi32, #tpu.memory_space<hbm>>, %arg4: memref<1280x256xi32, #tpu.memory_space<hbm>>, %arg5: memref<2x10240x64xf32, #tpu.memory_space<hbm>>, %arg6: memref<80x256xi32, #tpu.memory_space<vmem>>, %arg7: memref<80x256xi32, #tpu.memory_space<vmem>>, %arg8: memref<256x64xf32, #tpu.memory_space<vmem>>, %arg9: memref<256x64xf32, #tpu.memory_space<vmem>>, %arg10: memref<10240x64xf32, #tpu.memory_space<vmem_shared>>, %arg11: memref<!tpu.dma_semaphore, #tpu.memory_space<semaphore_mem>>, %arg12: memref<!tpu.dma_semaphore, #tpu.memory_space<semaphore_mem>>) attributes {dimension_semantics = [#tpu.dimension_semantics<core_parallel>, #tpu.dimension_semantics<subcore_parallel>], iteration_bounds = array<i64: 2, 16>, scalar_prefetch = 0 : i64, scratch_operands = 7 : i64, tpu.core_type = #tpu.core_type<sc_vector_subcore>, window_params = [{transform_indices = #map}, {transform_indices = #map1}, {transform_indices = #map}, {transform_indices = #map1}]} {
    %broadcast_in_dim3A = arith.constant 0.000000e+00 : f32
    %broadcast_in_dim3A_0 = vector.broadcast %broadcast_in_dim3A : f32 to vector<16xf32>
    %scan3A = arith.constant 0 : i32
    %scan3A_1 = arith.constant 0 : i32
    %scan3A_2 = arith.constant 256 : i32
    %scan3A_3 = arith.addi %scan3A_1, %scan3A_2 : i32
    %scan3A_4 = arith.constant 1 : i32
    scf.for %scan3A_52 = %scan3A_1 to %scan3A_3 step %scan3A_4  : i32 {
      %swap3A = arith.index_cast %scan3A_52 : i32 to index
      %swap3A_53 = arith.constant 0 : index
      %swap3A_54 = tpu.vector_load %arg8[%swap3A, %swap3A_53] {strides = array<i32>} : memref<256x64xf32, #tpu.memory_space<vmem>>, vector<1x16xf32>,
      %swap3A_55 = vector.shape_cast %swap3A_54 : vector<1x16xf32> to vector<16xf32>
      %swap3A_56 = vector.shape_cast %broadcast_in_dim3A_0 : vector<16xf32> to vector<1x16xf32>
      tpu.vector_store %arg8[%swap3A, %swap3A_53], %swap3A_56 {strides = array<i32>} : memref<256x64xf32, #tpu.memory_space<vmem>>, vector<1x16xf32>,
      %swap3A_57 = arith.index_cast %scan3A_52 : i32 to index
      %swap3A_58 = arith.constant 16 : index
      %swap3A_59 = tpu.vector_load %arg8[%swap3A_57, %swap3A_58] {strides = array<i32>} : memref<256x64xf32, #tpu.memory_space<vmem>>, vector<1x16xf32>,
      %swap3A_60 = vector.shape_cast %swap3A_59 : vector<1x16xf32> to vector<16xf32>
      %swap3A_61 = vector.shape_cast %broadcast_in_dim3A_0 : vector<16xf32> to vector<1x16xf32>
      tpu.vector_store %arg8[%swap3A_57, %swap3A_58], %swap3A_61 {strides = array<i32>} : memref<256x64xf32, #tpu.memory_space<vmem>>, vector<1x16xf32>,
      %swap3A_62 = arith.index_cast %scan3A_52 : i32 to index
      %swap3A_63 = arith.constant 32 : index
      %swap3A_64 = tpu.vector_load %arg8[%swap3A_62, %swap3A_63] {strides = array<i32>} : memref<256x64xf32, #tpu.memory_space<vmem>>, vector<1x16xf32>,
      %swap3A_65 = vector.shape_cast %swap3A_64 : vector<1x16xf32> to vector<16xf32>
      %swap3A_66 = vector.shape_cast %broadcast_in_dim3A_0 : vector<16xf32> to vector<1x16xf32>
      tpu.vector_store %arg8[%swap3A_62, %swap3A_63], %swap3A_66 {strides = array<i32>} : memref<256x64xf32, #tpu.memory_space<vmem>>, vector<1x16xf32>,
      %swap3A_67 = arith.index_cast %scan3A_52 : i32 to index
      %swap3A_68 = arith.constant 48 : index
      %swap3A_69 = tpu.vector_load %arg8[%swap3A_67, %swap3A_68] {strides = array<i32>} : memref<256x64xf32, #tpu.memory_space<vmem>>, vector<1x16xf32>,
      %swap3A_70 = vector.shape_cast %swap3A_69 : vector<1x16xf32> to vector<16xf32>
      %swap3A_71 = vector.shape_cast %broadcast_in_dim3A_0 : vector<16xf32> to vector<1x16xf32>
      tpu.vector_store %arg8[%swap3A_67, %swap3A_68], %swap3A_71 {strides = array<i32>} : memref<256x64xf32, #tpu.memory_space<vmem>>, vector<1x16xf32>,
    }
    %scan3A_5 = arith.constant 256 : i32
    %mul3A = arith.constant 640 : i32
    %mul3A_6 = arith.muli %arg1, %mul3A : i32
    %add3A = arith.constant 0 : i32
    %add3A_7 = arith.addi %mul3A_6, %add3A : i32
    "tpu.region"() ({
      %run_scoped3A = tpu.sem_alloc : memref<!tpu.dma_semaphore, #tpu.memory_space<semaphore_mem>>
      %dma_start3A_52 = arith.constant 0 : i32
      %dma_start3A_53 = tpu.memref_slice %arg10[%add3A_7, %dma_start3A_52] : memref<10240x64xf32, #tpu.memory_space<vmem_shared>> -> memref<256x64xf32, #tpu.memory_space<vmem_shared>>
      %dma_start3A_54 = arith.constant 0 : i32
      %dma_start3A_55 = tpu.memref_slice %arg10[%add3A_7, %dma_start3A_54] : memref<10240x64xf32, #tpu.memory_space<vmem_shared>> -> memref<256x64xf32, #tpu.memory_space<vmem_shared>>
      tpu.enqueue_dma source(%arg8 : memref<256x64xf32, #tpu.memory_space<vmem>>) target(%dma_start3A_55 : memref<256x64xf32, #tpu.memory_space<vmem_shared>>) target_semaphore(%run_scoped3A : memref<!tpu.dma_semaphore, #tpu.memory_space<semaphore_mem>>)
      %dma_wait3A = arith.constant 0 : i32
      %dma_wait3A_56 = tpu.memref_slice %arg10[%add3A_7, %dma_wait3A] : memref<10240x64xf32, #tpu.memory_space<vmem_shared>> -> memref<256x64xf32, #tpu.memory_space<vmem_shared>>
      %dma_wait3A_57 = arith.constant 0 : i32
      %dma_wait3A_58 = tpu.memref_slice %arg10[%add3A_7, %dma_wait3A_57] : memref<10240x64xf32, #tpu.memory_space<vmem_shared>> -> memref<256x64xf32, #tpu.memory_space<vmem_shared>>
      tpu.wait_dma2 semaphore(%run_scoped3A : memref<!tpu.dma_semaphore, #tpu.memory_space<semaphore_mem>>) src(%arg8 : memref<256x64xf32, #tpu.memory_space<vmem>>) dst(%dma_wait3A_58 : memref<256x64xf32, #tpu.memory_space<vmem_shared>>)
      tpu.yield
    }) : () -> ()
    %mul3A_8 = arith.constant 640 : i32
    %mul3A_9 = arith.muli %arg1, %mul3A_8 : i32
    %add3A_10 = arith.constant 256 : i32
    %add3A_11 = arith.addi %mul3A_9, %add3A_10 : i32
    "tpu.region"() ({
      %run_scoped3A = tpu.sem_alloc : memref<!tpu.dma_semaphore, #tpu.memory_space<semaphore_mem>>
      %dma_start3A_52 = arith.constant 0 : i32
      %dma_start3A_53 = tpu.memref_slice %arg10[%add3A_11, %dma_start3A_52] : memref<10240x64xf32, #tpu.memory_space<vmem_shared>> -> memref<256x64xf32, #tpu.memory_space<vmem_shared>>
      %dma_start3A_54 = arith.constant 0 : i32
      %dma_start3A_55 = tpu.memref_slice %arg10[%add3A_11, %dma_start3A_54] : memref<10240x64xf32, #tpu.memory_space<vmem_shared>> -> memref<256x64xf32, #tpu.memory_space<vmem_shared>>
      tpu.enqueue_dma source(%arg8 : memref<256x64xf32, #tpu.memory_space<vmem>>) target(%dma_start3A_55 : memref<256x64xf32, #tpu.memory_space<vmem_shared>>) target_semaphore(%run_scoped3A : memref<!tpu.dma_semaphore, #tpu.memory_space<semaphore_mem>>)
      %dma_wait3A = arith.constant 0 : i32
      %dma_wait3A_56 = tpu.memref_slice %arg10[%add3A_11, %dma_wait3A] : memref<10240x64xf32, #tpu.memory_space<vmem_shared>> -> memref<256x64xf32, #tpu.memory_space<vmem_shared>>
      %dma_wait3A_57 = arith.constant 0 : i32
      %dma_wait3A_58 = tpu.memref_slice %arg10[%add3A_11, %dma_wait3A_57] : memref<10240x64xf32, #tpu.memory_space<vmem_shared>> -> memref<256x64xf32, #tpu.memory_space<vmem_shared>>
      tpu.wait_dma2 semaphore(%run_scoped3A : memref<!tpu.dma_semaphore, #tpu.memory_space<semaphore_mem>>) src(%arg8 : memref<256x64xf32, #tpu.memory_space<vmem>>) dst(%dma_wait3A_58 : memref<256x64xf32, #tpu.memory_space<vmem_shared>>)
      tpu.yield
    }) : () -> ()
    %mul3A_12 = arith.constant 640 : i32
    %mul3A_13 = arith.muli %arg1, %mul3A_12 : i32
    %add3A_14 = arith.constant 640 : i32
    %add3A_15 = arith.addi %mul3A_13, %add3A_14 : i32
    %sub3A = arith.constant 128 : i32
    %sub3A_16 = arith.subi %add3A_15, %sub3A : i32
    "tpu.region"() ({
      %run_scoped3A = tpu.sem_alloc : memref<!tpu.dma_semaphore, #tpu.memory_space<semaphore_mem>>
      %dma_start3A_52 = arith.constant 0 : i32
      %dma_start3A_53 = arith.constant 0 : i32
      %dma_start3A_54 = tpu.memref_slice %arg8[%dma_start3A_52, %dma_start3A_53] : memref<256x64xf32, #tpu.memory_space<vmem>> -> memref<128x64xf32, #tpu.memory_space<vmem>>
      %dma_start3A_55 = arith.constant 0 : i32
      %dma_start3A_56 = tpu.memref_slice %arg10[%sub3A_16, %dma_start3A_55] : memref<10240x64xf32, #tpu.memory_space<vmem_shared>> -> memref<128x64xf32, #tpu.memory_space<vmem_shared>>
      %dma_start3A_57 = arith.constant 0 : i32
      %dma_start3A_58 = tpu.memref_slice %arg10[%sub3A_16, %dma_start3A_57] : memref<10240x64xf32, #tpu.memory_space<vmem_shared>> -> memref<128x64xf32, #tpu.memory_space<vmem_shared>>
      %dma_start3A_59 = arith.constant 0 : i32
      %dma_start3A_60 = arith.constant 0 : i32
      %dma_start3A_61 = tpu.memref_slice %arg8[%dma_start3A_59, %dma_start3A_60] : memref<256x64xf32, #tpu.memory_space<vmem>> -> memref<128x64xf32, #tpu.memory_space<vmem>>
      tpu.enqueue_dma source(%dma_start3A_61 : memref<128x64xf32, #tpu.memory_space<vmem>>) target(%dma_start3A_58 : memref<128x64xf32, #tpu.memory_space<vmem_shared>>) target_semaphore(%run_scoped3A : memref<!tpu.dma_semaphore, #tpu.memory_space<semaphore_mem>>)
      %dma_wait3A = arith.constant 0 : i32
      %dma_wait3A_62 = arith.constant 0 : i32
      %dma_wait3A_63 = tpu.memref_slice %arg8[%dma_wait3A, %dma_wait3A_62] : memref<256x64xf32, #tpu.memory_space<vmem>> -> memref<128x64xf32, #tpu.memory_space<vmem>>
      %dma_wait3A_64 = arith.constant 0 : i32
      %dma_wait3A_65 = tpu.memref_slice %arg10[%sub3A_16, %dma_wait3A_64] : memref<10240x64xf32, #tpu.memory_space<vmem_shared>> -> memref<128x64xf32, #tpu.memory_space<vmem_shared>>
      %dma_wait3A_66 = arith.constant 0 : i32
      %dma_wait3A_67 = tpu.memref_slice %arg10[%sub3A_16, %dma_wait3A_66] : memref<10240x64xf32, #tpu.memory_space<vmem_shared>> -> memref<128x64xf32, #tpu.memory_space<vmem_shared>>
      %dma_wait3A_68 = arith.constant 0 : i32
      %dma_wait3A_69 = arith.constant 0 : i32
      %dma_wait3A_70 = tpu.memref_slice %arg8[%dma_wait3A_68, %dma_wait3A_69] : memref<256x64xf32, #tpu.memory_space<vmem>> -> memref<128x64xf32, #tpu.memory_space<vmem>>
      tpu.wait_dma2 semaphore(%run_scoped3A : memref<!tpu.dma_semaphore, #tpu.memory_space<semaphore_mem>>) src(%dma_wait3A_70 : memref<128x64xf32, #tpu.memory_space<vmem>>) dst(%dma_wait3A_67 : memref<128x64xf32, #tpu.memory_space<vmem_shared>>)
      tpu.yield
    }) : () -> ()
    %barrier3A = arith.constant 0 : index
    tpu.barrier barrier_id(%barrier3A)
    %mul3A_17 = arith.constant 80 : i32
    %mul3A_18 = arith.muli %arg1, %mul3A_17 : i32
    "tpu.region"() ({
      %run_scoped3A = tpu.sem_alloc : memref<!tpu.dma_semaphore, #tpu.memory_space<semaphore_mem>>
      %dma_start3A_52 = arith.constant 0 : i32
      %dma_start3A_53 = tpu.memref_slice %arg3[%arg0, %mul3A_18, %dma_start3A_52] : memref<2x1280x256xi32, #tpu.memory_space<hbm>> -> memref<1x80x256xi32, #tpu.memory_space<hbm>>
      %dma_start3A_54 = tpu.memref_squeeze %dma_start3A_53 : memref<1x80x256xi32, #tpu.memory_space<hbm>> -> memref<80x256xi32, #tpu.memory_space<hbm>>
      %dma_start3A_55 = arith.constant 0 : i32
      %dma_start3A_56 = tpu.memref_slice %arg3[%arg0, %mul3A_18, %dma_start3A_55] : memref<2x1280x256xi32, #tpu.memory_space<hbm>> -> memref<1x80x256xi32, #tpu.memory_space<hbm>>
      %dma_start3A_57 = tpu.memref_squeeze %dma_start3A_56 : memref<1x80x256xi32, #tpu.memory_space<hbm>> -> memref<80x256xi32, #tpu.memory_space<hbm>>
      tpu.enqueue_dma source(%dma_start3A_57 : memref<80x256xi32, #tpu.memory_space<hbm>>) target(%arg6 : memref<80x256xi32, #tpu.memory_space<vmem>>) target_semaphore(%run_scoped3A : memref<!tpu.dma_semaphore, #tpu.memory_space<semaphore_mem>>)
      %dma_wait3A = arith.constant 0 : i32
      %dma_wait3A_58 = tpu.memref_slice %arg3[%arg0, %mul3A_18, %dma_wait3A] : memref<2x1280x256xi32, #tpu.memory_space<hbm>> -> memref<1x80x256xi32, #tpu.memory_space<hbm>>
      %dma_wait3A_59 = tpu.memref_squeeze %dma_wait3A_58 : memref<1x80x256xi32, #tpu.memory_space<hbm>> -> memref<80x256xi32, #tpu.memory_space<hbm>>
      %dma_wait3A_60 = arith.constant 0 : i32
      %dma_wait3A_61 = tpu.memref_slice %arg3[%arg0, %mul3A_18, %dma_wait3A_60] : memref<2x1280x256xi32, #tpu.memory_space<hbm>> -> memref<1x80x256xi32, #tpu.memory_space<hbm>>
      %dma_wait3A_62 = tpu.memref_squeeze %dma_wait3A_61 : memref<1x80x256xi32, #tpu.memory_space<hbm>> -> memref<80x256xi32, #tpu.memory_space<hbm>>
      tpu.wait_dma2 semaphore(%run_scoped3A : memref<!tpu.dma_semaphore, #tpu.memory_space<semaphore_mem>>) src(%dma_wait3A_62 : memref<80x256xi32, #tpu.memory_space<hbm>>) dst(%arg6 : memref<80x256xi32, #tpu.memory_space<vmem>>)
      tpu.yield
    }) : () -> ()
    "tpu.region"() ({
      %run_scoped3A = tpu.sem_alloc : memref<!tpu.dma_semaphore, #tpu.memory_space<semaphore_mem>>
      %dma_start3A_52 = arith.constant 0 : i32
      %dma_start3A_53 = tpu.memref_slice %arg4[%mul3A_18, %dma_start3A_52] : memref<1280x256xi32, #tpu.memory_space<hbm>> -> memref<80x256xi32, #tpu.memory_space<hbm>>
      %dma_start3A_54 = arith.constant 0 : i32
      %dma_start3A_55 = tpu.memref_slice %arg4[%mul3A_18, %dma_start3A_54] : memref<1280x256xi32, #tpu.memory_space<hbm>> -> memref<80x256xi32, #tpu.memory_space<hbm>>
      tpu.enqueue_dma source(%dma_start3A_55 : memref<80x256xi32, #tpu.memory_space<hbm>>) target(%arg7 : memref<80x256xi32, #tpu.memory_space<vmem>>) target_semaphore(%run_scoped3A : memref<!tpu.dma_semaphore, #tpu.memory_space<semaphore_mem>>)
      %dma_wait3A = arith.constant 0 : i32
      %dma_wait3A_56 = tpu.memref_slice %arg4[%mul3A_18, %dma_wait3A] : memref<1280x256xi32, #tpu.memory_space<hbm>> -> memref<80x256xi32, #tpu.memory_space<hbm>>
      %dma_wait3A_57 = arith.constant 0 : i32
      %dma_wait3A_58 = tpu.memref_slice %arg4[%mul3A_18, %dma_wait3A_57] : memref<1280x256xi32, #tpu.memory_space<hbm>> -> memref<80x256xi32, #tpu.memory_space<hbm>>
      tpu.wait_dma2 semaphore(%run_scoped3A : memref<!tpu.dma_semaphore, #tpu.memory_space<semaphore_mem>>) src(%dma_wait3A_58 : memref<80x256xi32, #tpu.memory_space<hbm>>) dst(%arg7 : memref<80x256xi32, #tpu.memory_space<vmem>>)
      tpu.yield
    }) : () -> ()
    %dma_start3A = arith.constant 0 : i32
    %dma_start3A_19 = arith.constant 0 : i32
    %dma_start3A_20 = tpu.memref_slice %arg6[%dma_start3A, %dma_start3A_19] : memref<80x256xi32, #tpu.memory_space<vmem>> -> memref<1x256xi32, #tpu.memory_space<vmem>>
    %dma_start3A_21 = tpu.memref_squeeze %dma_start3A_20 : memref<1x256xi32, #tpu.memory_space<vmem>> -> memref<256xi32, #tpu.memory_space<vmem>>
    %dma_start3A_22 = arith.constant 0 : i32
    %dma_start3A_23 = arith.constant 0 : i32
    %dma_start3A_24 = tpu.memref_slice %arg2[%dma_start3A_22, %dma_start3A_23] : memref<20000x64xf32, #tpu.memory_space<hbm>> -> memref<20000x64xf32, #tpu.memory_space<hbm>>
    tpu.enqueue_indirect_dma source(%dma_start3A_24 : memref<20000x64xf32, #tpu.memory_space<hbm>>) target(%arg8 : memref<256x64xf32, #tpu.memory_space<vmem>>) offsets(%dma_start3A_21 : memref<256xi32, #tpu.memory_space<vmem>>) semaphore(%arg11 : memref<!tpu.dma_semaphore, #tpu.memory_space<semaphore_mem>>)
    %scan3A_25 = arith.constant 0 : i32
    %scan3A_26 = arith.constant 0 : i32
    %scan3A_27 = arith.constant 40 : i32
    %scan3A_28 = arith.addi %scan3A_26, %scan3A_27 : i32
    %scan3A_29 = arith.constant 1 : i32
    scf.for %scan3A_52 = %scan3A_26 to %scan3A_28 step %scan3A_29  : i32 {
      %mul3A_53 = arith.constant 2 : i32
      %mul3A_54 = arith.muli %scan3A_52, %mul3A_53 : i32
      %dma_wait3A = arith.constant 0 : i32
      %dma_wait3A_55 = tpu.memref_slice %arg6[%mul3A_54, %dma_wait3A] : memref<80x256xi32, #tpu.memory_space<vmem>> -> memref<1x256xi32, #tpu.memory_space<vmem>>
      %dma_wait3A_56 = tpu.memref_squeeze %dma_wait3A_55 : memref<1x256xi32, #tpu.memory_space<vmem>> -> memref<256xi32, #tpu.memory_space<vmem>>
      %dma_wait3A_57 = arith.constant 0 : i32
      %dma_wait3A_58 = arith.constant 0 : i32
      %dma_wait3A_59 = tpu.memref_slice %arg2[%dma_wait3A_57, %dma_wait3A_58] : memref<20000x64xf32, #tpu.memory_space<hbm>> -> memref<20000x64xf32, #tpu.memory_space<hbm>>
      tpu.wait_indirect_dma semaphore(%arg11 : memref<!tpu.dma_semaphore, #tpu.memory_space<semaphore_mem>>) src(%dma_wait3A_59 : memref<20000x64xf32, #tpu.memory_space<hbm>>) dst(%arg8 : memref<256x64xf32, #tpu.memory_space<vmem>>)
      %add3A_60 = arith.constant 1 : i32
      %add3A_61 = arith.addi %mul3A_54, %add3A_60 : i32
      %dma_start3A_62 = arith.constant 0 : i32
      %dma_start3A_63 = tpu.memref_slice %arg6[%add3A_61, %dma_start3A_62] : memref<80x256xi32, #tpu.memory_space<vmem>> -> memref<1x256xi32, #tpu.memory_space<vmem>>
      %dma_start3A_64 = tpu.memref_squeeze %dma_start3A_63 : memref<1x256xi32, #tpu.memory_space<vmem>> -> memref<256xi32, #tpu.memory_space<vmem>>
      %dma_start3A_65 = arith.constant 0 : i32
      %dma_start3A_66 = arith.constant 0 : i32
      %dma_start3A_67 = tpu.memref_slice %arg2[%dma_start3A_65, %dma_start3A_66] : memref<20000x64xf32, #tpu.memory_space<hbm>> -> memref<20000x64xf32, #tpu.memory_space<hbm>>
      tpu.enqueue_indirect_dma source(%dma_start3A_67 : memref<20000x64xf32, #tpu.memory_space<hbm>>) target(%arg9 : memref<256x64xf32, #tpu.memory_space<vmem>>) offsets(%dma_start3A_64 : memref<256xi32, #tpu.memory_space<vmem>>) semaphore(%arg12 : memref<!tpu.dma_semaphore, #tpu.memory_space<semaphore_mem>>)
      "tpu.region"() ({
        %run_scoped3A = tpu.sem_alloc : memref<!tpu.dma_semaphore, #tpu.memory_space<semaphore_mem>>
        %dma_start3A_82 = arith.constant 0 : i32
        %dma_start3A_83 = tpu.memref_slice %arg7[%mul3A_54, %dma_start3A_82] : memref<80x256xi32, #tpu.memory_space<vmem>> -> memref<1x256xi32, #tpu.memory_space<vmem>>
        %dma_start3A_84 = tpu.memref_squeeze %dma_start3A_83 : memref<1x256xi32, #tpu.memory_space<vmem>> -> memref<256xi32, #tpu.memory_space<vmem>>
        %dma_start3A_85 = arith.constant 0 : i32
        %dma_start3A_86 = arith.constant 0 : i32
        %dma_start3A_87 = tpu.memref_slice %arg10[%dma_start3A_85, %dma_start3A_86] : memref<10240x64xf32, #tpu.memory_space<vmem_shared>> -> memref<10240x64xf32, #tpu.memory_space<vmem_shared>>
        tpu.enqueue_indirect_dma source(%arg8 : memref<256x64xf32, #tpu.memory_space<vmem>>) target(%dma_start3A_87 : memref<10240x64xf32, #tpu.memory_space<vmem_shared>>) offsets(%dma_start3A_84 : memref<256xi32, #tpu.memory_space<vmem>>) semaphore(%run_scoped3A : memref<!tpu.dma_semaphore, #tpu.memory_space<semaphore_mem>>) {add = true}
        %dma_wait3A_88 = arith.constant 0 : i32
        %dma_wait3A_89 = tpu.memref_slice %arg7[%mul3A_54, %dma_wait3A_88] : memref<80x256xi32, #tpu.memory_space<vmem>> -> memref<1x256xi32, #tpu.memory_space<vmem>>
        %dma_wait3A_90 = tpu.memref_squeeze %dma_wait3A_89 : memref<1x256xi32, #tpu.memory_space<vmem>> -> memref<256xi32, #tpu.memory_space<vmem>>
        %dma_wait3A_91 = arith.constant 0 : i32
        %dma_wait3A_92 = arith.constant 0 : i32
        %dma_wait3A_93 = tpu.memref_slice %arg10[%dma_wait3A_91, %dma_wait3A_92] : memref<10240x64xf32, #tpu.memory_space<vmem_shared>> -> memref<10240x64xf32, #tpu.memory_space<vmem_shared>>
        tpu.wait_indirect_dma semaphore(%run_scoped3A : memref<!tpu.dma_semaphore, #tpu.memory_space<semaphore_mem>>) src(%arg8 : memref<256x64xf32, #tpu.memory_space<vmem>>) dst(%dma_wait3A_93 : memref<10240x64xf32, #tpu.memory_space<vmem_shared>>)
        tpu.yield
      }) : () -> ()
      %add3A_68 = arith.constant 1 : i32
      %add3A_69 = arith.addi %mul3A_54, %add3A_68 : i32
      %dma_wait3A_70 = arith.constant 0 : i32
      %dma_wait3A_71 = tpu.memref_slice %arg6[%add3A_69, %dma_wait3A_70] : memref<80x256xi32, #tpu.memory_space<vmem>> -> memref<1x256xi32, #tpu.memory_space<vmem>>
      %dma_wait3A_72 = tpu.memref_squeeze %dma_wait3A_71 : memref<1x256xi32, #tpu.memory_space<vmem>> -> memref<256xi32, #tpu.memory_space<vmem>>
      %dma_wait3A_73 = arith.constant 0 : i32
      %dma_wait3A_74 = arith.constant 0 : i32
      %dma_wait3A_75 = tpu.memref_slice %arg2[%dma_wait3A_73, %dma_wait3A_74] : memref<20000x64xf32, #tpu.memory_space<hbm>> -> memref<20000x64xf32, #tpu.memory_space<hbm>>
      tpu.wait_indirect_dma semaphore(%arg12 : memref<!tpu.dma_semaphore, #tpu.memory_space<semaphore_mem>>) src(%dma_wait3A_75 : memref<20000x64xf32, #tpu.memory_space<hbm>>) dst(%arg9 : memref<256x64xf32, #tpu.memory_space<vmem>>)
      %add3A_76 = arith.constant 2 : i32
      %add3A_77 = arith.addi %mul3A_54, %add3A_76 : i32
      %lt3A = arith.constant 80 : i32
      %lt3A_78 = arith.cmpi slt, %add3A_77, %lt3A : i32
      %convert_element_type3A = arith.extui %lt3A_78 : i1 to i32
      %cond3A = arith.constant 0 : i32
      %cond3A_79 = arith.cmpi ne, %convert_element_type3A, %cond3A : i32
      scf.if %cond3A_79 {
        %add3A_82 = arith.constant 2 : i32
        %add3A_83 = arith.addi %mul3A_54, %add3A_82 : i32
        %dma_start3A_84 = arith.constant 0 : i32
        %dma_start3A_85 = tpu.memref_slice %arg6[%add3A_83, %dma_start3A_84] : memref<80x256xi32, #tpu.memory_space<vmem>> -> memref<1x256xi32, #tpu.memory_space<vmem>>
        %dma_start3A_86 = tpu.memref_squeeze %dma_start3A_85 : memref<1x256xi32, #tpu.memory_space<vmem>> -> memref<256xi32, #tpu.memory_space<vmem>>
        %dma_start3A_87 = arith.constant 0 : i32
        %dma_start3A_88 = arith.constant 0 : i32
        %dma_start3A_89 = tpu.memref_slice %arg2[%dma_start3A_87, %dma_start3A_88] : memref<20000x64xf32, #tpu.memory_space<hbm>> -> memref<20000x64xf32, #tpu.memory_space<hbm>>
        tpu.enqueue_indirect_dma source(%dma_start3A_89 : memref<20000x64xf32, #tpu.memory_space<hbm>>) target(%arg8 : memref<256x64xf32, #tpu.memory_space<vmem>>) offsets(%dma_start3A_86 : memref<256xi32, #tpu.memory_space<vmem>>) semaphore(%arg11 : memref<!tpu.dma_semaphore, #tpu.memory_space<semaphore_mem>>)
      } else {
      }
      %add3A_80 = arith.constant 1 : i32
      %add3A_81 = arith.addi %mul3A_54, %add3A_80 : i32
      "tpu.region"() ({
        %run_scoped3A = tpu.sem_alloc : memref<!tpu.dma_semaphore, #tpu.memory_space<semaphore_mem>>
        %dma_start3A_82 = arith.constant 0 : i32
        %dma_start3A_83 = tpu.memref_slice %arg7[%add3A_81, %dma_start3A_82] : memref<80x256xi32, #tpu.memory_space<vmem>> -> memref<1x256xi32, #tpu.memory_space<vmem>>
        %dma_start3A_84 = tpu.memref_squeeze %dma_start3A_83 : memref<1x256xi32, #tpu.memory_space<vmem>> -> memref<256xi32, #tpu.memory_space<vmem>>
        %dma_start3A_85 = arith.constant 0 : i32
        %dma_start3A_86 = arith.constant 0 : i32
        %dma_start3A_87 = tpu.memref_slice %arg10[%dma_start3A_85, %dma_start3A_86] : memref<10240x64xf32, #tpu.memory_space<vmem_shared>> -> memref<10240x64xf32, #tpu.memory_space<vmem_shared>>
        tpu.enqueue_indirect_dma source(%arg9 : memref<256x64xf32, #tpu.memory_space<vmem>>) target(%dma_start3A_87 : memref<10240x64xf32, #tpu.memory_space<vmem_shared>>) offsets(%dma_start3A_84 : memref<256xi32, #tpu.memory_space<vmem>>) semaphore(%run_scoped3A : memref<!tpu.dma_semaphore, #tpu.memory_space<semaphore_mem>>) {add = true}
        %dma_wait3A_88 = arith.constant 0 : i32
        %dma_wait3A_89 = tpu.memref_slice %arg7[%add3A_81, %dma_wait3A_88] : memref<80x256xi32, #tpu.memory_space<vmem>> -> memref<1x256xi32, #tpu.memory_space<vmem>>
        %dma_wait3A_90 = tpu.memref_squeeze %dma_wait3A_89 : memref<1x256xi32, #tpu.memory_space<vmem>> -> memref<256xi32, #tpu.memory_space<vmem>>
        %dma_wait3A_91 = arith.constant 0 : i32
        %dma_wait3A_92 = arith.constant 0 : i32
        %dma_wait3A_93 = tpu.memref_slice %arg10[%dma_wait3A_91, %dma_wait3A_92] : memref<10240x64xf32, #tpu.memory_space<vmem_shared>> -> memref<10240x64xf32, #tpu.memory_space<vmem_shared>>
        tpu.wait_indirect_dma semaphore(%run_scoped3A : memref<!tpu.dma_semaphore, #tpu.memory_space<semaphore_mem>>) src(%arg9 : memref<256x64xf32, #tpu.memory_space<vmem>>) dst(%dma_wait3A_93 : memref<10240x64xf32, #tpu.memory_space<vmem_shared>>)
        tpu.yield
      }) : () -> ()
    }
    %scan3A_30 = arith.constant 40 : i32
    %barrier3A_31 = arith.constant 0 : index
    tpu.barrier barrier_id(%barrier3A_31)
    %mul3A_32 = arith.constant 640 : i32
    %mul3A_33 = arith.muli %arg1, %mul3A_32 : i32
    %add3A_34 = arith.constant 0 : i32
    %add3A_35 = arith.addi %mul3A_33, %add3A_34 : i32
    "tpu.region"() ({
      %run_scoped3A = tpu.sem_alloc : memref<!tpu.dma_semaphore, #tpu.memory_space<semaphore_mem>>
      %dma_start3A_52 = arith.constant 0 : i32
      %dma_start3A_53 = arith.constant 0 : i32
      %dma_start3A_54 = tpu.memref_slice %arg8[%dma_start3A_52, %dma_start3A_53] : memref<256x64xf32, #tpu.memory_space<vmem>> -> memref<128x64xf32, #tpu.memory_space<vmem>>
      %dma_start3A_55 = arith.constant 0 : i32
      %dma_start3A_56 = tpu.memref_slice %arg10[%add3A_35, %dma_start3A_55] : memref<10240x64xf32, #tpu.memory_space<vmem_shared>> -> memref<128x64xf32, #tpu.memory_space<vmem_shared>>
      %dma_start3A_57 = arith.constant 0 : i32
      %dma_start3A_58 = arith.constant 0 : i32
      %dma_start3A_59 = tpu.memref_slice %arg8[%dma_start3A_57, %dma_start3A_58] : memref<256x64xf32, #tpu.memory_space<vmem>> -> memref<128x64xf32, #tpu.memory_space<vmem>>
      %dma_start3A_60 = arith.constant 0 : i32
      %dma_start3A_61 = tpu.memref_slice %arg10[%add3A_35, %dma_start3A_60] : memref<10240x64xf32, #tpu.memory_space<vmem_shared>> -> memref<128x64xf32, #tpu.memory_space<vmem_shared>>
      tpu.enqueue_dma source(%dma_start3A_61 : memref<128x64xf32, #tpu.memory_space<vmem_shared>>) target(%dma_start3A_59 : memref<128x64xf32, #tpu.memory_space<vmem>>) target_semaphore(%run_scoped3A : memref<!tpu.dma_semaphore, #tpu.memory_space<semaphore_mem>>)
      %dma_wait3A = arith.constant 0 : i32
      %dma_wait3A_62 = arith.constant 0 : i32
      %dma_wait3A_63 = tpu.memref_slice %arg8[%dma_wait3A, %dma_wait3A_62] : memref<256x64xf32, #tpu.memory_space<vmem>> -> memref<128x64xf32, #tpu.memory_space<vmem>>
      %dma_wait3A_64 = arith.constant 0 : i32
      %dma_wait3A_65 = tpu.memref_slice %arg10[%add3A_35, %dma_wait3A_64] : memref<10240x64xf32, #tpu.memory_space<vmem_shared>> -> memref<128x64xf32, #tpu.memory_space<vmem_shared>>
      %dma_wait3A_66 = arith.constant 0 : i32
      %dma_wait3A_67 = arith.constant 0 : i32
      %dma_wait3A_68 = tpu.memref_slice %arg8[%dma_wait3A_66, %dma_wait3A_67] : memref<256x64xf32, #tpu.memory_space<vmem>> -> memref<128x64xf32, #tpu.memory_space<vmem>>
      %dma_wait3A_69 = arith.constant 0 : i32
      %dma_wait3A_70 = tpu.memref_slice %arg10[%add3A_35, %dma_wait3A_69] : memref<10240x64xf32, #tpu.memory_space<vmem_shared>> -> memref<128x64xf32, #tpu.memory_space<vmem_shared>>
      tpu.wait_dma2 semaphore(%run_scoped3A : memref<!tpu.dma_semaphore, #tpu.memory_space<semaphore_mem>>) src(%dma_wait3A_70 : memref<128x64xf32, #tpu.memory_space<vmem_shared>>) dst(%dma_wait3A_68 : memref<128x64xf32, #tpu.memory_space<vmem>>)
      tpu.yield
    }) : () -> ()
    "tpu.region"() ({
      %run_scoped3A = tpu.sem_alloc : memref<!tpu.dma_semaphore, #tpu.memory_space<semaphore_mem>>
      %dma_start3A_52 = arith.constant 0 : i32
      %dma_start3A_53 = arith.constant 0 : i32
      %dma_start3A_54 = tpu.memref_slice %arg8[%dma_start3A_52, %dma_start3A_53] : memref<256x64xf32, #tpu.memory_space<vmem>> -> memref<128x64xf32, #tpu.memory_space<vmem>>
      %dma_start3A_55 = arith.constant 0 : i32
      %dma_start3A_56 = tpu.memref_slice %arg5[%arg0, %add3A_35, %dma_start3A_55] : memref<2x10240x64xf32, #tpu.memory_space<hbm>> -> memref<1x128x64xf32, #tpu.memory_space<hbm>>
      %dma_start3A_57 = tpu.memref_squeeze %dma_start3A_56 : memref<1x128x64xf32, #tpu.memory_space<hbm>> -> memref<128x64xf32, #tpu.memory_space<hbm>>
      %dma_start3A_58 = arith.constant 0 : i32
      %dma_start3A_59 = tpu.memref_slice %arg5[%arg0, %add3A_35, %dma_start3A_58] : memref<2x10240x64xf32, #tpu.memory_space<hbm>> -> memref<1x128x64xf32, #tpu.memory_space<hbm>>
      %dma_start3A_60 = tpu.memref_squeeze %dma_start3A_59 : memref<1x128x64xf32, #tpu.memory_space<hbm>> -> memref<128x64xf32, #tpu.memory_space<hbm>>
      %dma_start3A_61 = arith.constant 0 : i32
      %dma_start3A_62 = arith.constant 0 : i32
      %dma_start3A_63 = tpu.memref_slice %arg8[%dma_start3A_61, %dma_start3A_62] : memref<256x64xf32, #tpu.memory_space<vmem>> -> memref<128x64xf32, #tpu.memory_space<vmem>>
      tpu.enqueue_dma source(%dma_start3A_63 : memref<128x64xf32, #tpu.memory_space<vmem>>) target(%dma_start3A_60 : memref<128x64xf32, #tpu.memory_space<hbm>>) target_semaphore(%run_scoped3A : memref<!tpu.dma_semaphore, #tpu.memory_space<semaphore_mem>>)
      %dma_wait3A = arith.constant 0 : i32
      %dma_wait3A_64 = arith.constant 0 : i32
      %dma_wait3A_65 = tpu.memref_slice %arg8[%dma_wait3A, %dma_wait3A_64] : memref<256x64xf32, #tpu.memory_space<vmem>> -> memref<128x64xf32, #tpu.memory_space<vmem>>
      %dma_wait3A_66 = arith.constant 0 : i32
      %dma_wait3A_67 = tpu.memref_slice %arg5[%arg0, %add3A_35, %dma_wait3A_66] : memref<2x10240x64xf32, #tpu.memory_space<hbm>> -> memref<1x128x64xf32, #tpu.memory_space<hbm>>
      %dma_wait3A_68 = tpu.memref_squeeze %dma_wait3A_67 : memref<1x128x64xf32, #tpu.memory_space<hbm>> -> memref<128x64xf32, #tpu.memory_space<hbm>>
      %dma_wait3A_69 = arith.constant 0 : i32
      %dma_wait3A_70 = tpu.memref_slice %arg5[%arg0, %add3A_35, %dma_wait3A_69] : memref<2x10240x64xf32, #tpu.memory_space<hbm>> -> memref<1x128x64xf32, #tpu.memory_space<hbm>>
      %dma_wait3A_71 = tpu.memref_squeeze %dma_wait3A_70 : memref<1x128x64xf32, #tpu.memory_space<hbm>> -> memref<128x64xf32, #tpu.memory_space<hbm>>
      %dma_wait3A_72 = arith.constant 0 : i32
      %dma_wait3A_73 = arith.constant 0 : i32
      %dma_wait3A_74 = tpu.memref_slice %arg8[%dma_wait3A_72, %dma_wait3A_73] : memref<256x64xf32, #tpu.memory_space<vmem>> -> memref<128x64xf32, #tpu.memory_space<vmem>>
      tpu.wait_dma2 semaphore(%run_scoped3A : memref<!tpu.dma_semaphore, #tpu.memory_space<semaphore_mem>>) src(%dma_wait3A_74 : memref<128x64xf32, #tpu.memory_space<vmem>>) dst(%dma_wait3A_71 : memref<128x64xf32, #tpu.memory_space<hbm>>)
      tpu.yield
    }) : () -> ()
    %mul3A_36 = arith.constant 640 : i32
    %mul3A_37 = arith.muli %arg1, %mul3A_36 : i32
    %add3A_38 = arith.constant 128 : i32
    %add3A_39 = arith.addi %mul3A_37, %add3A_38 : i32
    "tpu.region"() ({
      %run_scoped3A = tpu.sem_alloc : memref<!tpu.dma_semaphore, #tpu.memory_space<semaphore_mem>>
      %dma_start3A_52 = arith.constant 0 : i32
      %dma_start3A_53 = arith.constant 0 : i32
      %dma_start3A_54 = tpu.memref_slice %arg8[%dma_start3A_52, %dma_start3A_53] : memref<256x64xf32, #tpu.memory_space<vmem>> -> memref<128x64xf32, #tpu.memory_space<vmem>>
      %dma_start3A_55 = arith.constant 0 : i32
      %dma_start3A_56 = tpu.memref_slice %arg10[%add3A_39, %dma_start3A_55] : memref<10240x64xf32, #tpu.memory_space<vmem_shared>> -> memref<128x64xf32, #tpu.memory_space<vmem_shared>>
      %dma_start3A_57 = arith.constant 0 : i32
      %dma_start3A_58 = arith.constant 0 : i32
      %dma_start3A_59 = tpu.memref_slice %arg8[%dma_start3A_57, %dma_start3A_58] : memref<256x64xf32, #tpu.memory_space<vmem>> -> memref<128x64xf32, #tpu.memory_space<vmem>>
      %dma_start3A_60 = arith.constant 0 : i32
      %dma_start3A_61 = tpu.memref_slice %arg10[%add3A_39, %dma_start3A_60] : memref<10240x64xf32, #tpu.memory_space<vmem_shared>> -> memref<128x64xf32, #tpu.memory_space<vmem_shared>>
      tpu.enqueue_dma source(%dma_start3A_61 : memref<128x64xf32, #tpu.memory_space<vmem_shared>>) target(%dma_start3A_59 : memref<128x64xf32, #tpu.memory_space<vmem>>) target_semaphore(%run_scoped3A : memref<!tpu.dma_semaphore, #tpu.memory_space<semaphore_mem>>)
      %dma_wait3A = arith.constant 0 : i32
      %dma_wait3A_62 = arith.constant 0 : i32
      %dma_wait3A_63 = tpu.memref_slice %arg8[%dma_wait3A, %dma_wait3A_62] : memref<256x64xf32, #tpu.memory_space<vmem>> -> memref<128x64xf32, #tpu.memory_space<vmem>>
      %dma_wait3A_64 = arith.constant 0 : i32
      %dma_wait3A_65 = tpu.memref_slice %arg10[%add3A_39, %dma_wait3A_64] : memref<10240x64xf32, #tpu.memory_space<vmem_shared>> -> memref<128x64xf32, #tpu.memory_space<vmem_shared>>
      %dma_wait3A_66 = arith.constant 0 : i32
      %dma_wait3A_67 = arith.constant 0 : i32
      %dma_wait3A_68 = tpu.memref_slice %arg8[%dma_wait3A_66, %dma_wait3A_67] : memref<256x64xf32, #tpu.memory_space<vmem>> -> memref<128x64xf32, #tpu.memory_space<vmem>>
      %dma_wait3A_69 = arith.constant 0 : i32
      %dma_wait3A_70 = tpu.memref_slice %arg10[%add3A_39, %dma_wait3A_69] : memref<10240x64xf32, #tpu.memory_space<vmem_shared>> -> memref<128x64xf32, #tpu.memory_space<vmem_shared>>
      tpu.wait_dma2 semaphore(%run_scoped3A : memref<!tpu.dma_semaphore, #tpu.memory_space<semaphore_mem>>) src(%dma_wait3A_70 : memref<128x64xf32, #tpu.memory_space<vmem_shared>>) dst(%dma_wait3A_68 : memref<128x64xf32, #tpu.memory_space<vmem>>)
      tpu.yield
    }) : () -> ()
    "tpu.region"() ({
      %run_scoped3A = tpu.sem_alloc : memref<!tpu.dma_semaphore, #tpu.memory_space<semaphore_mem>>
      %dma_start3A_52 = arith.constant 0 : i32
      %dma_start3A_53 = arith.constant 0 : i32
      %dma_start3A_54 = tpu.memref_slice %arg8[%dma_start3A_52, %dma_start3A_53] : memref<256x64xf32, #tpu.memory_space<vmem>> -> memref<128x64xf32, #tpu.memory_space<vmem>>
      %dma_start3A_55 = arith.constant 0 : i32
      %dma_start3A_56 = tpu.memref_slice %arg5[%arg0, %add3A_39, %dma_start3A_55] : memref<2x10240x64xf32, #tpu.memory_space<hbm>> -> memref<1x128x64xf32, #tpu.memory_space<hbm>>
      %dma_start3A_57 = tpu.memref_squeeze %dma_start3A_56 : memref<1x128x64xf32, #tpu.memory_space<hbm>> -> memref<128x64xf32, #tpu.memory_space<hbm>>
      %dma_start3A_58 = arith.constant 0 : i32
      %dma_start3A_59 = tpu.memref_slice %arg5[%arg0, %add3A_39, %dma_start3A_58] : memref<2x10240x64xf32, #tpu.memory_space<hbm>> -> memref<1x128x64xf32, #tpu.memory_space<hbm>>
      %dma_start3A_60 = tpu.memref_squeeze %dma_start3A_59 : memref<1x128x64xf32, #tpu.memory_space<hbm>> -> memref<128x64xf32, #tpu.memory_space<hbm>>
      %dma_start3A_61 = arith.constant 0 : i32
      %dma_start3A_62 = arith.constant 0 : i32
      %dma_start3A_63 = tpu.memref_slice %arg8[%dma_start3A_61, %dma_start3A_62] : memref<256x64xf32, #tpu.memory_space<vmem>> -> memref<128x64xf32, #tpu.memory_space<vmem>>
      tpu.enqueue_dma source(%dma_start3A_63 : memref<128x64xf32, #tpu.memory_space<vmem>>) target(%dma_start3A_60 : memref<128x64xf32, #tpu.memory_space<hbm>>) target_semaphore(%run_scoped3A : memref<!tpu.dma_semaphore, #tpu.memory_space<semaphore_mem>>)
      %dma_wait3A = arith.constant 0 : i32
      %dma_wait3A_64 = arith.constant 0 : i32
      %dma_wait3A_65 = tpu.memref_slice %arg8[%dma_wait3A, %dma_wait3A_64] : memref<256x64xf32, #tpu.memory_space<vmem>> -> memref<128x64xf32, #tpu.memory_space<vmem>>
      %dma_wait3A_66 = arith.constant 0 : i32
      %dma_wait3A_67 = tpu.memref_slice %arg5[%arg0, %add3A_39, %dma_wait3A_66] : memref<2x10240x64xf32, #tpu.memory_space<hbm>> -> memref<1x128x64xf32, #tpu.memory_space<hbm>>
      %dma_wait3A_68 = tpu.memref_squeeze %dma_wait3A_67 : memref<1x128x64xf32, #tpu.memory_space<hbm>> -> memref<128x64xf32, #tpu.memory_space<hbm>>
      %dma_wait3A_69 = arith.constant 0 : i32
      %dma_wait3A_70 = tpu.memref_slice %arg5[%arg0, %add3A_39, %dma_wait3A_69] : memref<2x10240x64xf32, #tpu.memory_space<hbm>> -> memref<1x128x64xf32, #tpu.memory_space<hbm>>
      %dma_wait3A_71 = tpu.memref_squeeze %dma_wait3A_70 : memref<1x128x64xf32, #tpu.memory_space<hbm>> -> memref<128x64xf32, #tpu.memory_space<hbm>>
      %dma_wait3A_72 = arith.constant 0 : i32
      %dma_wait3A_73 = arith.constant 0 : i32
      %dma_wait3A_74 = tpu.memref_slice %arg8[%dma_wait3A_72, %dma_wait3A_73] : memref<256x64xf32, #tpu.memory_space<vmem>> -> memref<128x64xf32, #tpu.memory_space<vmem>>
      tpu.wait_dma2 semaphore(%run_scoped3A : memref<!tpu.dma_semaphore, #tpu.memory_space<semaphore_mem>>) src(%dma_wait3A_74 : memref<128x64xf32, #tpu.memory_space<vmem>>) dst(%dma_wait3A_71 : memref<128x64xf32, #tpu.memory_space<hbm>>)
      tpu.yield
    }) : () -> ()
    %mul3A_40 = arith.constant 640 : i32
    %mul3A_41 = arith.muli %arg1, %mul3A_40 : i32
    %add3A_42 = arith.constant 256 : i32
    %add3A_43 = arith.addi %mul3A_41, %add3A_42 : i32
    "tpu.region"() ({
      %run_scoped3A = tpu.sem_alloc : memref<!tpu.dma_semaphore, #tpu.memory_space<semaphore_mem>>
      %dma_start3A_52 = arith.constant 0 : i32
      %dma_start3A_53 = arith.constant 0 : i32
      %dma_start3A_54 = tpu.memref_slice %arg8[%dma_start3A_52, %dma_start3A_53] : memref<256x64xf32, #tpu.memory_space<vmem>> -> memref<128x64xf32, #tpu.memory_space<vmem>>
      %dma_start3A_55 = arith.constant 0 : i32
      %dma_start3A_56 = tpu.memref_slice %arg10[%add3A_43, %dma_start3A_55] : memref<10240x64xf32, #tpu.memory_space<vmem_shared>> -> memref<128x64xf32, #tpu.memory_space<vmem_shared>>
      %dma_start3A_57 = arith.constant 0 : i32
      %dma_start3A_58 = arith.constant 0 : i32
      %dma_start3A_59 = tpu.memref_slice %arg8[%dma_start3A_57, %dma_start3A_58] : memref<256x64xf32, #tpu.memory_space<vmem>> -> memref<128x64xf32, #tpu.memory_space<vmem>>
      %dma_start3A_60 = arith.constant 0 : i32
      %dma_start3A_61 = tpu.memref_slice %arg10[%add3A_43, %dma_start3A_60] : memref<10240x64xf32, #tpu.memory_space<vmem_shared>> -> memref<128x64xf32, #tpu.memory_space<vmem_shared>>
      tpu.enqueue_dma source(%dma_start3A_61 : memref<128x64xf32, #tpu.memory_space<vmem_shared>>) target(%dma_start3A_59 : memref<128x64xf32, #tpu.memory_space<vmem>>) target_semaphore(%run_scoped3A : memref<!tpu.dma_semaphore, #tpu.memory_space<semaphore_mem>>)
      %dma_wait3A = arith.constant 0 : i32
      %dma_wait3A_62 = arith.constant 0 : i32
      %dma_wait3A_63 = tpu.memref_slice %arg8[%dma_wait3A, %dma_wait3A_62] : memref<256x64xf32, #tpu.memory_space<vmem>> -> memref<128x64xf32, #tpu.memory_space<vmem>>
      %dma_wait3A_64 = arith.constant 0 : i32
      %dma_wait3A_65 = tpu.memref_slice %arg10[%add3A_43, %dma_wait3A_64] : memref<10240x64xf32, #tpu.memory_space<vmem_shared>> -> memref<128x64xf32, #tpu.memory_space<vmem_shared>>
      %dma_wait3A_66 = arith.constant 0 : i32
      %dma_wait3A_67 = arith.constant 0 : i32
      %dma_wait3A_68 = tpu.memref_slice %arg8[%dma_wait3A_66, %dma_wait3A_67] : memref<256x64xf32, #tpu.memory_space<vmem>> -> memref<128x64xf32, #tpu.memory_space<vmem>>
      %dma_wait3A_69 = arith.constant 0 : i32
      %dma_wait3A_70 = tpu.memref_slice %arg10[%add3A_43, %dma_wait3A_69] : memref<10240x64xf32, #tpu.memory_space<vmem_shared>> -> memref<128x64xf32, #tpu.memory_space<vmem_shared>>
      tpu.wait_dma2 semaphore(%run_scoped3A : memref<!tpu.dma_semaphore, #tpu.memory_space<semaphore_mem>>) src(%dma_wait3A_70 : memref<128x64xf32, #tpu.memory_space<vmem_shared>>) dst(%dma_wait3A_68 : memref<128x64xf32, #tpu.memory_space<vmem>>)
      tpu.yield
    }) : () -> ()
    "tpu.region"() ({
      %run_scoped3A = tpu.sem_alloc : memref<!tpu.dma_semaphore, #tpu.memory_space<semaphore_mem>>
      %dma_start3A_52 = arith.constant 0 : i32
      %dma_start3A_53 = arith.constant 0 : i32
      %dma_start3A_54 = tpu.memref_slice %arg8[%dma_start3A_52, %dma_start3A_53] : memref<256x64xf32, #tpu.memory_space<vmem>> -> memref<128x64xf32, #tpu.memory_space<vmem>>
      %dma_start3A_55 = arith.constant 0 : i32
      %dma_start3A_56 = tpu.memref_slice %arg5[%arg0, %add3A_43, %dma_start3A_55] : memref<2x10240x64xf32, #tpu.memory_space<hbm>> -> memref<1x128x64xf32, #tpu.memory_space<hbm>>
      %dma_start3A_57 = tpu.memref_squeeze %dma_start3A_56 : memref<1x128x64xf32, #tpu.memory_space<hbm>> -> memref<128x64xf32, #tpu.memory_space<hbm>>
      %dma_start3A_58 = arith.constant 0 : i32
      %dma_start3A_59 = tpu.memref_slice %arg5[%arg0, %add3A_43, %dma_start3A_58] : memref<2x10240x64xf32, #tpu.memory_space<hbm>> -> memref<1x128x64xf32, #tpu.memory_space<hbm>>
      %dma_start3A_60 = tpu.memref_squeeze %dma_start3A_59 : memref<1x128x64xf32, #tpu.memory_space<hbm>> -> memref<128x64xf32, #tpu.memory_space<hbm>>
      %dma_start3A_61 = arith.constant 0 : i32
      %dma_start3A_62 = arith.constant 0 : i32
      %dma_start3A_63 = tpu.memref_slice %arg8[%dma_start3A_61, %dma_start3A_62] : memref<256x64xf32, #tpu.memory_space<vmem>> -> memref<128x64xf32, #tpu.memory_space<vmem>>
      tpu.enqueue_dma source(%dma_start3A_63 : memref<128x64xf32, #tpu.memory_space<vmem>>) target(%dma_start3A_60 : memref<128x64xf32, #tpu.memory_space<hbm>>) target_semaphore(%run_scoped3A : memref<!tpu.dma_semaphore, #tpu.memory_space<semaphore_mem>>)
      %dma_wait3A = arith.constant 0 : i32
      %dma_wait3A_64 = arith.constant 0 : i32
      %dma_wait3A_65 = tpu.memref_slice %arg8[%dma_wait3A, %dma_wait3A_64] : memref<256x64xf32, #tpu.memory_space<vmem>> -> memref<128x64xf32, #tpu.memory_space<vmem>>
      %dma_wait3A_66 = arith.constant 0 : i32
      %dma_wait3A_67 = tpu.memref_slice %arg5[%arg0, %add3A_43, %dma_wait3A_66] : memref<2x10240x64xf32, #tpu.memory_space<hbm>> -> memref<1x128x64xf32, #tpu.memory_space<hbm>>
      %dma_wait3A_68 = tpu.memref_squeeze %dma_wait3A_67 : memref<1x128x64xf32, #tpu.memory_space<hbm>> -> memref<128x64xf32, #tpu.memory_space<hbm>>
      %dma_wait3A_69 = arith.constant 0 : i32
      %dma_wait3A_70 = tpu.memref_slice %arg5[%arg0, %add3A_43, %dma_wait3A_69] : memref<2x10240x64xf32, #tpu.memory_space<hbm>> -> memref<1x128x64xf32, #tpu.memory_space<hbm>>
      %dma_wait3A_71 = tpu.memref_squeeze %dma_wait3A_70 : memref<1x128x64xf32, #tpu.memory_space<hbm>> -> memref<128x64xf32, #tpu.memory_space<hbm>>
      %dma_wait3A_72 = arith.constant 0 : i32
      %dma_wait3A_73 = arith.constant 0 : i32
      %dma_wait3A_74 = tpu.memref_slice %arg8[%dma_wait3A_72, %dma_wait3A_73] : memref<256x64xf32, #tpu.memory_space<vmem>> -> memref<128x64xf32, #tpu.memory_space<vmem>>
      tpu.wait_dma2 semaphore(%run_scoped3A : memref<!tpu.dma_semaphore, #tpu.memory_space<semaphore_mem>>) src(%dma_wait3A_74 : memref<128x64xf32, #tpu.memory_space<vmem>>) dst(%dma_wait3A_71 : memref<128x64xf32, #tpu.memory_space<hbm>>)
      tpu.yield
    }) : () -> ()
    %mul3A_44 = arith.constant 640 : i32
    %mul3A_45 = arith.muli %arg1, %mul3A_44 : i32
    %add3A_46 = arith.constant 384 : i32
    %add3A_47 = arith.addi %mul3A_45, %add3A_46 : i32
    "tpu.region"() ({
      %run_scoped3A = tpu.sem_alloc : memref<!tpu.dma_semaphore, #tpu.memory_space<semaphore_mem>>
      %dma_start3A_52 = arith.constant 0 : i32
      %dma_start3A_53 = arith.constant 0 : i32
      %dma_start3A_54 = tpu.memref_slice %arg8[%dma_start3A_52, %dma_start3A_53] : memref<256x64xf32, #tpu.memory_space<vmem>> -> memref<128x64xf32, #tpu.memory_space<vmem>>
      %dma_start3A_55 = arith.constant 0 : i32
      %dma_start3A_56 = tpu.memref_slice %arg10[%add3A_47, %dma_start3A_55] : memref<10240x64xf32, #tpu.memory_space<vmem_shared>> -> memref<128x64xf32, #tpu.memory_space<vmem_shared>>
      %dma_start3A_57 = arith.constant 0 : i32
      %dma_start3A_58 = arith.constant 0 : i32
      %dma_start3A_59 = tpu.memref_slice %arg8[%dma_start3A_57, %dma_start3A_58] : memref<256x64xf32, #tpu.memory_space<vmem>> -> memref<128x64xf32, #tpu.memory_space<vmem>>
      %dma_start3A_60 = arith.constant 0 : i32
      %dma_start3A_61 = tpu.memref_slice %arg10[%add3A_47, %dma_start3A_60] : memref<10240x64xf32, #tpu.memory_space<vmem_shared>> -> memref<128x64xf32, #tpu.memory_space<vmem_shared>>
      tpu.enqueue_dma source(%dma_start3A_61 : memref<128x64xf32, #tpu.memory_space<vmem_shared>>) target(%dma_start3A_59 : memref<128x64xf32, #tpu.memory_space<vmem>>) target_semaphore(%run_scoped3A : memref<!tpu.dma_semaphore, #tpu.memory_space<semaphore_mem>>)
      %dma_wait3A = arith.constant 0 : i32
      %dma_wait3A_62 = arith.constant 0 : i32
      %dma_wait3A_63 = tpu.memref_slice %arg8[%dma_wait3A, %dma_wait3A_62] : memref<256x64xf32, #tpu.memory_space<vmem>> -> memref<128x64xf32, #tpu.memory_space<vmem>>
      %dma_wait3A_64 = arith.constant 0 : i32
      %dma_wait3A_65 = tpu.memref_slice %arg10[%add3A_47, %dma_wait3A_64] : memref<10240x64xf32, #tpu.memory_space<vmem_shared>> -> memref<128x64xf32, #tpu.memory_space<vmem_shared>>
      %dma_wait3A_66 = arith.constant 0 : i32
      %dma_wait3A_67 = arith.constant 0 : i32
      %dma_wait3A_68 = tpu.memref_slice %arg8[%dma_wait3A_66, %dma_wait3A_67] : memref<256x64xf32, #tpu.memory_space<vmem>> -> memref<128x64xf32, #tpu.memory_space<vmem>>
      %dma_wait3A_69 = arith.constant 0 : i32
      %dma_wait3A_70 = tpu.memref_slice %arg10[%add3A_47, %dma_wait3A_69] : memref<10240x64xf32, #tpu.memory_space<vmem_shared>> -> memref<128x64xf32, #tpu.memory_space<vmem_shared>>
      tpu.wait_dma2 semaphore(%run_scoped3A : memref<!tpu.dma_semaphore, #tpu.memory_space<semaphore_mem>>) src(%dma_wait3A_70 : memref<128x64xf32, #tpu.memory_space<vmem_shared>>) dst(%dma_wait3A_68 : memref<128x64xf32, #tpu.memory_space<vmem>>)
      tpu.yield
    }) : () -> ()
    "tpu.region"() ({
      %run_scoped3A = tpu.sem_alloc : memref<!tpu.dma_semaphore, #tpu.memory_space<semaphore_mem>>
      %dma_start3A_52 = arith.constant 0 : i32
      %dma_start3A_53 = arith.constant 0 : i32
      %dma_start3A_54 = tpu.memref_slice %arg8[%dma_start3A_52, %dma_start3A_53] : memref<256x64xf32, #tpu.memory_space<vmem>> -> memref<128x64xf32, #tpu.memory_space<vmem>>
      %dma_start3A_55 = arith.constant 0 : i32
      %dma_start3A_56 = tpu.memref_slice %arg5[%arg0, %add3A_47, %dma_start3A_55] : memref<2x10240x64xf32, #tpu.memory_space<hbm>> -> memref<1x128x64xf32, #tpu.memory_space<hbm>>
      %dma_start3A_57 = tpu.memref_squeeze %dma_start3A_56 : memref<1x128x64xf32, #tpu.memory_space<hbm>> -> memref<128x64xf32, #tpu.memory_space<hbm>>
      %dma_start3A_58 = arith.constant 0 : i32
      %dma_start3A_59 = tpu.memref_slice %arg5[%arg0, %add3A_47, %dma_start3A_58] : memref<2x10240x64xf32, #tpu.memory_space<hbm>> -> memref<1x128x64xf32, #tpu.memory_space<hbm>>
      %dma_start3A_60 = tpu.memref_squeeze %dma_start3A_59 : memref<1x128x64xf32, #tpu.memory_space<hbm>> -> memref<128x64xf32, #tpu.memory_space<hbm>>
      %dma_start3A_61 = arith.constant 0 : i32
      %dma_start3A_62 = arith.constant 0 : i32
      %dma_start3A_63 = tpu.memref_slice %arg8[%dma_start3A_61, %dma_start3A_62] : memref<256x64xf32, #tpu.memory_space<vmem>> -> memref<128x64xf32, #tpu.memory_space<vmem>>
      tpu.enqueue_dma source(%dma_start3A_63 : memref<128x64xf32, #tpu.memory_space<vmem>>) target(%dma_start3A_60 : memref<128x64xf32, #tpu.memory_space<hbm>>) target_semaphore(%run_scoped3A : memref<!tpu.dma_semaphore, #tpu.memory_space<semaphore_mem>>)
      %dma_wait3A = arith.constant 0 : i32
      %dma_wait3A_64 = arith.constant 0 : i32
      %dma_wait3A_65 = tpu.memref_slice %arg8[%dma_wait3A, %dma_wait3A_64] : memref<256x64xf32, #tpu.memory_space<vmem>> -> memref<128x64xf32, #tpu.memory_space<vmem>>
      %dma_wait3A_66 = arith.constant 0 : i32
      %dma_wait3A_67 = tpu.memref_slice %arg5[%arg0, %add3A_47, %dma_wait3A_66] : memref<2x10240x64xf32, #tpu.memory_space<hbm>> -> memref<1x128x64xf32, #tpu.memory_space<hbm>>
      %dma_wait3A_68 = tpu.memref_squeeze %dma_wait3A_67 : memref<1x128x64xf32, #tpu.memory_space<hbm>> -> memref<128x64xf32, #tpu.memory_space<hbm>>
      %dma_wait3A_69 = arith.constant 0 : i32
      %dma_wait3A_70 = tpu.memref_slice %arg5[%arg0, %add3A_47, %dma_wait3A_69] : memref<2x10240x64xf32, #tpu.memory_space<hbm>> -> memref<1x128x64xf32, #tpu.memory_space<hbm>>
      %dma_wait3A_71 = tpu.memref_squeeze %dma_wait3A_70 : memref<1x128x64xf32, #tpu.memory_space<hbm>> -> memref<128x64xf32, #tpu.memory_space<hbm>>
      %dma_wait3A_72 = arith.constant 0 : i32
      %dma_wait3A_73 = arith.constant 0 : i32
      %dma_wait3A_74 = tpu.memref_slice %arg8[%dma_wait3A_72, %dma_wait3A_73] : memref<256x64xf32, #tpu.memory_space<vmem>> -> memref<128x64xf32, #tpu.memory_space<vmem>>
      tpu.wait_dma2 semaphore(%run_scoped3A : memref<!tpu.dma_semaphore, #tpu.memory_space<semaphore_mem>>) src(%dma_wait3A_74 : memref<128x64xf32, #tpu.memory_space<vmem>>) dst(%dma_wait3A_71 : memref<128x64xf32, #tpu.memory_space<hbm>>)
      tpu.yield
    }) : () -> ()
    %mul3A_48 = arith.constant 640 : i32
    %mul3A_49 = arith.muli %arg1, %mul3A_48 : i32
    %add3A_50 = arith.constant 512 : i32
    %add3A_51 = arith.addi %mul3A_49, %add3A_50 : i32
    "tpu.region"() ({
      %run_scoped3A = tpu.sem_alloc : memref<!tpu.dma_semaphore, #tpu.memory_space<semaphore_mem>>
      %dma_start3A_52 = arith.constant 0 : i32
      %dma_start3A_53 = arith.constant 0 : i32
      %dma_start3A_54 = tpu.memref_slice %arg8[%dma_start3A_52, %dma_start3A_53] : memref<256x64xf32, #tpu.memory_space<vmem>> -> memref<128x64xf32, #tpu.memory_space<vmem>>
      %dma_start3A_55 = arith.constant 0 : i32
      %dma_start3A_56 = tpu.memref_slice %arg10[%add3A_51, %dma_start3A_55] : memref<10240x64xf32, #tpu.memory_space<vmem_shared>> -> memref<128x64xf32, #tpu.memory_space<vmem_shared>>
      %dma_start3A_57 = arith.constant 0 : i32
      %dma_start3A_58 = arith.constant 0 : i32
      %dma_start3A_59 = tpu.memref_slice %arg8[%dma_start3A_57, %dma_start3A_58] : memref<256x64xf32, #tpu.memory_space<vmem>> -> memref<128x64xf32, #tpu.memory_space<vmem>>
      %dma_start3A_60 = arith.constant 0 : i32
      %dma_start3A_61 = tpu.memref_slice %arg10[%add3A_51, %dma_start3A_60] : memref<10240x64xf32, #tpu.memory_space<vmem_shared>> -> memref<128x64xf32, #tpu.memory_space<vmem_shared>>
      tpu.enqueue_dma source(%dma_start3A_61 : memref<128x64xf32, #tpu.memory_space<vmem_shared>>) target(%dma_start3A_59 : memref<128x64xf32, #tpu.memory_space<vmem>>) target_semaphore(%run_scoped3A : memref<!tpu.dma_semaphore, #tpu.memory_space<semaphore_mem>>)
      %dma_wait3A = arith.constant 0 : i32
      %dma_wait3A_62 = arith.constant 0 : i32
      %dma_wait3A_63 = tpu.memref_slice %arg8[%dma_wait3A, %dma_wait3A_62] : memref<256x64xf32, #tpu.memory_space<vmem>> -> memref<128x64xf32, #tpu.memory_space<vmem>>
      %dma_wait3A_64 = arith.constant 0 : i32
      %dma_wait3A_65 = tpu.memref_slice %arg10[%add3A_51, %dma_wait3A_64] : memref<10240x64xf32, #tpu.memory_space<vmem_shared>> -> memref<128x64xf32, #tpu.memory_space<vmem_shared>>
      %dma_wait3A_66 = arith.constant 0 : i32
      %dma_wait3A_67 = arith.constant 0 : i32
      %dma_wait3A_68 = tpu.memref_slice %arg8[%dma_wait3A_66, %dma_wait3A_67] : memref<256x64xf32, #tpu.memory_space<vmem>> -> memref<128x64xf32, #tpu.memory_space<vmem>>
      %dma_wait3A_69 = arith.constant 0 : i32
      %dma_wait3A_70 = tpu.memref_slice %arg10[%add3A_51, %dma_wait3A_69] : memref<10240x64xf32, #tpu.memory_space<vmem_shared>> -> memref<128x64xf32, #tpu.memory_space<vmem_shared>>
      tpu.wait_dma2 semaphore(%run_scoped3A : memref<!tpu.dma_semaphore, #tpu.memory_space<semaphore_mem>>) src(%dma_wait3A_70 : memref<128x64xf32, #tpu.memory_space<vmem_shared>>) dst(%dma_wait3A_68 : memref<128x64xf32, #tpu.memory_space<vmem>>)
      tpu.yield
    }) : () -> ()
    "tpu.region"() ({
      %run_scoped3A = tpu.sem_alloc : memref<!tpu.dma_semaphore, #tpu.memory_space<semaphore_mem>>
      %dma_start3A_52 = arith.constant 0 : i32
      %dma_start3A_53 = arith.constant 0 : i32
      %dma_start3A_54 = tpu.memref_slice %arg8[%dma_start3A_52, %dma_start3A_53] : memref<256x64xf32, #tpu.memory_space<vmem>> -> memref<128x64xf32, #tpu.memory_space<vmem>>
      %dma_start3A_55 = arith.constant 0 : i32
      %dma_start3A_56 = tpu.memref_slice %arg5[%arg0, %add3A_51, %dma_start3A_55] : memref<2x10240x64xf32, #tpu.memory_space<hbm>> -> memref<1x128x64xf32, #tpu.memory_space<hbm>>
      %dma_start3A_57 = tpu.memref_squeeze %dma_start3A_56 : memref<1x128x64xf32, #tpu.memory_space<hbm>> -> memref<128x64xf32, #tpu.memory_space<hbm>>
      %dma_start3A_58 = arith.constant 0 : i32
      %dma_start3A_59 = tpu.memref_slice %arg5[%arg0, %add3A_51, %dma_start3A_58] : memref<2x10240x64xf32, #tpu.memory_space<hbm>> -> memref<1x128x64xf32, #tpu.memory_space<hbm>>
      %dma_start3A_60 = tpu.memref_squeeze %dma_start3A_59 : memref<1x128x64xf32, #tpu.memory_space<hbm>> -> memref<128x64xf32, #tpu.memory_space<hbm>>
      %dma_start3A_61 = arith.constant 0 : i32
      %dma_start3A_62 = arith.constant 0 : i32
      %dma_start3A_63 = tpu.memref_slice %arg8[%dma_start3A_61, %dma_start3A_62] : memref<256x64xf32, #tpu.memory_space<vmem>> -> memref<128x64xf32, #tpu.memory_space<vmem>>
      tpu.enqueue_dma source(%dma_start3A_63 : memref<128x64xf32, #tpu.memory_space<vmem>>) target(%dma_start3A_60 : memref<128x64xf32, #tpu.memory_space<hbm>>) target_semaphore(%run_scoped3A : memref<!tpu.dma_semaphore, #tpu.memory_space<semaphore_mem>>)
      %dma_wait3A = arith.constant 0 : i32
      %dma_wait3A_64 = arith.constant 0 : i32
      %dma_wait3A_65 = tpu.memref_slice %arg8[%dma_wait3A, %dma_wait3A_64] : memref<256x64xf32, #tpu.memory_space<vmem>> -> memref<128x64xf32, #tpu.memory_space<vmem>>
      %dma_wait3A_66 = arith.constant 0 : i32
      %dma_wait3A_67 = tpu.memref_slice %arg5[%arg0, %add3A_51, %dma_wait3A_66] : memref<2x10240x64xf32, #tpu.memory_space<hbm>> -> memref<1x128x64xf32, #tpu.memory_space<hbm>>
      %dma_wait3A_68 = tpu.memref_squeeze %dma_wait3A_67 : memref<1x128x64xf32, #tpu.memory_space<hbm>> -> memref<128x64xf32, #tpu.memory_space<hbm>>
      %dma_wait3A_69 = arith.constant 0 : i32
      %dma_wait3A_70 = tpu.memref_slice %arg5[%arg0, %add3A_51, %dma_wait3A_69] : memref<2x10240x64xf32, #tpu.memory_space<hbm>> -> memref<1x128x64xf32, #tpu.memory_space<hbm>>
      %dma_wait3A_71 = tpu.memref_squeeze %dma_wait3A_70 : memref<1x128x64xf32, #tpu.memory_space<hbm>> -> memref<128x64xf32, #tpu.memory_space<hbm>>
      %dma_wait3A_72 = arith.constant 0 : i32
      %dma_wait3A_73 = arith.constant 0 : i32
      %dma_wait3A_74 = tpu.memref_slice %arg8[%dma_wait3A_72, %dma_wait3A_73] : memref<256x64xf32, #tpu.memory_space<vmem>> -> memref<128x64xf32, #tpu.memory_space<vmem>>
      tpu.wait_dma2 semaphore(%run_scoped3A : memref<!tpu.dma_semaphore, #tpu.memory_space<semaphore_mem>>) src(%dma_wait3A_74 : memref<128x64xf32, #tpu.memory_space<vmem>>) dst(%dma_wait3A_71 : memref<128x64xf32, #tpu.memory_space<hbm>>)
      tpu.yield
    }) : () -> ()
    return
  }
}

module attributes {stable_mosaic.version = 14 : i64} {
  func.func @_k1a_body(%arg0: memref<10000x128xf32, #tpu.memory_space<vmem>>, %arg1: memref<10000x1xf32, #tpu.memory_space<vmem>>, %arg2: memref<10000x1xf32, #tpu.memory_space<vmem>>, %arg3: memref<1x128xf32, #tpu.memory_space<vmem>>, %arg4: memref<128x128xf32, #tpu.memory_space<vmem>>, %arg5: memref<10000x128xf32, #tpu.memory_space<vmem>>) attributes {dimension_semantics = [], scalar_prefetch = 0 : i64, scratch_operands = 0 : i64, tpu.core_type = #tpu.core_type<tc>} {
    %get3A = arith.constant 0 : index
    %get3A_0 = arith.constant 0 : index
    %get3A_1 = vector.load %arg0[%get3A, %get3A_0] : memref<10000x128xf32, #tpu.memory_space<vmem>>, vector<10000x128xf32>
    %get3A_2 = arith.constant 0 : index
    %get3A_3 = arith.constant 0 : index
    %get3A_4 = vector.load %arg1[%get3A_2, %get3A_3] : memref<10000x1xf32, #tpu.memory_space<vmem>>, vector<10000x1xf32>
    %mul3A = vector.broadcast %get3A_4 : vector<10000x1xf32> to vector<10000x128xf32>
    %mul3A_5 = arith.mulf %get3A_1, %mul3A : vector<10000x128xf32>
    %get3A_6 = arith.constant 0 : index
    %get3A_7 = arith.constant 0 : index
    %get3A_8 = vector.load %arg2[%get3A_6, %get3A_7] : memref<10000x1xf32, #tpu.memory_space<vmem>>, vector<10000x1xf32>
    %get3A_9 = arith.constant 0 : index
    %get3A_10 = arith.constant 0 : index
    %get3A_11 = vector.load %arg3[%get3A_9, %get3A_10] : memref<1x128xf32, #tpu.memory_space<vmem>>, vector<1x128xf32>
    %mul3A_12 = vector.broadcast %get3A_8 : vector<10000x1xf32> to vector<10000x128xf32>
    %mul3A_13 = vector.broadcast %get3A_11 : vector<1x128xf32> to vector<10000x128xf32>
    %mul3A_14 = arith.mulf %mul3A_12, %mul3A_13 : vector<10000x128xf32>
    %add3A = arith.addf %mul3A_5, %mul3A_14 : vector<10000x128xf32>
    %get3A_15 = arith.constant 0 : index
    %get3A_16 = arith.constant 0 : index
    %get3A_17 = vector.load %arg4[%get3A_15, %get3A_16] : memref<128x128xf32, #tpu.memory_space<vmem>>, vector<128x128xf32>
    %dot_general3A = arith.constant dense<0.000000e+00> : vector<10000x128xf32>
    %dot_general3A_18 = tpu.matmul %add3A, %get3A_17, %dot_general3A {dimension_numbers = #tpu.dot_dimension_numbers<[1], [0], [0], [1], [0, 0, 1, 1], [], []>, transpose_lhs_hint = false} : vector<10000x128xf32>, vector<128x128xf32>, vector<10000x128xf32> -> vector<10000x128xf32>
    %swap3A = arith.constant 0 : index
    %swap3A_19 = arith.constant 0 : index
    %swap3A_20 = vector.load %arg5[%swap3A, %swap3A_19] : memref<10000x128xf32, #tpu.memory_space<vmem>>, vector<10000x128xf32>
    tpu.vector_store %arg5[%swap3A, %swap3A_19], %dot_general3A_18 {strides = array<i32>} : memref<10000x128xf32, #tpu.memory_space<vmem>>, vector<10000x128xf32>,
    return
  }
}

module attributes {stable_mosaic.version = 14 : i64} {
  func.func @_k1b_body(%arg0: memref<10000x128xf32, #tpu.memory_space<vmem>>, %arg1: memref<2x10240x16xf32, #tpu.memory_space<vmem>>, %arg2: memref<10000x128xf32, #tpu.memory_space<vmem>>, %arg3: memref<10000x1xf32, #tpu.memory_space<vmem>>) attributes {dimension_semantics = [], scalar_prefetch = 0 : i64, scratch_operands = 0 : i64, tpu.core_type = #tpu.core_type<tc>} {
    %get3A = arith.constant 0 : index
    %get3A_0 = arith.constant 0 : index
    %get3A_1 = arith.constant 0 : index
    %get3A_2 = vector.load %arg1[%get3A, %get3A_0, %get3A_1] : memref<2x10240x16xf32, #tpu.memory_space<vmem>>, vector<1x10000x1xf32>
    %get3A_3 = vector.shape_cast %get3A_2 : vector<1x10000x1xf32> to vector<10000x1xf32>
    %get3A_4 = arith.constant 1 : index
    %get3A_5 = arith.constant 0 : index
    %get3A_6 = arith.constant 0 : index
    %get3A_7 = vector.load %arg1[%get3A_4, %get3A_5, %get3A_6] : memref<2x10240x16xf32, #tpu.memory_space<vmem>>, vector<1x10000x1xf32>
    %get3A_8 = vector.shape_cast %get3A_7 : vector<1x10000x1xf32> to vector<10000x1xf32>
    %add3A = arith.addf %get3A_3, %get3A_8 : vector<10000x1xf32>
    %gt3A = arith.constant 0.000000e+00 : f32
    %gt3A_9 = vector.broadcast %gt3A : f32 to vector<10000x1xf32>
    %gt3A_10 = arith.cmpf ogt, %add3A, %gt3A_9 : vector<10000x1xf32>
    %jit3A = arith.constant 1.000000e+00 : f32
    %broadcast_in_dim3A = vector.broadcast %jit3A : f32 to vector<10000x1xf32>
    %select_n3A = arith.select %gt3A_10, %add3A, %broadcast_in_dim3A : vector<10000x1xi1>, vector<10000x1xf32>
    %rsqrt3A = math.rsqrt %select_n3A : vector<10000x1xf32>
    %get3A_11 = arith.constant 0 : index
    %get3A_12 = arith.constant 0 : index
    %get3A_13 = vector.load %arg0[%get3A_11, %get3A_12] : memref<10000x128xf32, #tpu.memory_space<vmem>>, vector<10000x128xf32>
    %mul3A = vector.broadcast %rsqrt3A : vector<10000x1xf32> to vector<10000x128xf32>
    %mul3A_14 = arith.mulf %get3A_13, %mul3A : vector<10000x128xf32>
    %swap3A = arith.constant 0 : index
    %swap3A_15 = arith.constant 0 : index
    %swap3A_16 = vector.load %arg2[%swap3A, %swap3A_15] : memref<10000x128xf32, #tpu.memory_space<vmem>>, vector<10000x128xf32>
    tpu.vector_store %arg2[%swap3A, %swap3A_15], %mul3A_14 {strides = array<i32>} : memref<10000x128xf32, #tpu.memory_space<vmem>>, vector<10000x128xf32>,
    %swap3A_17 = arith.constant 0 : index
    %swap3A_18 = arith.constant 0 : index
    %swap3A_19 = vector.load %arg3[%swap3A_17, %swap3A_18] : memref<10000x1xf32, #tpu.memory_space<vmem>>, vector<10000x1xf32>
    tpu.vector_store %arg3[%swap3A_17, %swap3A_18], %rsqrt3A {strides = array<i32>} : memref<10000x1xf32, #tpu.memory_space<vmem>>, vector<10000x1xf32>,
    return
  }
}

module attributes {stable_mosaic.version = 14 : i64} {
  func.func @_k2_body(%arg0: memref<10240x128xf32, #tpu.memory_space<vmem>>, %arg1: memref<10000x1xf32, #tpu.memory_space<vmem>>, %arg2: memref<1x128xf32, #tpu.memory_space<vmem>>, %arg3: memref<128x128xf32, #tpu.memory_space<vmem>>, %arg4: memref<10000x128xf32, #tpu.memory_space<vmem>>) attributes {dimension_semantics = [], scalar_prefetch = 0 : i64, scratch_operands = 0 : i64, tpu.core_type = #tpu.core_type<tc>} {
    %get3A = arith.constant 0 : index
    %get3A_0 = arith.constant 0 : index
    %get3A_1 = vector.load %arg1[%get3A, %get3A_0] : memref<10000x1xf32, #tpu.memory_space<vmem>>, vector<10000x1xf32>
    %get3A_2 = arith.constant 0 : index
    %get3A_3 = arith.constant 0 : index
    %get3A_4 = vector.load %arg0[%get3A_2, %get3A_3] : memref<10240x128xf32, #tpu.memory_space<vmem>>, vector<10000x128xf32>
    %mul3A = vector.broadcast %get3A_1 : vector<10000x1xf32> to vector<10000x128xf32>
    %mul3A_5 = arith.mulf %get3A_4, %mul3A : vector<10000x128xf32>
    %get3A_6 = arith.constant 0 : index
    %get3A_7 = arith.constant 0 : index
    %get3A_8 = vector.load %arg2[%get3A_6, %get3A_7] : memref<1x128xf32, #tpu.memory_space<vmem>>, vector<1x128xf32>
    %add3A = vector.broadcast %get3A_8 : vector<1x128xf32> to vector<10000x128xf32>
    %add3A_9 = arith.addf %mul3A_5, %add3A : vector<10000x128xf32>
    %gt3A = arith.constant 0.000000e+00 : f32
    %gt3A_10 = vector.broadcast %gt3A : f32 to vector<10000x128xf32>
    %gt3A_11 = arith.cmpf ogt, %add3A_9, %gt3A_10 : vector<10000x128xf32>
    %mul3A_12 = arith.constant 2.500000e-01 : f32
    %mul3A_13 = vector.broadcast %mul3A_12 : f32 to vector<10000x128xf32>
    %mul3A_14 = arith.mulf %mul3A_13, %add3A_9 : vector<10000x128xf32>
    %select_n3A = arith.select %gt3A_11, %add3A_9, %mul3A_14 : vector<10000x128xi1>, vector<10000x128xf32>
    %get3A_15 = arith.constant 0 : index
    %get3A_16 = arith.constant 0 : index
    %get3A_17 = vector.load %arg3[%get3A_15, %get3A_16] : memref<128x128xf32, #tpu.memory_space<vmem>>, vector<128x128xf32>
    %dot_general3A = arith.constant dense<0.000000e+00> : vector<10000x128xf32>
    %dot_general3A_18 = tpu.matmul %select_n3A, %get3A_17, %dot_general3A {dimension_numbers = #tpu.dot_dimension_numbers<[1], [0], [0], [1], [0, 0, 1, 1], [], []>, transpose_lhs_hint = false} : vector<10000x128xf32>, vector<128x128xf32>, vector<10000x128xf32> -> vector<10000x128xf32>
    %mul3A_19 = vector.broadcast %get3A_1 : vector<10000x1xf32> to vector<10000x128xf32>
    %mul3A_20 = arith.mulf %dot_general3A_18, %mul3A_19 : vector<10000x128xf32>
    %swap3A = arith.constant 0 : index
    %swap3A_21 = arith.constant 0 : index
    %swap3A_22 = vector.load %arg4[%swap3A, %swap3A_21] : memref<10000x128xf32, #tpu.memory_space<vmem>>, vector<10000x128xf32>
    tpu.vector_store %arg4[%swap3A, %swap3A_21], %mul3A_20 {strides = array<i32>} : memref<10000x128xf32, #tpu.memory_space<vmem>>, vector<10000x128xf32>,
    return
  }
}

module attributes {stable_mosaic.version = 14 : i64} {
  func.func @_k3_body(%arg0: memref<10240x128xf32, #tpu.memory_space<vmem>>, %arg1: memref<10000x1xf32, #tpu.memory_space<vmem>>, %arg2: memref<1x128xf32, #tpu.memory_space<vmem>>, %arg3: memref<128x128xf32, #tpu.memory_space<vmem>>, %arg4: memref<10000x1xf32, #tpu.memory_space<vmem>>, %arg5: memref<128x128xf32, #tpu.memory_space<vmem>>, %arg6: memref<10000x128xf32, #tpu.memory_space<vmem>>) attributes {dimension_semantics = [], scalar_prefetch = 0 : i64, scratch_operands = 0 : i64, tpu.core_type = #tpu.core_type<tc>} {
    %get3A = arith.constant 0 : index
    %get3A_0 = arith.constant 0 : index
    %get3A_1 = vector.load %arg1[%get3A, %get3A_0] : memref<10000x1xf32, #tpu.memory_space<vmem>>, vector<10000x1xf32>
    %get3A_2 = arith.constant 0 : index
    %get3A_3 = arith.constant 0 : index
    %get3A_4 = vector.load %arg0[%get3A_2, %get3A_3] : memref<10240x128xf32, #tpu.memory_space<vmem>>, vector<10000x128xf32>
    %mul3A = vector.broadcast %get3A_1 : vector<10000x1xf32> to vector<10000x128xf32>
    %mul3A_5 = arith.mulf %get3A_4, %mul3A : vector<10000x128xf32>
    %get3A_6 = arith.constant 0 : index
    %get3A_7 = arith.constant 0 : index
    %get3A_8 = vector.load %arg2[%get3A_6, %get3A_7] : memref<1x128xf32, #tpu.memory_space<vmem>>, vector<1x128xf32>
    %add3A = vector.broadcast %get3A_8 : vector<1x128xf32> to vector<10000x128xf32>
    %add3A_9 = arith.addf %mul3A_5, %add3A : vector<10000x128xf32>
    %get3A_10 = arith.constant 0 : index
    %get3A_11 = arith.constant 0 : index
    %get3A_12 = vector.load %arg3[%get3A_10, %get3A_11] : memref<128x128xf32, #tpu.memory_space<vmem>>, vector<128x128xf32>
    %dot_general3A = arith.constant dense<0.000000e+00> : vector<10000x128xf32>
    %dot_general3A_13 = tpu.matmul %add3A_9, %get3A_12, %dot_general3A {dimension_numbers = #tpu.dot_dimension_numbers<[1], [0], [0], [1], [0, 0, 1, 1], [], []>, transpose_lhs_hint = false} : vector<10000x128xf32>, vector<128x128xf32>, vector<10000x128xf32> -> vector<10000x128xf32>
    %get3A_14 = arith.constant 0 : index
    %get3A_15 = arith.constant 0 : index
    %get3A_16 = vector.load %arg4[%get3A_14, %get3A_15] : memref<10000x1xf32, #tpu.memory_space<vmem>>, vector<10000x1xf32>
    %mul3A_17 = vector.broadcast %get3A_16 : vector<10000x1xf32> to vector<10000x128xf32>
    %mul3A_18 = arith.mulf %dot_general3A_13, %mul3A_17 : vector<10000x128xf32>
    %get3A_19 = arith.constant 0 : index
    %get3A_20 = arith.constant 0 : index
    %get3A_21 = vector.load %arg5[%get3A_19, %get3A_20] : memref<128x128xf32, #tpu.memory_space<vmem>>, vector<128x128xf32>
    %dot_general3A_22 = arith.constant dense<0.000000e+00> : vector<10000x128xf32>
    %dot_general3A_23 = tpu.matmul %mul3A_18, %get3A_21, %dot_general3A_22 {dimension_numbers = #tpu.dot_dimension_numbers<[1], [0], [0], [1], [0, 0, 1, 1], [], []>, transpose_lhs_hint = false} : vector<10000x128xf32>, vector<128x128xf32>, vector<10000x128xf32> -> vector<10000x128xf32>
    %mul3A_24 = vector.broadcast %get3A_1 : vector<10000x1xf32> to vector<10000x128xf32>
    %mul3A_25 = arith.mulf %dot_general3A_23, %mul3A_24 : vector<10000x128xf32>
    %swap3A = arith.constant 0 : index
    %swap3A_26 = arith.constant 0 : index
    %swap3A_27 = vector.load %arg6[%swap3A, %swap3A_26] : memref<10000x128xf32, #tpu.memory_space<vmem>>, vector<10000x128xf32>
    tpu.vector_store %arg6[%swap3A, %swap3A_26], %mul3A_25 {strides = array<i32>} : memref<10000x128xf32, #tpu.memory_space<vmem>>, vector<10000x128xf32>,
    return
  }
}

module attributes {stable_mosaic.version = 14 : i64} {
  func.func @_k4_body(%arg0: memref<10240x128xf32, #tpu.memory_space<vmem>>, %arg1: memref<10000x1xf32, #tpu.memory_space<vmem>>, %arg2: memref<1x128xf32, #tpu.memory_space<vmem>>, %arg3: memref<10000x128xf32, #tpu.memory_space<vmem>>, %arg4: memref<10000x1xf32, #tpu.memory_space<vmem>>, %arg5: memref<1x1xf32, #tpu.memory_space<vmem>>) attributes {dimension_semantics = [], scalar_prefetch = 0 : i64, scratch_operands = 0 : i64, tpu.core_type = #tpu.core_type<tc>} {
    %get3A = arith.constant 0 : index
    %get3A_0 = arith.constant 0 : index
    %get3A_1 = vector.load %arg0[%get3A, %get3A_0] : memref<10240x128xf32, #tpu.memory_space<vmem>>, vector<10000x128xf32>
    %get3A_2 = arith.constant 0 : index
    %get3A_3 = arith.constant 0 : index
    %get3A_4 = vector.load %arg1[%get3A_2, %get3A_3] : memref<10000x1xf32, #tpu.memory_space<vmem>>, vector<10000x1xf32>
    %mul3A = vector.broadcast %get3A_4 : vector<10000x1xf32> to vector<10000x128xf32>
    %mul3A_5 = arith.mulf %get3A_1, %mul3A : vector<10000x128xf32>
    %get3A_6 = arith.constant 0 : index
    %get3A_7 = arith.constant 0 : index
    %get3A_8 = vector.load %arg2[%get3A_6, %get3A_7] : memref<1x128xf32, #tpu.memory_space<vmem>>, vector<1x128xf32>
    %add3A = vector.broadcast %get3A_8 : vector<1x128xf32> to vector<10000x128xf32>
    %add3A_9 = arith.addf %mul3A_5, %add3A : vector<10000x128xf32>
    %get3A_10 = arith.constant 0 : index
    %get3A_11 = arith.constant 0 : index
    %get3A_12 = vector.load %arg3[%get3A_10, %get3A_11] : memref<10000x128xf32, #tpu.memory_space<vmem>>, vector<10000x128xf32>
    %mul3A_13 = arith.mulf %add3A_9, %get3A_12 : vector<10000x128xf32>
    %reduce_sum3A = arith.constant dense<0.000000e+00> : vector<10000xf32>
    %reduce_sum3A_14 = vector.multi_reduction <add>, %mul3A_13, %reduce_sum3A [1] : vector<10000x128xf32> to vector<10000xf32>
    %broadcast_in_dim3A = vector.shape_cast %reduce_sum3A_14 : vector<10000xf32> to vector<10000x1xf32>
    %mul3A_15 = arith.mulf %add3A_9, %add3A_9 : vector<10000x128xf32>
    %reduce_sum3A_16 = arith.constant dense<0.000000e+00> : vector<10000xf32>
    %reduce_sum3A_17 = vector.multi_reduction <add>, %mul3A_15, %reduce_sum3A_16 [1] : vector<10000x128xf32> to vector<10000xf32>
    %broadcast_in_dim3A_18 = vector.shape_cast %reduce_sum3A_17 : vector<10000xf32> to vector<10000x1xf32>
    %sqrt3A = math.sqrt %broadcast_in_dim3A_18 : vector<10000x1xf32>
    %mul3A_19 = arith.mulf %get3A_12, %get3A_12 : vector<10000x128xf32>
    %reduce_sum3A_20 = arith.constant dense<0.000000e+00> : vector<10000xf32>
    %reduce_sum3A_21 = vector.multi_reduction <add>, %mul3A_19, %reduce_sum3A_20 [1] : vector<10000x128xf32> to vector<10000xf32>
    %broadcast_in_dim3A_22 = vector.shape_cast %reduce_sum3A_21 : vector<10000xf32> to vector<10000x1xf32>
    %sqrt3A_23 = math.sqrt %broadcast_in_dim3A_22 : vector<10000x1xf32>
    %add3A_24 = arith.constant 9.99999993E-9 : f32
    %add3A_25 = vector.broadcast %add3A_24 : f32 to vector<10000x1xf32>
    %add3A_26 = arith.addf %sqrt3A, %add3A_25 : vector<10000x1xf32>
    %add3A_27 = arith.constant 9.99999993E-9 : f32
    %add3A_28 = vector.broadcast %add3A_27 : f32 to vector<10000x1xf32>
    %add3A_29 = arith.addf %sqrt3A_23, %add3A_28 : vector<10000x1xf32>
    %mul3A_30 = arith.mulf %add3A_26, %add3A_29 : vector<10000x1xf32>
    %div3A = arith.divf %broadcast_in_dim3A, %mul3A_30 : vector<10000x1xf32>
    %get3A_31 = arith.constant 0 : index
    %get3A_32 = arith.constant 0 : index
    %get3A_33 = vector.load %arg4[%get3A_31, %get3A_32] : memref<10000x1xf32, #tpu.memory_space<vmem>>, vector<10000x1xf32>
    %sub3A = arith.constant 1.000000e+00 : f32
    %sub3A_34 = vector.broadcast %sub3A : f32 to vector<10000x1xf32>
    %sub3A_35 = arith.subf %sub3A_34, %div3A : vector<10000x1xf32>
    %integer_pow3A = arith.mulf %sub3A_35, %sub3A_35 : vector<10000x1xf32>
    %mul3A_36 = arith.mulf %get3A_33, %integer_pow3A : vector<10000x1xf32>
    %reduce_sum3A_37 = vector.shape_cast %mul3A_36 : vector<10000x1xf32> to vector<1x10000x1xf32>
    %reduce_sum3A_38 = arith.constant dense<0.000000e+00> : vector<1xf32>
    %reduce_sum3A_39 = vector.multi_reduction <add>, %reduce_sum3A_37, %reduce_sum3A_38 [1, 2] : vector<1x10000x1xf32> to vector<1xf32>
    %reduce_sum3A_40 = vector.shape_cast %reduce_sum3A_39 : vector<1xf32> to vector<1x1x1xf32>
    %reduce_sum3A_41 = vector.extract %reduce_sum3A_40[0, 0, 0] : f32 from vector<1x1x1xf32>
    %reshape3A = vector.broadcast %reduce_sum3A_41 : f32 to vector<1x1xf32>
    %swap3A = arith.constant 0 : index
    %swap3A_42 = arith.constant 0 : index
    %swap3A_43 = vector.load %arg5[%swap3A, %swap3A_42] : memref<1x1xf32, #tpu.memory_space<vmem>>, vector<1x1xf32>
    tpu.vector_store %arg5[%swap3A, %swap3A_42], %reshape3A {strides = array<i32>} : memref<1x1xf32, #tpu.memory_space<vmem>>, vector<1x1xf32>,
    return
  }
}

</mosaic_0001>

<sc_bundles>
// kernel: kernel.11.cloned.1.call-start
scs
__scs_entry_jumppad:
0x0: {  	(pc) =	sbr.rel $0x88, $3  }
0x1: {  	(tag) =	ssettag $0x0;
	lr =	simm.s32 $0x1  }
0x2: {  	[smem:$0x3F97] =	sst lr;
	_ =	strace $0xD0000000  }
0x3: {  	_ = 	snop  }
0x4: {  	_ = 	snop  }
0x5: {  	_ = 	snop  }
0x6: {  	_ = 	snop  }
0x7: {  	_ = 	snop  }
__scs_overlays_trampoline_lowered:
0x8: {  	[smem:$0x3FA6] =	sst s0  }
0x9: {  	[smem:$0x3FA7] =	sst s1  }
0xa: {  	[smem:$0x3FA8] =	sst s2  }
0xb: {  	[smem:$0x3FA9] =	sst s3  }
0xc: {  	[smem:$0x3FAA] =	sst s4  }
0xd: {  	[smem:$0x3FAB] =	sst s5  }
0xe: {  	[smem:$0x3FAC] =	sst s6  }
0xf: {  	[smem:$0x3FAD] =	sst s7  }
0x10: {  	[smem:$0x3FAE] =	sst s8  }
0x11: {  	[smem:$0x3FAF] =	sst s9;
	s0 =	simm.s32 @!p0 $0x0  }
0x12: {  	s1 =	sld [smem:$0x3F95];
	s0 =	simm.s32 @p0 $0x1  }
0x13: {  	[smem:$0x3FB0] =	sst s0;
	s0 =	simm.s32 @!p1 $0x0  }
0x14: {  	s2 =	sld [smem:$0x3F94];
	s0 =	simm.s32 @p1 $0x1  }
0x15: {  	[smem:$0x3FB1] =	sst s0;
	s0 =	simm.s32 @!p2 $0x0  }
0x16: {  	s3 =	sld [smem:$0x3FDB];
	s0 =	simm.s32 @p2 $0x1  }
0x17: {  	s4 =	simm.s32 $0x1BF5;
	[smem:$0x3FB3] =	sst s0  }
0x18: {  	s0 =	sld [smem:$0x3F96];
	_ =	swait.ge [sflag:s4], $0x0  }
0x19: {  	s7 =	sld [smem:$0x3F97]  }
0x1a: {  	s8 =	sadd.s32 $0xFFFFE003, lr  }
0x1b: {  	s9 =	sadd.s32 $0xFFFFFEF7, lr;
	s5 =	simm.s32 $0xFFFFFFFF;
	p2 =	slt.u32 s8, $0xFFFFF086  }
0x1c: {  	p1 =	slt.u32 s9, $0xF7A;
	s5 =	simm.s32 @!p2 $0x0  }
0x1d: {  	s5 =	simm.s32 @p1 $0x1;
	p0 =	seq.s32 s7, s2  }
0x1e: {  	s7 =	smul.u32 @!p0 $0xF7A, s2;
	p2 =	seq.s32 @!p0 s5, $0x0  }
0x1f: {  	s9 =	smul.u32 $0xF7A, s1;
	s8 =	simm.s32 @!p0 $0x1BF5;
	p2 =	por !p2, p0  }
0x20: {  	[sflag:s8] =	ssyncset.s32 @!p0 $0xFFFFF086;
	s6 =	sadd.s32 @!p0 s3, s7;
	s7 =	simm.s32 @!p0 $0x108  }
0x21: {  	s3 =	sadd.s32 s3, s9;
	s6 =	sadd.s32 @!p0 $0x88, s6;
	s7 =	simm.s32 @p2 $0x1082  }
0x22: {  	[simem:s7], [sflag:s8] =	dma.local @!p0 [hbm:s6], $0xF7A  }
0x23: {  	s9 =	sor.u32 $0xD0000000, s2;
	s6 =	simm.s32 $0x108;
	_ =	swait.ge @!p0 [sflag:s8], $0x0  }
0x24: {  	s3 =	sadd.s32 $0x88, s3;
	s6 =	simm.s32 @!p1 $0x1082;
	[sflag:s4] =	ssyncset.s32 $0xFFFFF086  }
0x25: {  	[simem:s6], [sflag:s4] =	dma.local [hbm:s3], $0xF7A  }
0x26: {  	[smem:$0x3F97] =	sst s1;
	(tag) =	ssettag s2;
	_ =	strace s9  }
0x27: {  	s1 =	sld [smem:$0x3FA7]  }
0x28: {  	s2 =	sld [smem:$0x3FA8]  }
0x29: {  	s4 =	sld [smem:$0x3FAA]  }
0x2a: {  	p0 =	seq.s32 s5, $0x0;
	s5 =	sld [smem:$0x3FAB]  }
0x2b: {  	s6 =	sld [smem:$0x3FAC]  }
0x2c: {  	s7 =	sld [smem:$0x3FAD]  }
0x2d: {  	s3 =	simm.s32 $0x108;
	s8 =	sld [smem:$0x3FAE]  }
0x2e: {  	s3 =	simm.s32 @!p0 $0x1082;
	s9 =	sld [smem:$0x3FAF]  }
0x2f: {  	lr =	sadd.s32 s0, s3;
	s0 =	sld [smem:$0x3FA6]  }
0x30: {  	s3 =	sld [smem:$0x3FA9]  }
0x31: {  	[smem:$0x3FB2] =	sst s10  }
0x32: {  	s10 =	sld [smem:$0x3FB0];
	_ =	sdelay $0x3  }
0x33: {  	p0 =	seq.s32 s10, $0x1;
	s10 =	sld [smem:$0x3FB2];
	_ =	sdelay $0x3  }
0x34: {  	[smem:$0x3FB2] =	sst s10  }
0x35: {  	s10 =	sld [smem:$0x3FB1];
	_ =	sdelay $0x3  }
0x36: {  	p1 =	seq.s32 s10, $0x1;
	s10 =	sld [smem:$0x3FB2];
	_ =	sdelay $0x3  }
0x37: {  	[smem:$0x3FB2] =	sst s10  }
0x38: {  	s10 =	sld [smem:$0x3FB3]  }
0x39: {  	_ = 	snop;
	(pc) =	sbr.ind lr, $3  }
0x3a: {  	_ = 	snop  }
0x3b: {  	_ = 	snop  }
0x3c: {  	p2 =	seq.s32 s10, $0x1;
	s10 =	sld [smem:$0x3FB2]  }
0x3d: {  	_ =	shalt  }
0x3e: {  	_ =	shalt  }
0x3f: {  	_ =	shalt  }
0x40: {  	_ =	shalt  }
0x41: {  	_ =	shalt  }
0x42: {  	_ =	shalt  }
0x43: {  	_ =	shalt  }
0x44: {  	_ =	shalt  }
0x45: {  	_ =	shalt  }
0x46: {  	_ =	shalt  }
0x47: {  	_ =	shalt  }
0x48: {  	_ =	shalt  }
0x49: {  	_ =	shalt  }
0x4a: {  	_ =	shalt  }
0x4b: {  	_ =	shalt  }
0x4c: {  	_ =	shalt  }
0x4d: {  	_ =	shalt  }
0x4e: {  	_ =	shalt  }
0x4f: {  	_ =	shalt  }
0x50: {  	_ =	shalt  }
0x51: {  	_ =	shalt  }
0x52: {  	_ =	shalt  }
0x53: {  	_ =	shalt  }
0x54: {  	_ =	shalt  }
0x55: {  	_ =	shalt  }
0x56: {  	_ =	shalt  }
0x57: {  	_ =	shalt  }
0x58: {  	_ =	shalt  }
0x59: {  	_ =	shalt  }
0x5a: {  	_ =	shalt  }
0x5b: {  	_ =	shalt  }
0x5c: {  	_ =	shalt  }
0x5d: {  	_ =	shalt  }
0x5e: {  	_ =	shalt  }
0x5f: {  	_ =	shalt  }
0x60: {  	_ =	shalt  }
0x61: {  	_ =	shalt  }
0x62: {  	_ =	shalt  }
0x63: {  	_ =	shalt  }
0x64: {  	_ =	shalt  }
0x65: {  	_ =	shalt  }
0x66: {  	_ =	shalt  }
0x67: {  	_ =	shalt  }
0x68: {  	_ =	shalt  }
0x69: {  	_ =	shalt  }
0x6a: {  	_ =	shalt  }
0x6b: {  	_ =	shalt  }
0x6c: {  	_ =	shalt  }
0x6d: {  	_ =	shalt  }
0x6e: {  	_ =	shalt  }
0x6f: {  	_ =	shalt  }
0x70: {  	_ =	shalt  }
0x71: {  	_ =	shalt  }
0x72: {  	_ =	shalt  }
0x73: {  	_ =	shalt  }
0x74: {  	_ =	shalt  }
0x75: {  	_ =	shalt  }
0x76: {  	_ =	shalt  }
0x77: {  	_ =	shalt  }
0x78: {  	_ =	shalt  }
0x79: {  	_ =	shalt  }
0x7a: {  	_ =	shalt  }
0x7b: {  	_ =	shalt  }
0x7c: {  	_ =	shalt  }
0x7d: {  	_ =	shalt  }
0x7e: {  	_ =	shalt  }
0x7f: {  	_ =	shalt  }
0x80: {  	_ =	shalt  }
0x81: {  	_ =	shalt  }
0x82: {  	_ =	shalt  }
0x83: {  	_ =	shalt  }
0x84: {  	_ =	shalt  }
0x85: {  	_ =	shalt  }
0x86: {  	_ =	shalt  }
0x87: {  	_ =	shalt  }
.Lfunc_end0:
.L_simem_size_0:
called_computation_lowered:
.L_overlay_start_0:
0x88: {  	s2 =	sld [smem:$0x3FD9]  }
0x89: {  	s3 =	sld [smem:$0x3FFE];
	_ =	sdelay $0x1  }
0x8a: {  	s1 =	srdreg.scid  }
0x8b: {  	s0 =	sand.u32 $0x1, s1  }
0x8c: {  	s16 =	sshll.u32 s0, $0xA;
	s2 =	sadd.s32 s3, s2  }
0x8d: {  	s2 =	sadd.s32 s2, s16  }
0x8e: {  	[smem:$0x3FBE] =	sst s2  }
0x8f: {  	_ = 	snop  }
0x90: {  	(tm) =	ssettm $0x1  }
0x91: {  	s17 =	sld [smem:$0x3FFB];
	_ =	sdelay $0x3  }
0x92: {  	_ =	strace s17  }
0x93: {  	s2 =	sld [smem:$0x3FFC];
	_ =	sdelay $0x3  }
0x94: {  	_ =	strace s2  }
0x95: {  	s2 =	sld [smem:$0x3FFD];
	_ =	sdelay $0x3  }
0x96: {  	_ =	strace s2  }
0x97: {  	_ =	strace $0x8FFFFFFF  }
0x98: {  	s18 =	sld [smem:$0x3FDB];
	_ =	sdelay $0x1  }
0x99: {  	s19 =	simm.s32 $_scs_section_size  }
0x9a: {  	s4 =	simm.s32 $_size__tile_overlayer_lowered;
	s5 =	simm.s32 $_tile_overlayer_lowered  }
0x9b: {  	s22 =	simm.s32 $0x1BFF;
	s21 =	sshll.u32 s5, $0x1;
	s2 =	sadd.s32 s19, s18  }
0x9c: {  	s6 =	simm.s32 $0x0;
	s20 =	sshll.u32 s4, $0x1;
	s4 =	sadd.s32 s21, s2  }
0x9d: {  	[timem:s6], [sflag:s22] =	dma.local [hbm:s4], s20  }
0x9e: {  	_ =	swait.ge [sflag:s22], s20  }
0x9f: {  	s3 =	ssub.s32 $0x0, s20;
	[sflag:s22] =	ssyncset.done $0x0  }
0xa0: {  	[sflag:s22] =	ssyncadd.s32 s3;
	_ =	sdelay $0x1  }
0xa1: {  	s23 =	simm.s32 $0x1B8B  }
0xa2: {  	_ =	swait.ge [sflag:s23], $0x1  }
0xa3: {  	[sflag:s23] =	ssyncset.done $0x0  }
0xa4: {  	s25 =	simm.s32 $0x1B8E;
	s24 =	sld [smem:$0x3FFE];
	[sflag:s23] =	ssyncadd.s32 $0xFFFFFFFF  }
0xa5: {  	s26 =	simm.s32 $execute0_lowered;
	[smem:$0x3FD2] =	sst s25  }
0xa6: {  	s4 =	sshll.u32 s26, $0x1;
	_ =	strace $0x80000046;
	[dreg:$0x1] =	wrdreg $0xFFFFFFFF  }
0xa7: {  	s28 =	simm.s32 $_size_execute0_lowered;
	s2 =	sadd.s32 s2, s4;
	[dreg:$0x0] =	wrdreg $0x0  }
0xa8: {  	s4 =	sshll.u32 s28, $0x1;
	[dreg:$0x2] =	wrdreg s2  }
0xa9: {  	[dreg:$0x3] =	wrdreg s4  }
0xaa: {  	[dreg:$0x4] =	wrdreg $0xC0  }
0xab: {  	_ =	task [dreg:s6], $0x5FFFF  }
0xac: {  	[dreg:$0x1] =	wrdreg $0xFFFFFFFF  }
0xad: {  	[dreg:$0x0] =	wrdreg $0x60  }
0xae: {  	[dreg:$0x2] =	wrdreg s24  }
0xaf: {  	[dreg:$0x3] =	wrdreg $0x40000  }
0xb0: {  	[dreg:$0x4] =	wrdreg $0x9  }
0xb1: {  	_ =	task.clear_ibuf [dreg:s6], $0x5FFFF;
	_ =	strace $0x90000046  }
0xb2: {  	s29 =	simm.s32 $0x9;
	_ =	strace $0x80000048  }
0xb3: {  	_ =	swait.ge [sflag:s29], $0x1  }
0xb4: {  	[sflag:s29] =	ssyncadd.s32 $0xFFFFFFFF  }
0xb5: {  	_ =	strace $0x90000048  }
0xb6: {  	_ =	sfence  }
0xb7: {  	s30 =	sld [smem:$0x0];
	_ =	sdelay $0x2  }
0xb8: {  	s31 =	sshll.u32 s1, $0xD;
	s1 =	sshrl.u32 s1, $0x2  }
0xb9: {  	s3 =	sand.u32 $0x4000, s31;
	s1 =	sadd.s32 s1, s30  }
0xba: {  	s0 =	sor.u32 s3, s0;
	s1 =	sshll.u32 s1, $0x11  }
0xbb: {  	s0 =	sor.u32 s1, s0  }
0xbc: {  	s0 =	sadd.s32 $0x8F2B, s0  }
0xbd: {  	[sflag:s0] =	ssyncadd.remote.s32 $0x1  }
0xbe: {  	_ =	sfence.sel $0xFFFF  }
0xbf: {  	[dreg:$0x0] =	wrdreg $0xFFFFFFFF;
	(pc) =	sbr.abs _section_cstart, $3  }
0xc0: {  	[dreg:$0x1] =	wrdreg $0xFFFFFFFF  }
0xc1: {  	_ =	task.clear_ibuf [dreg:s6], $0x2FFFF;
	_ =	strace $0x9FFFFFFF  }
0xc2: {  	(tm) =	ssettm $0x7FFFFFFF  }
0xc3: {  	_ =	shalt  }
tec
execute0_lowered:
.L_overlay_start_1:
0x0: {  	(tag) =	ssettag $0x1  }
0x1: {  	s4 =	rddreg [dreg:$0x0];
	s1 =	srdreg.scid  }
0x2: {  	s0 =	stileid.u32;
	s2 =	rddreg [dreg:$0x1];
	s3 =	simm.s32 $0x0  }
0x3: {  	s19 =	simm.s32 $0x2800;
	s5 =	sand.u32 $0x1, s1;
	s1 =	rddreg [dreg:$0x2]  }
0x4: {  	s20 =	simm.s32 $0x0;
	s6 =	sshll.u32 s0, $0x1;
	[smem:$0x7FF] =	sst s3  }
0x5: {  	s8 =	smul.u32 $0x2800, s0;
	s14 =	sadd.s32 $0xEE00, s4;
	s6 =	sor.u32 s5, s6  }
0x6: {  	_ =	strace $0x80000047;
	s7 =	ssub.s32 $0x2, s5;
	s16 =	smul.u32 $0x28000, s5  }
0x7: {  	s6 =	smul.u32 $0x500, s6;
	s31 =	sshrl.u32 s7, $0x1;
	s10 =	sadd.s32 $0x800, s8  }
0x8: {  	s12 =	sadd.s32 $0x1000, s8;
	s13 =	sadd.s32 $0x1800, s8;
	s17 =	sadd.s32 $0x2000, s8  }
0x9: {  	s15 =	ssub.s32 s7, s31;
	s5 =	sadd.s32 s10, s2;
	s7 =	sadd.s32 s13, s2  }
0xa: {  	s11 =	sadd.s32 s8, s16;
	s10 =	sadd.s32 s16, s10;
	s13 =	sadd.s32 s16, s13  }
0xb: {  	s9 =	sadd.s32 s6, s4;
	s4 =	sadd.s32 s8, s2;
	s6 =	sadd.s32 s12, s2  }
0xc: {  	s8 =	sadd.s32 s17, s2;
	s11 =	sshrl.u32 s11, $0x3;
	s18 =	sshrl.u32 s10, $0x3  }
0xd: {  	s12 =	sadd.s32 s16, s12;
	s16 =	sadd.s32 s16, s17;
	s13 =	sshrl.u32 s13, $0x3  }
0xe: {  	s15 =	smax.u32 s15, $0x1;
	s17 =	simm.s32 $0x1;
	s9 =	sadd.s32 $0x4E00, s9  }
0xf: {  	s10 =	sadd.s32 s14, s11;
	s11 =	sadd.s32 s14, s18;
	s12 =	sshrl.u32 s12, $0x3  }
0x10: {  	s16 =	sshrl.u32 s16, $0x3;
	s13 =	sadd.s32 s14, s13;
	s18 =	simm.s32 $0x100  }
0x11: {  	v0 =	vimm.f32 $1.000000000e+00;
	v1 =	vimm.f32 $0.0e+00;
	s12 =	sadd.s32 s14, s12;
	s14 =	sadd.s32 s14, s16;
	s16 =	simm.s32 $0x3800  }
.LBB2_1:
0x12: {  	s21 =	simm.s32 $0x0  }
.LBB2_2:
0x13: {  	p0 =	sne.s32 s21, $0x3FC0  }
.Ltmp0:
0x14: {  	_ = 	snop;
	(pc) =	sbr.rel @p0 .LBB2_2-.Ltmp0, $3  }
0x15: {  	_ =	sdelay $0x1  }
0x16: {  	s22 =	sshra.s32 s21, $0x2  }
0x17: {  	s21 =	sadd.s32 $0x40, s21;
	[tilespmem:s22+$0x2800] =	vst v0  }
0x18: {  	s21 =	simm.s32 $0x40;
	s22 =	simm.s32 $0x0  }
.LBB2_4:
0x19: {  	p0 =	sne.s32 s21, $0x1FC0;
	[tilespmem:s22+$0x3800] =	vst v1;
	s22 =	smov.u32 s21;
	s21 =	sadd.s32 $0x40, s21  }
.Ltmp1:
0x1a: {  	(pc) =	sbr.rel @p0 .LBB2_4-.Ltmp1, $2  }
0x1b: {  	_ =	sdelay $0x2  }
0x1c: {  	s22 =	sshra.s32 s22, $0x2  }
0x1d: {  	[tilespmem:s22+$0x3800] =	vst v1  }
0x1e: {  	[spmem:s4] =	stream.linear.scatter [tilespmem:s16], [sflag:$0x1], $0x800, $0x38;
	[tilespmem:$0x6800] =	vst v63  }
0x1f: {  	_ =	swait.ge [sflag:s17], $0x800  }
0x20: {  	[sflag:s17] =	ssyncset.done $0x0  }
0x21: {  	[sflag:s17] =	ssyncadd.s32 $0xFFFFF800  }
0x22: {  	[spmem:s5] =	stream.linear.scatter [tilespmem:s16], [sflag:$0x1], $0x800, $0x38;
	[tilespmem:$0x6800] =	vst v63  }
0x23: {  	_ =	swait.ge [sflag:s17], $0x800  }
0x24: {  	[sflag:s17] =	ssyncset.done $0x0  }
0x25: {  	[sflag:s17] =	ssyncadd.s32 $0xFFFFF800  }
0x26: {  	[spmem:s6] =	stream.linear.scatter [tilespmem:s16], [sflag:$0x1], $0x800, $0x38;
	[tilespmem:$0x6800] =	vst v63  }
0x27: {  	_ =	swait.ge [sflag:s17], $0x800  }
0x28: {  	[sflag:s17] =	ssyncset.done $0x0  }
0x29: {  	[sflag:s17] =	ssyncadd.s32 $0xFFFFF800  }
0x2a: {  	[spmem:s7] =	stream.linear.scatter [tilespmem:s16], [sflag:$0x1], $0x800, $0x38;
	[tilespmem:$0x6800] =	vst v63  }
0x2b: {  	_ =	swait.ge [sflag:s17], $0x800  }
0x2c: {  	[sflag:s17] =	ssyncset.done $0x0  }
0x2d: {  	[sflag:s17] =	ssyncadd.s32 $0xFFFFF800  }
0x2e: {  	[spmem:s8] =	stream.linear.scatter [tilespmem:s16], [sflag:$0x1], $0x800, $0x38;
	[tilespmem:$0x6800] =	vst v63  }
0x2f: {  	_ =	swait.ge [sflag:s17], $0x800  }
0x30: {  	[sflag:s17] =	ssyncset.done $0x0  }
0x31: {  	[sflag:s17] =	ssyncadd.s32 $0xFFFFF800  }
0x32: {  	s21 =	simm.s32 $0x0;
	[bflag:$0x0] =	sbarrier.arrive $0xFFFF  }
0x33: {  	[tilespmem:s21], [sflag:$0x1] =	stream.linear.gather [hbm4b:s9+s21], $0x2800, $0x38;
	[tilespmem:$0x6800] =	vst v63  }
0x34: {  	_ =	swait.ge [sflag:s17], $0x2800  }
0x35: {  	[sflag:s17] =	ssyncset.done $0x0  }
0x36: {  	s31 =	simm.s32 $0x0;
	[sflag:s17] =	ssyncadd.s32 $0xFFFFD800  }
0x37: {  	[spmem:s2] =	stream.indirect.scatter.add.f32 [tilespmem:s19], [sflag:$0x1], $0x10, s31, s18, $0xb8;
	[tilespmem:$0x6800] =	vst v63  }
0x38: {  	_ =	swait.ge [sflag:s17], $0x1000  }
0x39: {  	s21 =	simm.s32 $0x400;
	[sflag:s17] =	ssyncset.done $0x0  }
.LBB2_6:
0x3a: {  	s22 =	sshra.s32 s21, $0x2;
	[sflag:s17] =	ssyncadd.s32 $0xFFFFF000;
	p0 =	sne.s32 s21, $0x9C00  }
0x3b: {  	[spmem:s2] =	stream.indirect.scatter.add.f32 [tilespmem:s19], [sflag:$0x1], $0x10, s22, s18, $0xb8;
	[tilespmem:$0x6800] =	vst v63  }
.Ltmp2:
0x3c: {  	_ = 	snop;
	(pc) =	sbr.rel @p0 .LBB2_6-.Ltmp2, $4  }
0x3d: {  	_ = 	snop  }
0x3e: {  	s21 =	sadd.s32 $0x400, s21  }
0x3f: {  	_ =	swait.ge [sflag:s17], $0x1000  }
0x40: {  	[sflag:s17] =	ssyncset.done $0x0  }
0x41: {  	[sflag:s17] =	ssyncadd.s32 $0xFFFFF000  }
0x42: {  	[bflag:$0x0] =	sbarrier.arrive $0xFFFF  }
0x43: {  	[tilespmem:s16], [sflag:$0x1] =	stream.linear.gather [spmem:s4], $0x800, $0x38;
	[tilespmem:$0x6800] =	vst v63  }
0x44: {  	_ =	swait.ge [sflag:s17], $0x800  }
0x45: {  	[sflag:s17] =	ssyncset.done $0x0  }
0x46: {  	[sflag:s17] =	ssyncadd.s32 $0xFFFFF800  }
0x47: {  	[hbm4b:s10+s3] =	stream.linear.scatter [tilespmem:s16], [sflag:$0x1], $0x800, $0x38;
	[tilespmem:$0x6800] =	vst v63  }
0x48: {  	_ =	swait.ge [sflag:s17], $0x800  }
0x49: {  	[sflag:s17] =	ssyncset.done $0x0  }
0x4a: {  	[sflag:s17] =	ssyncadd.s32 $0xFFFFF800  }
0x4b: {  	[tilespmem:s16], [sflag:$0x1] =	stream.linear.gather [spmem:s5], $0x800, $0x38;
	[tilespmem:$0x6800] =	vst v63  }
0x4c: {  	_ =	swait.ge [sflag:s17], $0x800  }
0x4d: {  	[sflag:s17] =	ssyncset.done $0x0  }
0x4e: {  	[sflag:s17] =	ssyncadd.s32 $0xFFFFF800  }
0x4f: {  	[hbm4b:s11+s3] =	stream.linear.scatter [tilespmem:s16], [sflag:$0x1], $0x800, $0x38;
	[tilespmem:$0x6800] =	vst v63  }
0x50: {  	_ =	swait.ge [sflag:s17], $0x800  }
0x51: {  	[sflag:s17] =	ssyncset.done $0x0  }
0x52: {  	[sflag:s17] =	ssyncadd.s32 $0xFFFFF800  }
0x53: {  	[tilespmem:s16], [sflag:$0x1] =	stream.linear.gather [spmem:s6], $0x800, $0x38;
	[tilespmem:$0x6800] =	vst v63  }
0x54: {  	_ =	swait.ge [sflag:s17], $0x800  }
0x55: {  	[sflag:s17] =	ssyncset.done $0x0  }
0x56: {  	[sflag:s17] =	ssyncadd.s32 $0xFFFFF800  }
0x57: {  	[hbm4b:s12+s3] =	stream.linear.scatter [tilespmem:s16], [sflag:$0x1], $0x800, $0x38;
	[tilespmem:$0x6800] =	vst v63  }
0x58: {  	_ =	swait.ge [sflag:s17], $0x800  }
0x59: {  	[sflag:s17] =	ssyncset.done $0x0  }
0x5a: {  	[sflag:s17] =	ssyncadd.s32 $0xFFFFF800  }
0x5b: {  	[tilespmem:s16], [sflag:$0x1] =	stream.linear.gather [spmem:s7], $0x800, $0x38;
	[tilespmem:$0x6800] =	vst v63  }
0x5c: {  	_ =	swait.ge [sflag:s17], $0x800  }
0x5d: {  	[sflag:s17] =	ssyncset.done $0x0  }
0x5e: {  	[sflag:s17] =	ssyncadd.s32 $0xFFFFF800  }
0x5f: {  	[hbm4b:s13+s3] =	stream.linear.scatter [tilespmem:s16], [sflag:$0x1], $0x800, $0x38;
	[tilespmem:$0x6800] =	vst v63  }
0x60: {  	_ =	swait.ge [sflag:s17], $0x800  }
0x61: {  	[sflag:s17] =	ssyncset.done $0x0  }
0x62: {  	[sflag:s17] =	ssyncadd.s32 $0xFFFFF800  }
0x63: {  	[tilespmem:s16], [sflag:$0x1] =	stream.linear.gather [spmem:s8], $0x800, $0x38;
	[tilespmem:$0x6800] =	vst v63  }
0x64: {  	s20 =	sadd.s32 $0x1, s20;
	_ =	swait.ge [sflag:s17], $0x800  }
0x65: {  	p0 =	sne.s32 s20, s15;
	[sflag:s17] =	ssyncset.done $0x0  }
.Ltmp3:
0x66: {  	[sflag:s17] =	ssyncadd.s32 $0xFFFFF800;
	(pc) =	sbr.rel @p0 .LBB2_1-.Ltmp3, $4  }
0x67: {  	[hbm4b:s14+s3] =	stream.linear.scatter [tilespmem:s16], [sflag:$0x1], $0x800, $0x38;
	[tilespmem:$0x6800] =	vst v63  }
0x68: {  	_ =	swait.ge [sflag:s17], $0x800  }
0x69: {  	[sflag:s17] =	ssyncset.done $0x0  }
0x6a: {  	[sflag:s17] =	ssyncadd.s32 $0xFFFFF800  }
0x6b: {  	_ =	sfence.sel $0x180000  }
0x6c: {  	[bflag:$0x0] =	sbarrier.arrive $0xFFFF  }
0x6d: {  	p0 =	sne.s32 s0, $0x0;
	_ =	strace $0x90000047  }
0x6e: {  	s0 =	sadd.s32 @!p0 $0x100000, s1;
	[bflag:$0x2] =	sbarrier.arrive $0xFFFF  }
0x6f: {  	[sflag:s0] =	ssyncadd.tile.s32 @!p0 $0x1;
	_ =	shalt  }
.Lfunc_end2:
_tile_overlayer_lowered:
.L_overlay_start_2:
0x70: {  	(tag) =	ssettag $0x2  }
0x71: {  	s0 =	rddreg [dreg:$0x0];
	s2 =	stileid.u32  }
0x72: {  	s1 =	rddreg [dreg:$0x1];
	p0 =	sne.s32 s2, $0x0  }
0x73: {  	s3 =	rddreg [dreg:$0x2];
	[bflag:$0x3] =	sbarrier.arrive $0xFFFF;
	s2 =	simm.s32 @!p0 $0x1C01  }
0x74: {  	[timem:s3], [sflag:s2] =	dma.local @!p0 [hbm:s0], s1  }
0x75: {  	s0 =	simm.s32 @!p0 $0x1  }
0x76: {  	_ =	swait.ge @!p0 [sflag:s0], s1  }
0x77: {  	s1 =	ssub.s32 @!p0 $0x0, s1;
	[sflag:s0] =	ssyncset.done @!p0 $0x0  }
0x78: {  	[sflag:s0] =	ssyncadd.s32 @!p0 s1  }
0x79: {  	[bflag:$0x3] =	sbarrier.arrive $0xFFFF  }
0x7a: {  	_ =	shalt  }

// kernel: kernel.14.cloned.1.call-start
scs
__scs_entry_jumppad:
0x0: {  	(pc) =	sbr.rel $0x88, $3  }
0x1: {  	(tag) =	ssettag $0x0;
	lr =	simm.s32 $0x1  }
0x2: {  	[smem:$0x3F97] =	sst lr;
	_ =	strace $0xD0000000  }
0x3: {  	_ = 	snop  }
0x4: {  	_ = 	snop  }
0x5: {  	_ = 	snop  }
0x6: {  	_ = 	snop  }
0x7: {  	_ = 	snop  }
__scs_overlays_trampoline_lowered:
0x8: {  	[smem:$0x3FA6] =	sst s0  }
0x9: {  	[smem:$0x3FA7] =	sst s1  }
0xa: {  	[smem:$0x3FA8] =	sst s2  }
0xb: {  	[smem:$0x3FA9] =	sst s3  }
0xc: {  	[smem:$0x3FAA] =	sst s4  }
0xd: {  	[smem:$0x3FAB] =	sst s5  }
0xe: {  	[smem:$0x3FAC] =	sst s6  }
0xf: {  	[smem:$0x3FAD] =	sst s7  }
0x10: {  	[smem:$0x3FAE] =	sst s8  }
0x11: {  	[smem:$0x3FAF] =	sst s9;
	s0 =	simm.s32 @!p0 $0x0  }
0x12: {  	s1 =	sld [smem:$0x3F95];
	s0 =	simm.s32 @p0 $0x1  }
0x13: {  	[smem:$0x3FB0] =	sst s0;
	s0 =	simm.s32 @!p1 $0x0  }
0x14: {  	s2 =	sld [smem:$0x3F94];
	s0 =	simm.s32 @p1 $0x1  }
0x15: {  	[smem:$0x3FB1] =	sst s0;
	s0 =	simm.s32 @!p2 $0x0  }
0x16: {  	s3 =	sld [smem:$0x3FDB];
	s0 =	simm.s32 @p2 $0x1  }
0x17: {  	s4 =	simm.s32 $0x1BF5;
	[smem:$0x3FB3] =	sst s0  }
0x18: {  	s0 =	sld [smem:$0x3F96];
	_ =	swait.ge [sflag:s4], $0x0  }
0x19: {  	s7 =	sld [smem:$0x3F97]  }
0x1a: {  	s8 =	sadd.s32 $0xFFFFE003, lr  }
0x1b: {  	s9 =	sadd.s32 $0xFFFFFEF7, lr;
	s5 =	simm.s32 $0xFFFFFFFF;
	p2 =	slt.u32 s8, $0xFFFFF086  }
0x1c: {  	p1 =	slt.u32 s9, $0xF7A;
	s5 =	simm.s32 @!p2 $0x0  }
0x1d: {  	s5 =	simm.s32 @p1 $0x1;
	p0 =	seq.s32 s7, s2  }
0x1e: {  	s7 =	smul.u32 @!p0 $0xF7A, s2;
	p2 =	seq.s32 @!p0 s5, $0x0  }
0x1f: {  	s9 =	smul.u32 $0xF7A, s1;
	s8 =	simm.s32 @!p0 $0x1BF5;
	p2 =	por !p2, p0  }
0x20: {  	[sflag:s8] =	ssyncset.s32 @!p0 $0xFFFFF086;
	s6 =	sadd.s32 @!p0 s3, s7;
	s7 =	simm.s32 @!p0 $0x108  }
0x21: {  	s3 =	sadd.s32 s3, s9;
	s6 =	sadd.s32 @!p0 $0x88, s6;
	s7 =	simm.s32 @p2 $0x1082  }
0x22: {  	[simem:s7], [sflag:s8] =	dma.local @!p0 [hbm:s6], $0xF7A  }
0x23: {  	s9 =	sor.u32 $0xD0000000, s2;
	s6 =	simm.s32 $0x108;
	_ =	swait.ge @!p0 [sflag:s8], $0x0  }
0x24: {  	s3 =	sadd.s32 $0x88, s3;
	s6 =	simm.s32 @!p1 $0x1082;
	[sflag:s4] =	ssyncset.s32 $0xFFFFF086  }
0x25: {  	[simem:s6], [sflag:s4] =	dma.local [hbm:s3], $0xF7A  }
0x26: {  	[smem:$0x3F97] =	sst s1;
	(tag) =	ssettag s2;
	_ =	strace s9  }
0x27: {  	s1 =	sld [smem:$0x3FA7]  }
0x28: {  	s2 =	sld [smem:$0x3FA8]  }
0x29: {  	s4 =	sld [smem:$0x3FAA]  }
0x2a: {  	p0 =	seq.s32 s5, $0x0;
	s5 =	sld [smem:$0x3FAB]  }
0x2b: {  	s6 =	sld [smem:$0x3FAC]  }
0x2c: {  	s7 =	sld [smem:$0x3FAD]  }
0x2d: {  	s3 =	simm.s32 $0x108;
	s8 =	sld [smem:$0x3FAE]  }
0x2e: {  	s3 =	simm.s32 @!p0 $0x1082;
	s9 =	sld [smem:$0x3FAF]  }
0x2f: {  	lr =	sadd.s32 s0, s3;
	s0 =	sld [smem:$0x3FA6]  }
0x30: {  	s3 =	sld [smem:$0x3FA9]  }
0x31: {  	[smem:$0x3FB2] =	sst s10  }
0x32: {  	s10 =	sld [smem:$0x3FB0];
	_ =	sdelay $0x3  }
0x33: {  	p0 =	seq.s32 s10, $0x1;
	s10 =	sld [smem:$0x3FB2];
	_ =	sdelay $0x3  }
0x34: {  	[smem:$0x3FB2] =	sst s10  }
0x35: {  	s10 =	sld [smem:$0x3FB1];
	_ =	sdelay $0x3  }
0x36: {  	p1 =	seq.s32 s10, $0x1;
	s10 =	sld [smem:$0x3FB2];
	_ =	sdelay $0x3  }
0x37: {  	[smem:$0x3FB2] =	sst s10  }
0x38: {  	s10 =	sld [smem:$0x3FB3]  }
0x39: {  	_ = 	snop;
	(pc) =	sbr.ind lr, $3  }
0x3a: {  	_ = 	snop  }
0x3b: {  	_ = 	snop  }
0x3c: {  	p2 =	seq.s32 s10, $0x1;
	s10 =	sld [smem:$0x3FB2]  }
0x3d: {  	_ =	shalt  }
0x3e: {  	_ =	shalt  }
0x3f: {  	_ =	shalt  }
0x40: {  	_ =	shalt  }
0x41: {  	_ =	shalt  }
0x42: {  	_ =	shalt  }
0x43: {  	_ =	shalt  }
0x44: {  	_ =	shalt  }
0x45: {  	_ =	shalt  }
0x46: {  	_ =	shalt  }
0x47: {  	_ =	shalt  }
0x48: {  	_ =	shalt  }
0x49: {  	_ =	shalt  }
0x4a: {  	_ =	shalt  }
0x4b: {  	_ =	shalt  }
0x4c: {  	_ =	shalt  }
0x4d: {  	_ =	shalt  }
0x4e: {  	_ =	shalt  }
0x4f: {  	_ =	shalt  }
0x50: {  	_ =	shalt  }
0x51: {  	_ =	shalt  }
0x52: {  	_ =	shalt  }
0x53: {  	_ =	shalt  }
0x54: {  	_ =	shalt  }
0x55: {  	_ =	shalt  }
0x56: {  	_ =	shalt  }
0x57: {  	_ =	shalt  }
0x58: {  	_ =	shalt  }
0x59: {  	_ =	shalt  }
0x5a: {  	_ =	shalt  }
0x5b: {  	_ =	shalt  }
0x5c: {  	_ =	shalt  }
0x5d: {  	_ =	shalt  }
0x5e: {  	_ =	shalt  }
0x5f: {  	_ =	shalt  }
0x60: {  	_ =	shalt  }
0x61: {  	_ =	shalt  }
0x62: {  	_ =	shalt  }
0x63: {  	_ =	shalt  }
0x64: {  	_ =	shalt  }
0x65: {  	_ =	shalt  }
0x66: {  	_ =	shalt  }
0x67: {  	_ =	shalt  }
0x68: {  	_ =	shalt  }
0x69: {  	_ =	shalt  }
0x6a: {  	_ =	shalt  }
0x6b: {  	_ =	shalt  }
0x6c: {  	_ =	shalt  }
0x6d: {  	_ =	shalt  }
0x6e: {  	_ =	shalt  }
0x6f: {  	_ =	shalt  }
0x70: {  	_ =	shalt  }
0x71: {  	_ =	shalt  }
0x72: {  	_ =	shalt  }
0x73: {  	_ =	shalt  }
0x74: {  	_ =	shalt  }
0x75: {  	_ =	shalt  }
0x76: {  	_ =	shalt  }
0x77: {  	_ =	shalt  }
0x78: {  	_ =	shalt  }
0x79: {  	_ =	shalt  }
0x7a: {  	_ =	shalt  }
0x7b: {  	_ =	shalt  }
0x7c: {  	_ =	shalt  }
0x7d: {  	_ =	shalt  }
0x7e: {  	_ =	shalt  }
0x7f: {  	_ =	shalt  }
0x80: {  	_ =	shalt  }
0x81: {  	_ =	shalt  }
0x82: {  	_ =	shalt  }
0x83: {  	_ =	shalt  }
0x84: {  	_ =	shalt  }
0x85: {  	_ =	shalt  }
0x86: {  	_ =	shalt  }
0x87: {  	_ =	shalt  }
.Lfunc_end0:
.L_simem_size_0:
called_computation.1_lowered:
.L_overlay_start_0:
0x88: {  	s2 =	sld [smem:$0x3FD9]  }
0x89: {  	s3 =	sld [smem:$0x3FFE];
	_ =	sdelay $0x1  }
0x8a: {  	s1 =	srdreg.scid  }
0x8b: {  	s0 =	sand.u32 $0x1, s1  }
0x8c: {  	s16 =	sshll.u32 s0, $0xA;
	s2 =	sadd.s32 s3, s2  }
0x8d: {  	s2 =	sadd.s32 s2, s16  }
0x8e: {  	[smem:$0x3FBE] =	sst s2  }
0x8f: {  	_ = 	snop  }
0x90: {  	(tm) =	ssettm $0x1  }
0x91: {  	s17 =	sld [smem:$0x3FFB];
	_ =	sdelay $0x3  }
0x92: {  	_ =	strace s17  }
0x93: {  	s2 =	sld [smem:$0x3FFC];
	_ =	sdelay $0x3  }
0x94: {  	_ =	strace s2  }
0x95: {  	s2 =	sld [smem:$0x3FFD];
	_ =	sdelay $0x3  }
0x96: {  	_ =	strace s2  }
0x97: {  	_ =	strace $0x8FFFFFFF  }
0x98: {  	s18 =	sld [smem:$0x3FDB];
	_ =	sdelay $0x1  }
0x99: {  	s19 =	simm.s32 $_scs_section_size  }
0x9a: {  	s4 =	simm.s32 $_size__tile_overlayer_lowered;
	s5 =	simm.s32 $_tile_overlayer_lowered  }
0x9b: {  	s22 =	simm.s32 $0x1BFF;
	s21 =	sshll.u32 s5, $0x1;
	s2 =	sadd.s32 s19, s18  }
0x9c: {  	s6 =	simm.s32 $0x0;
	s20 =	sshll.u32 s4, $0x1;
	s4 =	sadd.s32 s21, s2  }
0x9d: {  	[timem:s6], [sflag:s22] =	dma.local [hbm:s4], s20  }
0x9e: {  	_ =	swait.ge [sflag:s22], s20  }
0x9f: {  	s3 =	ssub.s32 $0x0, s20;
	[sflag:s22] =	ssyncset.done $0x0  }
0xa0: {  	[sflag:s22] =	ssyncadd.s32 s3;
	_ =	sdelay $0x1  }
0xa1: {  	s23 =	simm.s32 $0x1B8B  }
0xa2: {  	_ =	swait.ge [sflag:s23], $0x1  }
0xa3: {  	[sflag:s23] =	ssyncset.done $0x0  }
0xa4: {  	s25 =	simm.s32 $0x1B8E;
	s24 =	sld [smem:$0x3FFE];
	[sflag:s23] =	ssyncadd.s32 $0xFFFFFFFF  }
0xa5: {  	s26 =	simm.s32 $execute0_lowered;
	[smem:$0x3FD2] =	sst s25  }
0xa6: {  	s4 =	sshll.u32 s26, $0x1;
	_ =	strace $0x80000049;
	[dreg:$0x1] =	wrdreg $0xFFFFFFFF  }
0xa7: {  	s28 =	simm.s32 $_size_execute0_lowered;
	s2 =	sadd.s32 s2, s4;
	[dreg:$0x0] =	wrdreg $0x0  }
0xa8: {  	s4 =	sshll.u32 s28, $0x1;
	[dreg:$0x2] =	wrdreg s2  }
0xa9: {  	[dreg:$0x3] =	wrdreg s4  }
0xaa: {  	[dreg:$0x4] =	wrdreg $0xC0  }
0xab: {  	_ =	task [dreg:s6], $0x5FFFF  }
0xac: {  	[dreg:$0x1] =	wrdreg $0xFFFFFFFF  }
0xad: {  	[dreg:$0x0] =	wrdreg $0x60  }
0xae: {  	[dreg:$0x2] =	wrdreg s24  }
0xaf: {  	[dreg:$0x3] =	wrdreg $0x120000  }
0xb0: {  	[dreg:$0x4] =	wrdreg $0x9  }
0xb1: {  	_ =	task.clear_ibuf [dreg:s6], $0x5FFFF;
	_ =	strace $0x90000049  }
0xb2: {  	s29 =	simm.s32 $0x9;
	_ =	strace $0x8000004B  }
0xb3: {  	_ =	swait.ge [sflag:s29], $0x1  }
0xb4: {  	[sflag:s29] =	ssyncadd.s32 $0xFFFFFFFF  }
0xb5: {  	_ =	strace $0x9000004B  }
0xb6: {  	_ =	sfence  }
0xb7: {  	s30 =	sld [smem:$0x0];
	_ =	sdelay $0x2  }
0xb8: {  	s31 =	sshll.u32 s1, $0xD;
	s1 =	sshrl.u32 s1, $0x2  }
0xb9: {  	s3 =	sand.u32 $0x4000, s31;
	s1 =	sadd.s32 s1, s30  }
0xba: {  	s0 =	sor.u32 s3, s0;
	s1 =	sshll.u32 s1, $0x11  }
0xbb: {  	s0 =	sor.u32 s1, s0  }
0xbc: {  	s0 =	sadd.s32 $0x8F2B, s0  }
0xbd: {  	[sflag:s0] =	ssyncadd.remote.s32 $0x1  }
0xbe: {  	_ =	sfence.sel $0xFFFF  }
0xbf: {  	[dreg:$0x0] =	wrdreg $0xFFFFFFFF;
	(pc) =	sbr.abs _section_cstart, $3  }
0xc0: {  	[dreg:$0x1] =	wrdreg $0xFFFFFFFF  }
0xc1: {  	_ =	task.clear_ibuf [dreg:s6], $0x2FFFF;
	_ =	strace $0x9FFFFFFF  }
0xc2: {  	(tm) =	ssettm $0x7FFFFFFF  }
0xc3: {  	_ =	shalt  }
tec
execute0_lowered:
.L_overlay_start_1:
0x0: {  	(tag) =	ssettag $0x1  }
0x1: {  	s1 =	srdreg.scid  }
0x2: {  	s0 =	stileid.u32;
	s5 =	rddreg [dreg:$0x0]  }
0x3: {  	s2 =	rddreg [dreg:$0x1];
	s3 =	simm.s32 $0x0;
	s21 =	simm.s32 $0x100  }
0x4: {  	s22 =	simm.s32 $0x1;
	s28 =	simm.s32 $0x9F00;
	s7 =	smul.u32 $0x5000, s0  }
0x5: {  	s29 =	simm.s32 $0x0;
	s6 =	sand.u32 $0x1, s1;
	s13 =	smul.u32 $0xA000, s0  }
0x6: {  	[smem:$0x7FF] =	sst s3;
	s16 =	sadd.s32 $0x54000, s5;
	s4 =	smul.u32 $0x50000, s6  }
0x7: {  	_ =	strace $0x8000004A;
	s9 =	ssub.s32 $0x2, s6;
	s18 =	smul.u32 $0xA0000, s6  }
0x8: {  	s10 =	sshrl.u32 s9, $0x1;
	s14 =	sadd.s32 $0x4000, s13;
	s15 =	sadd.s32 $0x8000, s13  }
0x9: {  	s12 =	sadd.s32 $0x2000, s13;
	s25 =	sadd.s32 $0x6000, s13;
	s4 =	sadd.s32 s7, s4  }
0xa: {  	s7 =	sshrl.u32 s7, $0x3;
	s17 =	ssub.s32 s9, s10;
	s6 =	sadd.s32 s14, s2  }
0xb: {  	s23 =	sadd.s32 s13, s18;
	s19 =	sadd.s32 s18, s12;
	s14 =	sadd.s32 s18, s14  }
0xc: {  	s30 =	sadd.s32 s18, s25;
	s8 =	sshrl.u32 s4, $0x3;
	s4 =	sadd.s32 $0x2CE00, s5  }
0xd: {  	s11 =	sadd.s32 s7, s5;
	s7 =	sadd.s32 s15, s2;
	s10 =	sshrl.u32 s23, $0x3  }
0xe: {  	s24 =	sshrl.u32 s19, $0x3;
	s26 =	sshrl.u32 s14, $0x3;
	s15 =	sadd.s32 s18, s15  }
0xf: {  	s31 =	sshrl.u32 s30, $0x3;
	s14 =	sadd.s32 s25, s2;
	s17 =	smax.u32 s17, $0x1  }
0x10: {  	s18 =	simm.s32 $0xA000;
	s19 =	simm.s32 $0x3;
	s23 =	simm.s32 $0xE000  }
0x11: {  	s25 =	simm.s32 $0x4F00;
	s8 =	sadd.s32 s8, s5;
	s5 =	sadd.s32 s13, s2  }
0x12: {  	s9 =	sadd.s32 $0x4E00, s11;
	s10 =	sadd.s32 s16, s10;
	s11 =	sadd.s32 s12, s2  }
0x13: {  	s12 =	sadd.s32 s16, s24;
	s13 =	sadd.s32 s16, s26;
	s20 =	sshrl.u32 s15, $0x3  }
0x14: {  	s15 =	sadd.s32 s16, s31;
	s24 =	simm.s32 $0x2;
	s26 =	simm.s32 $0x9E00  }
0x15: {  	v0 =	vimm.f32 $0.0e+00;
	s8 =	sadd.s32 $0x18E00, s8;
	s16 =	sadd.s32 s16, s20;
	s20 =	simm.s32 $0x5000  }
.LBB2_1:
0x16: {  	s31 =	simm.s32 $0x100;
	s30 =	simm.s32 $0x0  }
.LBB2_2:
0x17: {  	p0 =	sne.s32 s31, $0xFF00;
	[tilespmem:s30+$0xA030] =	vst v0;
	s1 =	smov.u32 s31;
	s31 =	sadd.s32 $0x100, s31  }
.Ltmp0:
0x18: {  	[tilespmem:s30+$0xA020] =	vst v0;
	(pc) =	sbr.rel @p0 .LBB2_2-.Ltmp0, $3  }
0x19: {  	[tilespmem:s30+$0xA000] =	vst v0  }
0x1a: {  	[tilespmem:s30+$0xA010] =	vst v0;
	_ =	sdelay $0x1  }
0x1b: {  	s30 =	sshra.s32 s1, $0x2  }
0x1c: {  	[tilespmem:s30+$0xA030] =	vst v0  }
0x1d: {  	[tilespmem:s30+$0xA020] =	vst v0  }
0x1e: {  	[tilespmem:s30+$0xA000] =	vst v0  }
0x1f: {  	[tilespmem:s30+$0xA010] =	vst v0  }
0x20: {  	[spmem:s5] =	stream.linear.scatter [tilespmem:s18], [sflag:$0x3], $0x4000, $0x38;
	[tilespmem:$0x1C000] =	vst v63  }
0x21: {  	_ =	swait.ge [sflag:s19], $0x4000  }
0x22: {  	[sflag:s19] =	ssyncset.done $0x0  }
0x23: {  	[sflag:s19] =	ssyncadd.s32 $0xFFFFC000  }
0x24: {  	[spmem:s6] =	stream.linear.scatter [tilespmem:s18], [sflag:$0x3], $0x4000, $0x38;
	[tilespmem:$0x1C000] =	vst v63  }
0x25: {  	_ =	swait.ge [sflag:s19], $0x4000  }
0x26: {  	[sflag:s19] =	ssyncset.done $0x0  }
0x27: {  	[sflag:s19] =	ssyncadd.s32 $0xFFFFC000  }
0x28: {  	[spmem:s7] =	stream.linear.scatter [tilespmem:s18], [sflag:$0x3], $0x2000, $0x38;
	[tilespmem:$0x1C000] =	vst v63  }
0x29: {  	_ =	swait.ge [sflag:s19], $0x2000  }
0x2a: {  	[sflag:s19] =	ssyncset.done $0x0  }
0x2b: {  	[sflag:s19] =	ssyncadd.s32 $0xFFFFE000  }
0x2c: {  	s1 =	simm.s32 $0x0;
	[bflag:$0x0] =	sbarrier.arrive $0xFFFF  }
0x2d: {  	[tilespmem:s1], [sflag:$0x3] =	stream.linear.gather [hbm4b:s8+s1], $0x5000, $0x38;
	[tilespmem:$0x1C000] =	vst v63  }
0x2e: {  	_ =	swait.ge [sflag:s19], $0x5000  }
0x2f: {  	[sflag:s19] =	ssyncset.done $0x0  }
0x30: {  	[sflag:s19] =	ssyncadd.s32 $0xFFFFB000  }
0x31: {  	[tilespmem:s20], [sflag:$0x3] =	stream.linear.gather [hbm4b:s9+s1], $0x5000, $0x38;
	[tilespmem:$0x1C000] =	vst v63  }
0x32: {  	_ =	swait.ge [sflag:s19], $0x5000  }
0x33: {  	[sflag:s19] =	ssyncset.done $0x0  }
0x34: {  	[sflag:s19] =	ssyncadd.s32 $0xFFFFB000  }
0x35: {  	[tilespmem:s18], [sflag:$0x1] =	stream.indirect.gather [hbm4b:s4+s21], $0x40, s1, s21, $0xb8;
	[tilespmem:$0x1C000] =	vst v63  }
0x36: {  	_ =	swait.ge [sflag:s22], $0x4000  }
0x37: {  	[sflag:s22] =	ssyncset.done $0x0  }
0x38: {  	s31 =	simm.s32 $0x100;
	[sflag:s22] =	ssyncadd.s32 $0xFFFFC000  }
0x39: {  	[tilespmem:s23], [sflag:$0x2] =	stream.indirect.gather [hbm4b:s4+s21], $0x40, s31, s21, $0xb8;
	[tilespmem:$0x1C000] =	vst v63  }
0x3a: {  	s31 =	simm.s32 $0x5000  }
0x3b: {  	[spmem:s2] =	stream.indirect.scatter.add.f32 [tilespmem:s18], [sflag:$0x3], $0x40, s31, s21, $0xb8;
	[tilespmem:$0x1C000] =	vst v63  }
0x3c: {  	_ =	swait.ge [sflag:s19], $0x4000  }
0x3d: {  	[sflag:s19] =	ssyncset.done $0x0  }
0x3e: {  	[sflag:s19] =	ssyncadd.s32 $0xFFFFC000  }
0x3f: {  	_ =	swait.ge [sflag:s24], $0x4000  }
0x40: {  	[sflag:s24] =	ssyncset.done $0x0  }
0x41: {  	s31 =	simm.s32 $0x200;
	[sflag:s24] =	ssyncadd.s32 $0xFFFFC000  }
0x42: {  	[tilespmem:s18], [sflag:$0x1] =	stream.indirect.gather [hbm4b:s4+s21], $0x40, s31, s21, $0xb8;
	[tilespmem:$0x1C000] =	vst v63  }
0x43: {  	s31 =	simm.s32 $0x5100  }
0x44: {  	[spmem:s2] =	stream.indirect.scatter.add.f32 [tilespmem:s23], [sflag:$0x3], $0x40, s31, s21, $0xb8;
	[tilespmem:$0x1C000] =	vst v63  }
0x45: {  	_ =	swait.ge [sflag:s19], $0x4000  }
0x46: {  	s30 =	simm.s32 $0x800;
	[sflag:s19] =	ssyncset.done $0x0  }
.LBB2_4:
0x47: {  	p0 =	sne.s32 s30, $0x13000  }
0x48: {  	[sflag:s19] =	ssyncadd.s32 $0xFFFFC000;
	s1 =	smov.u32 s30;
	s30 =	sadd.s32 $0x800, s30  }
0x49: {  	_ = 	snop  }
0x4a: {  	_ =	swait.ge [sflag:s22], $0x4000  }
0x4b: {  	s1 =	sshra.s32 s1, $0x2;
	[sflag:s22] =	ssyncset.done $0x0  }
0x4c: {  	s31 =	sadd.s32 $0x100, s1;
	[sflag:s22] =	ssyncadd.s32 $0xFFFFC000  }
0x4d: {  	[tilespmem:s23], [sflag:$0x2] =	stream.indirect.gather [hbm4b:s4+s21], $0x40, s31, s21, $0xb8;
	[tilespmem:$0x1C000] =	vst v63  }
0x4e: {  	s31 =	sadd.s32 $0x5000, s1  }
0x4f: {  	[spmem:s2] =	stream.indirect.scatter.add.f32 [tilespmem:s18], [sflag:$0x3], $0x40, s31, s21, $0xb8;
	[tilespmem:$0x1C000] =	vst v63  }
0x50: {  	_ =	swait.ge [sflag:s19], $0x4000  }
0x51: {  	[sflag:s19] =	ssyncset.done $0x0  }
0x52: {  	[sflag:s19] =	ssyncadd.s32 $0xFFFFC000  }
0x53: {  	_ =	swait.ge [sflag:s24], $0x4000  }
0x54: {  	[sflag:s24] =	ssyncset.done $0x0  }
0x55: {  	s31 =	sadd.s32 $0x200, s1;
	[sflag:s24] =	ssyncadd.s32 $0xFFFFC000  }
0x56: {  	[tilespmem:s18], [sflag:$0x1] =	stream.indirect.gather [hbm4b:s4+s21], $0x40, s31, s21, $0xb8;
	[tilespmem:$0x1C000] =	vst v63  }
.Ltmp1:
0x57: {  	_ = 	snop;
	(pc) =	sbr.rel @p0 .LBB2_4-.Ltmp1, $4  }
0x58: {  	s1 =	sadd.s32 $0x5100, s1  }
0x59: {  	[spmem:s2] =	stream.indirect.scatter.add.f32 [tilespmem:s23], [sflag:$0x3], $0x40, s1, s21, $0xb8;
	[tilespmem:$0x1C000] =	vst v63  }
0x5a: {  	_ =	swait.ge [sflag:s19], $0x4000  }
0x5b: {  	[sflag:s19] =	ssyncset.done $0x0  }
0x5c: {  	[sflag:s19] =	ssyncadd.s32 $0xFFFFC000  }
0x5d: {  	_ =	swait.ge [sflag:s22], $0x4000  }
0x5e: {  	[sflag:s22] =	ssyncset.done $0x0  }
0x5f: {  	[sflag:s22] =	ssyncadd.s32 $0xFFFFC000  }
0x60: {  	[tilespmem:s23], [sflag:$0x2] =	stream.indirect.gather [hbm4b:s4+s21], $0x40, s25, s21, $0xb8;
	[tilespmem:$0x1C000] =	vst v63  }
0x61: {  	_ = 	snop  }
0x62: {  	[spmem:s2] =	stream.indirect.scatter.add.f32 [tilespmem:s18], [sflag:$0x3], $0x40, s26, s21, $0xb8;
	[tilespmem:$0x1C000] =	vst v63  }
0x63: {  	_ =	swait.ge [sflag:s19], $0x4000  }
0x64: {  	[sflag:s19] =	ssyncset.done $0x0  }
0x65: {  	[sflag:s19] =	ssyncadd.s32 $0xFFFFC000  }
0x66: {  	_ =	swait.ge [sflag:s24], $0x4000  }
0x67: {  	[sflag:s24] =	ssyncset.done $0x0  }
0x68: {  	[sflag:s24] =	ssyncadd.s32 $0xFFFFC000  }
0x69: {  	[spmem:s2] =	stream.indirect.scatter.add.f32 [tilespmem:s23], [sflag:$0x3], $0x40, s28, s21, $0xb8;
	[tilespmem:$0x1C000] =	vst v63  }
0x6a: {  	_ =	swait.ge [sflag:s19], $0x4000  }
0x6b: {  	[sflag:s19] =	ssyncset.done $0x0  }
0x6c: {  	[sflag:s19] =	ssyncadd.s32 $0xFFFFC000  }
0x6d: {  	[bflag:$0x0] =	sbarrier.arrive $0xFFFF  }
0x6e: {  	[tilespmem:s18], [sflag:$0x3] =	stream.linear.gather [spmem:s5], $0x2000, $0x38;
	[tilespmem:$0x1C000] =	vst v63  }
0x6f: {  	_ =	swait.ge [sflag:s19], $0x2000  }
0x70: {  	[sflag:s19] =	ssyncset.done $0x0  }
0x71: {  	[sflag:s19] =	ssyncadd.s32 $0xFFFFE000  }
0x72: {  	[hbm4b:s10+s3] =	stream.linear.scatter [tilespmem:s18], [sflag:$0x3], $0x2000, $0x38;
	[tilespmem:$0x1C000] =	vst v63  }
0x73: {  	_ =	swait.ge [sflag:s19], $0x2000  }
0x74: {  	[sflag:s19] =	ssyncset.done $0x0  }
0x75: {  	[sflag:s19] =	ssyncadd.s32 $0xFFFFE000  }
0x76: {  	[tilespmem:s18], [sflag:$0x3] =	stream.linear.gather [spmem:s11], $0x2000, $0x38;
	[tilespmem:$0x1C000] =	vst v63  }
0x77: {  	_ =	swait.ge [sflag:s19], $0x2000  }
0x78: {  	[sflag:s19] =	ssyncset.done $0x0  }
0x79: {  	[sflag:s19] =	ssyncadd.s32 $0xFFFFE000  }
0x7a: {  	[hbm4b:s12+s3] =	stream.linear.scatter [tilespmem:s18], [sflag:$0x3], $0x2000, $0x38;
	[tilespmem:$0x1C000] =	vst v63  }
0x7b: {  	_ =	swait.ge [sflag:s19], $0x2000  }
0x7c: {  	[sflag:s19] =	ssyncset.done $0x0  }
0x7d: {  	[sflag:s19] =	ssyncadd.s32 $0xFFFFE000  }
0x7e: {  	[tilespmem:s18], [sflag:$0x3] =	stream.linear.gather [spmem:s6], $0x2000, $0x38;
	[tilespmem:$0x1C000] =	vst v63  }
0x7f: {  	_ =	swait.ge [sflag:s19], $0x2000  }
0x80: {  	[sflag:s19] =	ssyncset.done $0x0  }
0x81: {  	[sflag:s19] =	ssyncadd.s32 $0xFFFFE000  }
0x82: {  	[hbm4b:s13+s3] =	stream.linear.scatter [tilespmem:s18], [sflag:$0x3], $0x2000, $0x38;
	[tilespmem:$0x1C000] =	vst v63  }
0x83: {  	_ =	swait.ge [sflag:s19], $0x2000  }
0x84: {  	[sflag:s19] =	ssyncset.done $0x0  }
0x85: {  	[sflag:s19] =	ssyncadd.s32 $0xFFFFE000  }
0x86: {  	[tilespmem:s18], [sflag:$0x3] =	stream.linear.gather [spmem:s14], $0x2000, $0x38;
	[tilespmem:$0x1C000] =	vst v63  }
0x87: {  	_ =	swait.ge [sflag:s19], $0x2000  }
0x88: {  	[sflag:s19] =	ssyncset.done $0x0  }
0x89: {  	[sflag:s19] =	ssyncadd.s32 $0xFFFFE000  }
0x8a: {  	[hbm4b:s15+s3] =	stream.linear.scatter [tilespmem:s18], [sflag:$0x3], $0x2000, $0x38;
	[tilespmem:$0x1C000] =	vst v63  }
0x8b: {  	_ =	swait.ge [sflag:s19], $0x2000  }
0x8c: {  	[sflag:s19] =	ssyncset.done $0x0  }
0x8d: {  	[sflag:s19] =	ssyncadd.s32 $0xFFFFE000  }
0x8e: {  	[tilespmem:s18], [sflag:$0x3] =	stream.linear.gather [spmem:s7], $0x2000, $0x38;
	[tilespmem:$0x1C000] =	vst v63  }
0x8f: {  	s29 =	sadd.s32 $0x1, s29;
	_ =	swait.ge [sflag:s19], $0x2000  }
0x90: {  	p0 =	sne.s32 s29, s17;
	[sflag:s19] =	ssyncset.done $0x0  }
.Ltmp2:
0x91: {  	[sflag:s19] =	ssyncadd.s32 $0xFFFFE000;
	(pc) =	sbr.rel @p0 .LBB2_1-.Ltmp2, $4  }
0x92: {  	[hbm4b:s16+s3] =	stream.linear.scatter [tilespmem:s18], [sflag:$0x3], $0x2000, $0x38;
	[tilespmem:$0x1C000] =	vst v63  }
0x93: {  	_ =	swait.ge [sflag:s19], $0x2000  }
0x94: {  	[sflag:s19] =	ssyncset.done $0x0  }
0x95: {  	[sflag:s19] =	ssyncadd.s32 $0xFFFFE000  }
0x96: {  	_ =	sfence.sel $0x180000  }
0x97: {  	[bflag:$0x0] =	sbarrier.arrive $0xFFFF  }
0x98: {  	_ =	strace $0x9000004A  }
0x99: {  	[bflag:$0x2] =	sbarrier.arrive $0xFFFF  }
0x9a: {  	p0 =	sne.s32 s0, $0x0;
	s0 =	rddreg [dreg:$0x2]  }
0x9b: {  	s0 =	sadd.s32 @!p0 $0x100000, s0  }
0x9c: {  	[sflag:s0] =	ssyncadd.tile.s32 @!p0 $0x1;
	_ =	shalt  }
.Lfunc_end2:
_tile_overlayer_lowered:
.L_overlay_start_2:
0x9d: {  	(tag) =	ssettag $0x2  }
0x9e: {  	s0 =	rddreg [dreg:$0x0];
	s2 =	stileid.u32  }
0x9f: {  	s1 =	rddreg [dreg:$0x1];
	p0 =	sne.s32 s2, $0x0  }
0xa0: {  	s3 =	rddreg [dreg:$0x2];
	[bflag:$0x3] =	sbarrier.arrive $0xFFFF;
	s2 =	simm.s32 @!p0 $0x1C03  }
0xa1: {  	[timem:s3], [sflag:s2] =	dma.local @!p0 [hbm:s0], s1  }
0xa2: {  	s0 =	simm.s32 @!p0 $0x3  }
0xa3: {  	_ =	swait.ge @!p0 [sflag:s0], s1  }
0xa4: {  	s1 =	ssub.s32 @!p0 $0x0, s1;
	[sflag:s0] =	ssyncset.done @!p0 $0x0  }
0xa5: {  	[sflag:s0] =	ssyncadd.s32 @!p0 s1  }
0xa6: {  	[bflag:$0x3] =	sbarrier.arrive $0xFFFF  }
0xa7: {  	_ =	shalt  }

// kernel: kernel.17.cloned.1.call-start
scs
__scs_entry_jumppad:
0x0: {  	(pc) =	sbr.rel $0x88, $3  }
0x1: {  	(tag) =	ssettag $0x0;
	lr =	simm.s32 $0x1  }
0x2: {  	[smem:$0x3F97] =	sst lr;
	_ =	strace $0xD0000000  }
0x3: {  	_ = 	snop  }
0x4: {  	_ = 	snop  }
0x5: {  	_ = 	snop  }
0x6: {  	_ = 	snop  }
0x7: {  	_ = 	snop  }
__scs_overlays_trampoline_lowered:
0x8: {  	[smem:$0x3FA6] =	sst s0  }
0x9: {  	[smem:$0x3FA7] =	sst s1  }
0xa: {  	[smem:$0x3FA8] =	sst s2  }
0xb: {  	[smem:$0x3FA9] =	sst s3  }
0xc: {  	[smem:$0x3FAA] =	sst s4  }
0xd: {  	[smem:$0x3FAB] =	sst s5  }
0xe: {  	[smem:$0x3FAC] =	sst s6  }
0xf: {  	[smem:$0x3FAD] =	sst s7  }
0x10: {  	[smem:$0x3FAE] =	sst s8  }
0x11: {  	[smem:$0x3FAF] =	sst s9;
	s0 =	simm.s32 @!p0 $0x0  }
0x12: {  	s1 =	sld [smem:$0x3F95];
	s0 =	simm.s32 @p0 $0x1  }
0x13: {  	[smem:$0x3FB0] =	sst s0;
	s0 =	simm.s32 @!p1 $0x0  }
0x14: {  	s2 =	sld [smem:$0x3F94];
	s0 =	simm.s32 @p1 $0x1  }
0x15: {  	[smem:$0x3FB1] =	sst s0;
	s0 =	simm.s32 @!p2 $0x0  }
0x16: {  	s3 =	sld [smem:$0x3FDB];
	s0 =	simm.s32 @p2 $0x1  }
0x17: {  	s4 =	simm.s32 $0x1BF5;
	[smem:$0x3FB3] =	sst s0  }
0x18: {  	s0 =	sld [smem:$0x3F96];
	_ =	swait.ge [sflag:s4], $0x0  }
0x19: {  	s7 =	sld [smem:$0x3F97]  }
0x1a: {  	s8 =	sadd.s32 $0xFFFFE003, lr  }
0x1b: {  	s9 =	sadd.s32 $0xFFFFFEF7, lr;
	s5 =	simm.s32 $0xFFFFFFFF;
	p2 =	slt.u32 s8, $0xFFFFF086  }
0x1c: {  	p1 =	slt.u32 s9, $0xF7A;
	s5 =	simm.s32 @!p2 $0x0  }
0x1d: {  	s5 =	simm.s32 @p1 $0x1;
	p0 =	seq.s32 s7, s2  }
0x1e: {  	s7 =	smul.u32 @!p0 $0xF7A, s2;
	p2 =	seq.s32 @!p0 s5, $0x0  }
0x1f: {  	s9 =	smul.u32 $0xF7A, s1;
	s8 =	simm.s32 @!p0 $0x1BF5;
	p2 =	por !p2, p0  }
0x20: {  	[sflag:s8] =	ssyncset.s32 @!p0 $0xFFFFF086;
	s6 =	sadd.s32 @!p0 s3, s7;
	s7 =	simm.s32 @!p0 $0x108  }
0x21: {  	s3 =	sadd.s32 s3, s9;
	s6 =	sadd.s32 @!p0 $0x88, s6;
	s7 =	simm.s32 @p2 $0x1082  }
0x22: {  	[simem:s7], [sflag:s8] =	dma.local @!p0 [hbm:s6], $0xF7A  }
0x23: {  	s9 =	sor.u32 $0xD0000000, s2;
	s6 =	simm.s32 $0x108;
	_ =	swait.ge @!p0 [sflag:s8], $0x0  }
0x24: {  	s3 =	sadd.s32 $0x88, s3;
	s6 =	simm.s32 @!p1 $0x1082;
	[sflag:s4] =	ssyncset.s32 $0xFFFFF086  }
0x25: {  	[simem:s6], [sflag:s4] =	dma.local [hbm:s3], $0xF7A  }
0x26: {  	[smem:$0x3F97] =	sst s1;
	(tag) =	ssettag s2;
	_ =	strace s9  }
0x27: {  	s1 =	sld [smem:$0x3FA7]  }
0x28: {  	s2 =	sld [smem:$0x3FA8]  }
0x29: {  	s4 =	sld [smem:$0x3FAA]  }
0x2a: {  	p0 =	seq.s32 s5, $0x0;
	s5 =	sld [smem:$0x3FAB]  }
0x2b: {  	s6 =	sld [smem:$0x3FAC]  }
0x2c: {  	s7 =	sld [smem:$0x3FAD]  }
0x2d: {  	s3 =	simm.s32 $0x108;
	s8 =	sld [smem:$0x3FAE]  }
0x2e: {  	s3 =	simm.s32 @!p0 $0x1082;
	s9 =	sld [smem:$0x3FAF]  }
0x2f: {  	lr =	sadd.s32 s0, s3;
	s0 =	sld [smem:$0x3FA6]  }
0x30: {  	s3 =	sld [smem:$0x3FA9]  }
0x31: {  	[smem:$0x3FB2] =	sst s10  }
0x32: {  	s10 =	sld [smem:$0x3FB0];
	_ =	sdelay $0x3  }
0x33: {  	p0 =	seq.s32 s10, $0x1;
	s10 =	sld [smem:$0x3FB2];
	_ =	sdelay $0x3  }
0x34: {  	[smem:$0x3FB2] =	sst s10  }
0x35: {  	s10 =	sld [smem:$0x3FB1];
	_ =	sdelay $0x3  }
0x36: {  	p1 =	seq.s32 s10, $0x1;
	s10 =	sld [smem:$0x3FB2];
	_ =	sdelay $0x3  }
0x37: {  	[smem:$0x3FB2] =	sst s10  }
0x38: {  	s10 =	sld [smem:$0x3FB3]  }
0x39: {  	_ = 	snop;
	(pc) =	sbr.ind lr, $3  }
0x3a: {  	_ = 	snop  }
0x3b: {  	_ = 	snop  }
0x3c: {  	p2 =	seq.s32 s10, $0x1;
	s10 =	sld [smem:$0x3FB2]  }
0x3d: {  	_ =	shalt  }
0x3e: {  	_ =	shalt  }
0x3f: {  	_ =	shalt  }
0x40: {  	_ =	shalt  }
0x41: {  	_ =	shalt  }
0x42: {  	_ =	shalt  }
0x43: {  	_ =	shalt  }
0x44: {  	_ =	shalt  }
0x45: {  	_ =	shalt  }
0x46: {  	_ =	shalt  }
0x47: {  	_ =	shalt  }
0x48: {  	_ =	shalt  }
0x49: {  	_ =	shalt  }
0x4a: {  	_ =	shalt  }
0x4b: {  	_ =	shalt  }
0x4c: {  	_ =	shalt  }
0x4d: {  	_ =	shalt  }
0x4e: {  	_ =	shalt  }
0x4f: {  	_ =	shalt  }
0x50: {  	_ =	shalt  }
0x51: {  	_ =	shalt  }
0x52: {  	_ =	shalt  }
0x53: {  	_ =	shalt  }
0x54: {  	_ =	shalt  }
0x55: {  	_ =	shalt  }
0x56: {  	_ =	shalt  }
0x57: {  	_ =	shalt  }
0x58: {  	_ =	shalt  }
0x59: {  	_ =	shalt  }
0x5a: {  	_ =	shalt  }
0x5b: {  	_ =	shalt  }
0x5c: {  	_ =	shalt  }
0x5d: {  	_ =	shalt  }
0x5e: {  	_ =	shalt  }
0x5f: {  	_ =	shalt  }
0x60: {  	_ =	shalt  }
0x61: {  	_ =	shalt  }
0x62: {  	_ =	shalt  }
0x63: {  	_ =	shalt  }
0x64: {  	_ =	shalt  }
0x65: {  	_ =	shalt  }
0x66: {  	_ =	shalt  }
0x67: {  	_ =	shalt  }
0x68: {  	_ =	shalt  }
0x69: {  	_ =	shalt  }
0x6a: {  	_ =	shalt  }
0x6b: {  	_ =	shalt  }
0x6c: {  	_ =	shalt  }
0x6d: {  	_ =	shalt  }
0x6e: {  	_ =	shalt  }
0x6f: {  	_ =	shalt  }
0x70: {  	_ =	shalt  }
0x71: {  	_ =	shalt  }
0x72: {  	_ =	shalt  }
0x73: {  	_ =	shalt  }
0x74: {  	_ =	shalt  }
0x75: {  	_ =	shalt  }
0x76: {  	_ =	shalt  }
0x77: {  	_ =	shalt  }
0x78: {  	_ =	shalt  }
0x79: {  	_ =	shalt  }
0x7a: {  	_ =	shalt  }
0x7b: {  	_ =	shalt  }
0x7c: {  	_ =	shalt  }
0x7d: {  	_ =	shalt  }
0x7e: {  	_ =	shalt  }
0x7f: {  	_ =	shalt  }
0x80: {  	_ =	shalt  }
0x81: {  	_ =	shalt  }
0x82: {  	_ =	shalt  }
0x83: {  	_ =	shalt  }
0x84: {  	_ =	shalt  }
0x85: {  	_ =	shalt  }
0x86: {  	_ =	shalt  }
0x87: {  	_ =	shalt  }
.Lfunc_end0:
.L_simem_size_0:
called_computation.2_lowered:
.L_overlay_start_0:
0x88: {  	s2 =	sld [smem:$0x3FD9]  }
0x89: {  	s3 =	sld [smem:$0x3FFE];
	_ =	sdelay $0x1  }
0x8a: {  	s1 =	srdreg.scid  }
0x8b: {  	s0 =	sand.u32 $0x1, s1  }
0x8c: {  	s16 =	sshll.u32 s0, $0xA;
	s2 =	sadd.s32 s3, s2  }
0x8d: {  	s2 =	sadd.s32 s2, s16  }
0x8e: {  	[smem:$0x3FBE] =	sst s2  }
0x8f: {  	_ = 	snop  }
0x90: {  	(tm) =	ssettm $0x1  }
0x91: {  	s17 =	sld [smem:$0x3FFB];
	_ =	sdelay $0x3  }
0x92: {  	_ =	strace s17  }
0x93: {  	s2 =	sld [smem:$0x3FFC];
	_ =	sdelay $0x3  }
0x94: {  	_ =	strace s2  }
0x95: {  	s2 =	sld [smem:$0x3FFD];
	_ =	sdelay $0x3  }
0x96: {  	_ =	strace s2  }
0x97: {  	_ =	strace $0x8FFFFFFF  }
0x98: {  	s18 =	sld [smem:$0x3FDB];
	_ =	sdelay $0x1  }
0x99: {  	s19 =	simm.s32 $_scs_section_size  }
0x9a: {  	s4 =	simm.s32 $_size__tile_overlayer_lowered;
	s5 =	simm.s32 $_tile_overlayer_lowered  }
0x9b: {  	s22 =	simm.s32 $0x1BFF;
	s21 =	sshll.u32 s5, $0x1;
	s2 =	sadd.s32 s19, s18  }
0x9c: {  	s6 =	simm.s32 $0x0;
	s20 =	sshll.u32 s4, $0x1;
	s4 =	sadd.s32 s21, s2  }
0x9d: {  	[timem:s6], [sflag:s22] =	dma.local [hbm:s4], s20  }
0x9e: {  	_ =	swait.ge [sflag:s22], s20  }
0x9f: {  	s3 =	ssub.s32 $0x0, s20;
	[sflag:s22] =	ssyncset.done $0x0  }
0xa0: {  	[sflag:s22] =	ssyncadd.s32 s3;
	_ =	sdelay $0x1  }
0xa1: {  	s23 =	simm.s32 $0x1B8B  }
0xa2: {  	_ =	swait.ge [sflag:s23], $0x1  }
0xa3: {  	[sflag:s23] =	ssyncset.done $0x0  }
0xa4: {  	s25 =	simm.s32 $0x1B8E;
	s24 =	sld [smem:$0x3FFE];
	[sflag:s23] =	ssyncadd.s32 $0xFFFFFFFF  }
0xa5: {  	s26 =	simm.s32 $execute0_lowered;
	[smem:$0x3FD2] =	sst s25  }
0xa6: {  	s4 =	sshll.u32 s26, $0x1;
	_ =	strace $0x8000004C;
	[dreg:$0x1] =	wrdreg $0xFFFFFFFF  }
0xa7: {  	s28 =	simm.s32 $_size_execute0_lowered;
	s2 =	sadd.s32 s2, s4;
	[dreg:$0x0] =	wrdreg $0x0  }
0xa8: {  	s4 =	sshll.u32 s28, $0x1;
	[dreg:$0x2] =	wrdreg s2  }
0xa9: {  	[dreg:$0x3] =	wrdreg s4  }
0xaa: {  	[dreg:$0x4] =	wrdreg $0xC0  }
0xab: {  	_ =	task [dreg:s6], $0x5FFFF  }
0xac: {  	[dreg:$0x1] =	wrdreg $0xFFFFFFFF  }
0xad: {  	[dreg:$0x0] =	wrdreg $0x60  }
0xae: {  	[dreg:$0x2] =	wrdreg s24  }
0xaf: {  	[dreg:$0x3] =	wrdreg $0x120000  }
0xb0: {  	[dreg:$0x4] =	wrdreg $0x9  }
0xb1: {  	_ =	task.clear_ibuf [dreg:s6], $0x5FFFF;
	_ =	strace $0x9000004C  }
0xb2: {  	s29 =	simm.s32 $0x9;
	_ =	strace $0x8000004E  }
0xb3: {  	_ =	swait.ge [sflag:s29], $0x1  }
0xb4: {  	[sflag:s29] =	ssyncadd.s32 $0xFFFFFFFF  }
0xb5: {  	_ =	strace $0x9000004E  }
0xb6: {  	_ =	sfence  }
0xb7: {  	s30 =	sld [smem:$0x0];
	_ =	sdelay $0x2  }
0xb8: {  	s31 =	sshll.u32 s1, $0xD;
	s1 =	sshrl.u32 s1, $0x2  }
0xb9: {  	s3 =	sand.u32 $0x4000, s31;
	s1 =	sadd.s32 s1, s30  }
0xba: {  	s0 =	sor.u32 s3, s0;
	s1 =	sshll.u32 s1, $0x11  }
0xbb: {  	s0 =	sor.u32 s1, s0  }
0xbc: {  	s0 =	sadd.s32 $0x8F2B, s0  }
0xbd: {  	[sflag:s0] =	ssyncadd.remote.s32 $0x1  }
0xbe: {  	_ =	sfence.sel $0xFFFF  }
0xbf: {  	[dreg:$0x0] =	wrdreg $0xFFFFFFFF;
	(pc) =	sbr.abs _section_cstart, $3  }
0xc0: {  	[dreg:$0x1] =	wrdreg $0xFFFFFFFF  }
0xc1: {  	_ =	task.clear_ibuf [dreg:s6], $0x2FFFF;
	_ =	strace $0x9FFFFFFF  }
0xc2: {  	(tm) =	ssettm $0x7FFFFFFF  }
0xc3: {  	_ =	shalt  }
tec
execute0_lowered:
.L_overlay_start_1:
0x0: {  	(tag) =	ssettag $0x1  }
0x1: {  	s1 =	srdreg.scid  }
0x2: {  	s0 =	stileid.u32;
	s5 =	rddreg [dreg:$0x0]  }
0x3: {  	s2 =	rddreg [dreg:$0x1];
	s3 =	simm.s32 $0x0;
	s21 =	simm.s32 $0x100  }
0x4: {  	s22 =	simm.s32 $0x1;
	s28 =	simm.s32 $0x9F00;
	s7 =	smul.u32 $0x5000, s0  }
0x5: {  	s29 =	simm.s32 $0x0;
	s6 =	sand.u32 $0x1, s1;
	s13 =	smul.u32 $0xA000, s0  }
0x6: {  	[smem:$0x7FF] =	sst s3;
	s16 =	sadd.s32 $0x54000, s5;
	s4 =	smul.u32 $0x50000, s6  }
0x7: {  	_ =	strace $0x8000004D;
	s9 =	ssub.s32 $0x2, s6;
	s18 =	smul.u32 $0xA0000, s6  }
0x8: {  	s10 =	sshrl.u32 s9, $0x1;
	s14 =	sadd.s32 $0x4000, s13;
	s15 =	sadd.s32 $0x8000, s13  }
0x9: {  	s12 =	sadd.s32 $0x2000, s13;
	s25 =	sadd.s32 $0x6000, s13;
	s4 =	sadd.s32 s7, s4  }
0xa: {  	s7 =	sshrl.u32 s7, $0x3;
	s17 =	ssub.s32 s9, s10;
	s6 =	sadd.s32 s14, s2  }
0xb: {  	s23 =	sadd.s32 s13, s18;
	s19 =	sadd.s32 s18, s12;
	s14 =	sadd.s32 s18, s14  }
0xc: {  	s30 =	sadd.s32 s18, s25;
	s8 =	sshrl.u32 s4, $0x3;
	s4 =	sadd.s32 $0x2CE00, s5  }
0xd: {  	s11 =	sadd.s32 s7, s5;
	s7 =	sadd.s32 s15, s2;
	s10 =	sshrl.u32 s23, $0x3  }
0xe: {  	s24 =	sshrl.u32 s19, $0x3;
	s26 =	sshrl.u32 s14, $0x3;
	s15 =	sadd.s32 s18, s15  }
0xf: {  	s31 =	sshrl.u32 s30, $0x3;
	s14 =	sadd.s32 s25, s2;
	s17 =	smax.u32 s17, $0x1  }
0x10: {  	s18 =	simm.s32 $0xA000;
	s19 =	simm.s32 $0x3;
	s23 =	simm.s32 $0xE000  }
0x11: {  	s25 =	simm.s32 $0x4F00;
	s8 =	sadd.s32 s8, s5;
	s5 =	sadd.s32 s13, s2  }
0x12: {  	s9 =	sadd.s32 $0x4E00, s11;
	s10 =	sadd.s32 s16, s10;
	s11 =	sadd.s32 s12, s2  }
0x13: {  	s12 =	sadd.s32 s16, s24;
	s13 =	sadd.s32 s16, s26;
	s20 =	sshrl.u32 s15, $0x3  }
0x14: {  	s15 =	sadd.s32 s16, s31;
	s24 =	simm.s32 $0x2;
	s26 =	simm.s32 $0x9E00  }
0x15: {  	v0 =	vimm.f32 $0.0e+00;
	s8 =	sadd.s32 $0x18E00, s8;
	s16 =	sadd.s32 s16, s20;
	s20 =	simm.s32 $0x5000  }
.LBB2_1:
0x16: {  	s31 =	simm.s32 $0x100;
	s30 =	simm.s32 $0x0  }
.LBB2_2:
0x17: {  	p0 =	sne.s32 s31, $0xFF00;
	[tilespmem:s30+$0xA030] =	vst v0;
	s1 =	smov.u32 s31;
	s31 =	sadd.s32 $0x100, s31  }
.Ltmp0:
0x18: {  	[tilespmem:s30+$0xA020] =	vst v0;
	(pc) =	sbr.rel @p0 .LBB2_2-.Ltmp0, $3  }
0x19: {  	[tilespmem:s30+$0xA000] =	vst v0  }
0x1a: {  	[tilespmem:s30+$0xA010] =	vst v0;
	_ =	sdelay $0x1  }
0x1b: {  	s30 =	sshra.s32 s1, $0x2  }
0x1c: {  	[tilespmem:s30+$0xA030] =	vst v0  }
0x1d: {  	[tilespmem:s30+$0xA020] =	vst v0  }
0x1e: {  	[tilespmem:s30+$0xA000] =	vst v0  }
0x1f: {  	[tilespmem:s30+$0xA010] =	vst v0  }
0x20: {  	[spmem:s5] =	stream.linear.scatter [tilespmem:s18], [sflag:$0x3], $0x4000, $0x38;
	[tilespmem:$0x1C000] =	vst v63  }
0x21: {  	_ =	swait.ge [sflag:s19], $0x4000  }
0x22: {  	[sflag:s19] =	ssyncset.done $0x0  }
0x23: {  	[sflag:s19] =	ssyncadd.s32 $0xFFFFC000  }
0x24: {  	[spmem:s6] =	stream.linear.scatter [tilespmem:s18], [sflag:$0x3], $0x4000, $0x38;
	[tilespmem:$0x1C000] =	vst v63  }
0x25: {  	_ =	swait.ge [sflag:s19], $0x4000  }
0x26: {  	[sflag:s19] =	ssyncset.done $0x0  }
0x27: {  	[sflag:s19] =	ssyncadd.s32 $0xFFFFC000  }
0x28: {  	[spmem:s7] =	stream.linear.scatter [tilespmem:s18], [sflag:$0x3], $0x2000, $0x38;
	[tilespmem:$0x1C000] =	vst v63  }
0x29: {  	_ =	swait.ge [sflag:s19], $0x2000  }
0x2a: {  	[sflag:s19] =	ssyncset.done $0x0  }
0x2b: {  	[sflag:s19] =	ssyncadd.s32 $0xFFFFE000  }
0x2c: {  	s1 =	simm.s32 $0x0;
	[bflag:$0x0] =	sbarrier.arrive $0xFFFF  }
0x2d: {  	[tilespmem:s1], [sflag:$0x3] =	stream.linear.gather [hbm4b:s8+s1], $0x5000, $0x38;
	[tilespmem:$0x1C000] =	vst v63  }
0x2e: {  	_ =	swait.ge [sflag:s19], $0x5000  }
0x2f: {  	[sflag:s19] =	ssyncset.done $0x0  }
0x30: {  	[sflag:s19] =	ssyncadd.s32 $0xFFFFB000  }
0x31: {  	[tilespmem:s20], [sflag:$0x3] =	stream.linear.gather [hbm4b:s9+s1], $0x5000, $0x38;
	[tilespmem:$0x1C000] =	vst v63  }
0x32: {  	_ =	swait.ge [sflag:s19], $0x5000  }
0x33: {  	[sflag:s19] =	ssyncset.done $0x0  }
0x34: {  	[sflag:s19] =	ssyncadd.s32 $0xFFFFB000  }
0x35: {  	[tilespmem:s18], [sflag:$0x1] =	stream.indirect.gather [hbm4b:s4+s21], $0x40, s1, s21, $0xb8;
	[tilespmem:$0x1C000] =	vst v63  }
0x36: {  	_ =	swait.ge [sflag:s22], $0x4000  }
0x37: {  	[sflag:s22] =	ssyncset.done $0x0  }
0x38: {  	s31 =	simm.s32 $0x100;
	[sflag:s22] =	ssyncadd.s32 $0xFFFFC000  }
0x39: {  	[tilespmem:s23], [sflag:$0x2] =	stream.indirect.gather [hbm4b:s4+s21], $0x40, s31, s21, $0xb8;
	[tilespmem:$0x1C000] =	vst v63  }
0x3a: {  	s31 =	simm.s32 $0x5000  }
0x3b: {  	[spmem:s2] =	stream.indirect.scatter.add.f32 [tilespmem:s18], [sflag:$0x3], $0x40, s31, s21, $0xb8;
	[tilespmem:$0x1C000] =	vst v63  }
0x3c: {  	_ =	swait.ge [sflag:s19], $0x4000  }
0x3d: {  	[sflag:s19] =	ssyncset.done $0x0  }
0x3e: {  	[sflag:s19] =	ssyncadd.s32 $0xFFFFC000  }
0x3f: {  	_ =	swait.ge [sflag:s24], $0x4000  }
0x40: {  	[sflag:s24] =	ssyncset.done $0x0  }
0x41: {  	s31 =	simm.s32 $0x200;
	[sflag:s24] =	ssyncadd.s32 $0xFFFFC000  }
0x42: {  	[tilespmem:s18], [sflag:$0x1] =	stream.indirect.gather [hbm4b:s4+s21], $0x40, s31, s21, $0xb8;
	[tilespmem:$0x1C000] =	vst v63  }
0x43: {  	s31 =	simm.s32 $0x5100  }
0x44: {  	[spmem:s2] =	stream.indirect.scatter.add.f32 [tilespmem:s23], [sflag:$0x3], $0x40, s31, s21, $0xb8;
	[tilespmem:$0x1C000] =	vst v63  }
0x45: {  	_ =	swait.ge [sflag:s19], $0x4000  }
0x46: {  	s30 =	simm.s32 $0x800;
	[sflag:s19] =	ssyncset.done $0x0  }
.LBB2_4:
0x47: {  	p0 =	sne.s32 s30, $0x13000  }
0x48: {  	[sflag:s19] =	ssyncadd.s32 $0xFFFFC000;
	s1 =	smov.u32 s30;
	s30 =	sadd.s32 $0x800, s30  }
0x49: {  	_ = 	snop  }
0x4a: {  	_ =	swait.ge [sflag:s22], $0x4000  }
0x4b: {  	s1 =	sshra.s32 s1, $0x2;
	[sflag:s22] =	ssyncset.done $0x0  }
0x4c: {  	s31 =	sadd.s32 $0x100, s1;
	[sflag:s22] =	ssyncadd.s32 $0xFFFFC000  }
0x4d: {  	[tilespmem:s23], [sflag:$0x2] =	stream.indirect.gather [hbm4b:s4+s21], $0x40, s31, s21, $0xb8;
	[tilespmem:$0x1C000] =	vst v63  }
0x4e: {  	s31 =	sadd.s32 $0x5000, s1  }
0x4f: {  	[spmem:s2] =	stream.indirect.scatter.add.f32 [tilespmem:s18], [sflag:$0x3], $0x40, s31, s21, $0xb8;
	[tilespmem:$0x1C000] =	vst v63  }
0x50: {  	_ =	swait.ge [sflag:s19], $0x4000  }
0x51: {  	[sflag:s19] =	ssyncset.done $0x0  }
0x52: {  	[sflag:s19] =	ssyncadd.s32 $0xFFFFC000  }
0x53: {  	_ =	swait.ge [sflag:s24], $0x4000  }
0x54: {  	[sflag:s24] =	ssyncset.done $0x0  }
0x55: {  	s31 =	sadd.s32 $0x200, s1;
	[sflag:s24] =	ssyncadd.s32 $0xFFFFC000  }
0x56: {  	[tilespmem:s18], [sflag:$0x1] =	stream.indirect.gather [hbm4b:s4+s21], $0x40, s31, s21, $0xb8;
	[tilespmem:$0x1C000] =	vst v63  }
.Ltmp1:
0x57: {  	_ = 	snop;
	(pc) =	sbr.rel @p0 .LBB2_4-.Ltmp1, $4  }
0x58: {  	s1 =	sadd.s32 $0x5100, s1  }
0x59: {  	[spmem:s2] =	stream.indirect.scatter.add.f32 [tilespmem:s23], [sflag:$0x3], $0x40, s1, s21, $0xb8;
	[tilespmem:$0x1C000] =	vst v63  }
0x5a: {  	_ =	swait.ge [sflag:s19], $0x4000  }
0x5b: {  	[sflag:s19] =	ssyncset.done $0x0  }
0x5c: {  	[sflag:s19] =	ssyncadd.s32 $0xFFFFC000  }
0x5d: {  	_ =	swait.ge [sflag:s22], $0x4000  }
0x5e: {  	[sflag:s22] =	ssyncset.done $0x0  }
0x5f: {  	[sflag:s22] =	ssyncadd.s32 $0xFFFFC000  }
0x60: {  	[tilespmem:s23], [sflag:$0x2] =	stream.indirect.gather [hbm4b:s4+s21], $0x40, s25, s21, $0xb8;
	[tilespmem:$0x1C000] =	vst v63  }
0x61: {  	_ = 	snop  }
0x62: {  	[spmem:s2] =	stream.indirect.scatter.add.f32 [tilespmem:s18], [sflag:$0x3], $0x40, s26, s21, $0xb8;
	[tilespmem:$0x1C000] =	vst v63  }
0x63: {  	_ =	swait.ge [sflag:s19], $0x4000  }
0x64: {  	[sflag:s19] =	ssyncset.done $0x0  }
0x65: {  	[sflag:s19] =	ssyncadd.s32 $0xFFFFC000  }
0x66: {  	_ =	swait.ge [sflag:s24], $0x4000  }
0x67: {  	[sflag:s24] =	ssyncset.done $0x0  }
0x68: {  	[sflag:s24] =	ssyncadd.s32 $0xFFFFC000  }
0x69: {  	[spmem:s2] =	stream.indirect.scatter.add.f32 [tilespmem:s23], [sflag:$0x3], $0x40, s28, s21, $0xb8;
	[tilespmem:$0x1C000] =	vst v63  }
0x6a: {  	_ =	swait.ge [sflag:s19], $0x4000  }
0x6b: {  	[sflag:s19] =	ssyncset.done $0x0  }
0x6c: {  	[sflag:s19] =	ssyncadd.s32 $0xFFFFC000  }
0x6d: {  	[bflag:$0x0] =	sbarrier.arrive $0xFFFF  }
0x6e: {  	[tilespmem:s18], [sflag:$0x3] =	stream.linear.gather [spmem:s5], $0x2000, $0x38;
	[tilespmem:$0x1C000] =	vst v63  }
0x6f: {  	_ =	swait.ge [sflag:s19], $0x2000  }
0x70: {  	[sflag:s19] =	ssyncset.done $0x0  }
0x71: {  	[sflag:s19] =	ssyncadd.s32 $0xFFFFE000  }
0x72: {  	[hbm4b:s10+s3] =	stream.linear.scatter [tilespmem:s18], [sflag:$0x3], $0x2000, $0x38;
	[tilespmem:$0x1C000] =	vst v63  }
0x73: {  	_ =	swait.ge [sflag:s19], $0x2000  }
0x74: {  	[sflag:s19] =	ssyncset.done $0x0  }
0x75: {  	[sflag:s19] =	ssyncadd.s32 $0xFFFFE000  }
0x76: {  	[tilespmem:s18], [sflag:$0x3] =	stream.linear.gather [spmem:s11], $0x2000, $0x38;
	[tilespmem:$0x1C000] =	vst v63  }
0x77: {  	_ =	swait.ge [sflag:s19], $0x2000  }
0x78: {  	[sflag:s19] =	ssyncset.done $0x0  }
0x79: {  	[sflag:s19] =	ssyncadd.s32 $0xFFFFE000  }
0x7a: {  	[hbm4b:s12+s3] =	stream.linear.scatter [tilespmem:s18], [sflag:$0x3], $0x2000, $0x38;
	[tilespmem:$0x1C000] =	vst v63  }
0x7b: {  	_ =	swait.ge [sflag:s19], $0x2000  }
0x7c: {  	[sflag:s19] =	ssyncset.done $0x0  }
0x7d: {  	[sflag:s19] =	ssyncadd.s32 $0xFFFFE000  }
0x7e: {  	[tilespmem:s18], [sflag:$0x3] =	stream.linear.gather [spmem:s6], $0x2000, $0x38;
	[tilespmem:$0x1C000] =	vst v63  }
0x7f: {  	_ =	swait.ge [sflag:s19], $0x2000  }
0x80: {  	[sflag:s19] =	ssyncset.done $0x0  }
0x81: {  	[sflag:s19] =	ssyncadd.s32 $0xFFFFE000  }
0x82: {  	[hbm4b:s13+s3] =	stream.linear.scatter [tilespmem:s18], [sflag:$0x3], $0x2000, $0x38;
	[tilespmem:$0x1C000] =	vst v63  }
0x83: {  	_ =	swait.ge [sflag:s19], $0x2000  }
0x84: {  	[sflag:s19] =	ssyncset.done $0x0  }
0x85: {  	[sflag:s19] =	ssyncadd.s32 $0xFFFFE000  }
0x86: {  	[tilespmem:s18], [sflag:$0x3] =	stream.linear.gather [spmem:s14], $0x2000, $0x38;
	[tilespmem:$0x1C000] =	vst v63  }
0x87: {  	_ =	swait.ge [sflag:s19], $0x2000  }
0x88: {  	[sflag:s19] =	ssyncset.done $0x0  }
0x89: {  	[sflag:s19] =	ssyncadd.s32 $0xFFFFE000  }
0x8a: {  	[hbm4b:s15+s3] =	stream.linear.scatter [tilespmem:s18], [sflag:$0x3], $0x2000, $0x38;
	[tilespmem:$0x1C000] =	vst v63  }
0x8b: {  	_ =	swait.ge [sflag:s19], $0x2000  }
0x8c: {  	[sflag:s19] =	ssyncset.done $0x0  }
0x8d: {  	[sflag:s19] =	ssyncadd.s32 $0xFFFFE000  }
0x8e: {  	[tilespmem:s18], [sflag:$0x3] =	stream.linear.gather [spmem:s7], $0x2000, $0x38;
	[tilespmem:$0x1C000] =	vst v63  }
0x8f: {  	s29 =	sadd.s32 $0x1, s29;
	_ =	swait.ge [sflag:s19], $0x2000  }
0x90: {  	p0 =	sne.s32 s29, s17;
	[sflag:s19] =	ssyncset.done $0x0  }
.Ltmp2:
0x91: {  	[sflag:s19] =	ssyncadd.s32 $0xFFFFE000;
	(pc) =	sbr.rel @p0 .LBB2_1-.Ltmp2, $4  }
0x92: {  	[hbm4b:s16+s3] =	stream.linear.scatter [tilespmem:s18], [sflag:$0x3], $0x2000, $0x38;
	[tilespmem:$0x1C000] =	vst v63  }
0x93: {  	_ =	swait.ge [sflag:s19], $0x2000  }
0x94: {  	[sflag:s19] =	ssyncset.done $0x0  }
0x95: {  	[sflag:s19] =	ssyncadd.s32 $0xFFFFE000  }
0x96: {  	_ =	sfence.sel $0x180000  }
0x97: {  	[bflag:$0x0] =	sbarrier.arrive $0xFFFF  }
0x98: {  	_ =	strace $0x9000004D  }
0x99: {  	[bflag:$0x2] =	sbarrier.arrive $0xFFFF  }
0x9a: {  	p0 =	sne.s32 s0, $0x0;
	s0 =	rddreg [dreg:$0x2]  }
0x9b: {  	s0 =	sadd.s32 @!p0 $0x100000, s0  }
0x9c: {  	[sflag:s0] =	ssyncadd.tile.s32 @!p0 $0x1;
	_ =	shalt  }
.Lfunc_end2:
_tile_overlayer_lowered:
.L_overlay_start_2:
0x9d: {  	(tag) =	ssettag $0x2  }
0x9e: {  	s0 =	rddreg [dreg:$0x0];
	s2 =	stileid.u32  }
0x9f: {  	s1 =	rddreg [dreg:$0x1];
	p0 =	sne.s32 s2, $0x0  }
0xa0: {  	s3 =	rddreg [dreg:$0x2];
	[bflag:$0x3] =	sbarrier.arrive $0xFFFF;
	s2 =	simm.s32 @!p0 $0x1C03  }
0xa1: {  	[timem:s3], [sflag:s2] =	dma.local @!p0 [hbm:s0], s1  }
0xa2: {  	s0 =	simm.s32 @!p0 $0x3  }
0xa3: {  	_ =	swait.ge @!p0 [sflag:s0], s1  }
0xa4: {  	s1 =	ssub.s32 @!p0 $0x0, s1;
	[sflag:s0] =	ssyncset.done @!p0 $0x0  }
0xa5: {  	[sflag:s0] =	ssyncadd.s32 @!p0 s1  }
0xa6: {  	[bflag:$0x3] =	sbarrier.arrive $0xFFFF  }
0xa7: {  	_ =	shalt  }

// kernel: kernel.20.cloned.1.call-start
scs
__scs_entry_jumppad:
0x0: {  	(pc) =	sbr.rel $0x88, $3  }
0x1: {  	(tag) =	ssettag $0x0;
	lr =	simm.s32 $0x1  }
0x2: {  	[smem:$0x3F97] =	sst lr;
	_ =	strace $0xD0000000  }
0x3: {  	_ = 	snop  }
0x4: {  	_ = 	snop  }
0x5: {  	_ = 	snop  }
0x6: {  	_ = 	snop  }
0x7: {  	_ = 	snop  }
__scs_overlays_trampoline_lowered:
0x8: {  	[smem:$0x3FA6] =	sst s0  }
0x9: {  	[smem:$0x3FA7] =	sst s1  }
0xa: {  	[smem:$0x3FA8] =	sst s2  }
0xb: {  	[smem:$0x3FA9] =	sst s3  }
0xc: {  	[smem:$0x3FAA] =	sst s4  }
0xd: {  	[smem:$0x3FAB] =	sst s5  }
0xe: {  	[smem:$0x3FAC] =	sst s6  }
0xf: {  	[smem:$0x3FAD] =	sst s7  }
0x10: {  	[smem:$0x3FAE] =	sst s8  }
0x11: {  	[smem:$0x3FAF] =	sst s9;
	s0 =	simm.s32 @!p0 $0x0  }
0x12: {  	s1 =	sld [smem:$0x3F95];
	s0 =	simm.s32 @p0 $0x1  }
0x13: {  	[smem:$0x3FB0] =	sst s0;
	s0 =	simm.s32 @!p1 $0x0  }
0x14: {  	s2 =	sld [smem:$0x3F94];
	s0 =	simm.s32 @p1 $0x1  }
0x15: {  	[smem:$0x3FB1] =	sst s0;
	s0 =	simm.s32 @!p2 $0x0  }
0x16: {  	s3 =	sld [smem:$0x3FDB];
	s0 =	simm.s32 @p2 $0x1  }
0x17: {  	s4 =	simm.s32 $0x1BF5;
	[smem:$0x3FB3] =	sst s0  }
0x18: {  	s0 =	sld [smem:$0x3F96];
	_ =	swait.ge [sflag:s4], $0x0  }
0x19: {  	s7 =	sld [smem:$0x3F97]  }
0x1a: {  	s8 =	sadd.s32 $0xFFFFE003, lr  }
0x1b: {  	s9 =	sadd.s32 $0xFFFFFEF7, lr;
	s5 =	simm.s32 $0xFFFFFFFF;
	p2 =	slt.u32 s8, $0xFFFFF086  }
0x1c: {  	p1 =	slt.u32 s9, $0xF7A;
	s5 =	simm.s32 @!p2 $0x0  }
0x1d: {  	s5 =	simm.s32 @p1 $0x1;
	p0 =	seq.s32 s7, s2  }
0x1e: {  	s7 =	smul.u32 @!p0 $0xF7A, s2;
	p2 =	seq.s32 @!p0 s5, $0x0  }
0x1f: {  	s9 =	smul.u32 $0xF7A, s1;
	s8 =	simm.s32 @!p0 $0x1BF5;
	p2 =	por !p2, p0  }
0x20: {  	[sflag:s8] =	ssyncset.s32 @!p0 $0xFFFFF086;
	s6 =	sadd.s32 @!p0 s3, s7;
	s7 =	simm.s32 @!p0 $0x108  }
0x21: {  	s3 =	sadd.s32 s3, s9;
	s6 =	sadd.s32 @!p0 $0x88, s6;
	s7 =	simm.s32 @p2 $0x1082  }
0x22: {  	[simem:s7], [sflag:s8] =	dma.local @!p0 [hbm:s6], $0xF7A  }
0x23: {  	s9 =	sor.u32 $0xD0000000, s2;
	s6 =	simm.s32 $0x108;
	_ =	swait.ge @!p0 [sflag:s8], $0x0  }
0x24: {  	s3 =	sadd.s32 $0x88, s3;
	s6 =	simm.s32 @!p1 $0x1082;
	[sflag:s4] =	ssyncset.s32 $0xFFFFF086  }
0x25: {  	[simem:s6], [sflag:s4] =	dma.local [hbm:s3], $0xF7A  }
0x26: {  	[smem:$0x3F97] =	sst s1;
	(tag) =	ssettag s2;
	_ =	strace s9  }
0x27: {  	s1 =	sld [smem:$0x3FA7]  }
0x28: {  	s2 =	sld [smem:$0x3FA8]  }
0x29: {  	s4 =	sld [smem:$0x3FAA]  }
0x2a: {  	p0 =	seq.s32 s5, $0x0;
	s5 =	sld [smem:$0x3FAB]  }
0x2b: {  	s6 =	sld [smem:$0x3FAC]  }
0x2c: {  	s7 =	sld [smem:$0x3FAD]  }
0x2d: {  	s3 =	simm.s32 $0x108;
	s8 =	sld [smem:$0x3FAE]  }
0x2e: {  	s3 =	simm.s32 @!p0 $0x1082;
	s9 =	sld [smem:$0x3FAF]  }
0x2f: {  	lr =	sadd.s32 s0, s3;
	s0 =	sld [smem:$0x3FA6]  }
0x30: {  	s3 =	sld [smem:$0x3FA9]  }
0x31: {  	[smem:$0x3FB2] =	sst s10  }
0x32: {  	s10 =	sld [smem:$0x3FB0];
	_ =	sdelay $0x3  }
0x33: {  	p0 =	seq.s32 s10, $0x1;
	s10 =	sld [smem:$0x3FB2];
	_ =	sdelay $0x3  }
0x34: {  	[smem:$0x3FB2] =	sst s10  }
0x35: {  	s10 =	sld [smem:$0x3FB1];
	_ =	sdelay $0x3  }
0x36: {  	p1 =	seq.s32 s10, $0x1;
	s10 =	sld [smem:$0x3FB2];
	_ =	sdelay $0x3  }
0x37: {  	[smem:$0x3FB2] =	sst s10  }
0x38: {  	s10 =	sld [smem:$0x3FB3]  }
0x39: {  	_ = 	snop;
	(pc) =	sbr.ind lr, $3  }
0x3a: {  	_ = 	snop  }
0x3b: {  	_ = 	snop  }
0x3c: {  	p2 =	seq.s32 s10, $0x1;
	s10 =	sld [smem:$0x3FB2]  }
0x3d: {  	_ =	shalt  }
0x3e: {  	_ =	shalt  }
0x3f: {  	_ =	shalt  }
0x40: {  	_ =	shalt  }
0x41: {  	_ =	shalt  }
0x42: {  	_ =	shalt  }
0x43: {  	_ =	shalt  }
0x44: {  	_ =	shalt  }
0x45: {  	_ =	shalt  }
0x46: {  	_ =	shalt  }
0x47: {  	_ =	shalt  }
0x48: {  	_ =	shalt  }
0x49: {  	_ =	shalt  }
0x4a: {  	_ =	shalt  }
0x4b: {  	_ =	shalt  }
0x4c: {  	_ =	shalt  }
0x4d: {  	_ =	shalt  }
0x4e: {  	_ =	shalt  }
0x4f: {  	_ =	shalt  }
0x50: {  	_ =	shalt  }
0x51: {  	_ =	shalt  }
0x52: {  	_ =	shalt  }
0x53: {  	_ =	shalt  }
0x54: {  	_ =	shalt  }
0x55: {  	_ =	shalt  }
0x56: {  	_ =	shalt  }
0x57: {  	_ =	shalt  }
0x58: {  	_ =	shalt  }
0x59: {  	_ =	shalt  }
0x5a: {  	_ =	shalt  }
0x5b: {  	_ =	shalt  }
0x5c: {  	_ =	shalt  }
0x5d: {  	_ =	shalt  }
0x5e: {  	_ =	shalt  }
0x5f: {  	_ =	shalt  }
0x60: {  	_ =	shalt  }
0x61: {  	_ =	shalt  }
0x62: {  	_ =	shalt  }
0x63: {  	_ =	shalt  }
0x64: {  	_ =	shalt  }
0x65: {  	_ =	shalt  }
0x66: {  	_ =	shalt  }
0x67: {  	_ =	shalt  }
0x68: {  	_ =	shalt  }
0x69: {  	_ =	shalt  }
0x6a: {  	_ =	shalt  }
0x6b: {  	_ =	shalt  }
0x6c: {  	_ =	shalt  }
0x6d: {  	_ =	shalt  }
0x6e: {  	_ =	shalt  }
0x6f: {  	_ =	shalt  }
0x70: {  	_ =	shalt  }
0x71: {  	_ =	shalt  }
0x72: {  	_ =	shalt  }
0x73: {  	_ =	shalt  }
0x74: {  	_ =	shalt  }
0x75: {  	_ =	shalt  }
0x76: {  	_ =	shalt  }
0x77: {  	_ =	shalt  }
0x78: {  	_ =	shalt  }
0x79: {  	_ =	shalt  }
0x7a: {  	_ =	shalt  }
0x7b: {  	_ =	shalt  }
0x7c: {  	_ =	shalt  }
0x7d: {  	_ =	shalt  }
0x7e: {  	_ =	shalt  }
0x7f: {  	_ =	shalt  }
0x80: {  	_ =	shalt  }
0x81: {  	_ =	shalt  }
0x82: {  	_ =	shalt  }
0x83: {  	_ =	shalt  }
0x84: {  	_ =	shalt  }
0x85: {  	_ =	shalt  }
0x86: {  	_ =	shalt  }
0x87: {  	_ =	shalt  }
.Lfunc_end0:
.L_simem_size_0:
called_computation.3_lowered:
.L_overlay_start_0:
0x88: {  	s2 =	sld [smem:$0x3FD9]  }
0x89: {  	s3 =	sld [smem:$0x3FFE];
	_ =	sdelay $0x1  }
0x8a: {  	s1 =	srdreg.scid  }
0x8b: {  	s0 =	sand.u32 $0x1, s1  }
0x8c: {  	s16 =	sshll.u32 s0, $0xA;
	s2 =	sadd.s32 s3, s2  }
0x8d: {  	s2 =	sadd.s32 s2, s16  }
0x8e: {  	[smem:$0x3FBE] =	sst s2  }
0x8f: {  	_ = 	snop  }
0x90: {  	(tm) =	ssettm $0x1  }
0x91: {  	s17 =	sld [smem:$0x3FFB];
	_ =	sdelay $0x3  }
0x92: {  	_ =	strace s17  }
0x93: {  	s2 =	sld [smem:$0x3FFC];
	_ =	sdelay $0x3  }
0x94: {  	_ =	strace s2  }
0x95: {  	s2 =	sld [smem:$0x3FFD];
	_ =	sdelay $0x3  }
0x96: {  	_ =	strace s2  }
0x97: {  	_ =	strace $0x8FFFFFFF  }
0x98: {  	s18 =	sld [smem:$0x3FDB];
	_ =	sdelay $0x1  }
0x99: {  	s19 =	simm.s32 $_scs_section_size  }
0x9a: {  	s4 =	simm.s32 $_size__tile_overlayer_lowered;
	s5 =	simm.s32 $_tile_overlayer_lowered  }
0x9b: {  	s22 =	simm.s32 $0x1BFF;
	s21 =	sshll.u32 s5, $0x1;
	s2 =	sadd.s32 s19, s18  }
0x9c: {  	s6 =	simm.s32 $0x0;
	s20 =	sshll.u32 s4, $0x1;
	s4 =	sadd.s32 s21, s2  }
0x9d: {  	[timem:s6], [sflag:s22] =	dma.local [hbm:s4], s20  }
0x9e: {  	_ =	swait.ge [sflag:s22], s20  }
0x9f: {  	s3 =	ssub.s32 $0x0, s20;
	[sflag:s22] =	ssyncset.done $0x0  }
0xa0: {  	[sflag:s22] =	ssyncadd.s32 s3;
	_ =	sdelay $0x1  }
0xa1: {  	s23 =	simm.s32 $0x1B8B  }
0xa2: {  	_ =	swait.ge [sflag:s23], $0x1  }
0xa3: {  	[sflag:s23] =	ssyncset.done $0x0  }
0xa4: {  	s25 =	simm.s32 $0x1B8E;
	s24 =	sld [smem:$0x3FFE];
	[sflag:s23] =	ssyncadd.s32 $0xFFFFFFFF  }
0xa5: {  	s26 =	simm.s32 $execute0_lowered;
	[smem:$0x3FD2] =	sst s25  }
0xa6: {  	s4 =	sshll.u32 s26, $0x1;
	_ =	strace $0x8000004F;
	[dreg:$0x1] =	wrdreg $0xFFFFFFFF  }
0xa7: {  	s28 =	simm.s32 $_size_execute0_lowered;
	s2 =	sadd.s32 s2, s4;
	[dreg:$0x0] =	wrdreg $0x0  }
0xa8: {  	s4 =	sshll.u32 s28, $0x1;
	[dreg:$0x2] =	wrdreg s2  }
0xa9: {  	[dreg:$0x3] =	wrdreg s4  }
0xaa: {  	[dreg:$0x4] =	wrdreg $0xC0  }
0xab: {  	_ =	task [dreg:s6], $0x5FFFF  }
0xac: {  	[dreg:$0x1] =	wrdreg $0xFFFFFFFF  }
0xad: {  	[dreg:$0x0] =	wrdreg $0x60  }
0xae: {  	[dreg:$0x2] =	wrdreg s24  }
0xaf: {  	[dreg:$0x3] =	wrdreg $0x120000  }
0xb0: {  	[dreg:$0x4] =	wrdreg $0x9  }
0xb1: {  	_ =	task.clear_ibuf [dreg:s6], $0x5FFFF;
	_ =	strace $0x9000004F  }
0xb2: {  	s29 =	simm.s32 $0x9;
	_ =	strace $0x80000051  }
0xb3: {  	_ =	swait.ge [sflag:s29], $0x1  }
0xb4: {  	[sflag:s29] =	ssyncadd.s32 $0xFFFFFFFF  }
0xb5: {  	_ =	strace $0x90000051  }
0xb6: {  	_ =	sfence  }
0xb7: {  	s30 =	sld [smem:$0x0];
	_ =	sdelay $0x2  }
0xb8: {  	s31 =	sshll.u32 s1, $0xD;
	s1 =	sshrl.u32 s1, $0x2  }
0xb9: {  	s3 =	sand.u32 $0x4000, s31;
	s1 =	sadd.s32 s1, s30  }
0xba: {  	s0 =	sor.u32 s3, s0;
	s1 =	sshll.u32 s1, $0x11  }
0xbb: {  	s0 =	sor.u32 s1, s0  }
0xbc: {  	s0 =	sadd.s32 $0x8F2B, s0  }
0xbd: {  	[sflag:s0] =	ssyncadd.remote.s32 $0x1  }
0xbe: {  	_ =	sfence.sel $0xFFFF  }
0xbf: {  	[dreg:$0x0] =	wrdreg $0xFFFFFFFF;
	(pc) =	sbr.abs _section_cstart, $3  }
0xc0: {  	[dreg:$0x1] =	wrdreg $0xFFFFFFFF  }
0xc1: {  	_ =	task.clear_ibuf [dreg:s6], $0x2FFFF;
	_ =	strace $0x9FFFFFFF  }
0xc2: {  	(tm) =	ssettm $0x7FFFFFFF  }
0xc3: {  	_ =	shalt  }
tec
execute0_lowered:
.L_overlay_start_1:
0x0: {  	(tag) =	ssettag $0x1  }
0x1: {  	s1 =	srdreg.scid  }
0x2: {  	s0 =	stileid.u32;
	s5 =	rddreg [dreg:$0x0]  }
0x3: {  	s2 =	rddreg [dreg:$0x1];
	s3 =	simm.s32 $0x0;
	s21 =	simm.s32 $0x100  }
0x4: {  	s22 =	simm.s32 $0x1;
	s28 =	simm.s32 $0x9F00;
	s7 =	smul.u32 $0x5000, s0  }
0x5: {  	s29 =	simm.s32 $0x0;
	s6 =	sand.u32 $0x1, s1;
	s13 =	smul.u32 $0xA000, s0  }
0x6: {  	[smem:$0x7FF] =	sst s3;
	s16 =	sadd.s32 $0x54000, s5;
	s4 =	smul.u32 $0x50000, s6  }
0x7: {  	_ =	strace $0x80000050;
	s9 =	ssub.s32 $0x2, s6;
	s18 =	smul.u32 $0xA0000, s6  }
0x8: {  	s10 =	sshrl.u32 s9, $0x1;
	s14 =	sadd.s32 $0x4000, s13;
	s15 =	sadd.s32 $0x8000, s13  }
0x9: {  	s12 =	sadd.s32 $0x2000, s13;
	s25 =	sadd.s32 $0x6000, s13;
	s4 =	sadd.s32 s7, s4  }
0xa: {  	s7 =	sshrl.u32 s7, $0x3;
	s17 =	ssub.s32 s9, s10;
	s6 =	sadd.s32 s14, s2  }
0xb: {  	s23 =	sadd.s32 s13, s18;
	s19 =	sadd.s32 s18, s12;
	s14 =	sadd.s32 s18, s14  }
0xc: {  	s30 =	sadd.s32 s18, s25;
	s8 =	sshrl.u32 s4, $0x3;
	s4 =	sadd.s32 $0x2CE00, s5  }
0xd: {  	s11 =	sadd.s32 s7, s5;
	s7 =	sadd.s32 s15, s2;
	s10 =	sshrl.u32 s23, $0x3  }
0xe: {  	s24 =	sshrl.u32 s19, $0x3;
	s26 =	sshrl.u32 s14, $0x3;
	s15 =	sadd.s32 s18, s15  }
0xf: {  	s31 =	sshrl.u32 s30, $0x3;
	s14 =	sadd.s32 s25, s2;
	s17 =	smax.u32 s17, $0x1  }
0x10: {  	s18 =	simm.s32 $0xA000;
	s19 =	simm.s32 $0x3;
	s23 =	simm.s32 $0xE000  }
0x11: {  	s25 =	simm.s32 $0x4F00;
	s8 =	sadd.s32 s8, s5;
	s5 =	sadd.s32 s13, s2  }
0x12: {  	s9 =	sadd.s32 $0x4E00, s11;
	s10 =	sadd.s32 s16, s10;
	s11 =	sadd.s32 s12, s2  }
0x13: {  	s12 =	sadd.s32 s16, s24;
	s13 =	sadd.s32 s16, s26;
	s20 =	sshrl.u32 s15, $0x3  }
0x14: {  	s15 =	sadd.s32 s16, s31;
	s24 =	simm.s32 $0x2;
	s26 =	simm.s32 $0x9E00  }
0x15: {  	v0 =	vimm.f32 $0.0e+00;
	s8 =	sadd.s32 $0x18E00, s8;
	s16 =	sadd.s32 s16, s20;
	s20 =	simm.s32 $0x5000  }
.LBB2_1:
0x16: {  	s31 =	simm.s32 $0x100;
	s30 =	simm.s32 $0x0  }
.LBB2_2:
0x17: {  	p0 =	sne.s32 s31, $0xFF00;
	[tilespmem:s30+$0xA030] =	vst v0;
	s1 =	smov.u32 s31;
	s31 =	sadd.s32 $0x100, s31  }
.Ltmp0:
0x18: {  	[tilespmem:s30+$0xA020] =	vst v0;
	(pc) =	sbr.rel @p0 .LBB2_2-.Ltmp0, $3  }
0x19: {  	[tilespmem:s30+$0xA000] =	vst v0  }
0x1a: {  	[tilespmem:s30+$0xA010] =	vst v0;
	_ =	sdelay $0x1  }
0x1b: {  	s30 =	sshra.s32 s1, $0x2  }
0x1c: {  	[tilespmem:s30+$0xA030] =	vst v0  }
0x1d: {  	[tilespmem:s30+$0xA020] =	vst v0  }
0x1e: {  	[tilespmem:s30+$0xA000] =	vst v0  }
0x1f: {  	[tilespmem:s30+$0xA010] =	vst v0  }
0x20: {  	[spmem:s5] =	stream.linear.scatter [tilespmem:s18], [sflag:$0x3], $0x4000, $0x38;
	[tilespmem:$0x1C000] =	vst v63  }
0x21: {  	_ =	swait.ge [sflag:s19], $0x4000  }
0x22: {  	[sflag:s19] =	ssyncset.done $0x0  }
0x23: {  	[sflag:s19] =	ssyncadd.s32 $0xFFFFC000  }
0x24: {  	[spmem:s6] =	stream.linear.scatter [tilespmem:s18], [sflag:$0x3], $0x4000, $0x38;
	[tilespmem:$0x1C000] =	vst v63  }
0x25: {  	_ =	swait.ge [sflag:s19], $0x4000  }
0x26: {  	[sflag:s19] =	ssyncset.done $0x0  }
0x27: {  	[sflag:s19] =	ssyncadd.s32 $0xFFFFC000  }
0x28: {  	[spmem:s7] =	stream.linear.scatter [tilespmem:s18], [sflag:$0x3], $0x2000, $0x38;
	[tilespmem:$0x1C000] =	vst v63  }
0x29: {  	_ =	swait.ge [sflag:s19], $0x2000  }
0x2a: {  	[sflag:s19] =	ssyncset.done $0x0  }
0x2b: {  	[sflag:s19] =	ssyncadd.s32 $0xFFFFE000  }
0x2c: {  	s1 =	simm.s32 $0x0;
	[bflag:$0x0] =	sbarrier.arrive $0xFFFF  }
0x2d: {  	[tilespmem:s1], [sflag:$0x3] =	stream.linear.gather [hbm4b:s8+s1], $0x5000, $0x38;
	[tilespmem:$0x1C000] =	vst v63  }
0x2e: {  	_ =	swait.ge [sflag:s19], $0x5000  }
0x2f: {  	[sflag:s19] =	ssyncset.done $0x0  }
0x30: {  	[sflag:s19] =	ssyncadd.s32 $0xFFFFB000  }
0x31: {  	[tilespmem:s20], [sflag:$0x3] =	stream.linear.gather [hbm4b:s9+s1], $0x5000, $0x38;
	[tilespmem:$0x1C000] =	vst v63  }
0x32: {  	_ =	swait.ge [sflag:s19], $0x5000  }
0x33: {  	[sflag:s19] =	ssyncset.done $0x0  }
0x34: {  	[sflag:s19] =	ssyncadd.s32 $0xFFFFB000  }
0x35: {  	[tilespmem:s18], [sflag:$0x1] =	stream.indirect.gather [hbm4b:s4+s21], $0x40, s1, s21, $0xb8;
	[tilespmem:$0x1C000] =	vst v63  }
0x36: {  	_ =	swait.ge [sflag:s22], $0x4000  }
0x37: {  	[sflag:s22] =	ssyncset.done $0x0  }
0x38: {  	s31 =	simm.s32 $0x100;
	[sflag:s22] =	ssyncadd.s32 $0xFFFFC000  }
0x39: {  	[tilespmem:s23], [sflag:$0x2] =	stream.indirect.gather [hbm4b:s4+s21], $0x40, s31, s21, $0xb8;
	[tilespmem:$0x1C000] =	vst v63  }
0x3a: {  	s31 =	simm.s32 $0x5000  }
0x3b: {  	[spmem:s2] =	stream.indirect.scatter.add.f32 [tilespmem:s18], [sflag:$0x3], $0x40, s31, s21, $0xb8;
	[tilespmem:$0x1C000] =	vst v63  }
0x3c: {  	_ =	swait.ge [sflag:s19], $0x4000  }
0x3d: {  	[sflag:s19] =	ssyncset.done $0x0  }
0x3e: {  	[sflag:s19] =	ssyncadd.s32 $0xFFFFC000  }
0x3f: {  	_ =	swait.ge [sflag:s24], $0x4000  }
0x40: {  	[sflag:s24] =	ssyncset.done $0x0  }
0x41: {  	s31 =	simm.s32 $0x200;
	[sflag:s24] =	ssyncadd.s32 $0xFFFFC000  }
0x42: {  	[tilespmem:s18], [sflag:$0x1] =	stream.indirect.gather [hbm4b:s4+s21], $0x40, s31, s21, $0xb8;
	[tilespmem:$0x1C000] =	vst v63  }
0x43: {  	s31 =	simm.s32 $0x5100  }
0x44: {  	[spmem:s2] =	stream.indirect.scatter.add.f32 [tilespmem:s23], [sflag:$0x3], $0x40, s31, s21, $0xb8;
	[tilespmem:$0x1C000] =	vst v63  }
0x45: {  	_ =	swait.ge [sflag:s19], $0x4000  }
0x46: {  	s30 =	simm.s32 $0x800;
	[sflag:s19] =	ssyncset.done $0x0  }
.LBB2_4:
0x47: {  	p0 =	sne.s32 s30, $0x13000  }
0x48: {  	[sflag:s19] =	ssyncadd.s32 $0xFFFFC000;
	s1 =	smov.u32 s30;
	s30 =	sadd.s32 $0x800, s30  }
0x49: {  	_ = 	snop  }
0x4a: {  	_ =	swait.ge [sflag:s22], $0x4000  }
0x4b: {  	s1 =	sshra.s32 s1, $0x2;
	[sflag:s22] =	ssyncset.done $0x0  }
0x4c: {  	s31 =	sadd.s32 $0x100, s1;
	[sflag:s22] =	ssyncadd.s32 $0xFFFFC000  }
0x4d: {  	[tilespmem:s23], [sflag:$0x2] =	stream.indirect.gather [hbm4b:s4+s21], $0x40, s31, s21, $0xb8;
	[tilespmem:$0x1C000] =	vst v63  }
0x4e: {  	s31 =	sadd.s32 $0x5000, s1  }
0x4f: {  	[spmem:s2] =	stream.indirect.scatter.add.f32 [tilespmem:s18], [sflag:$0x3], $0x40, s31, s21, $0xb8;
	[tilespmem:$0x1C000] =	vst v63  }
0x50: {  	_ =	swait.ge [sflag:s19], $0x4000  }
0x51: {  	[sflag:s19] =	ssyncset.done $0x0  }
0x52: {  	[sflag:s19] =	ssyncadd.s32 $0xFFFFC000  }
0x53: {  	_ =	swait.ge [sflag:s24], $0x4000  }
0x54: {  	[sflag:s24] =	ssyncset.done $0x0  }
0x55: {  	s31 =	sadd.s32 $0x200, s1;
	[sflag:s24] =	ssyncadd.s32 $0xFFFFC000  }
0x56: {  	[tilespmem:s18], [sflag:$0x1] =	stream.indirect.gather [hbm4b:s4+s21], $0x40, s31, s21, $0xb8;
	[tilespmem:$0x1C000] =	vst v63  }
.Ltmp1:
0x57: {  	_ = 	snop;
	(pc) =	sbr.rel @p0 .LBB2_4-.Ltmp1, $4  }
0x58: {  	s1 =	sadd.s32 $0x5100, s1  }
0x59: {  	[spmem:s2] =	stream.indirect.scatter.add.f32 [tilespmem:s23], [sflag:$0x3], $0x40, s1, s21, $0xb8;
	[tilespmem:$0x1C000] =	vst v63  }
0x5a: {  	_ =	swait.ge [sflag:s19], $0x4000  }
0x5b: {  	[sflag:s19] =	ssyncset.done $0x0  }
0x5c: {  	[sflag:s19] =	ssyncadd.s32 $0xFFFFC000  }
0x5d: {  	_ =	swait.ge [sflag:s22], $0x4000  }
0x5e: {  	[sflag:s22] =	ssyncset.done $0x0  }
0x5f: {  	[sflag:s22] =	ssyncadd.s32 $0xFFFFC000  }
0x60: {  	[tilespmem:s23], [sflag:$0x2] =	stream.indirect.gather [hbm4b:s4+s21], $0x40, s25, s21, $0xb8;
	[tilespmem:$0x1C000] =	vst v63  }
0x61: {  	_ = 	snop  }
0x62: {  	[spmem:s2] =	stream.indirect.scatter.add.f32 [tilespmem:s18], [sflag:$0x3], $0x40, s26, s21, $0xb8;
	[tilespmem:$0x1C000] =	vst v63  }
0x63: {  	_ =	swait.ge [sflag:s19], $0x4000  }
0x64: {  	[sflag:s19] =	ssyncset.done $0x0  }
0x65: {  	[sflag:s19] =	ssyncadd.s32 $0xFFFFC000  }
0x66: {  	_ =	swait.ge [sflag:s24], $0x4000  }
0x67: {  	[sflag:s24] =	ssyncset.done $0x0  }
0x68: {  	[sflag:s24] =	ssyncadd.s32 $0xFFFFC000  }
0x69: {  	[spmem:s2] =	stream.indirect.scatter.add.f32 [tilespmem:s23], [sflag:$0x3], $0x40, s28, s21, $0xb8;
	[tilespmem:$0x1C000] =	vst v63  }
0x6a: {  	_ =	swait.ge [sflag:s19], $0x4000  }
0x6b: {  	[sflag:s19] =	ssyncset.done $0x0  }
0x6c: {  	[sflag:s19] =	ssyncadd.s32 $0xFFFFC000  }
0x6d: {  	[bflag:$0x0] =	sbarrier.arrive $0xFFFF  }
0x6e: {  	[tilespmem:s18], [sflag:$0x3] =	stream.linear.gather [spmem:s5], $0x2000, $0x38;
	[tilespmem:$0x1C000] =	vst v63  }
0x6f: {  	_ =	swait.ge [sflag:s19], $0x2000  }
0x70: {  	[sflag:s19] =	ssyncset.done $0x0  }
0x71: {  	[sflag:s19] =	ssyncadd.s32 $0xFFFFE000  }
0x72: {  	[hbm4b:s10+s3] =	stream.linear.scatter [tilespmem:s18], [sflag:$0x3], $0x2000, $0x38;
	[tilespmem:$0x1C000] =	vst v63  }
0x73: {  	_ =	swait.ge [sflag:s19], $0x2000  }
0x74: {  	[sflag:s19] =	ssyncset.done $0x0  }
0x75: {  	[sflag:s19] =	ssyncadd.s32 $0xFFFFE000  }
0x76: {  	[tilespmem:s18], [sflag:$0x3] =	stream.linear.gather [spmem:s11], $0x2000, $0x38;
	[tilespmem:$0x1C000] =	vst v63  }
0x77: {  	_ =	swait.ge [sflag:s19], $0x2000  }
0x78: {  	[sflag:s19] =	ssyncset.done $0x0  }
0x79: {  	[sflag:s19] =	ssyncadd.s32 $0xFFFFE000  }
0x7a: {  	[hbm4b:s12+s3] =	stream.linear.scatter [tilespmem:s18], [sflag:$0x3], $0x2000, $0x38;
	[tilespmem:$0x1C000] =	vst v63  }
0x7b: {  	_ =	swait.ge [sflag:s19], $0x2000  }
0x7c: {  	[sflag:s19] =	ssyncset.done $0x0  }
0x7d: {  	[sflag:s19] =	ssyncadd.s32 $0xFFFFE000  }
0x7e: {  	[tilespmem:s18], [sflag:$0x3] =	stream.linear.gather [spmem:s6], $0x2000, $0x38;
	[tilespmem:$0x1C000] =	vst v63  }
0x7f: {  	_ =	swait.ge [sflag:s19], $0x2000  }
0x80: {  	[sflag:s19] =	ssyncset.done $0x0  }
0x81: {  	[sflag:s19] =	ssyncadd.s32 $0xFFFFE000  }
0x82: {  	[hbm4b:s13+s3] =	stream.linear.scatter [tilespmem:s18], [sflag:$0x3], $0x2000, $0x38;
	[tilespmem:$0x1C000] =	vst v63  }
0x83: {  	_ =	swait.ge [sflag:s19], $0x2000  }
0x84: {  	[sflag:s19] =	ssyncset.done $0x0  }
0x85: {  	[sflag:s19] =	ssyncadd.s32 $0xFFFFE000  }
0x86: {  	[tilespmem:s18], [sflag:$0x3] =	stream.linear.gather [spmem:s14], $0x2000, $0x38;
	[tilespmem:$0x1C000] =	vst v63  }
0x87: {  	_ =	swait.ge [sflag:s19], $0x2000  }
0x88: {  	[sflag:s19] =	ssyncset.done $0x0  }
0x89: {  	[sflag:s19] =	ssyncadd.s32 $0xFFFFE000  }
0x8a: {  	[hbm4b:s15+s3] =	stream.linear.scatter [tilespmem:s18], [sflag:$0x3], $0x2000, $0x38;
	[tilespmem:$0x1C000] =	vst v63  }
0x8b: {  	_ =	swait.ge [sflag:s19], $0x2000  }
0x8c: {  	[sflag:s19] =	ssyncset.done $0x0  }
0x8d: {  	[sflag:s19] =	ssyncadd.s32 $0xFFFFE000  }
0x8e: {  	[tilespmem:s18], [sflag:$0x3] =	stream.linear.gather [spmem:s7], $0x2000, $0x38;
	[tilespmem:$0x1C000] =	vst v63  }
0x8f: {  	s29 =	sadd.s32 $0x1, s29;
	_ =	swait.ge [sflag:s19], $0x2000  }
0x90: {  	p0 =	sne.s32 s29, s17;
	[sflag:s19] =	ssyncset.done $0x0  }
.Ltmp2:
0x91: {  	[sflag:s19] =	ssyncadd.s32 $0xFFFFE000;
	(pc) =	sbr.rel @p0 .LBB2_1-.Ltmp2, $4  }
0x92: {  	[hbm4b:s16+s3] =	stream.linear.scatter [tilespmem:s18], [sflag:$0x3], $0x2000, $0x38;
	[tilespmem:$0x1C000] =	vst v63  }
0x93: {  	_ =	swait.ge [sflag:s19], $0x2000  }
0x94: {  	[sflag:s19] =	ssyncset.done $0x0  }
0x95: {  	[sflag:s19] =	ssyncadd.s32 $0xFFFFE000  }
0x96: {  	_ =	sfence.sel $0x180000  }
0x97: {  	[bflag:$0x0] =	sbarrier.arrive $0xFFFF  }
0x98: {  	_ =	strace $0x90000050  }
0x99: {  	[bflag:$0x2] =	sbarrier.arrive $0xFFFF  }
0x9a: {  	p0 =	sne.s32 s0, $0x0;
	s0 =	rddreg [dreg:$0x2]  }
0x9b: {  	s0 =	sadd.s32 @!p0 $0x100000, s0  }
0x9c: {  	[sflag:s0] =	ssyncadd.tile.s32 @!p0 $0x1;
	_ =	shalt  }
.Lfunc_end2:
_tile_overlayer_lowered:
.L_overlay_start_2:
0x9d: {  	(tag) =	ssettag $0x2  }
0x9e: {  	s0 =	rddreg [dreg:$0x0];
	s2 =	stileid.u32  }
0x9f: {  	s1 =	rddreg [dreg:$0x1];
	p0 =	sne.s32 s2, $0x0  }
0xa0: {  	s3 =	rddreg [dreg:$0x2];
	[bflag:$0x3] =	sbarrier.arrive $0xFFFF;
	s2 =	simm.s32 @!p0 $0x1C03  }
0xa1: {  	[timem:s3], [sflag:s2] =	dma.local @!p0 [hbm:s0], s1  }
0xa2: {  	s0 =	simm.s32 @!p0 $0x3  }
0xa3: {  	_ =	swait.ge @!p0 [sflag:s0], s1  }
0xa4: {  	s1 =	ssub.s32 @!p0 $0x0, s1;
	[sflag:s0] =	ssyncset.done @!p0 $0x0  }
0xa5: {  	[sflag:s0] =	ssyncadd.s32 @!p0 s1  }
0xa6: {  	[bflag:$0x3] =	sbarrier.arrive $0xFFFF  }
0xa7: {  	_ =	shalt  }

</sc_bundles>
